<compile_context>
chip_gen: v7x
topology: tpu7x:2x2x1
jax: 0.10.2.dev20260603
libtpu: 0.0.44.dev20260713+nightly
codegen_flags: <defaults>
</compile_context>

<pallas_src>
import functools

import jax
import jax.numpy as jnp
from jax import lax
from jax.experimental import pallas as pl
from jax.experimental.pallas import tpu as pltpu
from jax.experimental.pallas import tpu_sc as plsc

N = 1600000
C = 50000
NW = 32
CPW = 1564
RPAD = 1568
OUTR = NW * CPW
TP = 1280

BLKN = 6400

WG1O, BG1O, WG2O, BG2O = 0, 1024, 1056, 2080
WTOT = 2112


def _mlp_body(p_ref, w1_ref, b1_ref, w2_ref, b2_ref, h_ref):
    p = p_ref[...]
    h1 = jnp.maximum(
        jnp.dot(w1_ref[...], p, preferred_element_type=jnp.float32)
        + b1_ref[...], 0.0)
    h2 = jnp.maximum(
        jnp.dot(w2_ref[...], h1, preferred_element_type=jnp.float32)
        + b2_ref[...], 0.0)
    h_ref[...] = h2.T


_point_mlp = pl.pallas_call(
    _mlp_body,
    grid=(N // BLKN,),
    in_specs=[
        pl.BlockSpec((3, BLKN), lambda i: (0, i)),
        pl.BlockSpec((16, 3), lambda i: (0, 0)),
        pl.BlockSpec((16, 1), lambda i: (0, 0)),
        pl.BlockSpec((32, 16), lambda i: (0, 0)),
        pl.BlockSpec((32, 1), lambda i: (0, 0)),
    ],
    out_specs=pl.BlockSpec((BLKN, 32), lambda i: (i, 0)),
    out_shape=jax.ShapeDtypeStruct((N, 32), jnp.float32),
)


def _splat(s):
    return jnp.full((16,), s, dtype=jnp.float32)


def _pool_body(ht_h, cl_h, w_h, bd_h, out_h,
               htb, clb, wb, bdb, g1b, poolb, bsm):
    wid = lax.axis_index("s") * 2 + lax.axis_index("c")
    pltpu.sync_copy(w_h, wb)
    pltpu.sync_copy(bd_h, bdb)
    iota = lax.iota(jnp.int32, 16)
    iota32 = iota * 32
    rows1 = iota + 16
    c_lo = wid * CPW

    for i in range(3):
        v = bdb[pl.ds(i * 16, 16)]
        for l in range(16):
            bsm[i * 16 + l] = v[l]

    zf = jnp.zeros((16,), jnp.float32)

    def zbody(i, carry):
        poolb[pl.ds(pl.multiple_of(i * 16, 16), 16)] = zf
        return carry

    lax.fori_loop(0, RPAD * 32 // 16, zbody, 0)

    start = bsm[wid]
    end = bsm[wid + 1]
    t0 = start // TP
    t1 = (end + TP - 1) // TP

    def tile_body(t, carry):
        tb = t * TP
        off = pl.multiple_of(tb, TP)
        pltpu.sync_copy(ht_h.at[pl.ds(off * 32, TP * 32)], htb)
        pltpu.sync_copy(cl_h.at[pl.ds(off, TP)], clb)
        s_t = jnp.maximum(start, tb)
        e_t = jnp.minimum(end, tb + TP)
        g_lo = (s_t - tb) // 16
        g_hi = (e_t - tb + 15) // 16

        def grp(g, carry):
            prev0, b0, b1 = carry
            pb = pl.multiple_of(g * 16, 16)
            cv = clb[pl.ds(pb, 16)]
            pb32 = pl.multiple_of(g * 512, 512)
            c_first = cv[0]
            uniform = c_first == cv[15]

            def fast(carry):
                prev, a0, a1 = carry
                m0 = [jnp.maximum(
                    htb[pl.ds(pb32 + i * 32, 16)],
                    htb[pl.ds(pb32 + (i + 8) * 32, 16)])
                    for i in range(8)]
                m1 = [jnp.maximum(
                    htb[pl.ds(pb32 + i * 32 + 16, 16)],
                    htb[pl.ds(pb32 + (i + 8) * 32 + 16, 16)])
                    for i in range(8)]
                for lvl in (4, 2, 1):
                    m0 = [jnp.maximum(m0[i], m0[i + lvl]) for i in range(lvl)]
                    m1 = [jnp.maximum(m1[i], m1[i + lvl]) for i in range(lvl)]
                same = c_first == prev
                a0 = jnp.maximum(m0[0], jnp.where(same, a0, 0.0))
                a1 = jnp.maximum(m1[0], jnp.where(same, a1, 0.0))
                in_r = jnp.logical_and(c_first >= c_lo, c_first < c_lo + CPW)
                row = jnp.where(in_r, c_first - c_lo, RPAD - 1) * 32
                poolb[pl.ds(row, 16)] = a0
                poolb[pl.ds(row + 16, 16)] = a1
                return (c_first, a0, a1)

            def slow(carry):
                prev, a0, a1 = carry
                for p in range(16):
                    cc = cv[p]
                    f0 = htb[pl.ds(pb32 + p * 32, 16)]
                    f1 = htb[pl.ds(pb32 + p * 32 + 16, 16)]
                    same = cc == prev
                    a0 = jnp.maximum(f0, jnp.where(same, a0, 0.0))
                    a1 = jnp.maximum(f1, jnp.where(same, a1, 0.0))
                    in_r = jnp.logical_and(cc >= c_lo, cc < c_lo + CPW)
                    row = jnp.where(in_r, cc - c_lo, RPAD - 1) * 32
                    poolb[pl.ds(row, 16)] = a0
                    poolb[pl.ds(row + 16, 16)] = a1
                    prev = cc
                return (prev, a0, a1)

            return lax.cond(uniform, fast, slow, (prev0, b0, b1))

        return lax.fori_loop(g_lo, g_hi, grp, carry)

    lax.fori_loop(t0, t1, tile_body, (jnp.int32(-1), zf, zf))

    def gb_body(gb, carry):
        base = pl.multiple_of(gb * 512, 512)
        bidx = iota32 + base
        bg1v0 = wb[pl.ds(BG1O, 16)]
        bg1v1 = wb[pl.ds(BG1O + 16, 16)]
        bg2v0 = wb[pl.ds(BG2O, 16)]
        bg2v1 = wb[pl.ds(BG2O + 16, 16)]

        def l1(f, accs):
            pf = plsc.load_gather(poolb, [bidx + f])
            woff = pl.multiple_of(WG1O + f * 32, 16)
            wv0 = wb[pl.ds(woff, 16)]
            wv1 = wb[pl.ds(woff + 16, 16)]
            return (tuple(accs[j] + pf * wv0[j] for j in range(16))
                    + tuple(accs[16 + j] + pf * wv1[j] for j in range(16)))

        accs = lax.fori_loop(
            0, 32, l1,
            tuple(_splat(bg1v0[j]) for j in range(16))
            + tuple(_splat(bg1v1[j]) for j in range(16)))
        for j in range(32):
            g1b[pl.ds(j * 16, 16)] = jnp.maximum(accs[j], 0.0)

        def l2(f, accs):
            gf = g1b[pl.ds(pl.multiple_of(f * 16, 16), 16)]
            woff = pl.multiple_of(WG2O + f * 32, 16)
            wv0 = wb[pl.ds(woff, 16)]
            wv1 = wb[pl.ds(woff + 16, 16)]
            return (tuple(accs[j] + gf * wv0[j] for j in range(16))
                    + tuple(accs[16 + j] + gf * wv1[j] for j in range(16)))

        accs = lax.fori_loop(
            0, 32, l2,
            tuple(_splat(bg2v0[j]) for j in range(16))
            + tuple(_splat(bg2v1[j]) for j in range(16)))
        for j in range(32):
            plsc.store_scatter(poolb, [bidx + j], jnp.maximum(accs[j], 0.0))
        return carry

    lax.fori_loop(0, RPAD // 16, gb_body, 0)

    out_off = pl.multiple_of(wid * (CPW * 32), 32)
    pltpu.sync_copy(poolb.at[pl.ds(0, CPW * 32)],
                    out_h.at[pl.ds(out_off, CPW * 32)])


_pool = functools.partial(
    pl.kernel,
    out_type=jax.ShapeDtypeStruct((OUTR * 32,), jnp.float32),
    mesh=plsc.VectorSubcoreMesh(core_axis_name="c", subcore_axis_name="s"),
    compiler_params=pltpu.CompilerParams(needs_layout_passes=False),
    scratch_types=[
        pltpu.VMEM((TP * 32,), jnp.float32),
        pltpu.VMEM((TP,), jnp.int32),
        pltpu.VMEM((WTOT,), jnp.float32),
        pltpu.VMEM((48,), jnp.int32),
        pltpu.VMEM((512,), jnp.float32),
        pltpu.VMEM((RPAD * 32,), jnp.float32),
        pltpu.SMEM((48,), jnp.int32),
    ],
)(_pool_body)


def kernel(points, cluster, W1, b1, W2, b2, Wg1, bg1, Wg2, bg2):
    cl = cluster.astype(jnp.int32)
    ht = _point_mlp(points.T, W1.T, b1.reshape(16, 1),
                    W2.T, b2.reshape(32, 1)).reshape(-1)
    w = jnp.concatenate([
        Wg1.reshape(-1), bg1, Wg2.reshape(-1), bg2,
    ]).astype(jnp.float32)
    splits = jnp.arange(0, NW + 1, dtype=jnp.int32) * CPW
    bd = jnp.searchsorted(cl, splits).astype(jnp.int32)
    bd = jnp.concatenate([bd, jnp.zeros((15,), jnp.int32)])
    out = _pool(ht, cl, w, bd)
    return out.reshape(OUTR, 32)[:C]

# --- scband reference (transcript-rebuilt; emitter-appended) ---
"""Pipeline reference for scband-neighborhood-encoder-14087492730918 (READ-ONLY COPY).

The authoritative reference and input builder live on the scoring server;
editing this copy changes nothing except your own understanding.
"""

import jax, jax.numpy as jnp
import numpy as np

N_POINTS = 1600000
N_CLUSTERS = 50000

def _linear_params(key, fan_in, fan_out):
    kw, kb = jax.random.split(key)
    bound = 1.0 / np.sqrt(fan_in)
    W = jax.random.uniform(kw, (fan_in, fan_out), minval=-bound, maxval=bound, dtype=jnp.float32)
    b = jax.random.uniform(kb, (fan_out,), minval=-bound, maxval=bound, dtype=jnp.float32)
    return W, b

def setup_inputs(seed: int = 0) -> dict:
    key = jax.random.key(seed)
    ks = jax.random.split(key, 6)
    points = jax.random.normal(ks[0], (N_POINTS, 3), dtype=jnp.float32)
    cluster = jnp.sort(jax.random.randint(ks[1], (N_POINTS,), 0, N_CLUSTERS, dtype=jnp.int64))
    W1, b1 = _linear_params(ks[2], 3, 16)
    W2, b2 = _linear_params(ks[3], 16, 32)
    Wg1, bg1 = _linear_params(ks[4], 32, 32)
    Wg2, bg2 = _linear_params(ks[5], 32, 32)
    return {"points": points, "cluster": cluster,
            "W1": W1, "b1": b1, "W2": W2, "b2": b2,
            "Wg1": Wg1, "bg1": bg1, "Wg2": Wg2, "bg2": bg2}

def reference(points, cluster, W1, b1, W2, b2, Wg1, bg1, Wg2, bg2):
    # per-point fc layers with relu (leaky=False)
    h = jax.nn.relu(points @ W1 + b1)
    h = jax.nn.relu(h @ W2 + b2)
    # global_max_pool over clusters (mean=False)
    pooled = jax.ops.segment_max(h, cluster, num_segments=N_CLUSTERS)
    # empty segments give -inf; torch_scatter fills with 0 (values are >=0 post-relu)
    pooled = jnp.where(jnp.isfinite(pooled), pooled, 0.0)
    # clusterwise global fc layers
    g = jax.nn.relu(pooled @ Wg1 + bg1)
    g = jax.nn.relu(g @ Wg2 + bg2)
    return g

if __name__ == "__main__":
    import jax
    _d = setup_inputs()
    print(jax.jit(kernel)(*tuple(_d.values())))

</pallas_src>

<mosaic_0001>
#map = affine_map<(d0, d1) -> (0)>
module attributes {stable_mosaic.version = 14 : i64} {
  func.func @_pool_body(%arg0: i32, %arg1: i32, %arg2: memref<51200000xf32, #tpu.memory_space<hbm>>, %arg3: memref<1600000xi32, #tpu.memory_space<hbm>>, %arg4: memref<2112xf32, #tpu.memory_space<hbm>>, %arg5: memref<48xi32, #tpu.memory_space<hbm>>, %arg6: memref<1601536xf32, #tpu.memory_space<hbm>>, %arg7: memref<40960xf32, #tpu.memory_space<vmem>>, %arg8: memref<1280xi32, #tpu.memory_space<vmem>>, %arg9: memref<2112xf32, #tpu.memory_space<vmem>>, %arg10: memref<48xi32, #tpu.memory_space<vmem>>, %arg11: memref<512xf32, #tpu.memory_space<vmem>>, %arg12: memref<50176xf32, #tpu.memory_space<vmem>>, %arg13: memref<48xi32, #tpu.memory_space<smem>>) attributes {dimension_semantics = [#tpu.dimension_semantics<core_parallel>, #tpu.dimension_semantics<subcore_parallel>], iteration_bounds = array<i64: 2, 16>, scalar_prefetch = 0 : i64, scratch_operands = 7 : i64, tpu.core_type = #tpu.core_type<sc_vector_subcore>, window_params = [{transform_indices = #map}, {transform_indices = #map}, {transform_indices = #map}, {transform_indices = #map}, {transform_indices = #map}]} {
    %mul3A = arith.constant 2 : i32
    %mul3A_0 = arith.muli %arg1, %mul3A : i32
    %add3A = arith.addi %mul3A_0, %arg0 : i32
    "tpu.region"() ({
      %run_scoped3A = tpu.sem_alloc : memref<!tpu.dma_semaphore, #tpu.memory_space<semaphore_mem>>
      tpu.enqueue_dma source(%arg4 : memref<2112xf32, #tpu.memory_space<hbm>>) target(%arg9 : memref<2112xf32, #tpu.memory_space<vmem>>) target_semaphore(%run_scoped3A : memref<!tpu.dma_semaphore, #tpu.memory_space<semaphore_mem>>)
      tpu.wait_dma2 semaphore(%run_scoped3A : memref<!tpu.dma_semaphore, #tpu.memory_space<semaphore_mem>>) src(%arg4 : memref<2112xf32, #tpu.memory_space<hbm>>) dst(%arg9 : memref<2112xf32, #tpu.memory_space<vmem>>)
      tpu.yield
    }) : () -> ()
    "tpu.region"() ({
      %run_scoped3A = tpu.sem_alloc : memref<!tpu.dma_semaphore, #tpu.memory_space<semaphore_mem>>
      tpu.enqueue_dma source(%arg5 : memref<48xi32, #tpu.memory_space<hbm>>) target(%arg10 : memref<48xi32, #tpu.memory_space<vmem>>) target_semaphore(%run_scoped3A : memref<!tpu.dma_semaphore, #tpu.memory_space<semaphore_mem>>)
      tpu.wait_dma2 semaphore(%run_scoped3A : memref<!tpu.dma_semaphore, #tpu.memory_space<semaphore_mem>>) src(%arg5 : memref<48xi32, #tpu.memory_space<hbm>>) dst(%arg10 : memref<48xi32, #tpu.memory_space<vmem>>)
      tpu.yield
    }) : () -> ()
    %iota3A = tpu.iota {dimensions = array<i32: 0>} : vector<16xi32>
    %mul3A_1 = arith.constant 32 : i32
    %mul3A_2 = vector.broadcast %mul3A_1 : i32 to vector<16xi32>
    %mul3A_3 = arith.muli %iota3A, %mul3A_2 : vector<16xi32>
    %add3A_4 = arith.constant 16 : i32
    %add3A_5 = vector.broadcast %add3A_4 : i32 to vector<16xi32>
    %add3A_6 = arith.addi %iota3A, %add3A_5 : vector<16xi32>
    %mul3A_7 = arith.constant 1564 : i32
    %mul3A_8 = arith.muli %add3A, %mul3A_7 : i32
    %get3A = arith.constant 0 : index
    %get3A_9 = tpu.vector_load %arg10[%get3A] {strides = array<i32>} : memref<48xi32, #tpu.memory_space<vmem>>, vector<16xi32>,
    %slice3A = vector.extract_strided_slice %get3A_9 {offsets = [0], sizes = [1], strides = [1]} : vector<16xi32> to vector<1xi32>
    %squeeze3A = vector.extract %slice3A[0] : i32 from vector<1xi32>
    %swap3A = arith.constant 0 : i32
    %swap3A_10 = arith.index_cast %swap3A : i32 to index
    %swap3A_11 = memref.load %arg13[%swap3A_10] : memref<48xi32, #tpu.memory_space<smem>>
    memref.store %squeeze3A, %arg13[%swap3A_10] : memref<48xi32, #tpu.memory_space<smem>>
    %slice3A_12 = vector.extract_strided_slice %get3A_9 {offsets = [1], sizes = [1], strides = [1]} : vector<16xi32> to vector<1xi32>
    %squeeze3A_13 = vector.extract %slice3A_12[0] : i32 from vector<1xi32>
    %swap3A_14 = arith.constant 1 : i32
    %swap3A_15 = arith.index_cast %swap3A_14 : i32 to index
    %swap3A_16 = memref.load %arg13[%swap3A_15] : memref<48xi32, #tpu.memory_space<smem>>
    memref.store %squeeze3A_13, %arg13[%swap3A_15] : memref<48xi32, #tpu.memory_space<smem>>
    %slice3A_17 = vector.extract_strided_slice %get3A_9 {offsets = [2], sizes = [1], strides = [1]} : vector<16xi32> to vector<1xi32>
    %squeeze3A_18 = vector.extract %slice3A_17[0] : i32 from vector<1xi32>
    %swap3A_19 = arith.constant 2 : i32
    %swap3A_20 = arith.index_cast %swap3A_19 : i32 to index
    %swap3A_21 = memref.load %arg13[%swap3A_20] : memref<48xi32, #tpu.memory_space<smem>>
    memref.store %squeeze3A_18, %arg13[%swap3A_20] : memref<48xi32, #tpu.memory_space<smem>>
    %slice3A_22 = vector.extract_strided_slice %get3A_9 {offsets = [3], sizes = [1], strides = [1]} : vector<16xi32> to vector<1xi32>
    %squeeze3A_23 = vector.extract %slice3A_22[0] : i32 from vector<1xi32>
    %swap3A_24 = arith.constant 3 : i32
    %swap3A_25 = arith.index_cast %swap3A_24 : i32 to index
    %swap3A_26 = memref.load %arg13[%swap3A_25] : memref<48xi32, #tpu.memory_space<smem>>
    memref.store %squeeze3A_23, %arg13[%swap3A_25] : memref<48xi32, #tpu.memory_space<smem>>
    %slice3A_27 = vector.extract_strided_slice %get3A_9 {offsets = [4], sizes = [1], strides = [1]} : vector<16xi32> to vector<1xi32>
    %squeeze3A_28 = vector.extract %slice3A_27[0] : i32 from vector<1xi32>
    %swap3A_29 = arith.constant 4 : i32
    %swap3A_30 = arith.index_cast %swap3A_29 : i32 to index
    %swap3A_31 = memref.load %arg13[%swap3A_30] : memref<48xi32, #tpu.memory_space<smem>>
    memref.store %squeeze3A_28, %arg13[%swap3A_30] : memref<48xi32, #tpu.memory_space<smem>>
    %slice3A_32 = vector.extract_strided_slice %get3A_9 {offsets = [5], sizes = [1], strides = [1]} : vector<16xi32> to vector<1xi32>
    %squeeze3A_33 = vector.extract %slice3A_32[0] : i32 from vector<1xi32>
    %swap3A_34 = arith.constant 5 : i32
    %swap3A_35 = arith.index_cast %swap3A_34 : i32 to index
    %swap3A_36 = memref.load %arg13[%swap3A_35] : memref<48xi32, #tpu.memory_space<smem>>
    memref.store %squeeze3A_33, %arg13[%swap3A_35] : memref<48xi32, #tpu.memory_space<smem>>
    %slice3A_37 = vector.extract_strided_slice %get3A_9 {offsets = [6], sizes = [1], strides = [1]} : vector<16xi32> to vector<1xi32>
    %squeeze3A_38 = vector.extract %slice3A_37[0] : i32 from vector<1xi32>
    %swap3A_39 = arith.constant 6 : i32
    %swap3A_40 = arith.index_cast %swap3A_39 : i32 to index
    %swap3A_41 = memref.load %arg13[%swap3A_40] : memref<48xi32, #tpu.memory_space<smem>>
    memref.store %squeeze3A_38, %arg13[%swap3A_40] : memref<48xi32, #tpu.memory_space<smem>>
    %slice3A_42 = vector.extract_strided_slice %get3A_9 {offsets = [7], sizes = [1], strides = [1]} : vector<16xi32> to vector<1xi32>
    %squeeze3A_43 = vector.extract %slice3A_42[0] : i32 from vector<1xi32>
    %swap3A_44 = arith.constant 7 : i32
    %swap3A_45 = arith.index_cast %swap3A_44 : i32 to index
    %swap3A_46 = memref.load %arg13[%swap3A_45] : memref<48xi32, #tpu.memory_space<smem>>
    memref.store %squeeze3A_43, %arg13[%swap3A_45] : memref<48xi32, #tpu.memory_space<smem>>
    %slice3A_47 = vector.extract_strided_slice %get3A_9 {offsets = [8], sizes = [1], strides = [1]} : vector<16xi32> to vector<1xi32>
    %squeeze3A_48 = vector.extract %slice3A_47[0] : i32 from vector<1xi32>
    %swap3A_49 = arith.constant 8 : i32
    %swap3A_50 = arith.index_cast %swap3A_49 : i32 to index
    %swap3A_51 = memref.load %arg13[%swap3A_50] : memref<48xi32, #tpu.memory_space<smem>>
    memref.store %squeeze3A_48, %arg13[%swap3A_50] : memref<48xi32, #tpu.memory_space<smem>>
    %slice3A_52 = vector.extract_strided_slice %get3A_9 {offsets = [9], sizes = [1], strides = [1]} : vector<16xi32> to vector<1xi32>
    %squeeze3A_53 = vector.extract %slice3A_52[0] : i32 from vector<1xi32>
    %swap3A_54 = arith.constant 9 : i32
    %swap3A_55 = arith.index_cast %swap3A_54 : i32 to index
    %swap3A_56 = memref.load %arg13[%swap3A_55] : memref<48xi32, #tpu.memory_space<smem>>
    memref.store %squeeze3A_53, %arg13[%swap3A_55] : memref<48xi32, #tpu.memory_space<smem>>
    %slice3A_57 = vector.extract_strided_slice %get3A_9 {offsets = [10], sizes = [1], strides = [1]} : vector<16xi32> to vector<1xi32>
    %squeeze3A_58 = vector.extract %slice3A_57[0] : i32 from vector<1xi32>
    %swap3A_59 = arith.constant 10 : i32
    %swap3A_60 = arith.index_cast %swap3A_59 : i32 to index
    %swap3A_61 = memref.load %arg13[%swap3A_60] : memref<48xi32, #tpu.memory_space<smem>>
    memref.store %squeeze3A_58, %arg13[%swap3A_60] : memref<48xi32, #tpu.memory_space<smem>>
    %slice3A_62 = vector.extract_strided_slice %get3A_9 {offsets = [11], sizes = [1], strides = [1]} : vector<16xi32> to vector<1xi32>
    %squeeze3A_63 = vector.extract %slice3A_62[0] : i32 from vector<1xi32>
    %swap3A_64 = arith.constant 11 : i32
    %swap3A_65 = arith.index_cast %swap3A_64 : i32 to index
    %swap3A_66 = memref.load %arg13[%swap3A_65] : memref<48xi32, #tpu.memory_space<smem>>
    memref.store %squeeze3A_63, %arg13[%swap3A_65] : memref<48xi32, #tpu.memory_space<smem>>
    %slice3A_67 = vector.extract_strided_slice %get3A_9 {offsets = [12], sizes = [1], strides = [1]} : vector<16xi32> to vector<1xi32>
    %squeeze3A_68 = vector.extract %slice3A_67[0] : i32 from vector<1xi32>
    %swap3A_69 = arith.constant 12 : i32
    %swap3A_70 = arith.index_cast %swap3A_69 : i32 to index
    %swap3A_71 = memref.load %arg13[%swap3A_70] : memref<48xi32, #tpu.memory_space<smem>>
    memref.store %squeeze3A_68, %arg13[%swap3A_70] : memref<48xi32, #tpu.memory_space<smem>>
    %slice3A_72 = vector.extract_strided_slice %get3A_9 {offsets = [13], sizes = [1], strides = [1]} : vector<16xi32> to vector<1xi32>
    %squeeze3A_73 = vector.extract %slice3A_72[0] : i32 from vector<1xi32>
    %swap3A_74 = arith.constant 13 : i32
    %swap3A_75 = arith.index_cast %swap3A_74 : i32 to index
    %swap3A_76 = memref.load %arg13[%swap3A_75] : memref<48xi32, #tpu.memory_space<smem>>
    memref.store %squeeze3A_73, %arg13[%swap3A_75] : memref<48xi32, #tpu.memory_space<smem>>
    %slice3A_77 = vector.extract_strided_slice %get3A_9 {offsets = [14], sizes = [1], strides = [1]} : vector<16xi32> to vector<1xi32>
    %squeeze3A_78 = vector.extract %slice3A_77[0] : i32 from vector<1xi32>
    %swap3A_79 = arith.constant 14 : i32
    %swap3A_80 = arith.index_cast %swap3A_79 : i32 to index
    %swap3A_81 = memref.load %arg13[%swap3A_80] : memref<48xi32, #tpu.memory_space<smem>>
    memref.store %squeeze3A_78, %arg13[%swap3A_80] : memref<48xi32, #tpu.memory_space<smem>>
    %slice3A_82 = vector.extract_strided_slice %get3A_9 {offsets = [15], sizes = [1], strides = [1]} : vector<16xi32> to vector<1xi32>
    %squeeze3A_83 = vector.extract %slice3A_82[0] : i32 from vector<1xi32>
    %swap3A_84 = arith.constant 15 : i32
    %swap3A_85 = arith.index_cast %swap3A_84 : i32 to index
    %swap3A_86 = memref.load %arg13[%swap3A_85] : memref<48xi32, #tpu.memory_space<smem>>
    memref.store %squeeze3A_83, %arg13[%swap3A_85] : memref<48xi32, #tpu.memory_space<smem>>
    %get3A_87 = arith.constant 16 : index
    %get3A_88 = tpu.vector_load %arg10[%get3A_87] {strides = array<i32>} : memref<48xi32, #tpu.memory_space<vmem>>, vector<16xi32>,
    %slice3A_89 = vector.extract_strided_slice %get3A_88 {offsets = [0], sizes = [1], strides = [1]} : vector<16xi32> to vector<1xi32>
    %squeeze3A_90 = vector.extract %slice3A_89[0] : i32 from vector<1xi32>
    %swap3A_91 = arith.constant 16 : i32
    %swap3A_92 = arith.index_cast %swap3A_91 : i32 to index
    %swap3A_93 = memref.load %arg13[%swap3A_92] : memref<48xi32, #tpu.memory_space<smem>>
    memref.store %squeeze3A_90, %arg13[%swap3A_92] : memref<48xi32, #tpu.memory_space<smem>>
    %slice3A_94 = vector.extract_strided_slice %get3A_88 {offsets = [1], sizes = [1], strides = [1]} : vector<16xi32> to vector<1xi32>
    %squeeze3A_95 = vector.extract %slice3A_94[0] : i32 from vector<1xi32>
    %swap3A_96 = arith.constant 17 : i32
    %swap3A_97 = arith.index_cast %swap3A_96 : i32 to index
    %swap3A_98 = memref.load %arg13[%swap3A_97] : memref<48xi32, #tpu.memory_space<smem>>
    memref.store %squeeze3A_95, %arg13[%swap3A_97] : memref<48xi32, #tpu.memory_space<smem>>
    %slice3A_99 = vector.extract_strided_slice %get3A_88 {offsets = [2], sizes = [1], strides = [1]} : vector<16xi32> to vector<1xi32>
    %squeeze3A_100 = vector.extract %slice3A_99[0] : i32 from vector<1xi32>
    %swap3A_101 = arith.constant 18 : i32
    %swap3A_102 = arith.index_cast %swap3A_101 : i32 to index
    %swap3A_103 = memref.load %arg13[%swap3A_102] : memref<48xi32, #tpu.memory_space<smem>>
    memref.store %squeeze3A_100, %arg13[%swap3A_102] : memref<48xi32, #tpu.memory_space<smem>>
    %slice3A_104 = vector.extract_strided_slice %get3A_88 {offsets = [3], sizes = [1], strides = [1]} : vector<16xi32> to vector<1xi32>
    %squeeze3A_105 = vector.extract %slice3A_104[0] : i32 from vector<1xi32>
    %swap3A_106 = arith.constant 19 : i32
    %swap3A_107 = arith.index_cast %swap3A_106 : i32 to index
    %swap3A_108 = memref.load %arg13[%swap3A_107] : memref<48xi32, #tpu.memory_space<smem>>
    memref.store %squeeze3A_105, %arg13[%swap3A_107] : memref<48xi32, #tpu.memory_space<smem>>
    %slice3A_109 = vector.extract_strided_slice %get3A_88 {offsets = [4], sizes = [1], strides = [1]} : vector<16xi32> to vector<1xi32>
    %squeeze3A_110 = vector.extract %slice3A_109[0] : i32 from vector<1xi32>
    %swap3A_111 = arith.constant 20 : i32
    %swap3A_112 = arith.index_cast %swap3A_111 : i32 to index
    %swap3A_113 = memref.load %arg13[%swap3A_112] : memref<48xi32, #tpu.memory_space<smem>>
    memref.store %squeeze3A_110, %arg13[%swap3A_112] : memref<48xi32, #tpu.memory_space<smem>>
    %slice3A_114 = vector.extract_strided_slice %get3A_88 {offsets = [5], sizes = [1], strides = [1]} : vector<16xi32> to vector<1xi32>
    %squeeze3A_115 = vector.extract %slice3A_114[0] : i32 from vector<1xi32>
    %swap3A_116 = arith.constant 21 : i32
    %swap3A_117 = arith.index_cast %swap3A_116 : i32 to index
    %swap3A_118 = memref.load %arg13[%swap3A_117] : memref<48xi32, #tpu.memory_space<smem>>
    memref.store %squeeze3A_115, %arg13[%swap3A_117] : memref<48xi32, #tpu.memory_space<smem>>
    %slice3A_119 = vector.extract_strided_slice %get3A_88 {offsets = [6], sizes = [1], strides = [1]} : vector<16xi32> to vector<1xi32>
    %squeeze3A_120 = vector.extract %slice3A_119[0] : i32 from vector<1xi32>
    %swap3A_121 = arith.constant 22 : i32
    %swap3A_122 = arith.index_cast %swap3A_121 : i32 to index
    %swap3A_123 = memref.load %arg13[%swap3A_122] : memref<48xi32, #tpu.memory_space<smem>>
    memref.store %squeeze3A_120, %arg13[%swap3A_122] : memref<48xi32, #tpu.memory_space<smem>>
    %slice3A_124 = vector.extract_strided_slice %get3A_88 {offsets = [7], sizes = [1], strides = [1]} : vector<16xi32> to vector<1xi32>
    %squeeze3A_125 = vector.extract %slice3A_124[0] : i32 from vector<1xi32>
    %swap3A_126 = arith.constant 23 : i32
    %swap3A_127 = arith.index_cast %swap3A_126 : i32 to index
    %swap3A_128 = memref.load %arg13[%swap3A_127] : memref<48xi32, #tpu.memory_space<smem>>
    memref.store %squeeze3A_125, %arg13[%swap3A_127] : memref<48xi32, #tpu.memory_space<smem>>
    %slice3A_129 = vector.extract_strided_slice %get3A_88 {offsets = [8], sizes = [1], strides = [1]} : vector<16xi32> to vector<1xi32>
    %squeeze3A_130 = vector.extract %slice3A_129[0] : i32 from vector<1xi32>
    %swap3A_131 = arith.constant 24 : i32
    %swap3A_132 = arith.index_cast %swap3A_131 : i32 to index
    %swap3A_133 = memref.load %arg13[%swap3A_132] : memref<48xi32, #tpu.memory_space<smem>>
    memref.store %squeeze3A_130, %arg13[%swap3A_132] : memref<48xi32, #tpu.memory_space<smem>>
    %slice3A_134 = vector.extract_strided_slice %get3A_88 {offsets = [9], sizes = [1], strides = [1]} : vector<16xi32> to vector<1xi32>
    %squeeze3A_135 = vector.extract %slice3A_134[0] : i32 from vector<1xi32>
    %swap3A_136 = arith.constant 25 : i32
    %swap3A_137 = arith.index_cast %swap3A_136 : i32 to index
    %swap3A_138 = memref.load %arg13[%swap3A_137] : memref<48xi32, #tpu.memory_space<smem>>
    memref.store %squeeze3A_135, %arg13[%swap3A_137] : memref<48xi32, #tpu.memory_space<smem>>
    %slice3A_139 = vector.extract_strided_slice %get3A_88 {offsets = [10], sizes = [1], strides = [1]} : vector<16xi32> to vector<1xi32>
    %squeeze3A_140 = vector.extract %slice3A_139[0] : i32 from vector<1xi32>
    %swap3A_141 = arith.constant 26 : i32
    %swap3A_142 = arith.index_cast %swap3A_141 : i32 to index
    %swap3A_143 = memref.load %arg13[%swap3A_142] : memref<48xi32, #tpu.memory_space<smem>>
    memref.store %squeeze3A_140, %arg13[%swap3A_142] : memref<48xi32, #tpu.memory_space<smem>>
    %slice3A_144 = vector.extract_strided_slice %get3A_88 {offsets = [11], sizes = [1], strides = [1]} : vector<16xi32> to vector<1xi32>
    %squeeze3A_145 = vector.extract %slice3A_144[0] : i32 from vector<1xi32>
    %swap3A_146 = arith.constant 27 : i32
    %swap3A_147 = arith.index_cast %swap3A_146 : i32 to index
    %swap3A_148 = memref.load %arg13[%swap3A_147] : memref<48xi32, #tpu.memory_space<smem>>
    memref.store %squeeze3A_145, %arg13[%swap3A_147] : memref<48xi32, #tpu.memory_space<smem>>
    %slice3A_149 = vector.extract_strided_slice %get3A_88 {offsets = [12], sizes = [1], strides = [1]} : vector<16xi32> to vector<1xi32>
    %squeeze3A_150 = vector.extract %slice3A_149[0] : i32 from vector<1xi32>
    %swap3A_151 = arith.constant 28 : i32
    %swap3A_152 = arith.index_cast %swap3A_151 : i32 to index
    %swap3A_153 = memref.load %arg13[%swap3A_152] : memref<48xi32, #tpu.memory_space<smem>>
    memref.store %squeeze3A_150, %arg13[%swap3A_152] : memref<48xi32, #tpu.memory_space<smem>>
    %slice3A_154 = vector.extract_strided_slice %get3A_88 {offsets = [13], sizes = [1], strides = [1]} : vector<16xi32> to vector<1xi32>
    %squeeze3A_155 = vector.extract %slice3A_154[0] : i32 from vector<1xi32>
    %swap3A_156 = arith.constant 29 : i32
    %swap3A_157 = arith.index_cast %swap3A_156 : i32 to index
    %swap3A_158 = memref.load %arg13[%swap3A_157] : memref<48xi32, #tpu.memory_space<smem>>
    memref.store %squeeze3A_155, %arg13[%swap3A_157] : memref<48xi32, #tpu.memory_space<smem>>
    %slice3A_159 = vector.extract_strided_slice %get3A_88 {offsets = [14], sizes = [1], strides = [1]} : vector<16xi32> to vector<1xi32>
    %squeeze3A_160 = vector.extract %slice3A_159[0] : i32 from vector<1xi32>
    %swap3A_161 = arith.constant 30 : i32
    %swap3A_162 = arith.index_cast %swap3A_161 : i32 to index
    %swap3A_163 = memref.load %arg13[%swap3A_162] : memref<48xi32, #tpu.memory_space<smem>>
    memref.store %squeeze3A_160, %arg13[%swap3A_162] : memref<48xi32, #tpu.memory_space<smem>>
    %slice3A_164 = vector.extract_strided_slice %get3A_88 {offsets = [15], sizes = [1], strides = [1]} : vector<16xi32> to vector<1xi32>
    %squeeze3A_165 = vector.extract %slice3A_164[0] : i32 from vector<1xi32>
    %swap3A_166 = arith.constant 31 : i32
    %swap3A_167 = arith.index_cast %swap3A_166 : i32 to index
    %swap3A_168 = memref.load %arg13[%swap3A_167] : memref<48xi32, #tpu.memory_space<smem>>
    memref.store %squeeze3A_165, %arg13[%swap3A_167] : memref<48xi32, #tpu.memory_space<smem>>
    %get3A_169 = arith.constant 32 : index
    %get3A_170 = tpu.vector_load %arg10[%get3A_169] {strides = array<i32>} : memref<48xi32, #tpu.memory_space<vmem>>, vector<16xi32>,
    %slice3A_171 = vector.extract_strided_slice %get3A_170 {offsets = [0], sizes = [1], strides = [1]} : vector<16xi32> to vector<1xi32>
    %squeeze3A_172 = vector.extract %slice3A_171[0] : i32 from vector<1xi32>
    %swap3A_173 = arith.constant 32 : i32
    %swap3A_174 = arith.index_cast %swap3A_173 : i32 to index
    %swap3A_175 = memref.load %arg13[%swap3A_174] : memref<48xi32, #tpu.memory_space<smem>>
    memref.store %squeeze3A_172, %arg13[%swap3A_174] : memref<48xi32, #tpu.memory_space<smem>>
    %slice3A_176 = vector.extract_strided_slice %get3A_170 {offsets = [1], sizes = [1], strides = [1]} : vector<16xi32> to vector<1xi32>
    %squeeze3A_177 = vector.extract %slice3A_176[0] : i32 from vector<1xi32>
    %swap3A_178 = arith.constant 33 : i32
    %swap3A_179 = arith.index_cast %swap3A_178 : i32 to index
    %swap3A_180 = memref.load %arg13[%swap3A_179] : memref<48xi32, #tpu.memory_space<smem>>
    memref.store %squeeze3A_177, %arg13[%swap3A_179] : memref<48xi32, #tpu.memory_space<smem>>
    %slice3A_181 = vector.extract_strided_slice %get3A_170 {offsets = [2], sizes = [1], strides = [1]} : vector<16xi32> to vector<1xi32>
    %squeeze3A_182 = vector.extract %slice3A_181[0] : i32 from vector<1xi32>
    %swap3A_183 = arith.constant 34 : i32
    %swap3A_184 = arith.index_cast %swap3A_183 : i32 to index
    %swap3A_185 = memref.load %arg13[%swap3A_184] : memref<48xi32, #tpu.memory_space<smem>>
    memref.store %squeeze3A_182, %arg13[%swap3A_184] : memref<48xi32, #tpu.memory_space<smem>>
    %slice3A_186 = vector.extract_strided_slice %get3A_170 {offsets = [3], sizes = [1], strides = [1]} : vector<16xi32> to vector<1xi32>
    %squeeze3A_187 = vector.extract %slice3A_186[0] : i32 from vector<1xi32>
    %swap3A_188 = arith.constant 35 : i32
    %swap3A_189 = arith.index_cast %swap3A_188 : i32 to index
    %swap3A_190 = memref.load %arg13[%swap3A_189] : memref<48xi32, #tpu.memory_space<smem>>
    memref.store %squeeze3A_187, %arg13[%swap3A_189] : memref<48xi32, #tpu.memory_space<smem>>
    %slice3A_191 = vector.extract_strided_slice %get3A_170 {offsets = [4], sizes = [1], strides = [1]} : vector<16xi32> to vector<1xi32>
    %squeeze3A_192 = vector.extract %slice3A_191[0] : i32 from vector<1xi32>
    %swap3A_193 = arith.constant 36 : i32
    %swap3A_194 = arith.index_cast %swap3A_193 : i32 to index
    %swap3A_195 = memref.load %arg13[%swap3A_194] : memref<48xi32, #tpu.memory_space<smem>>
    memref.store %squeeze3A_192, %arg13[%swap3A_194] : memref<48xi32, #tpu.memory_space<smem>>
    %slice3A_196 = vector.extract_strided_slice %get3A_170 {offsets = [5], sizes = [1], strides = [1]} : vector<16xi32> to vector<1xi32>
    %squeeze3A_197 = vector.extract %slice3A_196[0] : i32 from vector<1xi32>
    %swap3A_198 = arith.constant 37 : i32
    %swap3A_199 = arith.index_cast %swap3A_198 : i32 to index
    %swap3A_200 = memref.load %arg13[%swap3A_199] : memref<48xi32, #tpu.memory_space<smem>>
    memref.store %squeeze3A_197, %arg13[%swap3A_199] : memref<48xi32, #tpu.memory_space<smem>>
    %slice3A_201 = vector.extract_strided_slice %get3A_170 {offsets = [6], sizes = [1], strides = [1]} : vector<16xi32> to vector<1xi32>
    %squeeze3A_202 = vector.extract %slice3A_201[0] : i32 from vector<1xi32>
    %swap3A_203 = arith.constant 38 : i32
    %swap3A_204 = arith.index_cast %swap3A_203 : i32 to index
    %swap3A_205 = memref.load %arg13[%swap3A_204] : memref<48xi32, #tpu.memory_space<smem>>
    memref.store %squeeze3A_202, %arg13[%swap3A_204] : memref<48xi32, #tpu.memory_space<smem>>
    %slice3A_206 = vector.extract_strided_slice %get3A_170 {offsets = [7], sizes = [1], strides = [1]} : vector<16xi32> to vector<1xi32>
    %squeeze3A_207 = vector.extract %slice3A_206[0] : i32 from vector<1xi32>
    %swap3A_208 = arith.constant 39 : i32
    %swap3A_209 = arith.index_cast %swap3A_208 : i32 to index
    %swap3A_210 = memref.load %arg13[%swap3A_209] : memref<48xi32, #tpu.memory_space<smem>>
    memref.store %squeeze3A_207, %arg13[%swap3A_209] : memref<48xi32, #tpu.memory_space<smem>>
    %slice3A_211 = vector.extract_strided_slice %get3A_170 {offsets = [8], sizes = [1], strides = [1]} : vector<16xi32> to vector<1xi32>
    %squeeze3A_212 = vector.extract %slice3A_211[0] : i32 from vector<1xi32>
    %swap3A_213 = arith.constant 40 : i32
    %swap3A_214 = arith.index_cast %swap3A_213 : i32 to index
    %swap3A_215 = memref.load %arg13[%swap3A_214] : memref<48xi32, #tpu.memory_space<smem>>
    memref.store %squeeze3A_212, %arg13[%swap3A_214] : memref<48xi32, #tpu.memory_space<smem>>
    %slice3A_216 = vector.extract_strided_slice %get3A_170 {offsets = [9], sizes = [1], strides = [1]} : vector<16xi32> to vector<1xi32>
    %squeeze3A_217 = vector.extract %slice3A_216[0] : i32 from vector<1xi32>
    %swap3A_218 = arith.constant 41 : i32
    %swap3A_219 = arith.index_cast %swap3A_218 : i32 to index
    %swap3A_220 = memref.load %arg13[%swap3A_219] : memref<48xi32, #tpu.memory_space<smem>>
    memref.store %squeeze3A_217, %arg13[%swap3A_219] : memref<48xi32, #tpu.memory_space<smem>>
    %slice3A_221 = vector.extract_strided_slice %get3A_170 {offsets = [10], sizes = [1], strides = [1]} : vector<16xi32> to vector<1xi32>
    %squeeze3A_222 = vector.extract %slice3A_221[0] : i32 from vector<1xi32>
    %swap3A_223 = arith.constant 42 : i32
    %swap3A_224 = arith.index_cast %swap3A_223 : i32 to index
    %swap3A_225 = memref.load %arg13[%swap3A_224] : memref<48xi32, #tpu.memory_space<smem>>
    memref.store %squeeze3A_222, %arg13[%swap3A_224] : memref<48xi32, #tpu.memory_space<smem>>
    %slice3A_226 = vector.extract_strided_slice %get3A_170 {offsets = [11], sizes = [1], strides = [1]} : vector<16xi32> to vector<1xi32>
    %squeeze3A_227 = vector.extract %slice3A_226[0] : i32 from vector<1xi32>
    %swap3A_228 = arith.constant 43 : i32
    %swap3A_229 = arith.index_cast %swap3A_228 : i32 to index
    %swap3A_230 = memref.load %arg13[%swap3A_229] : memref<48xi32, #tpu.memory_space<smem>>
    memref.store %squeeze3A_227, %arg13[%swap3A_229] : memref<48xi32, #tpu.memory_space<smem>>
    %slice3A_231 = vector.extract_strided_slice %get3A_170 {offsets = [12], sizes = [1], strides = [1]} : vector<16xi32> to vector<1xi32>
    %squeeze3A_232 = vector.extract %slice3A_231[0] : i32 from vector<1xi32>
    %swap3A_233 = arith.constant 44 : i32
    %swap3A_234 = arith.index_cast %swap3A_233 : i32 to index
    %swap3A_235 = memref.load %arg13[%swap3A_234] : memref<48xi32, #tpu.memory_space<smem>>
    memref.store %squeeze3A_232, %arg13[%swap3A_234] : memref<48xi32, #tpu.memory_space<smem>>
    %slice3A_236 = vector.extract_strided_slice %get3A_170 {offsets = [13], sizes = [1], strides = [1]} : vector<16xi32> to vector<1xi32>
    %squeeze3A_237 = vector.extract %slice3A_236[0] : i32 from vector<1xi32>
    %swap3A_238 = arith.constant 45 : i32
    %swap3A_239 = arith.index_cast %swap3A_238 : i32 to index
    %swap3A_240 = memref.load %arg13[%swap3A_239] : memref<48xi32, #tpu.memory_space<smem>>
    memref.store %squeeze3A_237, %arg13[%swap3A_239] : memref<48xi32, #tpu.memory_space<smem>>
    %slice3A_241 = vector.extract_strided_slice %get3A_170 {offsets = [14], sizes = [1], strides = [1]} : vector<16xi32> to vector<1xi32>
    %squeeze3A_242 = vector.extract %slice3A_241[0] : i32 from vector<1xi32>
    %swap3A_243 = arith.constant 46 : i32
    %swap3A_244 = arith.index_cast %swap3A_243 : i32 to index
    %swap3A_245 = memref.load %arg13[%swap3A_244] : memref<48xi32, #tpu.memory_space<smem>>
    memref.store %squeeze3A_242, %arg13[%swap3A_244] : memref<48xi32, #tpu.memory_space<smem>>
    %slice3A_246 = vector.extract_strided_slice %get3A_170 {offsets = [15], sizes = [1], strides = [1]} : vector<16xi32> to vector<1xi32>
    %squeeze3A_247 = vector.extract %slice3A_246[0] : i32 from vector<1xi32>
    %swap3A_248 = arith.constant 47 : i32
    %swap3A_249 = arith.index_cast %swap3A_248 : i32 to index
    %swap3A_250 = memref.load %arg13[%swap3A_249] : memref<48xi32, #tpu.memory_space<smem>>
    memref.store %squeeze3A_247, %arg13[%swap3A_249] : memref<48xi32, #tpu.memory_space<smem>>
    %broadcast_in_dim3A = arith.constant 0.000000e+00 : f32
    %broadcast_in_dim3A_251 = vector.broadcast %broadcast_in_dim3A : f32 to vector<16xf32>
    %scan3A = arith.constant 0 : i32
    %scan3A_252 = arith.constant 0 : i32
    %scan3A_253 = arith.constant 3136 : i32
    %scan3A_254 = arith.addi %scan3A_252, %scan3A_253 : i32
    %scan3A_255 = arith.constant 1 : i32
    scf.for %scan3A_325 = %scan3A_252 to %scan3A_254 step %scan3A_255  : i32 {
      %mul3A_326 = arith.constant 16 : i32
      %mul3A_327 = arith.muli %scan3A_325, %mul3A_326 : i32
      %multiple_of3A_328 = tpu.assume_multiple %mul3A_327, 16 : i32
      %swap3A_329 = arith.index_cast %multiple_of3A_328 : i32 to index
      %swap3A_330 = tpu.vector_load %arg12[%swap3A_329] {strides = array<i32>} : memref<50176xf32, #tpu.memory_space<vmem>>, vector<16xf32>,
      tpu.vector_store %arg12[%swap3A_329], %broadcast_in_dim3A_251 {strides = array<i32>} : memref<50176xf32, #tpu.memory_space<vmem>>, vector<16xf32>,
    }
    %scan3A_256 = arith.constant 3136 : i32
    %get3A_257 = arith.index_cast %add3A : i32 to index
    %get3A_258 = memref.load %arg13[%get3A_257] : memref<48xi32, #tpu.memory_space<smem>>
    %add3A_259 = arith.constant 1 : i32
    %add3A_260 = arith.addi %add3A, %add3A_259 : i32
    %get3A_261 = arith.index_cast %add3A_260 : i32 to index
    %get3A_262 = memref.load %arg13[%get3A_261] : memref<48xi32, #tpu.memory_space<smem>>
    %jit3A = arith.constant 1280 : i32
    %div3A = arith.divsi %get3A_258, %jit3A : i32
    %sign3A = arith.constant 0 : i32
    %sign3A_263 = arith.cmpi sgt, %get3A_258, %sign3A : i32
    %sign3A_264 = arith.extui %sign3A_263 : i1 to i32
    %sign3A_265 = arith.constant 0 : i32
    %sign3A_266 = arith.cmpi slt, %get3A_258, %sign3A_265 : i32
    %sign3A_267 = arith.extui %sign3A_266 : i1 to i32
    %sign3A_268 = arith.subi %sign3A_264, %sign3A_267 : i32
    %sign3A_269 = arith.constant 0 : i32
    %sign3A_270 = arith.cmpi sgt, %jit3A, %sign3A_269 : i32
    %sign3A_271 = arith.extui %sign3A_270 : i1 to i32
    %sign3A_272 = arith.constant 0 : i32
    %sign3A_273 = arith.cmpi slt, %jit3A, %sign3A_272 : i32
    %sign3A_274 = arith.extui %sign3A_273 : i1 to i32
    %sign3A_275 = arith.subi %sign3A_271, %sign3A_274 : i32
    %ne3A = arith.cmpi ne, %sign3A_268, %sign3A_275 : i32
    %rem3A = arith.remsi %get3A_258, %jit3A : i32
    %ne3A_276 = arith.constant 0 : i32
    %ne3A_277 = arith.cmpi ne, %rem3A, %ne3A_276 : i32
    %and3A = arith.andi %ne3A, %ne3A_277 : i1
    %sub3A = arith.constant 1 : i32
    %sub3A_278 = arith.subi %div3A, %sub3A : i32
    %select_n3A = arith.select %and3A, %sub3A_278, %div3A : i32
    %add3A_279 = arith.constant 1280 : i32
    %add3A_280 = arith.addi %get3A_262, %add3A_279 : i32
    %sub3A_281 = arith.constant 1 : i32
    %sub3A_282 = arith.subi %add3A_280, %sub3A_281 : i32
    %jit3A_283 = arith.constant 1280 : i32
    %div3A_284 = arith.divsi %sub3A_282, %jit3A_283 : i32
    %sign3A_285 = arith.constant 0 : i32
    %sign3A_286 = arith.cmpi sgt, %sub3A_282, %sign3A_285 : i32
    %sign3A_287 = arith.extui %sign3A_286 : i1 to i32
    %sign3A_288 = arith.constant 0 : i32
    %sign3A_289 = arith.cmpi slt, %sub3A_282, %sign3A_288 : i32
    %sign3A_290 = arith.extui %sign3A_289 : i1 to i32
    %sign3A_291 = arith.subi %sign3A_287, %sign3A_290 : i32
    %sign3A_292 = arith.constant 0 : i32
    %sign3A_293 = arith.cmpi sgt, %jit3A_283, %sign3A_292 : i32
    %sign3A_294 = arith.extui %sign3A_293 : i1 to i32
    %sign3A_295 = arith.constant 0 : i32
    %sign3A_296 = arith.cmpi slt, %jit3A_283, %sign3A_295 : i32
    %sign3A_297 = arith.extui %sign3A_296 : i1 to i32
    %sign3A_298 = arith.subi %sign3A_294, %sign3A_297 : i32
    %ne3A_299 = arith.cmpi ne, %sign3A_291, %sign3A_298 : i32
    %rem3A_300 = arith.remsi %sub3A_282, %jit3A_283 : i32
    %ne3A_301 = arith.constant 0 : i32
    %ne3A_302 = arith.cmpi ne, %rem3A_300, %ne3A_301 : i32
    %and3A_303 = arith.andi %ne3A_299, %ne3A_302 : i1
    %sub3A_304 = arith.constant 1 : i32
    %sub3A_305 = arith.subi %div3A_284, %sub3A_304 : i32
    %select_n3A_306 = arith.select %and3A_303, %sub3A_305, %div3A_284 : i32
    %while3A = arith.constant -1 : i32
    %while3A_307 = arith.subi %select_n3A_306, %select_n3A : i32
    %while3A_308 = arith.addi %select_n3A, %while3A_307 : i32
    %while3A_309 = arith.constant 1 : i32
    %while3A_310 = arith.divsi %while3A_307, %while3A_309 : i32
    %while3A_311 = arith.muli %while3A_310, %while3A_309 : i32
    %while3A_312 = arith.addi %select_n3A, %while3A_311 : i32
    %while3A_313 = arith.constant 1 : i32
    %while3A_314:3 = scf.for %while3A_325 = %select_n3A to %while3A_312 step %while3A_313 iter_args(%while3A_326 = %while3A, %while3A_327 = %broadcast_in_dim3A_251, %while3A_328 = %broadcast_in_dim3A_251) -> (i32, vector<16xf32>, vector<16xf32>)  : i32 {
      %mul3A_329 = arith.constant 1280 : i32
      %mul3A_330 = arith.muli %while3A_325, %mul3A_329 : i32
      %multiple_of3A_331 = tpu.assume_multiple %mul3A_330, 1280 : i32
      %mul3A_332 = arith.constant 32 : i32
      %mul3A_333 = arith.muli %multiple_of3A_331, %mul3A_332 : i32
      "tpu.region"() ({
        %run_scoped3A = tpu.sem_alloc : memref<!tpu.dma_semaphore, #tpu.memory_space<semaphore_mem>>
        %dma_start3A = tpu.memref_slice %arg2[%mul3A_333] : memref<51200000xf32, #tpu.memory_space<hbm>> -> memref<40960xf32, #tpu.memory_space<hbm>>
        %dma_start3A_398 = tpu.memref_slice %arg2[%mul3A_333] : memref<51200000xf32, #tpu.memory_space<hbm>> -> memref<40960xf32, #tpu.memory_space<hbm>>
        tpu.enqueue_dma source(%dma_start3A_398 : memref<40960xf32, #tpu.memory_space<hbm>>) target(%arg7 : memref<40960xf32, #tpu.memory_space<vmem>>) target_semaphore(%run_scoped3A : memref<!tpu.dma_semaphore, #tpu.memory_space<semaphore_mem>>)
        %dma_wait3A = tpu.memref_slice %arg2[%mul3A_333] : memref<51200000xf32, #tpu.memory_space<hbm>> -> memref<40960xf32, #tpu.memory_space<hbm>>
        %dma_wait3A_399 = tpu.memref_slice %arg2[%mul3A_333] : memref<51200000xf32, #tpu.memory_space<hbm>> -> memref<40960xf32, #tpu.memory_space<hbm>>
        tpu.wait_dma2 semaphore(%run_scoped3A : memref<!tpu.dma_semaphore, #tpu.memory_space<semaphore_mem>>) src(%dma_wait3A_399 : memref<40960xf32, #tpu.memory_space<hbm>>) dst(%arg7 : memref<40960xf32, #tpu.memory_space<vmem>>)
        tpu.yield
      }) : () -> ()
      "tpu.region"() ({
        %run_scoped3A = tpu.sem_alloc : memref<!tpu.dma_semaphore, #tpu.memory_space<semaphore_mem>>
        %dma_start3A = tpu.memref_slice %arg3[%multiple_of3A_331] : memref<1600000xi32, #tpu.memory_space<hbm>> -> memref<1280xi32, #tpu.memory_space<hbm>>
        %dma_start3A_398 = tpu.memref_slice %arg3[%multiple_of3A_331] : memref<1600000xi32, #tpu.memory_space<hbm>> -> memref<1280xi32, #tpu.memory_space<hbm>>
        tpu.enqueue_dma source(%dma_start3A_398 : memref<1280xi32, #tpu.memory_space<hbm>>) target(%arg8 : memref<1280xi32, #tpu.memory_space<vmem>>) target_semaphore(%run_scoped3A : memref<!tpu.dma_semaphore, #tpu.memory_space<semaphore_mem>>)
        %dma_wait3A = tpu.memref_slice %arg3[%multiple_of3A_331] : memref<1600000xi32, #tpu.memory_space<hbm>> -> memref<1280xi32, #tpu.memory_space<hbm>>
        %dma_wait3A_399 = tpu.memref_slice %arg3[%multiple_of3A_331] : memref<1600000xi32, #tpu.memory_space<hbm>> -> memref<1280xi32, #tpu.memory_space<hbm>>
        tpu.wait_dma2 semaphore(%run_scoped3A : memref<!tpu.dma_semaphore, #tpu.memory_space<semaphore_mem>>) src(%dma_wait3A_399 : memref<1280xi32, #tpu.memory_space<hbm>>) dst(%arg8 : memref<1280xi32, #tpu.memory_space<vmem>>)
        tpu.yield
      }) : () -> ()
      %max3A = arith.maxsi %get3A_258, %mul3A_330 : i32
      %add3A_334 = arith.constant 1280 : i32
      %add3A_335 = arith.addi %mul3A_330, %add3A_334 : i32
      %min3A = arith.minsi %get3A_262, %add3A_335 : i32
      %sub3A_336 = arith.subi %max3A, %mul3A_330 : i32
      %jit3A_337 = arith.constant 16 : i32
      %div3A_338 = arith.divsi %sub3A_336, %jit3A_337 : i32
      %sign3A_339 = arith.constant 0 : i32
      %sign3A_340 = arith.cmpi sgt, %sub3A_336, %sign3A_339 : i32
      %sign3A_341 = arith.extui %sign3A_340 : i1 to i32
      %sign3A_342 = arith.constant 0 : i32
      %sign3A_343 = arith.cmpi slt, %sub3A_336, %sign3A_342 : i32
      %sign3A_344 = arith.extui %sign3A_343 : i1 to i32
      %sign3A_345 = arith.subi %sign3A_341, %sign3A_344 : i32
      %sign3A_346 = arith.constant 0 : i32
      %sign3A_347 = arith.cmpi sgt, %jit3A_337, %sign3A_346 : i32
      %sign3A_348 = arith.extui %sign3A_347 : i1 to i32
      %sign3A_349 = arith.constant 0 : i32
      %sign3A_350 = arith.cmpi slt, %jit3A_337, %sign3A_349 : i32
      %sign3A_351 = arith.extui %sign3A_350 : i1 to i32
      %sign3A_352 = arith.subi %sign3A_348, %sign3A_351 : i32
      %ne3A_353 = arith.cmpi ne, %sign3A_345, %sign3A_352 : i32
      %rem3A_354 = arith.remsi %sub3A_336, %jit3A_337 : i32
      %ne3A_355 = arith.constant 0 : i32
      %ne3A_356 = arith.cmpi ne, %rem3A_354, %ne3A_355 : i32
      %and3A_357 = arith.andi %ne3A_353, %ne3A_356 : i1
      %sub3A_358 = arith.constant 1 : i32
      %sub3A_359 = arith.subi %div3A_338, %sub3A_358 : i32
      %select_n3A_360 = arith.select %and3A_357, %sub3A_359, %div3A_338 : i32
      %sub3A_361 = arith.subi %min3A, %mul3A_330 : i32
      %add3A_362 = arith.constant 15 : i32
      %add3A_363 = arith.addi %sub3A_361, %add3A_362 : i32
      %jit3A_364 = arith.constant 16 : i32
      %div3A_365 = arith.divsi %add3A_363, %jit3A_364 : i32
      %sign3A_366 = arith.constant 0 : i32
      %sign3A_367 = arith.cmpi sgt, %add3A_363, %sign3A_366 : i32
      %sign3A_368 = arith.extui %sign3A_367 : i1 to i32
      %sign3A_369 = arith.constant 0 : i32
      %sign3A_370 = arith.cmpi slt, %add3A_363, %sign3A_369 : i32
      %sign3A_371 = arith.extui %sign3A_370 : i1 to i32
      %sign3A_372 = arith.subi %sign3A_368, %sign3A_371 : i32
      %sign3A_373 = arith.constant 0 : i32
      %sign3A_374 = arith.cmpi sgt, %jit3A_364, %sign3A_373 : i32
      %sign3A_375 = arith.extui %sign3A_374 : i1 to i32
      %sign3A_376 = arith.constant 0 : i32
      %sign3A_377 = arith.cmpi slt, %jit3A_364, %sign3A_376 : i32
      %sign3A_378 = arith.extui %sign3A_377 : i1 to i32
      %sign3A_379 = arith.subi %sign3A_375, %sign3A_378 : i32
      %ne3A_380 = arith.cmpi ne, %sign3A_372, %sign3A_379 : i32
      %rem3A_381 = arith.remsi %add3A_363, %jit3A_364 : i32
      %ne3A_382 = arith.constant 0 : i32
      %ne3A_383 = arith.cmpi ne, %rem3A_381, %ne3A_382 : i32
      %and3A_384 = arith.andi %ne3A_380, %ne3A_383 : i1
      %sub3A_385 = arith.constant 1 : i32
      %sub3A_386 = arith.subi %div3A_365, %sub3A_385 : i32
      %select_n3A_387 = arith.select %and3A_384, %sub3A_386, %div3A_365 : i32
      %while3A_388 = arith.subi %select_n3A_387, %select_n3A_360 : i32
      %while3A_389 = arith.addi %select_n3A_360, %while3A_388 : i32
      %while3A_390 = arith.constant 1 : i32
      %while3A_391 = arith.divsi %while3A_388, %while3A_390 : i32
      %while3A_392 = arith.muli %while3A_391, %while3A_390 : i32
      %while3A_393 = arith.addi %select_n3A_360, %while3A_392 : i32
      %while3A_394 = arith.constant 1 : i32
      %while3A_395:3 = scf.for %while3A_398 = %select_n3A_360 to %while3A_393 step %while3A_394 iter_args(%while3A_399 = %while3A_326, %while3A_400 = %while3A_327, %while3A_401 = %while3A_328) -> (i32, vector<16xf32>, vector<16xf32>)  : i32 {
        %mul3A_402 = arith.constant 16 : i32
        %mul3A_403 = arith.muli %while3A_398, %mul3A_402 : i32
        %multiple_of3A_404 = tpu.assume_multiple %mul3A_403, 16 : i32
        %get3A_405 = arith.index_cast %multiple_of3A_404 : i32 to index
        %get3A_406 = tpu.vector_load %arg8[%get3A_405] {strides = array<i32>} : memref<1280xi32, #tpu.memory_space<vmem>>, vector<16xi32>,
        %mul3A_407 = arith.constant 512 : i32
        %mul3A_408 = arith.muli %while3A_398, %mul3A_407 : i32
        %multiple_of3A_409 = tpu.assume_multiple %mul3A_408, 512 : i32
        %slice3A_410 = vector.extract_strided_slice %get3A_406 {offsets = [0], sizes = [1], strides = [1]} : vector<16xi32> to vector<1xi32>
        %squeeze3A_411 = vector.extract %slice3A_410[0] : i32 from vector<1xi32>
        %slice3A_412 = vector.extract_strided_slice %get3A_406 {offsets = [15], sizes = [1], strides = [1]} : vector<16xi32> to vector<1xi32>
        %squeeze3A_413 = vector.extract %slice3A_412[0] : i32 from vector<1xi32>
        %eq3A = arith.cmpi eq, %squeeze3A_411, %squeeze3A_413 : i32
        %convert_element_type3A = arith.extui %eq3A : i1 to i32
        %cond3A = arith.constant 0 : i32
        %cond3A_414 = arith.cmpi ne, %convert_element_type3A, %cond3A : i32
        %cond3A_415:3 = scf.if %cond3A_414 -> (i32, vector<16xf32>, vector<16xf32>) {
          %add3A_416 = arith.constant 0 : i32
          %add3A_417 = arith.addi %multiple_of3A_409, %add3A_416 : i32
          %get3A_418 = arith.index_cast %add3A_417 : i32 to index
          %get3A_419 = tpu.vector_load %arg7[%get3A_418] {strides = array<i32>} : memref<40960xf32, #tpu.memory_space<vmem>>, vector<16xf32>,
          %add3A_420 = arith.constant 256 : i32
          %add3A_421 = arith.addi %multiple_of3A_409, %add3A_420 : i32
          %get3A_422 = arith.index_cast %add3A_421 : i32 to index
          %get3A_423 = tpu.vector_load %arg7[%get3A_422] {strides = array<i32>} : memref<40960xf32, #tpu.memory_space<vmem>>, vector<16xf32>,
          %max3A_424 = arith.maximumf %get3A_419, %get3A_423 : vector<16xf32>
          %add3A_425 = arith.constant 32 : i32
          %add3A_426 = arith.addi %multiple_of3A_409, %add3A_425 : i32
          %get3A_427 = arith.index_cast %add3A_426 : i32 to index
          %get3A_428 = tpu.vector_load %arg7[%get3A_427] {strides = array<i32>} : memref<40960xf32, #tpu.memory_space<vmem>>, vector<16xf32>,
          %add3A_429 = arith.constant 288 : i32
          %add3A_430 = arith.addi %multiple_of3A_409, %add3A_429 : i32
          %get3A_431 = arith.index_cast %add3A_430 : i32 to index
          %get3A_432 = tpu.vector_load %arg7[%get3A_431] {strides = array<i32>} : memref<40960xf32, #tpu.memory_space<vmem>>, vector<16xf32>,
          %max3A_433 = arith.maximumf %get3A_428, %get3A_432 : vector<16xf32>
          %add3A_434 = arith.constant 64 : i32
          %add3A_435 = arith.addi %multiple_of3A_409, %add3A_434 : i32
          %get3A_436 = arith.index_cast %add3A_435 : i32 to index
          %get3A_437 = tpu.vector_load %arg7[%get3A_436] {strides = array<i32>} : memref<40960xf32, #tpu.memory_space<vmem>>, vector<16xf32>,
          %add3A_438 = arith.constant 320 : i32
          %add3A_439 = arith.addi %multiple_of3A_409, %add3A_438 : i32
          %get3A_440 = arith.index_cast %add3A_439 : i32 to index
          %get3A_441 = tpu.vector_load %arg7[%get3A_440] {strides = array<i32>} : memref<40960xf32, #tpu.memory_space<vmem>>, vector<16xf32>,
          %max3A_442 = arith.maximumf %get3A_437, %get3A_441 : vector<16xf32>
          %add3A_443 = arith.constant 96 : i32
          %add3A_444 = arith.addi %multiple_of3A_409, %add3A_443 : i32
          %get3A_445 = arith.index_cast %add3A_444 : i32 to index
          %get3A_446 = tpu.vector_load %arg7[%get3A_445] {strides = array<i32>} : memref<40960xf32, #tpu.memory_space<vmem>>, vector<16xf32>,
          %add3A_447 = arith.constant 352 : i32
          %add3A_448 = arith.addi %multiple_of3A_409, %add3A_447 : i32
          %get3A_449 = arith.index_cast %add3A_448 : i32 to index
          %get3A_450 = tpu.vector_load %arg7[%get3A_449] {strides = array<i32>} : memref<40960xf32, #tpu.memory_space<vmem>>, vector<16xf32>,
          %max3A_451 = arith.maximumf %get3A_446, %get3A_450 : vector<16xf32>
          %add3A_452 = arith.constant 128 : i32
          %add3A_453 = arith.addi %multiple_of3A_409, %add3A_452 : i32
          %get3A_454 = arith.index_cast %add3A_453 : i32 to index
          %get3A_455 = tpu.vector_load %arg7[%get3A_454] {strides = array<i32>} : memref<40960xf32, #tpu.memory_space<vmem>>, vector<16xf32>,
          %add3A_456 = arith.constant 384 : i32
          %add3A_457 = arith.addi %multiple_of3A_409, %add3A_456 : i32
          %get3A_458 = arith.index_cast %add3A_457 : i32 to index
          %get3A_459 = tpu.vector_load %arg7[%get3A_458] {strides = array<i32>} : memref<40960xf32, #tpu.memory_space<vmem>>, vector<16xf32>,
          %max3A_460 = arith.maximumf %get3A_455, %get3A_459 : vector<16xf32>
          %add3A_461 = arith.constant 160 : i32
          %add3A_462 = arith.addi %multiple_of3A_409, %add3A_461 : i32
          %get3A_463 = arith.index_cast %add3A_462 : i32 to index
          %get3A_464 = tpu.vector_load %arg7[%get3A_463] {strides = array<i32>} : memref<40960xf32, #tpu.memory_space<vmem>>, vector<16xf32>,
          %add3A_465 = arith.constant 416 : i32
          %add3A_466 = arith.addi %multiple_of3A_409, %add3A_465 : i32
          %get3A_467 = arith.index_cast %add3A_466 : i32 to index
          %get3A_468 = tpu.vector_load %arg7[%get3A_467] {strides = array<i32>} : memref<40960xf32, #tpu.memory_space<vmem>>, vector<16xf32>,
          %max3A_469 = arith.maximumf %get3A_464, %get3A_468 : vector<16xf32>
          %add3A_470 = arith.constant 192 : i32
          %add3A_471 = arith.addi %multiple_of3A_409, %add3A_470 : i32
          %get3A_472 = arith.index_cast %add3A_471 : i32 to index
          %get3A_473 = tpu.vector_load %arg7[%get3A_472] {strides = array<i32>} : memref<40960xf32, #tpu.memory_space<vmem>>, vector<16xf32>,
          %add3A_474 = arith.constant 448 : i32
          %add3A_475 = arith.addi %multiple_of3A_409, %add3A_474 : i32
          %get3A_476 = arith.index_cast %add3A_475 : i32 to index
          %get3A_477 = tpu.vector_load %arg7[%get3A_476] {strides = array<i32>} : memref<40960xf32, #tpu.memory_space<vmem>>, vector<16xf32>,
          %max3A_478 = arith.maximumf %get3A_473, %get3A_477 : vector<16xf32>
          %add3A_479 = arith.constant 224 : i32
          %add3A_480 = arith.addi %multiple_of3A_409, %add3A_479 : i32
          %get3A_481 = arith.index_cast %add3A_480 : i32 to index
          %get3A_482 = tpu.vector_load %arg7[%get3A_481] {strides = array<i32>} : memref<40960xf32, #tpu.memory_space<vmem>>, vector<16xf32>,
          %add3A_483 = arith.constant 480 : i32
          %add3A_484 = arith.addi %multiple_of3A_409, %add3A_483 : i32
          %get3A_485 = arith.index_cast %add3A_484 : i32 to index
          %get3A_486 = tpu.vector_load %arg7[%get3A_485] {strides = array<i32>} : memref<40960xf32, #tpu.memory_space<vmem>>, vector<16xf32>,
          %max3A_487 = arith.maximumf %get3A_482, %get3A_486 : vector<16xf32>
          %add3A_488 = arith.constant 0 : i32
          %add3A_489 = arith.addi %multiple_of3A_409, %add3A_488 : i32
          %add3A_490 = arith.constant 16 : i32
          %add3A_491 = arith.addi %add3A_489, %add3A_490 : i32
          %get3A_492 = arith.index_cast %add3A_491 : i32 to index
          %get3A_493 = tpu.vector_load %arg7[%get3A_492] {strides = array<i32>} : memref<40960xf32, #tpu.memory_space<vmem>>, vector<16xf32>,
          %add3A_494 = arith.constant 256 : i32
          %add3A_495 = arith.addi %multiple_of3A_409, %add3A_494 : i32
          %add3A_496 = arith.constant 16 : i32
          %add3A_497 = arith.addi %add3A_495, %add3A_496 : i32
          %get3A_498 = arith.index_cast %add3A_497 : i32 to index
          %get3A_499 = tpu.vector_load %arg7[%get3A_498] {strides = array<i32>} : memref<40960xf32, #tpu.memory_space<vmem>>, vector<16xf32>,
          %max3A_500 = arith.maximumf %get3A_493, %get3A_499 : vector<16xf32>
          %add3A_501 = arith.constant 32 : i32
          %add3A_502 = arith.addi %multiple_of3A_409, %add3A_501 : i32
          %add3A_503 = arith.constant 16 : i32
          %add3A_504 = arith.addi %add3A_502, %add3A_503 : i32
          %get3A_505 = arith.index_cast %add3A_504 : i32 to index
          %get3A_506 = tpu.vector_load %arg7[%get3A_505] {strides = array<i32>} : memref<40960xf32, #tpu.memory_space<vmem>>, vector<16xf32>,
          %add3A_507 = arith.constant 288 : i32
          %add3A_508 = arith.addi %multiple_of3A_409, %add3A_507 : i32
          %add3A_509 = arith.constant 16 : i32
          %add3A_510 = arith.addi %add3A_508, %add3A_509 : i32
          %get3A_511 = arith.index_cast %add3A_510 : i32 to index
          %get3A_512 = tpu.vector_load %arg7[%get3A_511] {strides = array<i32>} : memref<40960xf32, #tpu.memory_space<vmem>>, vector<16xf32>,
          %max3A_513 = arith.maximumf %get3A_506, %get3A_512 : vector<16xf32>
          %add3A_514 = arith.constant 64 : i32
          %add3A_515 = arith.addi %multiple_of3A_409, %add3A_514 : i32
          %add3A_516 = arith.constant 16 : i32
          %add3A_517 = arith.addi %add3A_515, %add3A_516 : i32
          %get3A_518 = arith.index_cast %add3A_517 : i32 to index
          %get3A_519 = tpu.vector_load %arg7[%get3A_518] {strides = array<i32>} : memref<40960xf32, #tpu.memory_space<vmem>>, vector<16xf32>,
          %add3A_520 = arith.constant 320 : i32
          %add3A_521 = arith.addi %multiple_of3A_409, %add3A_520 : i32
          %add3A_522 = arith.constant 16 : i32
          %add3A_523 = arith.addi %add3A_521, %add3A_522 : i32
          %get3A_524 = arith.index_cast %add3A_523 : i32 to index
          %get3A_525 = tpu.vector_load %arg7[%get3A_524] {strides = array<i32>} : memref<40960xf32, #tpu.memory_space<vmem>>, vector<16xf32>,
          %max3A_526 = arith.maximumf %get3A_519, %get3A_525 : vector<16xf32>
          %add3A_527 = arith.constant 96 : i32
          %add3A_528 = arith.addi %multiple_of3A_409, %add3A_527 : i32
          %add3A_529 = arith.constant 16 : i32
          %add3A_530 = arith.addi %add3A_528, %add3A_529 : i32
          %get3A_531 = arith.index_cast %add3A_530 : i32 to index
          %get3A_532 = tpu.vector_load %arg7[%get3A_531] {strides = array<i32>} : memref<40960xf32, #tpu.memory_space<vmem>>, vector<16xf32>,
          %add3A_533 = arith.constant 352 : i32
          %add3A_534 = arith.addi %multiple_of3A_409, %add3A_533 : i32
          %add3A_535 = arith.constant 16 : i32
          %add3A_536 = arith.addi %add3A_534, %add3A_535 : i32
          %get3A_537 = arith.index_cast %add3A_536 : i32 to index
          %get3A_538 = tpu.vector_load %arg7[%get3A_537] {strides = array<i32>} : memref<40960xf32, #tpu.memory_space<vmem>>, vector<16xf32>,
          %max3A_539 = arith.maximumf %get3A_532, %get3A_538 : vector<16xf32>
          %add3A_540 = arith.constant 128 : i32
          %add3A_541 = arith.addi %multiple_of3A_409, %add3A_540 : i32
          %add3A_542 = arith.constant 16 : i32
          %add3A_543 = arith.addi %add3A_541, %add3A_542 : i32
          %get3A_544 = arith.index_cast %add3A_543 : i32 to index
          %get3A_545 = tpu.vector_load %arg7[%get3A_544] {strides = array<i32>} : memref<40960xf32, #tpu.memory_space<vmem>>, vector<16xf32>,
          %add3A_546 = arith.constant 384 : i32
          %add3A_547 = arith.addi %multiple_of3A_409, %add3A_546 : i32
          %add3A_548 = arith.constant 16 : i32
          %add3A_549 = arith.addi %add3A_547, %add3A_548 : i32
          %get3A_550 = arith.index_cast %add3A_549 : i32 to index
          %get3A_551 = tpu.vector_load %arg7[%get3A_550] {strides = array<i32>} : memref<40960xf32, #tpu.memory_space<vmem>>, vector<16xf32>,
          %max3A_552 = arith.maximumf %get3A_545, %get3A_551 : vector<16xf32>
          %add3A_553 = arith.constant 160 : i32
          %add3A_554 = arith.addi %multiple_of3A_409, %add3A_553 : i32
          %add3A_555 = arith.constant 16 : i32
          %add3A_556 = arith.addi %add3A_554, %add3A_555 : i32
          %get3A_557 = arith.index_cast %add3A_556 : i32 to index
          %get3A_558 = tpu.vector_load %arg7[%get3A_557] {strides = array<i32>} : memref<40960xf32, #tpu.memory_space<vmem>>, vector<16xf32>,
          %add3A_559 = arith.constant 416 : i32
          %add3A_560 = arith.addi %multiple_of3A_409, %add3A_559 : i32
          %add3A_561 = arith.constant 16 : i32
          %add3A_562 = arith.addi %add3A_560, %add3A_561 : i32
          %get3A_563 = arith.index_cast %add3A_562 : i32 to index
          %get3A_564 = tpu.vector_load %arg7[%get3A_563] {strides = array<i32>} : memref<40960xf32, #tpu.memory_space<vmem>>, vector<16xf32>,
          %max3A_565 = arith.maximumf %get3A_558, %get3A_564 : vector<16xf32>
          %add3A_566 = arith.constant 192 : i32
          %add3A_567 = arith.addi %multiple_of3A_409, %add3A_566 : i32
          %add3A_568 = arith.constant 16 : i32
          %add3A_569 = arith.addi %add3A_567, %add3A_568 : i32
          %get3A_570 = arith.index_cast %add3A_569 : i32 to index
          %get3A_571 = tpu.vector_load %arg7[%get3A_570] {strides = array<i32>} : memref<40960xf32, #tpu.memory_space<vmem>>, vector<16xf32>,
          %add3A_572 = arith.constant 448 : i32
          %add3A_573 = arith.addi %multiple_of3A_409, %add3A_572 : i32
          %add3A_574 = arith.constant 16 : i32
          %add3A_575 = arith.addi %add3A_573, %add3A_574 : i32
          %get3A_576 = arith.index_cast %add3A_575 : i32 to index
          %get3A_577 = tpu.vector_load %arg7[%get3A_576] {strides = array<i32>} : memref<40960xf32, #tpu.memory_space<vmem>>, vector<16xf32>,
          %max3A_578 = arith.maximumf %get3A_571, %get3A_577 : vector<16xf32>
          %add3A_579 = arith.constant 224 : i32
          %add3A_580 = arith.addi %multiple_of3A_409, %add3A_579 : i32
          %add3A_581 = arith.constant 16 : i32
          %add3A_582 = arith.addi %add3A_580, %add3A_581 : i32
          %get3A_583 = arith.index_cast %add3A_582 : i32 to index
          %get3A_584 = tpu.vector_load %arg7[%get3A_583] {strides = array<i32>} : memref<40960xf32, #tpu.memory_space<vmem>>, vector<16xf32>,
          %add3A_585 = arith.constant 480 : i32
          %add3A_586 = arith.addi %multiple_of3A_409, %add3A_585 : i32
          %add3A_587 = arith.constant 16 : i32
          %add3A_588 = arith.addi %add3A_586, %add3A_587 : i32
          %get3A_589 = arith.index_cast %add3A_588 : i32 to index
          %get3A_590 = tpu.vector_load %arg7[%get3A_589] {strides = array<i32>} : memref<40960xf32, #tpu.memory_space<vmem>>, vector<16xf32>,
          %max3A_591 = arith.maximumf %get3A_584, %get3A_590 : vector<16xf32>
          %max3A_592 = arith.maximumf %max3A_424, %max3A_460 : vector<16xf32>
          %max3A_593 = arith.maximumf %max3A_433, %max3A_469 : vector<16xf32>
          %max3A_594 = arith.maximumf %max3A_442, %max3A_478 : vector<16xf32>
          %max3A_595 = arith.maximumf %max3A_451, %max3A_487 : vector<16xf32>
          %max3A_596 = arith.maximumf %max3A_500, %max3A_552 : vector<16xf32>
          %max3A_597 = arith.maximumf %max3A_513, %max3A_565 : vector<16xf32>
          %max3A_598 = arith.maximumf %max3A_526, %max3A_578 : vector<16xf32>
          %max3A_599 = arith.maximumf %max3A_539, %max3A_591 : vector<16xf32>
          %max3A_600 = arith.maximumf %max3A_592, %max3A_594 : vector<16xf32>
          %max3A_601 = arith.maximumf %max3A_593, %max3A_595 : vector<16xf32>
          %max3A_602 = arith.maximumf %max3A_596, %max3A_598 : vector<16xf32>
          %max3A_603 = arith.maximumf %max3A_597, %max3A_599 : vector<16xf32>
          %max3A_604 = arith.maximumf %max3A_600, %max3A_601 : vector<16xf32>
          %max3A_605 = arith.maximumf %max3A_602, %max3A_603 : vector<16xf32>
          %eq3A_606 = arith.cmpi eq, %squeeze3A_411, %while3A_399 : i32
          %jit3A_607 = arith.constant 0.000000e+00 : f32
          %broadcast_in_dim3A_608 = vector.broadcast %jit3A_607 : f32 to vector<16xf32>
          %select_n3A_609 = arith.select %eq3A_606, %while3A_400, %broadcast_in_dim3A_608 : vector<16xf32>
          %max3A_610 = arith.maximumf %max3A_604, %select_n3A_609 : vector<16xf32>
          %jit3A_611 = arith.constant 0.000000e+00 : f32
          %broadcast_in_dim3A_612 = vector.broadcast %jit3A_611 : f32 to vector<16xf32>
          %select_n3A_613 = arith.select %eq3A_606, %while3A_401, %broadcast_in_dim3A_612 : vector<16xf32>
          %max3A_614 = arith.maximumf %max3A_605, %select_n3A_613 : vector<16xf32>
          %ge3A = arith.cmpi sge, %squeeze3A_411, %mul3A_8 : i32
          %add3A_615 = arith.constant 1564 : i32
          %add3A_616 = arith.addi %mul3A_8, %add3A_615 : i32
          %lt3A = arith.cmpi slt, %squeeze3A_411, %add3A_616 : i32
          %and3A_617 = arith.andi %ge3A, %lt3A : i1
          %sub3A_618 = arith.subi %squeeze3A_411, %mul3A_8 : i32
          %jit3A_619 = arith.constant 1567 : i32
          %select_n3A_620 = arith.select %and3A_617, %sub3A_618, %jit3A_619 : i32
          %mul3A_621 = arith.constant 32 : i32
          %mul3A_622 = arith.muli %select_n3A_620, %mul3A_621 : i32
          %swap3A_623 = arith.index_cast %mul3A_622 : i32 to index
          %swap3A_624 = tpu.vector_load %arg12[%swap3A_623] {strides = array<i32>} : memref<50176xf32, #tpu.memory_space<vmem>>, vector<16xf32>,
          tpu.vector_store %arg12[%swap3A_623], %max3A_610 {strides = array<i32>} : memref<50176xf32, #tpu.memory_space<vmem>>, vector<16xf32>,
          %add3A_625 = arith.constant 16 : i32
          %add3A_626 = arith.addi %mul3A_622, %add3A_625 : i32
          %swap3A_627 = arith.index_cast %add3A_626 : i32 to index
          %swap3A_628 = tpu.vector_load %arg12[%swap3A_627] {strides = array<i32>} : memref<50176xf32, #tpu.memory_space<vmem>>, vector<16xf32>,
          tpu.vector_store %arg12[%swap3A_627], %max3A_614 {strides = array<i32>} : memref<50176xf32, #tpu.memory_space<vmem>>, vector<16xf32>,
          scf.yield %squeeze3A_411, %max3A_610, %max3A_614 : i32, vector<16xf32>, vector<16xf32>
        } else {
          %slice3A_416 = vector.extract_strided_slice %get3A_406 {offsets = [0], sizes = [1], strides = [1]} : vector<16xi32> to vector<1xi32>
          %squeeze3A_417 = vector.extract %slice3A_416[0] : i32 from vector<1xi32>
          %add3A_418 = arith.constant 0 : i32
          %add3A_419 = arith.addi %multiple_of3A_409, %add3A_418 : i32
          %get3A_420 = arith.index_cast %add3A_419 : i32 to index
          %get3A_421 = tpu.vector_load %arg7[%get3A_420] {strides = array<i32>} : memref<40960xf32, #tpu.memory_space<vmem>>, vector<16xf32>,
          %add3A_422 = arith.constant 0 : i32
          %add3A_423 = arith.addi %multiple_of3A_409, %add3A_422 : i32
          %add3A_424 = arith.constant 16 : i32
          %add3A_425 = arith.addi %add3A_423, %add3A_424 : i32
          %get3A_426 = arith.index_cast %add3A_425 : i32 to index
          %get3A_427 = tpu.vector_load %arg7[%get3A_426] {strides = array<i32>} : memref<40960xf32, #tpu.memory_space<vmem>>, vector<16xf32>,
          %eq3A_428 = arith.cmpi eq, %squeeze3A_417, %while3A_399 : i32
          %jit3A_429 = arith.constant 0.000000e+00 : f32
          %broadcast_in_dim3A_430 = vector.broadcast %jit3A_429 : f32 to vector<16xf32>
          %select_n3A_431 = arith.select %eq3A_428, %while3A_400, %broadcast_in_dim3A_430 : vector<16xf32>
          %max3A_432 = arith.maximumf %get3A_421, %select_n3A_431 : vector<16xf32>
          %jit3A_433 = arith.constant 0.000000e+00 : f32
          %broadcast_in_dim3A_434 = vector.broadcast %jit3A_433 : f32 to vector<16xf32>
          %select_n3A_435 = arith.select %eq3A_428, %while3A_401, %broadcast_in_dim3A_434 : vector<16xf32>
          %max3A_436 = arith.maximumf %get3A_427, %select_n3A_435 : vector<16xf32>
          %ge3A = arith.cmpi sge, %squeeze3A_417, %mul3A_8 : i32
          %add3A_437 = arith.constant 1564 : i32
          %add3A_438 = arith.addi %mul3A_8, %add3A_437 : i32
          %lt3A = arith.cmpi slt, %squeeze3A_417, %add3A_438 : i32
          %and3A_439 = arith.andi %ge3A, %lt3A : i1
          %sub3A_440 = arith.subi %squeeze3A_417, %mul3A_8 : i32
          %jit3A_441 = arith.constant 1567 : i32
          %select_n3A_442 = arith.select %and3A_439, %sub3A_440, %jit3A_441 : i32
          %mul3A_443 = arith.constant 32 : i32
          %mul3A_444 = arith.muli %select_n3A_442, %mul3A_443 : i32
          %swap3A_445 = arith.index_cast %mul3A_444 : i32 to index
          %swap3A_446 = tpu.vector_load %arg12[%swap3A_445] {strides = array<i32>} : memref<50176xf32, #tpu.memory_space<vmem>>, vector<16xf32>,
          tpu.vector_store %arg12[%swap3A_445], %max3A_432 {strides = array<i32>} : memref<50176xf32, #tpu.memory_space<vmem>>, vector<16xf32>,
          %add3A_447 = arith.constant 16 : i32
          %add3A_448 = arith.addi %mul3A_444, %add3A_447 : i32
          %swap3A_449 = arith.index_cast %add3A_448 : i32 to index
          %swap3A_450 = tpu.vector_load %arg12[%swap3A_449] {strides = array<i32>} : memref<50176xf32, #tpu.memory_space<vmem>>, vector<16xf32>,
          tpu.vector_store %arg12[%swap3A_449], %max3A_436 {strides = array<i32>} : memref<50176xf32, #tpu.memory_space<vmem>>, vector<16xf32>,
          %slice3A_451 = vector.extract_strided_slice %get3A_406 {offsets = [1], sizes = [1], strides = [1]} : vector<16xi32> to vector<1xi32>
          %squeeze3A_452 = vector.extract %slice3A_451[0] : i32 from vector<1xi32>
          %add3A_453 = arith.constant 32 : i32
          %add3A_454 = arith.addi %multiple_of3A_409, %add3A_453 : i32
          %get3A_455 = arith.index_cast %add3A_454 : i32 to index
          %get3A_456 = tpu.vector_load %arg7[%get3A_455] {strides = array<i32>} : memref<40960xf32, #tpu.memory_space<vmem>>, vector<16xf32>,
          %add3A_457 = arith.constant 32 : i32
          %add3A_458 = arith.addi %multiple_of3A_409, %add3A_457 : i32
          %add3A_459 = arith.constant 16 : i32
          %add3A_460 = arith.addi %add3A_458, %add3A_459 : i32
          %get3A_461 = arith.index_cast %add3A_460 : i32 to index
          %get3A_462 = tpu.vector_load %arg7[%get3A_461] {strides = array<i32>} : memref<40960xf32, #tpu.memory_space<vmem>>, vector<16xf32>,
          %eq3A_463 = arith.cmpi eq, %squeeze3A_452, %squeeze3A_417 : i32
          %jit3A_464 = arith.constant 0.000000e+00 : f32
          %broadcast_in_dim3A_465 = vector.broadcast %jit3A_464 : f32 to vector<16xf32>
          %select_n3A_466 = arith.select %eq3A_463, %max3A_432, %broadcast_in_dim3A_465 : vector<16xf32>
          %max3A_467 = arith.maximumf %get3A_456, %select_n3A_466 : vector<16xf32>
          %jit3A_468 = arith.constant 0.000000e+00 : f32
          %broadcast_in_dim3A_469 = vector.broadcast %jit3A_468 : f32 to vector<16xf32>
          %select_n3A_470 = arith.select %eq3A_463, %max3A_436, %broadcast_in_dim3A_469 : vector<16xf32>
          %max3A_471 = arith.maximumf %get3A_462, %select_n3A_470 : vector<16xf32>
          %ge3A_472 = arith.cmpi sge, %squeeze3A_452, %mul3A_8 : i32
          %add3A_473 = arith.constant 1564 : i32
          %add3A_474 = arith.addi %mul3A_8, %add3A_473 : i32
          %lt3A_475 = arith.cmpi slt, %squeeze3A_452, %add3A_474 : i32
          %and3A_476 = arith.andi %ge3A_472, %lt3A_475 : i1
          %sub3A_477 = arith.subi %squeeze3A_452, %mul3A_8 : i32
          %jit3A_478 = arith.constant 1567 : i32
          %select_n3A_479 = arith.select %and3A_476, %sub3A_477, %jit3A_478 : i32
          %mul3A_480 = arith.constant 32 : i32
          %mul3A_481 = arith.muli %select_n3A_479, %mul3A_480 : i32
          %swap3A_482 = arith.index_cast %mul3A_481 : i32 to index
          %swap3A_483 = tpu.vector_load %arg12[%swap3A_482] {strides = array<i32>} : memref<50176xf32, #tpu.memory_space<vmem>>, vector<16xf32>,
          tpu.vector_store %arg12[%swap3A_482], %max3A_467 {strides = array<i32>} : memref<50176xf32, #tpu.memory_space<vmem>>, vector<16xf32>,
          %add3A_484 = arith.constant 16 : i32
          %add3A_485 = arith.addi %mul3A_481, %add3A_484 : i32
          %swap3A_486 = arith.index_cast %add3A_485 : i32 to index
          %swap3A_487 = tpu.vector_load %arg12[%swap3A_486] {strides = array<i32>} : memref<50176xf32, #tpu.memory_space<vmem>>, vector<16xf32>,
          tpu.vector_store %arg12[%swap3A_486], %max3A_471 {strides = array<i32>} : memref<50176xf32, #tpu.memory_space<vmem>>, vector<16xf32>,
          %slice3A_488 = vector.extract_strided_slice %get3A_406 {offsets = [2], sizes = [1], strides = [1]} : vector<16xi32> to vector<1xi32>
          %squeeze3A_489 = vector.extract %slice3A_488[0] : i32 from vector<1xi32>
          %add3A_490 = arith.constant 64 : i32
          %add3A_491 = arith.addi %multiple_of3A_409, %add3A_490 : i32
          %get3A_492 = arith.index_cast %add3A_491 : i32 to index
          %get3A_493 = tpu.vector_load %arg7[%get3A_492] {strides = array<i32>} : memref<40960xf32, #tpu.memory_space<vmem>>, vector<16xf32>,
          %add3A_494 = arith.constant 64 : i32
          %add3A_495 = arith.addi %multiple_of3A_409, %add3A_494 : i32
          %add3A_496 = arith.constant 16 : i32
          %add3A_497 = arith.addi %add3A_495, %add3A_496 : i32
          %get3A_498 = arith.index_cast %add3A_497 : i32 to index
          %get3A_499 = tpu.vector_load %arg7[%get3A_498] {strides = array<i32>} : memref<40960xf32, #tpu.memory_space<vmem>>, vector<16xf32>,
          %eq3A_500 = arith.cmpi eq, %squeeze3A_489, %squeeze3A_452 : i32
          %jit3A_501 = arith.constant 0.000000e+00 : f32
          %broadcast_in_dim3A_502 = vector.broadcast %jit3A_501 : f32 to vector<16xf32>
          %select_n3A_503 = arith.select %eq3A_500, %max3A_467, %broadcast_in_dim3A_502 : vector<16xf32>
          %max3A_504 = arith.maximumf %get3A_493, %select_n3A_503 : vector<16xf32>
          %jit3A_505 = arith.constant 0.000000e+00 : f32
          %broadcast_in_dim3A_506 = vector.broadcast %jit3A_505 : f32 to vector<16xf32>
          %select_n3A_507 = arith.select %eq3A_500, %max3A_471, %broadcast_in_dim3A_506 : vector<16xf32>
          %max3A_508 = arith.maximumf %get3A_499, %select_n3A_507 : vector<16xf32>
          %ge3A_509 = arith.cmpi sge, %squeeze3A_489, %mul3A_8 : i32
          %add3A_510 = arith.constant 1564 : i32
          %add3A_511 = arith.addi %mul3A_8, %add3A_510 : i32
          %lt3A_512 = arith.cmpi slt, %squeeze3A_489, %add3A_511 : i32
          %and3A_513 = arith.andi %ge3A_509, %lt3A_512 : i1
          %sub3A_514 = arith.subi %squeeze3A_489, %mul3A_8 : i32
          %jit3A_515 = arith.constant 1567 : i32
          %select_n3A_516 = arith.select %and3A_513, %sub3A_514, %jit3A_515 : i32
          %mul3A_517 = arith.constant 32 : i32
          %mul3A_518 = arith.muli %select_n3A_516, %mul3A_517 : i32
          %swap3A_519 = arith.index_cast %mul3A_518 : i32 to index
          %swap3A_520 = tpu.vector_load %arg12[%swap3A_519] {strides = array<i32>} : memref<50176xf32, #tpu.memory_space<vmem>>, vector<16xf32>,
          tpu.vector_store %arg12[%swap3A_519], %max3A_504 {strides = array<i32>} : memref<50176xf32, #tpu.memory_space<vmem>>, vector<16xf32>,
          %add3A_521 = arith.constant 16 : i32
          %add3A_522 = arith.addi %mul3A_518, %add3A_521 : i32
          %swap3A_523 = arith.index_cast %add3A_522 : i32 to index
          %swap3A_524 = tpu.vector_load %arg12[%swap3A_523] {strides = array<i32>} : memref<50176xf32, #tpu.memory_space<vmem>>, vector<16xf32>,
          tpu.vector_store %arg12[%swap3A_523], %max3A_508 {strides = array<i32>} : memref<50176xf32, #tpu.memory_space<vmem>>, vector<16xf32>,
          %slice3A_525 = vector.extract_strided_slice %get3A_406 {offsets = [3], sizes = [1], strides = [1]} : vector<16xi32> to vector<1xi32>
          %squeeze3A_526 = vector.extract %slice3A_525[0] : i32 from vector<1xi32>
          %add3A_527 = arith.constant 96 : i32
          %add3A_528 = arith.addi %multiple_of3A_409, %add3A_527 : i32
          %get3A_529 = arith.index_cast %add3A_528 : i32 to index
          %get3A_530 = tpu.vector_load %arg7[%get3A_529] {strides = array<i32>} : memref<40960xf32, #tpu.memory_space<vmem>>, vector<16xf32>,
          %add3A_531 = arith.constant 96 : i32
          %add3A_532 = arith.addi %multiple_of3A_409, %add3A_531 : i32
          %add3A_533 = arith.constant 16 : i32
          %add3A_534 = arith.addi %add3A_532, %add3A_533 : i32
          %get3A_535 = arith.index_cast %add3A_534 : i32 to index
          %get3A_536 = tpu.vector_load %arg7[%get3A_535] {strides = array<i32>} : memref<40960xf32, #tpu.memory_space<vmem>>, vector<16xf32>,
          %eq3A_537 = arith.cmpi eq, %squeeze3A_526, %squeeze3A_489 : i32
          %jit3A_538 = arith.constant 0.000000e+00 : f32
          %broadcast_in_dim3A_539 = vector.broadcast %jit3A_538 : f32 to vector<16xf32>
          %select_n3A_540 = arith.select %eq3A_537, %max3A_504, %broadcast_in_dim3A_539 : vector<16xf32>
          %max3A_541 = arith.maximumf %get3A_530, %select_n3A_540 : vector<16xf32>
          %jit3A_542 = arith.constant 0.000000e+00 : f32
          %broadcast_in_dim3A_543 = vector.broadcast %jit3A_542 : f32 to vector<16xf32>
          %select_n3A_544 = arith.select %eq3A_537, %max3A_508, %broadcast_in_dim3A_543 : vector<16xf32>
          %max3A_545 = arith.maximumf %get3A_536, %select_n3A_544 : vector<16xf32>
          %ge3A_546 = arith.cmpi sge, %squeeze3A_526, %mul3A_8 : i32
          %add3A_547 = arith.constant 1564 : i32
          %add3A_548 = arith.addi %mul3A_8, %add3A_547 : i32
          %lt3A_549 = arith.cmpi slt, %squeeze3A_526, %add3A_548 : i32
          %and3A_550 = arith.andi %ge3A_546, %lt3A_549 : i1
          %sub3A_551 = arith.subi %squeeze3A_526, %mul3A_8 : i32
          %jit3A_552 = arith.constant 1567 : i32
          %select_n3A_553 = arith.select %and3A_550, %sub3A_551, %jit3A_552 : i32
          %mul3A_554 = arith.constant 32 : i32
          %mul3A_555 = arith.muli %select_n3A_553, %mul3A_554 : i32
          %swap3A_556 = arith.index_cast %mul3A_555 : i32 to index
          %swap3A_557 = tpu.vector_load %arg12[%swap3A_556] {strides = array<i32>} : memref<50176xf32, #tpu.memory_space<vmem>>, vector<16xf32>,
          tpu.vector_store %arg12[%swap3A_556], %max3A_541 {strides = array<i32>} : memref<50176xf32, #tpu.memory_space<vmem>>, vector<16xf32>,
          %add3A_558 = arith.constant 16 : i32
          %add3A_559 = arith.addi %mul3A_555, %add3A_558 : i32
          %swap3A_560 = arith.index_cast %add3A_559 : i32 to index
          %swap3A_561 = tpu.vector_load %arg12[%swap3A_560] {strides = array<i32>} : memref<50176xf32, #tpu.memory_space<vmem>>, vector<16xf32>,
          tpu.vector_store %arg12[%swap3A_560], %max3A_545 {strides = array<i32>} : memref<50176xf32, #tpu.memory_space<vmem>>, vector<16xf32>,
          %slice3A_562 = vector.extract_strided_slice %get3A_406 {offsets = [4], sizes = [1], strides = [1]} : vector<16xi32> to vector<1xi32>
          %squeeze3A_563 = vector.extract %slice3A_562[0] : i32 from vector<1xi32>
          %add3A_564 = arith.constant 128 : i32
          %add3A_565 = arith.addi %multiple_of3A_409, %add3A_564 : i32
          %get3A_566 = arith.index_cast %add3A_565 : i32 to index
          %get3A_567 = tpu.vector_load %arg7[%get3A_566] {strides = array<i32>} : memref<40960xf32, #tpu.memory_space<vmem>>, vector<16xf32>,
          %add3A_568 = arith.constant 128 : i32
          %add3A_569 = arith.addi %multiple_of3A_409, %add3A_568 : i32
          %add3A_570 = arith.constant 16 : i32
          %add3A_571 = arith.addi %add3A_569, %add3A_570 : i32
          %get3A_572 = arith.index_cast %add3A_571 : i32 to index
          %get3A_573 = tpu.vector_load %arg7[%get3A_572] {strides = array<i32>} : memref<40960xf32, #tpu.memory_space<vmem>>, vector<16xf32>,
          %eq3A_574 = arith.cmpi eq, %squeeze3A_563, %squeeze3A_526 : i32
          %jit3A_575 = arith.constant 0.000000e+00 : f32
          %broadcast_in_dim3A_576 = vector.broadcast %jit3A_575 : f32 to vector<16xf32>
          %select_n3A_577 = arith.select %eq3A_574, %max3A_541, %broadcast_in_dim3A_576 : vector<16xf32>
          %max3A_578 = arith.maximumf %get3A_567, %select_n3A_577 : vector<16xf32>
          %jit3A_579 = arith.constant 0.000000e+00 : f32
          %broadcast_in_dim3A_580 = vector.broadcast %jit3A_579 : f32 to vector<16xf32>
          %select_n3A_581 = arith.select %eq3A_574, %max3A_545, %broadcast_in_dim3A_580 : vector<16xf32>
          %max3A_582 = arith.maximumf %get3A_573, %select_n3A_581 : vector<16xf32>
          %ge3A_583 = arith.cmpi sge, %squeeze3A_563, %mul3A_8 : i32
          %add3A_584 = arith.constant 1564 : i32
          %add3A_585 = arith.addi %mul3A_8, %add3A_584 : i32
          %lt3A_586 = arith.cmpi slt, %squeeze3A_563, %add3A_585 : i32
          %and3A_587 = arith.andi %ge3A_583, %lt3A_586 : i1
          %sub3A_588 = arith.subi %squeeze3A_563, %mul3A_8 : i32
          %jit3A_589 = arith.constant 1567 : i32
          %select_n3A_590 = arith.select %and3A_587, %sub3A_588, %jit3A_589 : i32
          %mul3A_591 = arith.constant 32 : i32
          %mul3A_592 = arith.muli %select_n3A_590, %mul3A_591 : i32
          %swap3A_593 = arith.index_cast %mul3A_592 : i32 to index
          %swap3A_594 = tpu.vector_load %arg12[%swap3A_593] {strides = array<i32>} : memref<50176xf32, #tpu.memory_space<vmem>>, vector<16xf32>,
          tpu.vector_store %arg12[%swap3A_593], %max3A_578 {strides = array<i32>} : memref<50176xf32, #tpu.memory_space<vmem>>, vector<16xf32>,
          %add3A_595 = arith.constant 16 : i32
          %add3A_596 = arith.addi %mul3A_592, %add3A_595 : i32
          %swap3A_597 = arith.index_cast %add3A_596 : i32 to index
          %swap3A_598 = tpu.vector_load %arg12[%swap3A_597] {strides = array<i32>} : memref<50176xf32, #tpu.memory_space<vmem>>, vector<16xf32>,
          tpu.vector_store %arg12[%swap3A_597], %max3A_582 {strides = array<i32>} : memref<50176xf32, #tpu.memory_space<vmem>>, vector<16xf32>,
          %slice3A_599 = vector.extract_strided_slice %get3A_406 {offsets = [5], sizes = [1], strides = [1]} : vector<16xi32> to vector<1xi32>
          %squeeze3A_600 = vector.extract %slice3A_599[0] : i32 from vector<1xi32>
          %add3A_601 = arith.constant 160 : i32
          %add3A_602 = arith.addi %multiple_of3A_409, %add3A_601 : i32
          %get3A_603 = arith.index_cast %add3A_602 : i32 to index
          %get3A_604 = tpu.vector_load %arg7[%get3A_603] {strides = array<i32>} : memref<40960xf32, #tpu.memory_space<vmem>>, vector<16xf32>,
          %add3A_605 = arith.constant 160 : i32
          %add3A_606 = arith.addi %multiple_of3A_409, %add3A_605 : i32
          %add3A_607 = arith.constant 16 : i32
          %add3A_608 = arith.addi %add3A_606, %add3A_607 : i32
          %get3A_609 = arith.index_cast %add3A_608 : i32 to index
          %get3A_610 = tpu.vector_load %arg7[%get3A_609] {strides = array<i32>} : memref<40960xf32, #tpu.memory_space<vmem>>, vector<16xf32>,
          %eq3A_611 = arith.cmpi eq, %squeeze3A_600, %squeeze3A_563 : i32
          %jit3A_612 = arith.constant 0.000000e+00 : f32
          %broadcast_in_dim3A_613 = vector.broadcast %jit3A_612 : f32 to vector<16xf32>
          %select_n3A_614 = arith.select %eq3A_611, %max3A_578, %broadcast_in_dim3A_613 : vector<16xf32>
          %max3A_615 = arith.maximumf %get3A_604, %select_n3A_614 : vector<16xf32>
          %jit3A_616 = arith.constant 0.000000e+00 : f32
          %broadcast_in_dim3A_617 = vector.broadcast %jit3A_616 : f32 to vector<16xf32>
          %select_n3A_618 = arith.select %eq3A_611, %max3A_582, %broadcast_in_dim3A_617 : vector<16xf32>
          %max3A_619 = arith.maximumf %get3A_610, %select_n3A_618 : vector<16xf32>
          %ge3A_620 = arith.cmpi sge, %squeeze3A_600, %mul3A_8 : i32
          %add3A_621 = arith.constant 1564 : i32
          %add3A_622 = arith.addi %mul3A_8, %add3A_621 : i32
          %lt3A_623 = arith.cmpi slt, %squeeze3A_600, %add3A_622 : i32
          %and3A_624 = arith.andi %ge3A_620, %lt3A_623 : i1
          %sub3A_625 = arith.subi %squeeze3A_600, %mul3A_8 : i32
          %jit3A_626 = arith.constant 1567 : i32
          %select_n3A_627 = arith.select %and3A_624, %sub3A_625, %jit3A_626 : i32
          %mul3A_628 = arith.constant 32 : i32
          %mul3A_629 = arith.muli %select_n3A_627, %mul3A_628 : i32
          %swap3A_630 = arith.index_cast %mul3A_629 : i32 to index
          %swap3A_631 = tpu.vector_load %arg12[%swap3A_630] {strides = array<i32>} : memref<50176xf32, #tpu.memory_space<vmem>>, vector<16xf32>,
          tpu.vector_store %arg12[%swap3A_630], %max3A_615 {strides = array<i32>} : memref<50176xf32, #tpu.memory_space<vmem>>, vector<16xf32>,
          %add3A_632 = arith.constant 16 : i32
          %add3A_633 = arith.addi %mul3A_629, %add3A_632 : i32
          %swap3A_634 = arith.index_cast %add3A_633 : i32 to index
          %swap3A_635 = tpu.vector_load %arg12[%swap3A_634] {strides = array<i32>} : memref<50176xf32, #tpu.memory_space<vmem>>, vector<16xf32>,
          tpu.vector_store %arg12[%swap3A_634], %max3A_619 {strides = array<i32>} : memref<50176xf32, #tpu.memory_space<vmem>>, vector<16xf32>,
          %slice3A_636 = vector.extract_strided_slice %get3A_406 {offsets = [6], sizes = [1], strides = [1]} : vector<16xi32> to vector<1xi32>
          %squeeze3A_637 = vector.extract %slice3A_636[0] : i32 from vector<1xi32>
          %add3A_638 = arith.constant 192 : i32
          %add3A_639 = arith.addi %multiple_of3A_409, %add3A_638 : i32
          %get3A_640 = arith.index_cast %add3A_639 : i32 to index
          %get3A_641 = tpu.vector_load %arg7[%get3A_640] {strides = array<i32>} : memref<40960xf32, #tpu.memory_space<vmem>>, vector<16xf32>,
          %add3A_642 = arith.constant 192 : i32
          %add3A_643 = arith.addi %multiple_of3A_409, %add3A_642 : i32
          %add3A_644 = arith.constant 16 : i32
          %add3A_645 = arith.addi %add3A_643, %add3A_644 : i32
          %get3A_646 = arith.index_cast %add3A_645 : i32 to index
          %get3A_647 = tpu.vector_load %arg7[%get3A_646] {strides = array<i32>} : memref<40960xf32, #tpu.memory_space<vmem>>, vector<16xf32>,
          %eq3A_648 = arith.cmpi eq, %squeeze3A_637, %squeeze3A_600 : i32
          %jit3A_649 = arith.constant 0.000000e+00 : f32
          %broadcast_in_dim3A_650 = vector.broadcast %jit3A_649 : f32 to vector<16xf32>
          %select_n3A_651 = arith.select %eq3A_648, %max3A_615, %broadcast_in_dim3A_650 : vector<16xf32>
          %max3A_652 = arith.maximumf %get3A_641, %select_n3A_651 : vector<16xf32>
          %jit3A_653 = arith.constant 0.000000e+00 : f32
          %broadcast_in_dim3A_654 = vector.broadcast %jit3A_653 : f32 to vector<16xf32>
          %select_n3A_655 = arith.select %eq3A_648, %max3A_619, %broadcast_in_dim3A_654 : vector<16xf32>
          %max3A_656 = arith.maximumf %get3A_647, %select_n3A_655 : vector<16xf32>
          %ge3A_657 = arith.cmpi sge, %squeeze3A_637, %mul3A_8 : i32
          %add3A_658 = arith.constant 1564 : i32
          %add3A_659 = arith.addi %mul3A_8, %add3A_658 : i32
          %lt3A_660 = arith.cmpi slt, %squeeze3A_637, %add3A_659 : i32
          %and3A_661 = arith.andi %ge3A_657, %lt3A_660 : i1
          %sub3A_662 = arith.subi %squeeze3A_637, %mul3A_8 : i32
          %jit3A_663 = arith.constant 1567 : i32
          %select_n3A_664 = arith.select %and3A_661, %sub3A_662, %jit3A_663 : i32
          %mul3A_665 = arith.constant 32 : i32
          %mul3A_666 = arith.muli %select_n3A_664, %mul3A_665 : i32
          %swap3A_667 = arith.index_cast %mul3A_666 : i32 to index
          %swap3A_668 = tpu.vector_load %arg12[%swap3A_667] {strides = array<i32>} : memref<50176xf32, #tpu.memory_space<vmem>>, vector<16xf32>,
          tpu.vector_store %arg12[%swap3A_667], %max3A_652 {strides = array<i32>} : memref<50176xf32, #tpu.memory_space<vmem>>, vector<16xf32>,
          %add3A_669 = arith.constant 16 : i32
          %add3A_670 = arith.addi %mul3A_666, %add3A_669 : i32
          %swap3A_671 = arith.index_cast %add3A_670 : i32 to index
          %swap3A_672 = tpu.vector_load %arg12[%swap3A_671] {strides = array<i32>} : memref<50176xf32, #tpu.memory_space<vmem>>, vector<16xf32>,
          tpu.vector_store %arg12[%swap3A_671], %max3A_656 {strides = array<i32>} : memref<50176xf32, #tpu.memory_space<vmem>>, vector<16xf32>,
          %slice3A_673 = vector.extract_strided_slice %get3A_406 {offsets = [7], sizes = [1], strides = [1]} : vector<16xi32> to vector<1xi32>
          %squeeze3A_674 = vector.extract %slice3A_673[0] : i32 from vector<1xi32>
          %add3A_675 = arith.constant 224 : i32
          %add3A_676 = arith.addi %multiple_of3A_409, %add3A_675 : i32
          %get3A_677 = arith.index_cast %add3A_676 : i32 to index
          %get3A_678 = tpu.vector_load %arg7[%get3A_677] {strides = array<i32>} : memref<40960xf32, #tpu.memory_space<vmem>>, vector<16xf32>,
          %add3A_679 = arith.constant 224 : i32
          %add3A_680 = arith.addi %multiple_of3A_409, %add3A_679 : i32
          %add3A_681 = arith.constant 16 : i32
          %add3A_682 = arith.addi %add3A_680, %add3A_681 : i32
          %get3A_683 = arith.index_cast %add3A_682 : i32 to index
          %get3A_684 = tpu.vector_load %arg7[%get3A_683] {strides = array<i32>} : memref<40960xf32, #tpu.memory_space<vmem>>, vector<16xf32>,
          %eq3A_685 = arith.cmpi eq, %squeeze3A_674, %squeeze3A_637 : i32
          %jit3A_686 = arith.constant 0.000000e+00 : f32
          %broadcast_in_dim3A_687 = vector.broadcast %jit3A_686 : f32 to vector<16xf32>
          %select_n3A_688 = arith.select %eq3A_685, %max3A_652, %broadcast_in_dim3A_687 : vector<16xf32>
          %max3A_689 = arith.maximumf %get3A_678, %select_n3A_688 : vector<16xf32>
          %jit3A_690 = arith.constant 0.000000e+00 : f32
          %broadcast_in_dim3A_691 = vector.broadcast %jit3A_690 : f32 to vector<16xf32>
          %select_n3A_692 = arith.select %eq3A_685, %max3A_656, %broadcast_in_dim3A_691 : vector<16xf32>
          %max3A_693 = arith.maximumf %get3A_684, %select_n3A_692 : vector<16xf32>
          %ge3A_694 = arith.cmpi sge, %squeeze3A_674, %mul3A_8 : i32
          %add3A_695 = arith.constant 1564 : i32
          %add3A_696 = arith.addi %mul3A_8, %add3A_695 : i32
          %lt3A_697 = arith.cmpi slt, %squeeze3A_674, %add3A_696 : i32
          %and3A_698 = arith.andi %ge3A_694, %lt3A_697 : i1
          %sub3A_699 = arith.subi %squeeze3A_674, %mul3A_8 : i32
          %jit3A_700 = arith.constant 1567 : i32
          %select_n3A_701 = arith.select %and3A_698, %sub3A_699, %jit3A_700 : i32
          %mul3A_702 = arith.constant 32 : i32
          %mul3A_703 = arith.muli %select_n3A_701, %mul3A_702 : i32
          %swap3A_704 = arith.index_cast %mul3A_703 : i32 to index
          %swap3A_705 = tpu.vector_load %arg12[%swap3A_704] {strides = array<i32>} : memref<50176xf32, #tpu.memory_space<vmem>>, vector<16xf32>,
          tpu.vector_store %arg12[%swap3A_704], %max3A_689 {strides = array<i32>} : memref<50176xf32, #tpu.memory_space<vmem>>, vector<16xf32>,
          %add3A_706 = arith.constant 16 : i32
          %add3A_707 = arith.addi %mul3A_703, %add3A_706 : i32
          %swap3A_708 = arith.index_cast %add3A_707 : i32 to index
          %swap3A_709 = tpu.vector_load %arg12[%swap3A_708] {strides = array<i32>} : memref<50176xf32, #tpu.memory_space<vmem>>, vector<16xf32>,
          tpu.vector_store %arg12[%swap3A_708], %max3A_693 {strides = array<i32>} : memref<50176xf32, #tpu.memory_space<vmem>>, vector<16xf32>,
          %slice3A_710 = vector.extract_strided_slice %get3A_406 {offsets = [8], sizes = [1], strides = [1]} : vector<16xi32> to vector<1xi32>
          %squeeze3A_711 = vector.extract %slice3A_710[0] : i32 from vector<1xi32>
          %add3A_712 = arith.constant 256 : i32
          %add3A_713 = arith.addi %multiple_of3A_409, %add3A_712 : i32
          %get3A_714 = arith.index_cast %add3A_713 : i32 to index
          %get3A_715 = tpu.vector_load %arg7[%get3A_714] {strides = array<i32>} : memref<40960xf32, #tpu.memory_space<vmem>>, vector<16xf32>,
          %add3A_716 = arith.constant 256 : i32
          %add3A_717 = arith.addi %multiple_of3A_409, %add3A_716 : i32
          %add3A_718 = arith.constant 16 : i32
          %add3A_719 = arith.addi %add3A_717, %add3A_718 : i32
          %get3A_720 = arith.index_cast %add3A_719 : i32 to index
          %get3A_721 = tpu.vector_load %arg7[%get3A_720] {strides = array<i32>} : memref<40960xf32, #tpu.memory_space<vmem>>, vector<16xf32>,
          %eq3A_722 = arith.cmpi eq, %squeeze3A_711, %squeeze3A_674 : i32
          %jit3A_723 = arith.constant 0.000000e+00 : f32
          %broadcast_in_dim3A_724 = vector.broadcast %jit3A_723 : f32 to vector<16xf32>
          %select_n3A_725 = arith.select %eq3A_722, %max3A_689, %broadcast_in_dim3A_724 : vector<16xf32>
          %max3A_726 = arith.maximumf %get3A_715, %select_n3A_725 : vector<16xf32>
          %jit3A_727 = arith.constant 0.000000e+00 : f32
          %broadcast_in_dim3A_728 = vector.broadcast %jit3A_727 : f32 to vector<16xf32>
          %select_n3A_729 = arith.select %eq3A_722, %max3A_693, %broadcast_in_dim3A_728 : vector<16xf32>
          %max3A_730 = arith.maximumf %get3A_721, %select_n3A_729 : vector<16xf32>
          %ge3A_731 = arith.cmpi sge, %squeeze3A_711, %mul3A_8 : i32
          %add3A_732 = arith.constant 1564 : i32
          %add3A_733 = arith.addi %mul3A_8, %add3A_732 : i32
          %lt3A_734 = arith.cmpi slt, %squeeze3A_711, %add3A_733 : i32
          %and3A_735 = arith.andi %ge3A_731, %lt3A_734 : i1
          %sub3A_736 = arith.subi %squeeze3A_711, %mul3A_8 : i32
          %jit3A_737 = arith.constant 1567 : i32
          %select_n3A_738 = arith.select %and3A_735, %sub3A_736, %jit3A_737 : i32
          %mul3A_739 = arith.constant 32 : i32
          %mul3A_740 = arith.muli %select_n3A_738, %mul3A_739 : i32
          %swap3A_741 = arith.index_cast %mul3A_740 : i32 to index
          %swap3A_742 = tpu.vector_load %arg12[%swap3A_741] {strides = array<i32>} : memref<50176xf32, #tpu.memory_space<vmem>>, vector<16xf32>,
          tpu.vector_store %arg12[%swap3A_741], %max3A_726 {strides = array<i32>} : memref<50176xf32, #tpu.memory_space<vmem>>, vector<16xf32>,
          %add3A_743 = arith.constant 16 : i32
          %add3A_744 = arith.addi %mul3A_740, %add3A_743 : i32
          %swap3A_745 = arith.index_cast %add3A_744 : i32 to index
          %swap3A_746 = tpu.vector_load %arg12[%swap3A_745] {strides = array<i32>} : memref<50176xf32, #tpu.memory_space<vmem>>, vector<16xf32>,
          tpu.vector_store %arg12[%swap3A_745], %max3A_730 {strides = array<i32>} : memref<50176xf32, #tpu.memory_space<vmem>>, vector<16xf32>,
          %slice3A_747 = vector.extract_strided_slice %get3A_406 {offsets = [9], sizes = [1], strides = [1]} : vector<16xi32> to vector<1xi32>
          %squeeze3A_748 = vector.extract %slice3A_747[0] : i32 from vector<1xi32>
          %add3A_749 = arith.constant 288 : i32
          %add3A_750 = arith.addi %multiple_of3A_409, %add3A_749 : i32
          %get3A_751 = arith.index_cast %add3A_750 : i32 to index
          %get3A_752 = tpu.vector_load %arg7[%get3A_751] {strides = array<i32>} : memref<40960xf32, #tpu.memory_space<vmem>>, vector<16xf32>,
          %add3A_753 = arith.constant 288 : i32
          %add3A_754 = arith.addi %multiple_of3A_409, %add3A_753 : i32
          %add3A_755 = arith.constant 16 : i32
          %add3A_756 = arith.addi %add3A_754, %add3A_755 : i32
          %get3A_757 = arith.index_cast %add3A_756 : i32 to index
          %get3A_758 = tpu.vector_load %arg7[%get3A_757] {strides = array<i32>} : memref<40960xf32, #tpu.memory_space<vmem>>, vector<16xf32>,
          %eq3A_759 = arith.cmpi eq, %squeeze3A_748, %squeeze3A_711 : i32
          %jit3A_760 = arith.constant 0.000000e+00 : f32
          %broadcast_in_dim3A_761 = vector.broadcast %jit3A_760 : f32 to vector<16xf32>
          %select_n3A_762 = arith.select %eq3A_759, %max3A_726, %broadcast_in_dim3A_761 : vector<16xf32>
          %max3A_763 = arith.maximumf %get3A_752, %select_n3A_762 : vector<16xf32>
          %jit3A_764 = arith.constant 0.000000e+00 : f32
          %broadcast_in_dim3A_765 = vector.broadcast %jit3A_764 : f32 to vector<16xf32>
          %select_n3A_766 = arith.select %eq3A_759, %max3A_730, %broadcast_in_dim3A_765 : vector<16xf32>
          %max3A_767 = arith.maximumf %get3A_758, %select_n3A_766 : vector<16xf32>
          %ge3A_768 = arith.cmpi sge, %squeeze3A_748, %mul3A_8 : i32
          %add3A_769 = arith.constant 1564 : i32
          %add3A_770 = arith.addi %mul3A_8, %add3A_769 : i32
          %lt3A_771 = arith.cmpi slt, %squeeze3A_748, %add3A_770 : i32
          %and3A_772 = arith.andi %ge3A_768, %lt3A_771 : i1
          %sub3A_773 = arith.subi %squeeze3A_748, %mul3A_8 : i32
          %jit3A_774 = arith.constant 1567 : i32
          %select_n3A_775 = arith.select %and3A_772, %sub3A_773, %jit3A_774 : i32
          %mul3A_776 = arith.constant 32 : i32
          %mul3A_777 = arith.muli %select_n3A_775, %mul3A_776 : i32
          %swap3A_778 = arith.index_cast %mul3A_777 : i32 to index
          %swap3A_779 = tpu.vector_load %arg12[%swap3A_778] {strides = array<i32>} : memref<50176xf32, #tpu.memory_space<vmem>>, vector<16xf32>,
          tpu.vector_store %arg12[%swap3A_778], %max3A_763 {strides = array<i32>} : memref<50176xf32, #tpu.memory_space<vmem>>, vector<16xf32>,
          %add3A_780 = arith.constant 16 : i32
          %add3A_781 = arith.addi %mul3A_777, %add3A_780 : i32
          %swap3A_782 = arith.index_cast %add3A_781 : i32 to index
          %swap3A_783 = tpu.vector_load %arg12[%swap3A_782] {strides = array<i32>} : memref<50176xf32, #tpu.memory_space<vmem>>, vector<16xf32>,
          tpu.vector_store %arg12[%swap3A_782], %max3A_767 {strides = array<i32>} : memref<50176xf32, #tpu.memory_space<vmem>>, vector<16xf32>,
          %slice3A_784 = vector.extract_strided_slice %get3A_406 {offsets = [10], sizes = [1], strides = [1]} : vector<16xi32> to vector<1xi32>
          %squeeze3A_785 = vector.extract %slice3A_784[0] : i32 from vector<1xi32>
          %add3A_786 = arith.constant 320 : i32
          %add3A_787 = arith.addi %multiple_of3A_409, %add3A_786 : i32
          %get3A_788 = arith.index_cast %add3A_787 : i32 to index
          %get3A_789 = tpu.vector_load %arg7[%get3A_788] {strides = array<i32>} : memref<40960xf32, #tpu.memory_space<vmem>>, vector<16xf32>,
          %add3A_790 = arith.constant 320 : i32
          %add3A_791 = arith.addi %multiple_of3A_409, %add3A_790 : i32
          %add3A_792 = arith.constant 16 : i32
          %add3A_793 = arith.addi %add3A_791, %add3A_792 : i32
          %get3A_794 = arith.index_cast %add3A_793 : i32 to index
          %get3A_795 = tpu.vector_load %arg7[%get3A_794] {strides = array<i32>} : memref<40960xf32, #tpu.memory_space<vmem>>, vector<16xf32>,
          %eq3A_796 = arith.cmpi eq, %squeeze3A_785, %squeeze3A_748 : i32
          %jit3A_797 = arith.constant 0.000000e+00 : f32
          %broadcast_in_dim3A_798 = vector.broadcast %jit3A_797 : f32 to vector<16xf32>
          %select_n3A_799 = arith.select %eq3A_796, %max3A_763, %broadcast_in_dim3A_798 : vector<16xf32>
          %max3A_800 = arith.maximumf %get3A_789, %select_n3A_799 : vector<16xf32>
          %jit3A_801 = arith.constant 0.000000e+00 : f32
          %broadcast_in_dim3A_802 = vector.broadcast %jit3A_801 : f32 to vector<16xf32>
          %select_n3A_803 = arith.select %eq3A_796, %max3A_767, %broadcast_in_dim3A_802 : vector<16xf32>
          %max3A_804 = arith.maximumf %get3A_795, %select_n3A_803 : vector<16xf32>
          %ge3A_805 = arith.cmpi sge, %squeeze3A_785, %mul3A_8 : i32
          %add3A_806 = arith.constant 1564 : i32
          %add3A_807 = arith.addi %mul3A_8, %add3A_806 : i32
          %lt3A_808 = arith.cmpi slt, %squeeze3A_785, %add3A_807 : i32
          %and3A_809 = arith.andi %ge3A_805, %lt3A_808 : i1
          %sub3A_810 = arith.subi %squeeze3A_785, %mul3A_8 : i32
          %jit3A_811 = arith.constant 1567 : i32
          %select_n3A_812 = arith.select %and3A_809, %sub3A_810, %jit3A_811 : i32
          %mul3A_813 = arith.constant 32 : i32
          %mul3A_814 = arith.muli %select_n3A_812, %mul3A_813 : i32
          %swap3A_815 = arith.index_cast %mul3A_814 : i32 to index
          %swap3A_816 = tpu.vector_load %arg12[%swap3A_815] {strides = array<i32>} : memref<50176xf32, #tpu.memory_space<vmem>>, vector<16xf32>,
          tpu.vector_store %arg12[%swap3A_815], %max3A_800 {strides = array<i32>} : memref<50176xf32, #tpu.memory_space<vmem>>, vector<16xf32>,
          %add3A_817 = arith.constant 16 : i32
          %add3A_818 = arith.addi %mul3A_814, %add3A_817 : i32
          %swap3A_819 = arith.index_cast %add3A_818 : i32 to index
          %swap3A_820 = tpu.vector_load %arg12[%swap3A_819] {strides = array<i32>} : memref<50176xf32, #tpu.memory_space<vmem>>, vector<16xf32>,
          tpu.vector_store %arg12[%swap3A_819], %max3A_804 {strides = array<i32>} : memref<50176xf32, #tpu.memory_space<vmem>>, vector<16xf32>,
          %slice3A_821 = vector.extract_strided_slice %get3A_406 {offsets = [11], sizes = [1], strides = [1]} : vector<16xi32> to vector<1xi32>
          %squeeze3A_822 = vector.extract %slice3A_821[0] : i32 from vector<1xi32>
          %add3A_823 = arith.constant 352 : i32
          %add3A_824 = arith.addi %multiple_of3A_409, %add3A_823 : i32
          %get3A_825 = arith.index_cast %add3A_824 : i32 to index
          %get3A_826 = tpu.vector_load %arg7[%get3A_825] {strides = array<i32>} : memref<40960xf32, #tpu.memory_space<vmem>>, vector<16xf32>,
          %add3A_827 = arith.constant 352 : i32
          %add3A_828 = arith.addi %multiple_of3A_409, %add3A_827 : i32
          %add3A_829 = arith.constant 16 : i32
          %add3A_830 = arith.addi %add3A_828, %add3A_829 : i32
          %get3A_831 = arith.index_cast %add3A_830 : i32 to index
          %get3A_832 = tpu.vector_load %arg7[%get3A_831] {strides = array<i32>} : memref<40960xf32, #tpu.memory_space<vmem>>, vector<16xf32>,
          %eq3A_833 = arith.cmpi eq, %squeeze3A_822, %squeeze3A_785 : i32
          %jit3A_834 = arith.constant 0.000000e+00 : f32
          %broadcast_in_dim3A_835 = vector.broadcast %jit3A_834 : f32 to vector<16xf32>
          %select_n3A_836 = arith.select %eq3A_833, %max3A_800, %broadcast_in_dim3A_835 : vector<16xf32>
          %max3A_837 = arith.maximumf %get3A_826, %select_n3A_836 : vector<16xf32>
          %jit3A_838 = arith.constant 0.000000e+00 : f32
          %broadcast_in_dim3A_839 = vector.broadcast %jit3A_838 : f32 to vector<16xf32>
          %select_n3A_840 = arith.select %eq3A_833, %max3A_804, %broadcast_in_dim3A_839 : vector<16xf32>
          %max3A_841 = arith.maximumf %get3A_832, %select_n3A_840 : vector<16xf32>
          %ge3A_842 = arith.cmpi sge, %squeeze3A_822, %mul3A_8 : i32
          %add3A_843 = arith.constant 1564 : i32
          %add3A_844 = arith.addi %mul3A_8, %add3A_843 : i32
          %lt3A_845 = arith.cmpi slt, %squeeze3A_822, %add3A_844 : i32
          %and3A_846 = arith.andi %ge3A_842, %lt3A_845 : i1
          %sub3A_847 = arith.subi %squeeze3A_822, %mul3A_8 : i32
          %jit3A_848 = arith.constant 1567 : i32
          %select_n3A_849 = arith.select %and3A_846, %sub3A_847, %jit3A_848 : i32
          %mul3A_850 = arith.constant 32 : i32
          %mul3A_851 = arith.muli %select_n3A_849, %mul3A_850 : i32
          %swap3A_852 = arith.index_cast %mul3A_851 : i32 to index
          %swap3A_853 = tpu.vector_load %arg12[%swap3A_852] {strides = array<i32>} : memref<50176xf32, #tpu.memory_space<vmem>>, vector<16xf32>,
          tpu.vector_store %arg12[%swap3A_852], %max3A_837 {strides = array<i32>} : memref<50176xf32, #tpu.memory_space<vmem>>, vector<16xf32>,
          %add3A_854 = arith.constant 16 : i32
          %add3A_855 = arith.addi %mul3A_851, %add3A_854 : i32
          %swap3A_856 = arith.index_cast %add3A_855 : i32 to index
          %swap3A_857 = tpu.vector_load %arg12[%swap3A_856] {strides = array<i32>} : memref<50176xf32, #tpu.memory_space<vmem>>, vector<16xf32>,
          tpu.vector_store %arg12[%swap3A_856], %max3A_841 {strides = array<i32>} : memref<50176xf32, #tpu.memory_space<vmem>>, vector<16xf32>,
          %slice3A_858 = vector.extract_strided_slice %get3A_406 {offsets = [12], sizes = [1], strides = [1]} : vector<16xi32> to vector<1xi32>
          %squeeze3A_859 = vector.extract %slice3A_858[0] : i32 from vector<1xi32>
          %add3A_860 = arith.constant 384 : i32
          %add3A_861 = arith.addi %multiple_of3A_409, %add3A_860 : i32
          %get3A_862 = arith.index_cast %add3A_861 : i32 to index
          %get3A_863 = tpu.vector_load %arg7[%get3A_862] {strides = array<i32>} : memref<40960xf32, #tpu.memory_space<vmem>>, vector<16xf32>,
          %add3A_864 = arith.constant 384 : i32
          %add3A_865 = arith.addi %multiple_of3A_409, %add3A_864 : i32
          %add3A_866 = arith.constant 16 : i32
          %add3A_867 = arith.addi %add3A_865, %add3A_866 : i32
          %get3A_868 = arith.index_cast %add3A_867 : i32 to index
          %get3A_869 = tpu.vector_load %arg7[%get3A_868] {strides = array<i32>} : memref<40960xf32, #tpu.memory_space<vmem>>, vector<16xf32>,
          %eq3A_870 = arith.cmpi eq, %squeeze3A_859, %squeeze3A_822 : i32
          %jit3A_871 = arith.constant 0.000000e+00 : f32
          %broadcast_in_dim3A_872 = vector.broadcast %jit3A_871 : f32 to vector<16xf32>
          %select_n3A_873 = arith.select %eq3A_870, %max3A_837, %broadcast_in_dim3A_872 : vector<16xf32>
          %max3A_874 = arith.maximumf %get3A_863, %select_n3A_873 : vector<16xf32>
          %jit3A_875 = arith.constant 0.000000e+00 : f32
          %broadcast_in_dim3A_876 = vector.broadcast %jit3A_875 : f32 to vector<16xf32>
          %select_n3A_877 = arith.select %eq3A_870, %max3A_841, %broadcast_in_dim3A_876 : vector<16xf32>
          %max3A_878 = arith.maximumf %get3A_869, %select_n3A_877 : vector<16xf32>
          %ge3A_879 = arith.cmpi sge, %squeeze3A_859, %mul3A_8 : i32
          %add3A_880 = arith.constant 1564 : i32
          %add3A_881 = arith.addi %mul3A_8, %add3A_880 : i32
          %lt3A_882 = arith.cmpi slt, %squeeze3A_859, %add3A_881 : i32
          %and3A_883 = arith.andi %ge3A_879, %lt3A_882 : i1
          %sub3A_884 = arith.subi %squeeze3A_859, %mul3A_8 : i32
          %jit3A_885 = arith.constant 1567 : i32
          %select_n3A_886 = arith.select %and3A_883, %sub3A_884, %jit3A_885 : i32
          %mul3A_887 = arith.constant 32 : i32
          %mul3A_888 = arith.muli %select_n3A_886, %mul3A_887 : i32
          %swap3A_889 = arith.index_cast %mul3A_888 : i32 to index
          %swap3A_890 = tpu.vector_load %arg12[%swap3A_889] {strides = array<i32>} : memref<50176xf32, #tpu.memory_space<vmem>>, vector<16xf32>,
          tpu.vector_store %arg12[%swap3A_889], %max3A_874 {strides = array<i32>} : memref<50176xf32, #tpu.memory_space<vmem>>, vector<16xf32>,
          %add3A_891 = arith.constant 16 : i32
          %add3A_892 = arith.addi %mul3A_888, %add3A_891 : i32
          %swap3A_893 = arith.index_cast %add3A_892 : i32 to index
          %swap3A_894 = tpu.vector_load %arg12[%swap3A_893] {strides = array<i32>} : memref<50176xf32, #tpu.memory_space<vmem>>, vector<16xf32>,
          tpu.vector_store %arg12[%swap3A_893], %max3A_878 {strides = array<i32>} : memref<50176xf32, #tpu.memory_space<vmem>>, vector<16xf32>,
          %slice3A_895 = vector.extract_strided_slice %get3A_406 {offsets = [13], sizes = [1], strides = [1]} : vector<16xi32> to vector<1xi32>
          %squeeze3A_896 = vector.extract %slice3A_895[0] : i32 from vector<1xi32>
          %add3A_897 = arith.constant 416 : i32
          %add3A_898 = arith.addi %multiple_of3A_409, %add3A_897 : i32
          %get3A_899 = arith.index_cast %add3A_898 : i32 to index
          %get3A_900 = tpu.vector_load %arg7[%get3A_899] {strides = array<i32>} : memref<40960xf32, #tpu.memory_space<vmem>>, vector<16xf32>,
          %add3A_901 = arith.constant 416 : i32
          %add3A_902 = arith.addi %multiple_of3A_409, %add3A_901 : i32
          %add3A_903 = arith.constant 16 : i32
          %add3A_904 = arith.addi %add3A_902, %add3A_903 : i32
          %get3A_905 = arith.index_cast %add3A_904 : i32 to index
          %get3A_906 = tpu.vector_load %arg7[%get3A_905] {strides = array<i32>} : memref<40960xf32, #tpu.memory_space<vmem>>, vector<16xf32>,
          %eq3A_907 = arith.cmpi eq, %squeeze3A_896, %squeeze3A_859 : i32
          %jit3A_908 = arith.constant 0.000000e+00 : f32
          %broadcast_in_dim3A_909 = vector.broadcast %jit3A_908 : f32 to vector<16xf32>
          %select_n3A_910 = arith.select %eq3A_907, %max3A_874, %broadcast_in_dim3A_909 : vector<16xf32>
          %max3A_911 = arith.maximumf %get3A_900, %select_n3A_910 : vector<16xf32>
          %jit3A_912 = arith.constant 0.000000e+00 : f32
          %broadcast_in_dim3A_913 = vector.broadcast %jit3A_912 : f32 to vector<16xf32>
          %select_n3A_914 = arith.select %eq3A_907, %max3A_878, %broadcast_in_dim3A_913 : vector<16xf32>
          %max3A_915 = arith.maximumf %get3A_906, %select_n3A_914 : vector<16xf32>
          %ge3A_916 = arith.cmpi sge, %squeeze3A_896, %mul3A_8 : i32
          %add3A_917 = arith.constant 1564 : i32
          %add3A_918 = arith.addi %mul3A_8, %add3A_917 : i32
          %lt3A_919 = arith.cmpi slt, %squeeze3A_896, %add3A_918 : i32
          %and3A_920 = arith.andi %ge3A_916, %lt3A_919 : i1
          %sub3A_921 = arith.subi %squeeze3A_896, %mul3A_8 : i32
          %jit3A_922 = arith.constant 1567 : i32
          %select_n3A_923 = arith.select %and3A_920, %sub3A_921, %jit3A_922 : i32
          %mul3A_924 = arith.constant 32 : i32
          %mul3A_925 = arith.muli %select_n3A_923, %mul3A_924 : i32
          %swap3A_926 = arith.index_cast %mul3A_925 : i32 to index
          %swap3A_927 = tpu.vector_load %arg12[%swap3A_926] {strides = array<i32>} : memref<50176xf32, #tpu.memory_space<vmem>>, vector<16xf32>,
          tpu.vector_store %arg12[%swap3A_926], %max3A_911 {strides = array<i32>} : memref<50176xf32, #tpu.memory_space<vmem>>, vector<16xf32>,
          %add3A_928 = arith.constant 16 : i32
          %add3A_929 = arith.addi %mul3A_925, %add3A_928 : i32
          %swap3A_930 = arith.index_cast %add3A_929 : i32 to index
          %swap3A_931 = tpu.vector_load %arg12[%swap3A_930] {strides = array<i32>} : memref<50176xf32, #tpu.memory_space<vmem>>, vector<16xf32>,
          tpu.vector_store %arg12[%swap3A_930], %max3A_915 {strides = array<i32>} : memref<50176xf32, #tpu.memory_space<vmem>>, vector<16xf32>,
          %slice3A_932 = vector.extract_strided_slice %get3A_406 {offsets = [14], sizes = [1], strides = [1]} : vector<16xi32> to vector<1xi32>
          %squeeze3A_933 = vector.extract %slice3A_932[0] : i32 from vector<1xi32>
          %add3A_934 = arith.constant 448 : i32
          %add3A_935 = arith.addi %multiple_of3A_409, %add3A_934 : i32
          %get3A_936 = arith.index_cast %add3A_935 : i32 to index
          %get3A_937 = tpu.vector_load %arg7[%get3A_936] {strides = array<i32>} : memref<40960xf32, #tpu.memory_space<vmem>>, vector<16xf32>,
          %add3A_938 = arith.constant 448 : i32
          %add3A_939 = arith.addi %multiple_of3A_409, %add3A_938 : i32
          %add3A_940 = arith.constant 16 : i32
          %add3A_941 = arith.addi %add3A_939, %add3A_940 : i32
          %get3A_942 = arith.index_cast %add3A_941 : i32 to index
          %get3A_943 = tpu.vector_load %arg7[%get3A_942] {strides = array<i32>} : memref<40960xf32, #tpu.memory_space<vmem>>, vector<16xf32>,
          %eq3A_944 = arith.cmpi eq, %squeeze3A_933, %squeeze3A_896 : i32
          %jit3A_945 = arith.constant 0.000000e+00 : f32
          %broadcast_in_dim3A_946 = vector.broadcast %jit3A_945 : f32 to vector<16xf32>
          %select_n3A_947 = arith.select %eq3A_944, %max3A_911, %broadcast_in_dim3A_946 : vector<16xf32>
          %max3A_948 = arith.maximumf %get3A_937, %select_n3A_947 : vector<16xf32>
          %jit3A_949 = arith.constant 0.000000e+00 : f32
          %broadcast_in_dim3A_950 = vector.broadcast %jit3A_949 : f32 to vector<16xf32>
          %select_n3A_951 = arith.select %eq3A_944, %max3A_915, %broadcast_in_dim3A_950 : vector<16xf32>
          %max3A_952 = arith.maximumf %get3A_943, %select_n3A_951 : vector<16xf32>
          %ge3A_953 = arith.cmpi sge, %squeeze3A_933, %mul3A_8 : i32
          %add3A_954 = arith.constant 1564 : i32
          %add3A_955 = arith.addi %mul3A_8, %add3A_954 : i32
          %lt3A_956 = arith.cmpi slt, %squeeze3A_933, %add3A_955 : i32
          %and3A_957 = arith.andi %ge3A_953, %lt3A_956 : i1
          %sub3A_958 = arith.subi %squeeze3A_933, %mul3A_8 : i32
          %jit3A_959 = arith.constant 1567 : i32
          %select_n3A_960 = arith.select %and3A_957, %sub3A_958, %jit3A_959 : i32
          %mul3A_961 = arith.constant 32 : i32
          %mul3A_962 = arith.muli %select_n3A_960, %mul3A_961 : i32
          %swap3A_963 = arith.index_cast %mul3A_962 : i32 to index
          %swap3A_964 = tpu.vector_load %arg12[%swap3A_963] {strides = array<i32>} : memref<50176xf32, #tpu.memory_space<vmem>>, vector<16xf32>,
          tpu.vector_store %arg12[%swap3A_963], %max3A_948 {strides = array<i32>} : memref<50176xf32, #tpu.memory_space<vmem>>, vector<16xf32>,
          %add3A_965 = arith.constant 16 : i32
          %add3A_966 = arith.addi %mul3A_962, %add3A_965 : i32
          %swap3A_967 = arith.index_cast %add3A_966 : i32 to index
          %swap3A_968 = tpu.vector_load %arg12[%swap3A_967] {strides = array<i32>} : memref<50176xf32, #tpu.memory_space<vmem>>, vector<16xf32>,
          tpu.vector_store %arg12[%swap3A_967], %max3A_952 {strides = array<i32>} : memref<50176xf32, #tpu.memory_space<vmem>>, vector<16xf32>,
          %slice3A_969 = vector.extract_strided_slice %get3A_406 {offsets = [15], sizes = [1], strides = [1]} : vector<16xi32> to vector<1xi32>
          %squeeze3A_970 = vector.extract %slice3A_969[0] : i32 from vector<1xi32>
          %add3A_971 = arith.constant 480 : i32
          %add3A_972 = arith.addi %multiple_of3A_409, %add3A_971 : i32
          %get3A_973 = arith.index_cast %add3A_972 : i32 to index
          %get3A_974 = tpu.vector_load %arg7[%get3A_973] {strides = array<i32>} : memref<40960xf32, #tpu.memory_space<vmem>>, vector<16xf32>,
          %add3A_975 = arith.constant 480 : i32
          %add3A_976 = arith.addi %multiple_of3A_409, %add3A_975 : i32
          %add3A_977 = arith.constant 16 : i32
          %add3A_978 = arith.addi %add3A_976, %add3A_977 : i32
          %get3A_979 = arith.index_cast %add3A_978 : i32 to index
          %get3A_980 = tpu.vector_load %arg7[%get3A_979] {strides = array<i32>} : memref<40960xf32, #tpu.memory_space<vmem>>, vector<16xf32>,
          %eq3A_981 = arith.cmpi eq, %squeeze3A_970, %squeeze3A_933 : i32
          %jit3A_982 = arith.constant 0.000000e+00 : f32
          %broadcast_in_dim3A_983 = vector.broadcast %jit3A_982 : f32 to vector<16xf32>
          %select_n3A_984 = arith.select %eq3A_981, %max3A_948, %broadcast_in_dim3A_983 : vector<16xf32>
          %max3A_985 = arith.maximumf %get3A_974, %select_n3A_984 : vector<16xf32>
          %jit3A_986 = arith.constant 0.000000e+00 : f32
          %broadcast_in_dim3A_987 = vector.broadcast %jit3A_986 : f32 to vector<16xf32>
          %select_n3A_988 = arith.select %eq3A_981, %max3A_952, %broadcast_in_dim3A_987 : vector<16xf32>
          %max3A_989 = arith.maximumf %get3A_980, %select_n3A_988 : vector<16xf32>
          %ge3A_990 = arith.cmpi sge, %squeeze3A_970, %mul3A_8 : i32
          %add3A_991 = arith.constant 1564 : i32
          %add3A_992 = arith.addi %mul3A_8, %add3A_991 : i32
          %lt3A_993 = arith.cmpi slt, %squeeze3A_970, %add3A_992 : i32
          %and3A_994 = arith.andi %ge3A_990, %lt3A_993 : i1
          %sub3A_995 = arith.subi %squeeze3A_970, %mul3A_8 : i32
          %jit3A_996 = arith.constant 1567 : i32
          %select_n3A_997 = arith.select %and3A_994, %sub3A_995, %jit3A_996 : i32
          %mul3A_998 = arith.constant 32 : i32
          %mul3A_999 = arith.muli %select_n3A_997, %mul3A_998 : i32
          %swap3A_1000 = arith.index_cast %mul3A_999 : i32 to index
          %swap3A_1001 = tpu.vector_load %arg12[%swap3A_1000] {strides = array<i32>} : memref<50176xf32, #tpu.memory_space<vmem>>, vector<16xf32>,
          tpu.vector_store %arg12[%swap3A_1000], %max3A_985 {strides = array<i32>} : memref<50176xf32, #tpu.memory_space<vmem>>, vector<16xf32>,
          %add3A_1002 = arith.constant 16 : i32
          %add3A_1003 = arith.addi %mul3A_999, %add3A_1002 : i32
          %swap3A_1004 = arith.index_cast %add3A_1003 : i32 to index
          %swap3A_1005 = tpu.vector_load %arg12[%swap3A_1004] {strides = array<i32>} : memref<50176xf32, #tpu.memory_space<vmem>>, vector<16xf32>,
          tpu.vector_store %arg12[%swap3A_1004], %max3A_989 {strides = array<i32>} : memref<50176xf32, #tpu.memory_space<vmem>>, vector<16xf32>,
          scf.yield %squeeze3A_970, %max3A_985, %max3A_989 : i32, vector<16xf32>, vector<16xf32>
        }
        scf.yield %cond3A_415#0, %cond3A_415#1, %cond3A_415#2 : i32, vector<16xf32>, vector<16xf32>
      }
      %while3A_396 = arith.constant 1 : i32
      %while3A_397:3 = scf.for %while3A_398 = %while3A_393 to %while3A_389 step %while3A_396 iter_args(%while3A_399 = %while3A_395#0, %while3A_400 = %while3A_395#1, %while3A_401 = %while3A_395#2) -> (i32, vector<16xf32>, vector<16xf32>)  : i32 {
        %mul3A_402 = arith.constant 16 : i32
        %mul3A_403 = arith.muli %while3A_398, %mul3A_402 : i32
        %multiple_of3A_404 = tpu.assume_multiple %mul3A_403, 16 : i32
        %get3A_405 = arith.index_cast %multiple_of3A_404 : i32 to index
        %get3A_406 = tpu.vector_load %arg8[%get3A_405] {strides = array<i32>} : memref<1280xi32, #tpu.memory_space<vmem>>, vector<16xi32>,
        %mul3A_407 = arith.constant 512 : i32
        %mul3A_408 = arith.muli %while3A_398, %mul3A_407 : i32
        %multiple_of3A_409 = tpu.assume_multiple %mul3A_408, 512 : i32
        %slice3A_410 = vector.extract_strided_slice %get3A_406 {offsets = [0], sizes = [1], strides = [1]} : vector<16xi32> to vector<1xi32>
        %squeeze3A_411 = vector.extract %slice3A_410[0] : i32 from vector<1xi32>
        %slice3A_412 = vector.extract_strided_slice %get3A_406 {offsets = [15], sizes = [1], strides = [1]} : vector<16xi32> to vector<1xi32>
        %squeeze3A_413 = vector.extract %slice3A_412[0] : i32 from vector<1xi32>
        %eq3A = arith.cmpi eq, %squeeze3A_411, %squeeze3A_413 : i32
        %convert_element_type3A = arith.extui %eq3A : i1 to i32
        %cond3A = arith.constant 0 : i32
        %cond3A_414 = arith.cmpi ne, %convert_element_type3A, %cond3A : i32
        %cond3A_415:3 = scf.if %cond3A_414 -> (i32, vector<16xf32>, vector<16xf32>) {
          %add3A_416 = arith.constant 0 : i32
          %add3A_417 = arith.addi %multiple_of3A_409, %add3A_416 : i32
          %get3A_418 = arith.index_cast %add3A_417 : i32 to index
          %get3A_419 = tpu.vector_load %arg7[%get3A_418] {strides = array<i32>} : memref<40960xf32, #tpu.memory_space<vmem>>, vector<16xf32>,
          %add3A_420 = arith.constant 256 : i32
          %add3A_421 = arith.addi %multiple_of3A_409, %add3A_420 : i32
          %get3A_422 = arith.index_cast %add3A_421 : i32 to index
          %get3A_423 = tpu.vector_load %arg7[%get3A_422] {strides = array<i32>} : memref<40960xf32, #tpu.memory_space<vmem>>, vector<16xf32>,
          %max3A_424 = arith.maximumf %get3A_419, %get3A_423 : vector<16xf32>
          %add3A_425 = arith.constant 32 : i32
          %add3A_426 = arith.addi %multiple_of3A_409, %add3A_425 : i32
          %get3A_427 = arith.index_cast %add3A_426 : i32 to index
          %get3A_428 = tpu.vector_load %arg7[%get3A_427] {strides = array<i32>} : memref<40960xf32, #tpu.memory_space<vmem>>, vector<16xf32>,
          %add3A_429 = arith.constant 288 : i32
          %add3A_430 = arith.addi %multiple_of3A_409, %add3A_429 : i32
          %get3A_431 = arith.index_cast %add3A_430 : i32 to index
          %get3A_432 = tpu.vector_load %arg7[%get3A_431] {strides = array<i32>} : memref<40960xf32, #tpu.memory_space<vmem>>, vector<16xf32>,
          %max3A_433 = arith.maximumf %get3A_428, %get3A_432 : vector<16xf32>
          %add3A_434 = arith.constant 64 : i32
          %add3A_435 = arith.addi %multiple_of3A_409, %add3A_434 : i32
          %get3A_436 = arith.index_cast %add3A_435 : i32 to index
          %get3A_437 = tpu.vector_load %arg7[%get3A_436] {strides = array<i32>} : memref<40960xf32, #tpu.memory_space<vmem>>, vector<16xf32>,
          %add3A_438 = arith.constant 320 : i32
          %add3A_439 = arith.addi %multiple_of3A_409, %add3A_438 : i32
          %get3A_440 = arith.index_cast %add3A_439 : i32 to index
          %get3A_441 = tpu.vector_load %arg7[%get3A_440] {strides = array<i32>} : memref<40960xf32, #tpu.memory_space<vmem>>, vector<16xf32>,
          %max3A_442 = arith.maximumf %get3A_437, %get3A_441 : vector<16xf32>
          %add3A_443 = arith.constant 96 : i32
          %add3A_444 = arith.addi %multiple_of3A_409, %add3A_443 : i32
          %get3A_445 = arith.index_cast %add3A_444 : i32 to index
          %get3A_446 = tpu.vector_load %arg7[%get3A_445] {strides = array<i32>} : memref<40960xf32, #tpu.memory_space<vmem>>, vector<16xf32>,
          %add3A_447 = arith.constant 352 : i32
          %add3A_448 = arith.addi %multiple_of3A_409, %add3A_447 : i32
          %get3A_449 = arith.index_cast %add3A_448 : i32 to index
          %get3A_450 = tpu.vector_load %arg7[%get3A_449] {strides = array<i32>} : memref<40960xf32, #tpu.memory_space<vmem>>, vector<16xf32>,
          %max3A_451 = arith.maximumf %get3A_446, %get3A_450 : vector<16xf32>
          %add3A_452 = arith.constant 128 : i32
          %add3A_453 = arith.addi %multiple_of3A_409, %add3A_452 : i32
          %get3A_454 = arith.index_cast %add3A_453 : i32 to index
          %get3A_455 = tpu.vector_load %arg7[%get3A_454] {strides = array<i32>} : memref<40960xf32, #tpu.memory_space<vmem>>, vector<16xf32>,
          %add3A_456 = arith.constant 384 : i32
          %add3A_457 = arith.addi %multiple_of3A_409, %add3A_456 : i32
          %get3A_458 = arith.index_cast %add3A_457 : i32 to index
          %get3A_459 = tpu.vector_load %arg7[%get3A_458] {strides = array<i32>} : memref<40960xf32, #tpu.memory_space<vmem>>, vector<16xf32>,
          %max3A_460 = arith.maximumf %get3A_455, %get3A_459 : vector<16xf32>
          %add3A_461 = arith.constant 160 : i32
          %add3A_462 = arith.addi %multiple_of3A_409, %add3A_461 : i32
          %get3A_463 = arith.index_cast %add3A_462 : i32 to index
          %get3A_464 = tpu.vector_load %arg7[%get3A_463] {strides = array<i32>} : memref<40960xf32, #tpu.memory_space<vmem>>, vector<16xf32>,
          %add3A_465 = arith.constant 416 : i32
          %add3A_466 = arith.addi %multiple_of3A_409, %add3A_465 : i32
          %get3A_467 = arith.index_cast %add3A_466 : i32 to index
          %get3A_468 = tpu.vector_load %arg7[%get3A_467] {strides = array<i32>} : memref<40960xf32, #tpu.memory_space<vmem>>, vector<16xf32>,
          %max3A_469 = arith.maximumf %get3A_464, %get3A_468 : vector<16xf32>
          %add3A_470 = arith.constant 192 : i32
          %add3A_471 = arith.addi %multiple_of3A_409, %add3A_470 : i32
          %get3A_472 = arith.index_cast %add3A_471 : i32 to index
          %get3A_473 = tpu.vector_load %arg7[%get3A_472] {strides = array<i32>} : memref<40960xf32, #tpu.memory_space<vmem>>, vector<16xf32>,
          %add3A_474 = arith.constant 448 : i32
          %add3A_475 = arith.addi %multiple_of3A_409, %add3A_474 : i32
          %get3A_476 = arith.index_cast %add3A_475 : i32 to index
          %get3A_477 = tpu.vector_load %arg7[%get3A_476] {strides = array<i32>} : memref<40960xf32, #tpu.memory_space<vmem>>, vector<16xf32>,
          %max3A_478 = arith.maximumf %get3A_473, %get3A_477 : vector<16xf32>
          %add3A_479 = arith.constant 224 : i32
          %add3A_480 = arith.addi %multiple_of3A_409, %add3A_479 : i32
          %get3A_481 = arith.index_cast %add3A_480 : i32 to index
          %get3A_482 = tpu.vector_load %arg7[%get3A_481] {strides = array<i32>} : memref<40960xf32, #tpu.memory_space<vmem>>, vector<16xf32>,
          %add3A_483 = arith.constant 480 : i32
          %add3A_484 = arith.addi %multiple_of3A_409, %add3A_483 : i32
          %get3A_485 = arith.index_cast %add3A_484 : i32 to index
          %get3A_486 = tpu.vector_load %arg7[%get3A_485] {strides = array<i32>} : memref<40960xf32, #tpu.memory_space<vmem>>, vector<16xf32>,
          %max3A_487 = arith.maximumf %get3A_482, %get3A_486 : vector<16xf32>
          %add3A_488 = arith.constant 0 : i32
          %add3A_489 = arith.addi %multiple_of3A_409, %add3A_488 : i32
          %add3A_490 = arith.constant 16 : i32
          %add3A_491 = arith.addi %add3A_489, %add3A_490 : i32
          %get3A_492 = arith.index_cast %add3A_491 : i32 to index
          %get3A_493 = tpu.vector_load %arg7[%get3A_492] {strides = array<i32>} : memref<40960xf32, #tpu.memory_space<vmem>>, vector<16xf32>,
          %add3A_494 = arith.constant 256 : i32
          %add3A_495 = arith.addi %multiple_of3A_409, %add3A_494 : i32
          %add3A_496 = arith.constant 16 : i32
          %add3A_497 = arith.addi %add3A_495, %add3A_496 : i32
          %get3A_498 = arith.index_cast %add3A_497 : i32 to index
          %get3A_499 = tpu.vector_load %arg7[%get3A_498] {strides = array<i32>} : memref<40960xf32, #tpu.memory_space<vmem>>, vector<16xf32>,
          %max3A_500 = arith.maximumf %get3A_493, %get3A_499 : vector<16xf32>
          %add3A_501 = arith.constant 32 : i32
          %add3A_502 = arith.addi %multiple_of3A_409, %add3A_501 : i32
          %add3A_503 = arith.constant 16 : i32
          %add3A_504 = arith.addi %add3A_502, %add3A_503 : i32
          %get3A_505 = arith.index_cast %add3A_504 : i32 to index
          %get3A_506 = tpu.vector_load %arg7[%get3A_505] {strides = array<i32>} : memref<40960xf32, #tpu.memory_space<vmem>>, vector<16xf32>,
          %add3A_507 = arith.constant 288 : i32
          %add3A_508 = arith.addi %multiple_of3A_409, %add3A_507 : i32
          %add3A_509 = arith.constant 16 : i32
          %add3A_510 = arith.addi %add3A_508, %add3A_509 : i32
          %get3A_511 = arith.index_cast %add3A_510 : i32 to index
          %get3A_512 = tpu.vector_load %arg7[%get3A_511] {strides = array<i32>} : memref<40960xf32, #tpu.memory_space<vmem>>, vector<16xf32>,
          %max3A_513 = arith.maximumf %get3A_506, %get3A_512 : vector<16xf32>
          %add3A_514 = arith.constant 64 : i32
          %add3A_515 = arith.addi %multiple_of3A_409, %add3A_514 : i32
          %add3A_516 = arith.constant 16 : i32
          %add3A_517 = arith.addi %add3A_515, %add3A_516 : i32
          %get3A_518 = arith.index_cast %add3A_517 : i32 to index
          %get3A_519 = tpu.vector_load %arg7[%get3A_518] {strides = array<i32>} : memref<40960xf32, #tpu.memory_space<vmem>>, vector<16xf32>,
          %add3A_520 = arith.constant 320 : i32
          %add3A_521 = arith.addi %multiple_of3A_409, %add3A_520 : i32
          %add3A_522 = arith.constant 16 : i32
          %add3A_523 = arith.addi %add3A_521, %add3A_522 : i32
          %get3A_524 = arith.index_cast %add3A_523 : i32 to index
          %get3A_525 = tpu.vector_load %arg7[%get3A_524] {strides = array<i32>} : memref<40960xf32, #tpu.memory_space<vmem>>, vector<16xf32>,
          %max3A_526 = arith.maximumf %get3A_519, %get3A_525 : vector<16xf32>
          %add3A_527 = arith.constant 96 : i32
          %add3A_528 = arith.addi %multiple_of3A_409, %add3A_527 : i32
          %add3A_529 = arith.constant 16 : i32
          %add3A_530 = arith.addi %add3A_528, %add3A_529 : i32
          %get3A_531 = arith.index_cast %add3A_530 : i32 to index
          %get3A_532 = tpu.vector_load %arg7[%get3A_531] {strides = array<i32>} : memref<40960xf32, #tpu.memory_space<vmem>>, vector<16xf32>,
          %add3A_533 = arith.constant 352 : i32
          %add3A_534 = arith.addi %multiple_of3A_409, %add3A_533 : i32
          %add3A_535 = arith.constant 16 : i32
          %add3A_536 = arith.addi %add3A_534, %add3A_535 : i32
          %get3A_537 = arith.index_cast %add3A_536 : i32 to index
          %get3A_538 = tpu.vector_load %arg7[%get3A_537] {strides = array<i32>} : memref<40960xf32, #tpu.memory_space<vmem>>, vector<16xf32>,
          %max3A_539 = arith.maximumf %get3A_532, %get3A_538 : vector<16xf32>
          %add3A_540 = arith.constant 128 : i32
          %add3A_541 = arith.addi %multiple_of3A_409, %add3A_540 : i32
          %add3A_542 = arith.constant 16 : i32
          %add3A_543 = arith.addi %add3A_541, %add3A_542 : i32
          %get3A_544 = arith.index_cast %add3A_543 : i32 to index
          %get3A_545 = tpu.vector_load %arg7[%get3A_544] {strides = array<i32>} : memref<40960xf32, #tpu.memory_space<vmem>>, vector<16xf32>,
          %add3A_546 = arith.constant 384 : i32
          %add3A_547 = arith.addi %multiple_of3A_409, %add3A_546 : i32
          %add3A_548 = arith.constant 16 : i32
          %add3A_549 = arith.addi %add3A_547, %add3A_548 : i32
          %get3A_550 = arith.index_cast %add3A_549 : i32 to index
          %get3A_551 = tpu.vector_load %arg7[%get3A_550] {strides = array<i32>} : memref<40960xf32, #tpu.memory_space<vmem>>, vector<16xf32>,
          %max3A_552 = arith.maximumf %get3A_545, %get3A_551 : vector<16xf32>
          %add3A_553 = arith.constant 160 : i32
          %add3A_554 = arith.addi %multiple_of3A_409, %add3A_553 : i32
          %add3A_555 = arith.constant 16 : i32
          %add3A_556 = arith.addi %add3A_554, %add3A_555 : i32
          %get3A_557 = arith.index_cast %add3A_556 : i32 to index
          %get3A_558 = tpu.vector_load %arg7[%get3A_557] {strides = array<i32>} : memref<40960xf32, #tpu.memory_space<vmem>>, vector<16xf32>,
          %add3A_559 = arith.constant 416 : i32
          %add3A_560 = arith.addi %multiple_of3A_409, %add3A_559 : i32
          %add3A_561 = arith.constant 16 : i32
          %add3A_562 = arith.addi %add3A_560, %add3A_561 : i32
          %get3A_563 = arith.index_cast %add3A_562 : i32 to index
          %get3A_564 = tpu.vector_load %arg7[%get3A_563] {strides = array<i32>} : memref<40960xf32, #tpu.memory_space<vmem>>, vector<16xf32>,
          %max3A_565 = arith.maximumf %get3A_558, %get3A_564 : vector<16xf32>
          %add3A_566 = arith.constant 192 : i32
          %add3A_567 = arith.addi %multiple_of3A_409, %add3A_566 : i32
          %add3A_568 = arith.constant 16 : i32
          %add3A_569 = arith.addi %add3A_567, %add3A_568 : i32
          %get3A_570 = arith.index_cast %add3A_569 : i32 to index
          %get3A_571 = tpu.vector_load %arg7[%get3A_570] {strides = array<i32>} : memref<40960xf32, #tpu.memory_space<vmem>>, vector<16xf32>,
          %add3A_572 = arith.constant 448 : i32
          %add3A_573 = arith.addi %multiple_of3A_409, %add3A_572 : i32
          %add3A_574 = arith.constant 16 : i32
          %add3A_575 = arith.addi %add3A_573, %add3A_574 : i32
          %get3A_576 = arith.index_cast %add3A_575 : i32 to index
          %get3A_577 = tpu.vector_load %arg7[%get3A_576] {strides = array<i32>} : memref<40960xf32, #tpu.memory_space<vmem>>, vector<16xf32>,
          %max3A_578 = arith.maximumf %get3A_571, %get3A_577 : vector<16xf32>
          %add3A_579 = arith.constant 224 : i32
          %add3A_580 = arith.addi %multiple_of3A_409, %add3A_579 : i32
          %add3A_581 = arith.constant 16 : i32
          %add3A_582 = arith.addi %add3A_580, %add3A_581 : i32
          %get3A_583 = arith.index_cast %add3A_582 : i32 to index
          %get3A_584 = tpu.vector_load %arg7[%get3A_583] {strides = array<i32>} : memref<40960xf32, #tpu.memory_space<vmem>>, vector<16xf32>,
          %add3A_585 = arith.constant 480 : i32
          %add3A_586 = arith.addi %multiple_of3A_409, %add3A_585 : i32
          %add3A_587 = arith.constant 16 : i32
          %add3A_588 = arith.addi %add3A_586, %add3A_587 : i32
          %get3A_589 = arith.index_cast %add3A_588 : i32 to index
          %get3A_590 = tpu.vector_load %arg7[%get3A_589] {strides = array<i32>} : memref<40960xf32, #tpu.memory_space<vmem>>, vector<16xf32>,
          %max3A_591 = arith.maximumf %get3A_584, %get3A_590 : vector<16xf32>
          %max3A_592 = arith.maximumf %max3A_424, %max3A_460 : vector<16xf32>
          %max3A_593 = arith.maximumf %max3A_433, %max3A_469 : vector<16xf32>
          %max3A_594 = arith.maximumf %max3A_442, %max3A_478 : vector<16xf32>
          %max3A_595 = arith.maximumf %max3A_451, %max3A_487 : vector<16xf32>
          %max3A_596 = arith.maximumf %max3A_500, %max3A_552 : vector<16xf32>
          %max3A_597 = arith.maximumf %max3A_513, %max3A_565 : vector<16xf32>
          %max3A_598 = arith.maximumf %max3A_526, %max3A_578 : vector<16xf32>
          %max3A_599 = arith.maximumf %max3A_539, %max3A_591 : vector<16xf32>
          %max3A_600 = arith.maximumf %max3A_592, %max3A_594 : vector<16xf32>
          %max3A_601 = arith.maximumf %max3A_593, %max3A_595 : vector<16xf32>
          %max3A_602 = arith.maximumf %max3A_596, %max3A_598 : vector<16xf32>
          %max3A_603 = arith.maximumf %max3A_597, %max3A_599 : vector<16xf32>
          %max3A_604 = arith.maximumf %max3A_600, %max3A_601 : vector<16xf32>
          %max3A_605 = arith.maximumf %max3A_602, %max3A_603 : vector<16xf32>
          %eq3A_606 = arith.cmpi eq, %squeeze3A_411, %while3A_399 : i32
          %jit3A_607 = arith.constant 0.000000e+00 : f32
          %broadcast_in_dim3A_608 = vector.broadcast %jit3A_607 : f32 to vector<16xf32>
          %select_n3A_609 = arith.select %eq3A_606, %while3A_400, %broadcast_in_dim3A_608 : vector<16xf32>
          %max3A_610 = arith.maximumf %max3A_604, %select_n3A_609 : vector<16xf32>
          %jit3A_611 = arith.constant 0.000000e+00 : f32
          %broadcast_in_dim3A_612 = vector.broadcast %jit3A_611 : f32 to vector<16xf32>
          %select_n3A_613 = arith.select %eq3A_606, %while3A_401, %broadcast_in_dim3A_612 : vector<16xf32>
          %max3A_614 = arith.maximumf %max3A_605, %select_n3A_613 : vector<16xf32>
          %ge3A = arith.cmpi sge, %squeeze3A_411, %mul3A_8 : i32
          %add3A_615 = arith.constant 1564 : i32
          %add3A_616 = arith.addi %mul3A_8, %add3A_615 : i32
          %lt3A = arith.cmpi slt, %squeeze3A_411, %add3A_616 : i32
          %and3A_617 = arith.andi %ge3A, %lt3A : i1
          %sub3A_618 = arith.subi %squeeze3A_411, %mul3A_8 : i32
          %jit3A_619 = arith.constant 1567 : i32
          %select_n3A_620 = arith.select %and3A_617, %sub3A_618, %jit3A_619 : i32
          %mul3A_621 = arith.constant 32 : i32
          %mul3A_622 = arith.muli %select_n3A_620, %mul3A_621 : i32
          %swap3A_623 = arith.index_cast %mul3A_622 : i32 to index
          %swap3A_624 = tpu.vector_load %arg12[%swap3A_623] {strides = array<i32>} : memref<50176xf32, #tpu.memory_space<vmem>>, vector<16xf32>,
          tpu.vector_store %arg12[%swap3A_623], %max3A_610 {strides = array<i32>} : memref<50176xf32, #tpu.memory_space<vmem>>, vector<16xf32>,
          %add3A_625 = arith.constant 16 : i32
          %add3A_626 = arith.addi %mul3A_622, %add3A_625 : i32
          %swap3A_627 = arith.index_cast %add3A_626 : i32 to index
          %swap3A_628 = tpu.vector_load %arg12[%swap3A_627] {strides = array<i32>} : memref<50176xf32, #tpu.memory_space<vmem>>, vector<16xf32>,
          tpu.vector_store %arg12[%swap3A_627], %max3A_614 {strides = array<i32>} : memref<50176xf32, #tpu.memory_space<vmem>>, vector<16xf32>,
          scf.yield %squeeze3A_411, %max3A_610, %max3A_614 : i32, vector<16xf32>, vector<16xf32>
        } else {
          %slice3A_416 = vector.extract_strided_slice %get3A_406 {offsets = [0], sizes = [1], strides = [1]} : vector<16xi32> to vector<1xi32>
          %squeeze3A_417 = vector.extract %slice3A_416[0] : i32 from vector<1xi32>
          %add3A_418 = arith.constant 0 : i32
          %add3A_419 = arith.addi %multiple_of3A_409, %add3A_418 : i32
          %get3A_420 = arith.index_cast %add3A_419 : i32 to index
          %get3A_421 = tpu.vector_load %arg7[%get3A_420] {strides = array<i32>} : memref<40960xf32, #tpu.memory_space<vmem>>, vector<16xf32>,
          %add3A_422 = arith.constant 0 : i32
          %add3A_423 = arith.addi %multiple_of3A_409, %add3A_422 : i32
          %add3A_424 = arith.constant 16 : i32
          %add3A_425 = arith.addi %add3A_423, %add3A_424 : i32
          %get3A_426 = arith.index_cast %add3A_425 : i32 to index
          %get3A_427 = tpu.vector_load %arg7[%get3A_426] {strides = array<i32>} : memref<40960xf32, #tpu.memory_space<vmem>>, vector<16xf32>,
          %eq3A_428 = arith.cmpi eq, %squeeze3A_417, %while3A_399 : i32
          %jit3A_429 = arith.constant 0.000000e+00 : f32
          %broadcast_in_dim3A_430 = vector.broadcast %jit3A_429 : f32 to vector<16xf32>
          %select_n3A_431 = arith.select %eq3A_428, %while3A_400, %broadcast_in_dim3A_430 : vector<16xf32>
          %max3A_432 = arith.maximumf %get3A_421, %select_n3A_431 : vector<16xf32>
          %jit3A_433 = arith.constant 0.000000e+00 : f32
          %broadcast_in_dim3A_434 = vector.broadcast %jit3A_433 : f32 to vector<16xf32>
          %select_n3A_435 = arith.select %eq3A_428, %while3A_401, %broadcast_in_dim3A_434 : vector<16xf32>
          %max3A_436 = arith.maximumf %get3A_427, %select_n3A_435 : vector<16xf32>
          %ge3A = arith.cmpi sge, %squeeze3A_417, %mul3A_8 : i32
          %add3A_437 = arith.constant 1564 : i32
          %add3A_438 = arith.addi %mul3A_8, %add3A_437 : i32
          %lt3A = arith.cmpi slt, %squeeze3A_417, %add3A_438 : i32
          %and3A_439 = arith.andi %ge3A, %lt3A : i1
          %sub3A_440 = arith.subi %squeeze3A_417, %mul3A_8 : i32
          %jit3A_441 = arith.constant 1567 : i32
          %select_n3A_442 = arith.select %and3A_439, %sub3A_440, %jit3A_441 : i32
          %mul3A_443 = arith.constant 32 : i32
          %mul3A_444 = arith.muli %select_n3A_442, %mul3A_443 : i32
          %swap3A_445 = arith.index_cast %mul3A_444 : i32 to index
          %swap3A_446 = tpu.vector_load %arg12[%swap3A_445] {strides = array<i32>} : memref<50176xf32, #tpu.memory_space<vmem>>, vector<16xf32>,
          tpu.vector_store %arg12[%swap3A_445], %max3A_432 {strides = array<i32>} : memref<50176xf32, #tpu.memory_space<vmem>>, vector<16xf32>,
          %add3A_447 = arith.constant 16 : i32
          %add3A_448 = arith.addi %mul3A_444, %add3A_447 : i32
          %swap3A_449 = arith.index_cast %add3A_448 : i32 to index
          %swap3A_450 = tpu.vector_load %arg12[%swap3A_449] {strides = array<i32>} : memref<50176xf32, #tpu.memory_space<vmem>>, vector<16xf32>,
          tpu.vector_store %arg12[%swap3A_449], %max3A_436 {strides = array<i32>} : memref<50176xf32, #tpu.memory_space<vmem>>, vector<16xf32>,
          %slice3A_451 = vector.extract_strided_slice %get3A_406 {offsets = [1], sizes = [1], strides = [1]} : vector<16xi32> to vector<1xi32>
          %squeeze3A_452 = vector.extract %slice3A_451[0] : i32 from vector<1xi32>
          %add3A_453 = arith.constant 32 : i32
          %add3A_454 = arith.addi %multiple_of3A_409, %add3A_453 : i32
          %get3A_455 = arith.index_cast %add3A_454 : i32 to index
          %get3A_456 = tpu.vector_load %arg7[%get3A_455] {strides = array<i32>} : memref<40960xf32, #tpu.memory_space<vmem>>, vector<16xf32>,
          %add3A_457 = arith.constant 32 : i32
          %add3A_458 = arith.addi %multiple_of3A_409, %add3A_457 : i32
          %add3A_459 = arith.constant 16 : i32
          %add3A_460 = arith.addi %add3A_458, %add3A_459 : i32
          %get3A_461 = arith.index_cast %add3A_460 : i32 to index
          %get3A_462 = tpu.vector_load %arg7[%get3A_461] {strides = array<i32>} : memref<40960xf32, #tpu.memory_space<vmem>>, vector<16xf32>,
          %eq3A_463 = arith.cmpi eq, %squeeze3A_452, %squeeze3A_417 : i32
          %jit3A_464 = arith.constant 0.000000e+00 : f32
          %broadcast_in_dim3A_465 = vector.broadcast %jit3A_464 : f32 to vector<16xf32>
          %select_n3A_466 = arith.select %eq3A_463, %max3A_432, %broadcast_in_dim3A_465 : vector<16xf32>
          %max3A_467 = arith.maximumf %get3A_456, %select_n3A_466 : vector<16xf32>
          %jit3A_468 = arith.constant 0.000000e+00 : f32
          %broadcast_in_dim3A_469 = vector.broadcast %jit3A_468 : f32 to vector<16xf32>
          %select_n3A_470 = arith.select %eq3A_463, %max3A_436, %broadcast_in_dim3A_469 : vector<16xf32>
          %max3A_471 = arith.maximumf %get3A_462, %select_n3A_470 : vector<16xf32>
          %ge3A_472 = arith.cmpi sge, %squeeze3A_452, %mul3A_8 : i32
          %add3A_473 = arith.constant 1564 : i32
          %add3A_474 = arith.addi %mul3A_8, %add3A_473 : i32
          %lt3A_475 = arith.cmpi slt, %squeeze3A_452, %add3A_474 : i32
          %and3A_476 = arith.andi %ge3A_472, %lt3A_475 : i1
          %sub3A_477 = arith.subi %squeeze3A_452, %mul3A_8 : i32
          %jit3A_478 = arith.constant 1567 : i32
          %select_n3A_479 = arith.select %and3A_476, %sub3A_477, %jit3A_478 : i32
          %mul3A_480 = arith.constant 32 : i32
          %mul3A_481 = arith.muli %select_n3A_479, %mul3A_480 : i32
          %swap3A_482 = arith.index_cast %mul3A_481 : i32 to index
          %swap3A_483 = tpu.vector_load %arg12[%swap3A_482] {strides = array<i32>} : memref<50176xf32, #tpu.memory_space<vmem>>, vector<16xf32>,
          tpu.vector_store %arg12[%swap3A_482], %max3A_467 {strides = array<i32>} : memref<50176xf32, #tpu.memory_space<vmem>>, vector<16xf32>,
          %add3A_484 = arith.constant 16 : i32
          %add3A_485 = arith.addi %mul3A_481, %add3A_484 : i32
          %swap3A_486 = arith.index_cast %add3A_485 : i32 to index
          %swap3A_487 = tpu.vector_load %arg12[%swap3A_486] {strides = array<i32>} : memref<50176xf32, #tpu.memory_space<vmem>>, vector<16xf32>,
          tpu.vector_store %arg12[%swap3A_486], %max3A_471 {strides = array<i32>} : memref<50176xf32, #tpu.memory_space<vmem>>, vector<16xf32>,
          %slice3A_488 = vector.extract_strided_slice %get3A_406 {offsets = [2], sizes = [1], strides = [1]} : vector<16xi32> to vector<1xi32>
          %squeeze3A_489 = vector.extract %slice3A_488[0] : i32 from vector<1xi32>
          %add3A_490 = arith.constant 64 : i32
          %add3A_491 = arith.addi %multiple_of3A_409, %add3A_490 : i32
          %get3A_492 = arith.index_cast %add3A_491 : i32 to index
          %get3A_493 = tpu.vector_load %arg7[%get3A_492] {strides = array<i32>} : memref<40960xf32, #tpu.memory_space<vmem>>, vector<16xf32>,
          %add3A_494 = arith.constant 64 : i32
          %add3A_495 = arith.addi %multiple_of3A_409, %add3A_494 : i32
          %add3A_496 = arith.constant 16 : i32
          %add3A_497 = arith.addi %add3A_495, %add3A_496 : i32
          %get3A_498 = arith.index_cast %add3A_497 : i32 to index
          %get3A_499 = tpu.vector_load %arg7[%get3A_498] {strides = array<i32>} : memref<40960xf32, #tpu.memory_space<vmem>>, vector<16xf32>,
          %eq3A_500 = arith.cmpi eq, %squeeze3A_489, %squeeze3A_452 : i32
          %jit3A_501 = arith.constant 0.000000e+00 : f32
          %broadcast_in_dim3A_502 = vector.broadcast %jit3A_501 : f32 to vector<16xf32>
          %select_n3A_503 = arith.select %eq3A_500, %max3A_467, %broadcast_in_dim3A_502 : vector<16xf32>
          %max3A_504 = arith.maximumf %get3A_493, %select_n3A_503 : vector<16xf32>
          %jit3A_505 = arith.constant 0.000000e+00 : f32
          %broadcast_in_dim3A_506 = vector.broadcast %jit3A_505 : f32 to vector<16xf32>
          %select_n3A_507 = arith.select %eq3A_500, %max3A_471, %broadcast_in_dim3A_506 : vector<16xf32>
          %max3A_508 = arith.maximumf %get3A_499, %select_n3A_507 : vector<16xf32>
          %ge3A_509 = arith.cmpi sge, %squeeze3A_489, %mul3A_8 : i32
          %add3A_510 = arith.constant 1564 : i32
          %add3A_511 = arith.addi %mul3A_8, %add3A_510 : i32
          %lt3A_512 = arith.cmpi slt, %squeeze3A_489, %add3A_511 : i32
          %and3A_513 = arith.andi %ge3A_509, %lt3A_512 : i1
          %sub3A_514 = arith.subi %squeeze3A_489, %mul3A_8 : i32
          %jit3A_515 = arith.constant 1567 : i32
          %select_n3A_516 = arith.select %and3A_513, %sub3A_514, %jit3A_515 : i32
          %mul3A_517 = arith.constant 32 : i32
          %mul3A_518 = arith.muli %select_n3A_516, %mul3A_517 : i32
          %swap3A_519 = arith.index_cast %mul3A_518 : i32 to index
          %swap3A_520 = tpu.vector_load %arg12[%swap3A_519] {strides = array<i32>} : memref<50176xf32, #tpu.memory_space<vmem>>, vector<16xf32>,
          tpu.vector_store %arg12[%swap3A_519], %max3A_504 {strides = array<i32>} : memref<50176xf32, #tpu.memory_space<vmem>>, vector<16xf32>,
          %add3A_521 = arith.constant 16 : i32
          %add3A_522 = arith.addi %mul3A_518, %add3A_521 : i32
          %swap3A_523 = arith.index_cast %add3A_522 : i32 to index
          %swap3A_524 = tpu.vector_load %arg12[%swap3A_523] {strides = array<i32>} : memref<50176xf32, #tpu.memory_space<vmem>>, vector<16xf32>,
          tpu.vector_store %arg12[%swap3A_523], %max3A_508 {strides = array<i32>} : memref<50176xf32, #tpu.memory_space<vmem>>, vector<16xf32>,
          %slice3A_525 = vector.extract_strided_slice %get3A_406 {offsets = [3], sizes = [1], strides = [1]} : vector<16xi32> to vector<1xi32>
          %squeeze3A_526 = vector.extract %slice3A_525[0] : i32 from vector<1xi32>
          %add3A_527 = arith.constant 96 : i32
          %add3A_528 = arith.addi %multiple_of3A_409, %add3A_527 : i32
          %get3A_529 = arith.index_cast %add3A_528 : i32 to index
          %get3A_530 = tpu.vector_load %arg7[%get3A_529] {strides = array<i32>} : memref<40960xf32, #tpu.memory_space<vmem>>, vector<16xf32>,
          %add3A_531 = arith.constant 96 : i32
          %add3A_532 = arith.addi %multiple_of3A_409, %add3A_531 : i32
          %add3A_533 = arith.constant 16 : i32
          %add3A_534 = arith.addi %add3A_532, %add3A_533 : i32
          %get3A_535 = arith.index_cast %add3A_534 : i32 to index
          %get3A_536 = tpu.vector_load %arg7[%get3A_535] {strides = array<i32>} : memref<40960xf32, #tpu.memory_space<vmem>>, vector<16xf32>,
          %eq3A_537 = arith.cmpi eq, %squeeze3A_526, %squeeze3A_489 : i32
          %jit3A_538 = arith.constant 0.000000e+00 : f32
          %broadcast_in_dim3A_539 = vector.broadcast %jit3A_538 : f32 to vector<16xf32>
          %select_n3A_540 = arith.select %eq3A_537, %max3A_504, %broadcast_in_dim3A_539 : vector<16xf32>
          %max3A_541 = arith.maximumf %get3A_530, %select_n3A_540 : vector<16xf32>
          %jit3A_542 = arith.constant 0.000000e+00 : f32
          %broadcast_in_dim3A_543 = vector.broadcast %jit3A_542 : f32 to vector<16xf32>
          %select_n3A_544 = arith.select %eq3A_537, %max3A_508, %broadcast_in_dim3A_543 : vector<16xf32>
          %max3A_545 = arith.maximumf %get3A_536, %select_n3A_544 : vector<16xf32>
          %ge3A_546 = arith.cmpi sge, %squeeze3A_526, %mul3A_8 : i32
          %add3A_547 = arith.constant 1564 : i32
          %add3A_548 = arith.addi %mul3A_8, %add3A_547 : i32
          %lt3A_549 = arith.cmpi slt, %squeeze3A_526, %add3A_548 : i32
          %and3A_550 = arith.andi %ge3A_546, %lt3A_549 : i1
          %sub3A_551 = arith.subi %squeeze3A_526, %mul3A_8 : i32
          %jit3A_552 = arith.constant 1567 : i32
          %select_n3A_553 = arith.select %and3A_550, %sub3A_551, %jit3A_552 : i32
          %mul3A_554 = arith.constant 32 : i32
          %mul3A_555 = arith.muli %select_n3A_553, %mul3A_554 : i32
          %swap3A_556 = arith.index_cast %mul3A_555 : i32 to index
          %swap3A_557 = tpu.vector_load %arg12[%swap3A_556] {strides = array<i32>} : memref<50176xf32, #tpu.memory_space<vmem>>, vector<16xf32>,
          tpu.vector_store %arg12[%swap3A_556], %max3A_541 {strides = array<i32>} : memref<50176xf32, #tpu.memory_space<vmem>>, vector<16xf32>,
          %add3A_558 = arith.constant 16 : i32
          %add3A_559 = arith.addi %mul3A_555, %add3A_558 : i32
          %swap3A_560 = arith.index_cast %add3A_559 : i32 to index
          %swap3A_561 = tpu.vector_load %arg12[%swap3A_560] {strides = array<i32>} : memref<50176xf32, #tpu.memory_space<vmem>>, vector<16xf32>,
          tpu.vector_store %arg12[%swap3A_560], %max3A_545 {strides = array<i32>} : memref<50176xf32, #tpu.memory_space<vmem>>, vector<16xf32>,
          %slice3A_562 = vector.extract_strided_slice %get3A_406 {offsets = [4], sizes = [1], strides = [1]} : vector<16xi32> to vector<1xi32>
          %squeeze3A_563 = vector.extract %slice3A_562[0] : i32 from vector<1xi32>
          %add3A_564 = arith.constant 128 : i32
          %add3A_565 = arith.addi %multiple_of3A_409, %add3A_564 : i32
          %get3A_566 = arith.index_cast %add3A_565 : i32 to index
          %get3A_567 = tpu.vector_load %arg7[%get3A_566] {strides = array<i32>} : memref<40960xf32, #tpu.memory_space<vmem>>, vector<16xf32>,
          %add3A_568 = arith.constant 128 : i32
          %add3A_569 = arith.addi %multiple_of3A_409, %add3A_568 : i32
          %add3A_570 = arith.constant 16 : i32
          %add3A_571 = arith.addi %add3A_569, %add3A_570 : i32
          %get3A_572 = arith.index_cast %add3A_571 : i32 to index
          %get3A_573 = tpu.vector_load %arg7[%get3A_572] {strides = array<i32>} : memref<40960xf32, #tpu.memory_space<vmem>>, vector<16xf32>,
          %eq3A_574 = arith.cmpi eq, %squeeze3A_563, %squeeze3A_526 : i32
          %jit3A_575 = arith.constant 0.000000e+00 : f32
          %broadcast_in_dim3A_576 = vector.broadcast %jit3A_575 : f32 to vector<16xf32>
          %select_n3A_577 = arith.select %eq3A_574, %max3A_541, %broadcast_in_dim3A_576 : vector<16xf32>
          %max3A_578 = arith.maximumf %get3A_567, %select_n3A_577 : vector<16xf32>
          %jit3A_579 = arith.constant 0.000000e+00 : f32
          %broadcast_in_dim3A_580 = vector.broadcast %jit3A_579 : f32 to vector<16xf32>
          %select_n3A_581 = arith.select %eq3A_574, %max3A_545, %broadcast_in_dim3A_580 : vector<16xf32>
          %max3A_582 = arith.maximumf %get3A_573, %select_n3A_581 : vector<16xf32>
          %ge3A_583 = arith.cmpi sge, %squeeze3A_563, %mul3A_8 : i32
          %add3A_584 = arith.constant 1564 : i32
          %add3A_585 = arith.addi %mul3A_8, %add3A_584 : i32
          %lt3A_586 = arith.cmpi slt, %squeeze3A_563, %add3A_585 : i32
          %and3A_587 = arith.andi %ge3A_583, %lt3A_586 : i1
          %sub3A_588 = arith.subi %squeeze3A_563, %mul3A_8 : i32
          %jit3A_589 = arith.constant 1567 : i32
          %select_n3A_590 = arith.select %and3A_587, %sub3A_588, %jit3A_589 : i32
          %mul3A_591 = arith.constant 32 : i32
          %mul3A_592 = arith.muli %select_n3A_590, %mul3A_591 : i32
          %swap3A_593 = arith.index_cast %mul3A_592 : i32 to index
          %swap3A_594 = tpu.vector_load %arg12[%swap3A_593] {strides = array<i32>} : memref<50176xf32, #tpu.memory_space<vmem>>, vector<16xf32>,
          tpu.vector_store %arg12[%swap3A_593], %max3A_578 {strides = array<i32>} : memref<50176xf32, #tpu.memory_space<vmem>>, vector<16xf32>,
          %add3A_595 = arith.constant 16 : i32
          %add3A_596 = arith.addi %mul3A_592, %add3A_595 : i32
          %swap3A_597 = arith.index_cast %add3A_596 : i32 to index
          %swap3A_598 = tpu.vector_load %arg12[%swap3A_597] {strides = array<i32>} : memref<50176xf32, #tpu.memory_space<vmem>>, vector<16xf32>,
          tpu.vector_store %arg12[%swap3A_597], %max3A_582 {strides = array<i32>} : memref<50176xf32, #tpu.memory_space<vmem>>, vector<16xf32>,
          %slice3A_599 = vector.extract_strided_slice %get3A_406 {offsets = [5], sizes = [1], strides = [1]} : vector<16xi32> to vector<1xi32>
          %squeeze3A_600 = vector.extract %slice3A_599[0] : i32 from vector<1xi32>
          %add3A_601 = arith.constant 160 : i32
          %add3A_602 = arith.addi %multiple_of3A_409, %add3A_601 : i32
          %get3A_603 = arith.index_cast %add3A_602 : i32 to index
          %get3A_604 = tpu.vector_load %arg7[%get3A_603] {strides = array<i32>} : memref<40960xf32, #tpu.memory_space<vmem>>, vector<16xf32>,
          %add3A_605 = arith.constant 160 : i32
          %add3A_606 = arith.addi %multiple_of3A_409, %add3A_605 : i32
          %add3A_607 = arith.constant 16 : i32
          %add3A_608 = arith.addi %add3A_606, %add3A_607 : i32
          %get3A_609 = arith.index_cast %add3A_608 : i32 to index
          %get3A_610 = tpu.vector_load %arg7[%get3A_609] {strides = array<i32>} : memref<40960xf32, #tpu.memory_space<vmem>>, vector<16xf32>,
          %eq3A_611 = arith.cmpi eq, %squeeze3A_600, %squeeze3A_563 : i32
          %jit3A_612 = arith.constant 0.000000e+00 : f32
          %broadcast_in_dim3A_613 = vector.broadcast %jit3A_612 : f32 to vector<16xf32>
          %select_n3A_614 = arith.select %eq3A_611, %max3A_578, %broadcast_in_dim3A_613 : vector<16xf32>
          %max3A_615 = arith.maximumf %get3A_604, %select_n3A_614 : vector<16xf32>
          %jit3A_616 = arith.constant 0.000000e+00 : f32
          %broadcast_in_dim3A_617 = vector.broadcast %jit3A_616 : f32 to vector<16xf32>
          %select_n3A_618 = arith.select %eq3A_611, %max3A_582, %broadcast_in_dim3A_617 : vector<16xf32>
          %max3A_619 = arith.maximumf %get3A_610, %select_n3A_618 : vector<16xf32>
          %ge3A_620 = arith.cmpi sge, %squeeze3A_600, %mul3A_8 : i32
          %add3A_621 = arith.constant 1564 : i32
          %add3A_622 = arith.addi %mul3A_8, %add3A_621 : i32
          %lt3A_623 = arith.cmpi slt, %squeeze3A_600, %add3A_622 : i32
          %and3A_624 = arith.andi %ge3A_620, %lt3A_623 : i1
          %sub3A_625 = arith.subi %squeeze3A_600, %mul3A_8 : i32
          %jit3A_626 = arith.constant 1567 : i32
          %select_n3A_627 = arith.select %and3A_624, %sub3A_625, %jit3A_626 : i32
          %mul3A_628 = arith.constant 32 : i32
          %mul3A_629 = arith.muli %select_n3A_627, %mul3A_628 : i32
          %swap3A_630 = arith.index_cast %mul3A_629 : i32 to index
          %swap3A_631 = tpu.vector_load %arg12[%swap3A_630] {strides = array<i32>} : memref<50176xf32, #tpu.memory_space<vmem>>, vector<16xf32>,
          tpu.vector_store %arg12[%swap3A_630], %max3A_615 {strides = array<i32>} : memref<50176xf32, #tpu.memory_space<vmem>>, vector<16xf32>,
          %add3A_632 = arith.constant 16 : i32
          %add3A_633 = arith.addi %mul3A_629, %add3A_632 : i32
          %swap3A_634 = arith.index_cast %add3A_633 : i32 to index
          %swap3A_635 = tpu.vector_load %arg12[%swap3A_634] {strides = array<i32>} : memref<50176xf32, #tpu.memory_space<vmem>>, vector<16xf32>,
          tpu.vector_store %arg12[%swap3A_634], %max3A_619 {strides = array<i32>} : memref<50176xf32, #tpu.memory_space<vmem>>, vector<16xf32>,
          %slice3A_636 = vector.extract_strided_slice %get3A_406 {offsets = [6], sizes = [1], strides = [1]} : vector<16xi32> to vector<1xi32>
          %squeeze3A_637 = vector.extract %slice3A_636[0] : i32 from vector<1xi32>
          %add3A_638 = arith.constant 192 : i32
          %add3A_639 = arith.addi %multiple_of3A_409, %add3A_638 : i32
          %get3A_640 = arith.index_cast %add3A_639 : i32 to index
          %get3A_641 = tpu.vector_load %arg7[%get3A_640] {strides = array<i32>} : memref<40960xf32, #tpu.memory_space<vmem>>, vector<16xf32>,
          %add3A_642 = arith.constant 192 : i32
          %add3A_643 = arith.addi %multiple_of3A_409, %add3A_642 : i32
          %add3A_644 = arith.constant 16 : i32
          %add3A_645 = arith.addi %add3A_643, %add3A_644 : i32
          %get3A_646 = arith.index_cast %add3A_645 : i32 to index
          %get3A_647 = tpu.vector_load %arg7[%get3A_646] {strides = array<i32>} : memref<40960xf32, #tpu.memory_space<vmem>>, vector<16xf32>,
          %eq3A_648 = arith.cmpi eq, %squeeze3A_637, %squeeze3A_600 : i32
          %jit3A_649 = arith.constant 0.000000e+00 : f32
          %broadcast_in_dim3A_650 = vector.broadcast %jit3A_649 : f32 to vector<16xf32>
          %select_n3A_651 = arith.select %eq3A_648, %max3A_615, %broadcast_in_dim3A_650 : vector<16xf32>
          %max3A_652 = arith.maximumf %get3A_641, %select_n3A_651 : vector<16xf32>
          %jit3A_653 = arith.constant 0.000000e+00 : f32
          %broadcast_in_dim3A_654 = vector.broadcast %jit3A_653 : f32 to vector<16xf32>
          %select_n3A_655 = arith.select %eq3A_648, %max3A_619, %broadcast_in_dim3A_654 : vector<16xf32>
          %max3A_656 = arith.maximumf %get3A_647, %select_n3A_655 : vector<16xf32>
          %ge3A_657 = arith.cmpi sge, %squeeze3A_637, %mul3A_8 : i32
          %add3A_658 = arith.constant 1564 : i32
          %add3A_659 = arith.addi %mul3A_8, %add3A_658 : i32
          %lt3A_660 = arith.cmpi slt, %squeeze3A_637, %add3A_659 : i32
          %and3A_661 = arith.andi %ge3A_657, %lt3A_660 : i1
          %sub3A_662 = arith.subi %squeeze3A_637, %mul3A_8 : i32
          %jit3A_663 = arith.constant 1567 : i32
          %select_n3A_664 = arith.select %and3A_661, %sub3A_662, %jit3A_663 : i32
          %mul3A_665 = arith.constant 32 : i32
          %mul3A_666 = arith.muli %select_n3A_664, %mul3A_665 : i32
          %swap3A_667 = arith.index_cast %mul3A_666 : i32 to index
          %swap3A_668 = tpu.vector_load %arg12[%swap3A_667] {strides = array<i32>} : memref<50176xf32, #tpu.memory_space<vmem>>, vector<16xf32>,
          tpu.vector_store %arg12[%swap3A_667], %max3A_652 {strides = array<i32>} : memref<50176xf32, #tpu.memory_space<vmem>>, vector<16xf32>,
          %add3A_669 = arith.constant 16 : i32
          %add3A_670 = arith.addi %mul3A_666, %add3A_669 : i32
          %swap3A_671 = arith.index_cast %add3A_670 : i32 to index
          %swap3A_672 = tpu.vector_load %arg12[%swap3A_671] {strides = array<i32>} : memref<50176xf32, #tpu.memory_space<vmem>>, vector<16xf32>,
          tpu.vector_store %arg12[%swap3A_671], %max3A_656 {strides = array<i32>} : memref<50176xf32, #tpu.memory_space<vmem>>, vector<16xf32>,
          %slice3A_673 = vector.extract_strided_slice %get3A_406 {offsets = [7], sizes = [1], strides = [1]} : vector<16xi32> to vector<1xi32>
          %squeeze3A_674 = vector.extract %slice3A_673[0] : i32 from vector<1xi32>
          %add3A_675 = arith.constant 224 : i32
          %add3A_676 = arith.addi %multiple_of3A_409, %add3A_675 : i32
          %get3A_677 = arith.index_cast %add3A_676 : i32 to index
          %get3A_678 = tpu.vector_load %arg7[%get3A_677] {strides = array<i32>} : memref<40960xf32, #tpu.memory_space<vmem>>, vector<16xf32>,
          %add3A_679 = arith.constant 224 : i32
          %add3A_680 = arith.addi %multiple_of3A_409, %add3A_679 : i32
          %add3A_681 = arith.constant 16 : i32
          %add3A_682 = arith.addi %add3A_680, %add3A_681 : i32
          %get3A_683 = arith.index_cast %add3A_682 : i32 to index
          %get3A_684 = tpu.vector_load %arg7[%get3A_683] {strides = array<i32>} : memref<40960xf32, #tpu.memory_space<vmem>>, vector<16xf32>,
          %eq3A_685 = arith.cmpi eq, %squeeze3A_674, %squeeze3A_637 : i32
          %jit3A_686 = arith.constant 0.000000e+00 : f32
          %broadcast_in_dim3A_687 = vector.broadcast %jit3A_686 : f32 to vector<16xf32>
          %select_n3A_688 = arith.select %eq3A_685, %max3A_652, %broadcast_in_dim3A_687 : vector<16xf32>
          %max3A_689 = arith.maximumf %get3A_678, %select_n3A_688 : vector<16xf32>
          %jit3A_690 = arith.constant 0.000000e+00 : f32
          %broadcast_in_dim3A_691 = vector.broadcast %jit3A_690 : f32 to vector<16xf32>
          %select_n3A_692 = arith.select %eq3A_685, %max3A_656, %broadcast_in_dim3A_691 : vector<16xf32>
          %max3A_693 = arith.maximumf %get3A_684, %select_n3A_692 : vector<16xf32>
          %ge3A_694 = arith.cmpi sge, %squeeze3A_674, %mul3A_8 : i32
          %add3A_695 = arith.constant 1564 : i32
          %add3A_696 = arith.addi %mul3A_8, %add3A_695 : i32
          %lt3A_697 = arith.cmpi slt, %squeeze3A_674, %add3A_696 : i32
          %and3A_698 = arith.andi %ge3A_694, %lt3A_697 : i1
          %sub3A_699 = arith.subi %squeeze3A_674, %mul3A_8 : i32
          %jit3A_700 = arith.constant 1567 : i32
          %select_n3A_701 = arith.select %and3A_698, %sub3A_699, %jit3A_700 : i32
          %mul3A_702 = arith.constant 32 : i32
          %mul3A_703 = arith.muli %select_n3A_701, %mul3A_702 : i32
          %swap3A_704 = arith.index_cast %mul3A_703 : i32 to index
          %swap3A_705 = tpu.vector_load %arg12[%swap3A_704] {strides = array<i32>} : memref<50176xf32, #tpu.memory_space<vmem>>, vector<16xf32>,
          tpu.vector_store %arg12[%swap3A_704], %max3A_689 {strides = array<i32>} : memref<50176xf32, #tpu.memory_space<vmem>>, vector<16xf32>,
          %add3A_706 = arith.constant 16 : i32
          %add3A_707 = arith.addi %mul3A_703, %add3A_706 : i32
          %swap3A_708 = arith.index_cast %add3A_707 : i32 to index
          %swap3A_709 = tpu.vector_load %arg12[%swap3A_708] {strides = array<i32>} : memref<50176xf32, #tpu.memory_space<vmem>>, vector<16xf32>,
          tpu.vector_store %arg12[%swap3A_708], %max3A_693 {strides = array<i32>} : memref<50176xf32, #tpu.memory_space<vmem>>, vector<16xf32>,
          %slice3A_710 = vector.extract_strided_slice %get3A_406 {offsets = [8], sizes = [1], strides = [1]} : vector<16xi32> to vector<1xi32>
          %squeeze3A_711 = vector.extract %slice3A_710[0] : i32 from vector<1xi32>
          %add3A_712 = arith.constant 256 : i32
          %add3A_713 = arith.addi %multiple_of3A_409, %add3A_712 : i32
          %get3A_714 = arith.index_cast %add3A_713 : i32 to index
          %get3A_715 = tpu.vector_load %arg7[%get3A_714] {strides = array<i32>} : memref<40960xf32, #tpu.memory_space<vmem>>, vector<16xf32>,
          %add3A_716 = arith.constant 256 : i32
          %add3A_717 = arith.addi %multiple_of3A_409, %add3A_716 : i32
          %add3A_718 = arith.constant 16 : i32
          %add3A_719 = arith.addi %add3A_717, %add3A_718 : i32
          %get3A_720 = arith.index_cast %add3A_719 : i32 to index
          %get3A_721 = tpu.vector_load %arg7[%get3A_720] {strides = array<i32>} : memref<40960xf32, #tpu.memory_space<vmem>>, vector<16xf32>,
          %eq3A_722 = arith.cmpi eq, %squeeze3A_711, %squeeze3A_674 : i32
          %jit3A_723 = arith.constant 0.000000e+00 : f32
          %broadcast_in_dim3A_724 = vector.broadcast %jit3A_723 : f32 to vector<16xf32>
          %select_n3A_725 = arith.select %eq3A_722, %max3A_689, %broadcast_in_dim3A_724 : vector<16xf32>
          %max3A_726 = arith.maximumf %get3A_715, %select_n3A_725 : vector<16xf32>
          %jit3A_727 = arith.constant 0.000000e+00 : f32
          %broadcast_in_dim3A_728 = vector.broadcast %jit3A_727 : f32 to vector<16xf32>
          %select_n3A_729 = arith.select %eq3A_722, %max3A_693, %broadcast_in_dim3A_728 : vector<16xf32>
          %max3A_730 = arith.maximumf %get3A_721, %select_n3A_729 : vector<16xf32>
          %ge3A_731 = arith.cmpi sge, %squeeze3A_711, %mul3A_8 : i32
          %add3A_732 = arith.constant 1564 : i32
          %add3A_733 = arith.addi %mul3A_8, %add3A_732 : i32
          %lt3A_734 = arith.cmpi slt, %squeeze3A_711, %add3A_733 : i32
          %and3A_735 = arith.andi %ge3A_731, %lt3A_734 : i1
          %sub3A_736 = arith.subi %squeeze3A_711, %mul3A_8 : i32
          %jit3A_737 = arith.constant 1567 : i32
          %select_n3A_738 = arith.select %and3A_735, %sub3A_736, %jit3A_737 : i32
          %mul3A_739 = arith.constant 32 : i32
          %mul3A_740 = arith.muli %select_n3A_738, %mul3A_739 : i32
          %swap3A_741 = arith.index_cast %mul3A_740 : i32 to index
          %swap3A_742 = tpu.vector_load %arg12[%swap3A_741] {strides = array<i32>} : memref<50176xf32, #tpu.memory_space<vmem>>, vector<16xf32>,
          tpu.vector_store %arg12[%swap3A_741], %max3A_726 {strides = array<i32>} : memref<50176xf32, #tpu.memory_space<vmem>>, vector<16xf32>,
          %add3A_743 = arith.constant 16 : i32
          %add3A_744 = arith.addi %mul3A_740, %add3A_743 : i32
          %swap3A_745 = arith.index_cast %add3A_744 : i32 to index
          %swap3A_746 = tpu.vector_load %arg12[%swap3A_745] {strides = array<i32>} : memref<50176xf32, #tpu.memory_space<vmem>>, vector<16xf32>,
          tpu.vector_store %arg12[%swap3A_745], %max3A_730 {strides = array<i32>} : memref<50176xf32, #tpu.memory_space<vmem>>, vector<16xf32>,
          %slice3A_747 = vector.extract_strided_slice %get3A_406 {offsets = [9], sizes = [1], strides = [1]} : vector<16xi32> to vector<1xi32>
          %squeeze3A_748 = vector.extract %slice3A_747[0] : i32 from vector<1xi32>
          %add3A_749 = arith.constant 288 : i32
          %add3A_750 = arith.addi %multiple_of3A_409, %add3A_749 : i32
          %get3A_751 = arith.index_cast %add3A_750 : i32 to index
          %get3A_752 = tpu.vector_load %arg7[%get3A_751] {strides = array<i32>} : memref<40960xf32, #tpu.memory_space<vmem>>, vector<16xf32>,
          %add3A_753 = arith.constant 288 : i32
          %add3A_754 = arith.addi %multiple_of3A_409, %add3A_753 : i32
          %add3A_755 = arith.constant 16 : i32
          %add3A_756 = arith.addi %add3A_754, %add3A_755 : i32
          %get3A_757 = arith.index_cast %add3A_756 : i32 to index
          %get3A_758 = tpu.vector_load %arg7[%get3A_757] {strides = array<i32>} : memref<40960xf32, #tpu.memory_space<vmem>>, vector<16xf32>,
          %eq3A_759 = arith.cmpi eq, %squeeze3A_748, %squeeze3A_711 : i32
          %jit3A_760 = arith.constant 0.000000e+00 : f32
          %broadcast_in_dim3A_761 = vector.broadcast %jit3A_760 : f32 to vector<16xf32>
          %select_n3A_762 = arith.select %eq3A_759, %max3A_726, %broadcast_in_dim3A_761 : vector<16xf32>
          %max3A_763 = arith.maximumf %get3A_752, %select_n3A_762 : vector<16xf32>
          %jit3A_764 = arith.constant 0.000000e+00 : f32
          %broadcast_in_dim3A_765 = vector.broadcast %jit3A_764 : f32 to vector<16xf32>
          %select_n3A_766 = arith.select %eq3A_759, %max3A_730, %broadcast_in_dim3A_765 : vector<16xf32>
          %max3A_767 = arith.maximumf %get3A_758, %select_n3A_766 : vector<16xf32>
          %ge3A_768 = arith.cmpi sge, %squeeze3A_748, %mul3A_8 : i32
          %add3A_769 = arith.constant 1564 : i32
          %add3A_770 = arith.addi %mul3A_8, %add3A_769 : i32
          %lt3A_771 = arith.cmpi slt, %squeeze3A_748, %add3A_770 : i32
          %and3A_772 = arith.andi %ge3A_768, %lt3A_771 : i1
          %sub3A_773 = arith.subi %squeeze3A_748, %mul3A_8 : i32
          %jit3A_774 = arith.constant 1567 : i32
          %select_n3A_775 = arith.select %and3A_772, %sub3A_773, %jit3A_774 : i32
          %mul3A_776 = arith.constant 32 : i32
          %mul3A_777 = arith.muli %select_n3A_775, %mul3A_776 : i32
          %swap3A_778 = arith.index_cast %mul3A_777 : i32 to index
          %swap3A_779 = tpu.vector_load %arg12[%swap3A_778] {strides = array<i32>} : memref<50176xf32, #tpu.memory_space<vmem>>, vector<16xf32>,
          tpu.vector_store %arg12[%swap3A_778], %max3A_763 {strides = array<i32>} : memref<50176xf32, #tpu.memory_space<vmem>>, vector<16xf32>,
          %add3A_780 = arith.constant 16 : i32
          %add3A_781 = arith.addi %mul3A_777, %add3A_780 : i32
          %swap3A_782 = arith.index_cast %add3A_781 : i32 to index
          %swap3A_783 = tpu.vector_load %arg12[%swap3A_782] {strides = array<i32>} : memref<50176xf32, #tpu.memory_space<vmem>>, vector<16xf32>,
          tpu.vector_store %arg12[%swap3A_782], %max3A_767 {strides = array<i32>} : memref<50176xf32, #tpu.memory_space<vmem>>, vector<16xf32>,
          %slice3A_784 = vector.extract_strided_slice %get3A_406 {offsets = [10], sizes = [1], strides = [1]} : vector<16xi32> to vector<1xi32>
          %squeeze3A_785 = vector.extract %slice3A_784[0] : i32 from vector<1xi32>
          %add3A_786 = arith.constant 320 : i32
          %add3A_787 = arith.addi %multiple_of3A_409, %add3A_786 : i32
          %get3A_788 = arith.index_cast %add3A_787 : i32 to index
          %get3A_789 = tpu.vector_load %arg7[%get3A_788] {strides = array<i32>} : memref<40960xf32, #tpu.memory_space<vmem>>, vector<16xf32>,
          %add3A_790 = arith.constant 320 : i32
          %add3A_791 = arith.addi %multiple_of3A_409, %add3A_790 : i32
          %add3A_792 = arith.constant 16 : i32
          %add3A_793 = arith.addi %add3A_791, %add3A_792 : i32
          %get3A_794 = arith.index_cast %add3A_793 : i32 to index
          %get3A_795 = tpu.vector_load %arg7[%get3A_794] {strides = array<i32>} : memref<40960xf32, #tpu.memory_space<vmem>>, vector<16xf32>,
          %eq3A_796 = arith.cmpi eq, %squeeze3A_785, %squeeze3A_748 : i32
          %jit3A_797 = arith.constant 0.000000e+00 : f32
          %broadcast_in_dim3A_798 = vector.broadcast %jit3A_797 : f32 to vector<16xf32>
          %select_n3A_799 = arith.select %eq3A_796, %max3A_763, %broadcast_in_dim3A_798 : vector<16xf32>
          %max3A_800 = arith.maximumf %get3A_789, %select_n3A_799 : vector<16xf32>
          %jit3A_801 = arith.constant 0.000000e+00 : f32
          %broadcast_in_dim3A_802 = vector.broadcast %jit3A_801 : f32 to vector<16xf32>
          %select_n3A_803 = arith.select %eq3A_796, %max3A_767, %broadcast_in_dim3A_802 : vector<16xf32>
          %max3A_804 = arith.maximumf %get3A_795, %select_n3A_803 : vector<16xf32>
          %ge3A_805 = arith.cmpi sge, %squeeze3A_785, %mul3A_8 : i32
          %add3A_806 = arith.constant 1564 : i32
          %add3A_807 = arith.addi %mul3A_8, %add3A_806 : i32
          %lt3A_808 = arith.cmpi slt, %squeeze3A_785, %add3A_807 : i32
          %and3A_809 = arith.andi %ge3A_805, %lt3A_808 : i1
          %sub3A_810 = arith.subi %squeeze3A_785, %mul3A_8 : i32
          %jit3A_811 = arith.constant 1567 : i32
          %select_n3A_812 = arith.select %and3A_809, %sub3A_810, %jit3A_811 : i32
          %mul3A_813 = arith.constant 32 : i32
          %mul3A_814 = arith.muli %select_n3A_812, %mul3A_813 : i32
          %swap3A_815 = arith.index_cast %mul3A_814 : i32 to index
          %swap3A_816 = tpu.vector_load %arg12[%swap3A_815] {strides = array<i32>} : memref<50176xf32, #tpu.memory_space<vmem>>, vector<16xf32>,
          tpu.vector_store %arg12[%swap3A_815], %max3A_800 {strides = array<i32>} : memref<50176xf32, #tpu.memory_space<vmem>>, vector<16xf32>,
          %add3A_817 = arith.constant 16 : i32
          %add3A_818 = arith.addi %mul3A_814, %add3A_817 : i32
          %swap3A_819 = arith.index_cast %add3A_818 : i32 to index
          %swap3A_820 = tpu.vector_load %arg12[%swap3A_819] {strides = array<i32>} : memref<50176xf32, #tpu.memory_space<vmem>>, vector<16xf32>,
          tpu.vector_store %arg12[%swap3A_819], %max3A_804 {strides = array<i32>} : memref<50176xf32, #tpu.memory_space<vmem>>, vector<16xf32>,
          %slice3A_821 = vector.extract_strided_slice %get3A_406 {offsets = [11], sizes = [1], strides = [1]} : vector<16xi32> to vector<1xi32>
          %squeeze3A_822 = vector.extract %slice3A_821[0] : i32 from vector<1xi32>
          %add3A_823 = arith.constant 352 : i32
          %add3A_824 = arith.addi %multiple_of3A_409, %add3A_823 : i32
          %get3A_825 = arith.index_cast %add3A_824 : i32 to index
          %get3A_826 = tpu.vector_load %arg7[%get3A_825] {strides = array<i32>} : memref<40960xf32, #tpu.memory_space<vmem>>, vector<16xf32>,
          %add3A_827 = arith.constant 352 : i32
          %add3A_828 = arith.addi %multiple_of3A_409, %add3A_827 : i32
          %add3A_829 = arith.constant 16 : i32
          %add3A_830 = arith.addi %add3A_828, %add3A_829 : i32
          %get3A_831 = arith.index_cast %add3A_830 : i32 to index
          %get3A_832 = tpu.vector_load %arg7[%get3A_831] {strides = array<i32>} : memref<40960xf32, #tpu.memory_space<vmem>>, vector<16xf32>,
          %eq3A_833 = arith.cmpi eq, %squeeze3A_822, %squeeze3A_785 : i32
          %jit3A_834 = arith.constant 0.000000e+00 : f32
          %broadcast_in_dim3A_835 = vector.broadcast %jit3A_834 : f32 to vector<16xf32>
          %select_n3A_836 = arith.select %eq3A_833, %max3A_800, %broadcast_in_dim3A_835 : vector<16xf32>
          %max3A_837 = arith.maximumf %get3A_826, %select_n3A_836 : vector<16xf32>
          %jit3A_838 = arith.constant 0.000000e+00 : f32
          %broadcast_in_dim3A_839 = vector.broadcast %jit3A_838 : f32 to vector<16xf32>
          %select_n3A_840 = arith.select %eq3A_833, %max3A_804, %broadcast_in_dim3A_839 : vector<16xf32>
          %max3A_841 = arith.maximumf %get3A_832, %select_n3A_840 : vector<16xf32>
          %ge3A_842 = arith.cmpi sge, %squeeze3A_822, %mul3A_8 : i32
          %add3A_843 = arith.constant 1564 : i32
          %add3A_844 = arith.addi %mul3A_8, %add3A_843 : i32
          %lt3A_845 = arith.cmpi slt, %squeeze3A_822, %add3A_844 : i32
          %and3A_846 = arith.andi %ge3A_842, %lt3A_845 : i1
          %sub3A_847 = arith.subi %squeeze3A_822, %mul3A_8 : i32
          %jit3A_848 = arith.constant 1567 : i32
          %select_n3A_849 = arith.select %and3A_846, %sub3A_847, %jit3A_848 : i32
          %mul3A_850 = arith.constant 32 : i32
          %mul3A_851 = arith.muli %select_n3A_849, %mul3A_850 : i32
          %swap3A_852 = arith.index_cast %mul3A_851 : i32 to index
          %swap3A_853 = tpu.vector_load %arg12[%swap3A_852] {strides = array<i32>} : memref<50176xf32, #tpu.memory_space<vmem>>, vector<16xf32>,
          tpu.vector_store %arg12[%swap3A_852], %max3A_837 {strides = array<i32>} : memref<50176xf32, #tpu.memory_space<vmem>>, vector<16xf32>,
          %add3A_854 = arith.constant 16 : i32
          %add3A_855 = arith.addi %mul3A_851, %add3A_854 : i32
          %swap3A_856 = arith.index_cast %add3A_855 : i32 to index
          %swap3A_857 = tpu.vector_load %arg12[%swap3A_856] {strides = array<i32>} : memref<50176xf32, #tpu.memory_space<vmem>>, vector<16xf32>,
          tpu.vector_store %arg12[%swap3A_856], %max3A_841 {strides = array<i32>} : memref<50176xf32, #tpu.memory_space<vmem>>, vector<16xf32>,
          %slice3A_858 = vector.extract_strided_slice %get3A_406 {offsets = [12], sizes = [1], strides = [1]} : vector<16xi32> to vector<1xi32>
          %squeeze3A_859 = vector.extract %slice3A_858[0] : i32 from vector<1xi32>
          %add3A_860 = arith.constant 384 : i32
          %add3A_861 = arith.addi %multiple_of3A_409, %add3A_860 : i32
          %get3A_862 = arith.index_cast %add3A_861 : i32 to index
          %get3A_863 = tpu.vector_load %arg7[%get3A_862] {strides = array<i32>} : memref<40960xf32, #tpu.memory_space<vmem>>, vector<16xf32>,
          %add3A_864 = arith.constant 384 : i32
          %add3A_865 = arith.addi %multiple_of3A_409, %add3A_864 : i32
          %add3A_866 = arith.constant 16 : i32
          %add3A_867 = arith.addi %add3A_865, %add3A_866 : i32
          %get3A_868 = arith.index_cast %add3A_867 : i32 to index
          %get3A_869 = tpu.vector_load %arg7[%get3A_868] {strides = array<i32>} : memref<40960xf32, #tpu.memory_space<vmem>>, vector<16xf32>,
          %eq3A_870 = arith.cmpi eq, %squeeze3A_859, %squeeze3A_822 : i32
          %jit3A_871 = arith.constant 0.000000e+00 : f32
          %broadcast_in_dim3A_872 = vector.broadcast %jit3A_871 : f32 to vector<16xf32>
          %select_n3A_873 = arith.select %eq3A_870, %max3A_837, %broadcast_in_dim3A_872 : vector<16xf32>
          %max3A_874 = arith.maximumf %get3A_863, %select_n3A_873 : vector<16xf32>
          %jit3A_875 = arith.constant 0.000000e+00 : f32
          %broadcast_in_dim3A_876 = vector.broadcast %jit3A_875 : f32 to vector<16xf32>
          %select_n3A_877 = arith.select %eq3A_870, %max3A_841, %broadcast_in_dim3A_876 : vector<16xf32>
          %max3A_878 = arith.maximumf %get3A_869, %select_n3A_877 : vector<16xf32>
          %ge3A_879 = arith.cmpi sge, %squeeze3A_859, %mul3A_8 : i32
          %add3A_880 = arith.constant 1564 : i32
          %add3A_881 = arith.addi %mul3A_8, %add3A_880 : i32
          %lt3A_882 = arith.cmpi slt, %squeeze3A_859, %add3A_881 : i32
          %and3A_883 = arith.andi %ge3A_879, %lt3A_882 : i1
          %sub3A_884 = arith.subi %squeeze3A_859, %mul3A_8 : i32
          %jit3A_885 = arith.constant 1567 : i32
          %select_n3A_886 = arith.select %and3A_883, %sub3A_884, %jit3A_885 : i32
          %mul3A_887 = arith.constant 32 : i32
          %mul3A_888 = arith.muli %select_n3A_886, %mul3A_887 : i32
          %swap3A_889 = arith.index_cast %mul3A_888 : i32 to index
          %swap3A_890 = tpu.vector_load %arg12[%swap3A_889] {strides = array<i32>} : memref<50176xf32, #tpu.memory_space<vmem>>, vector<16xf32>,
          tpu.vector_store %arg12[%swap3A_889], %max3A_874 {strides = array<i32>} : memref<50176xf32, #tpu.memory_space<vmem>>, vector<16xf32>,
          %add3A_891 = arith.constant 16 : i32
          %add3A_892 = arith.addi %mul3A_888, %add3A_891 : i32
          %swap3A_893 = arith.index_cast %add3A_892 : i32 to index
          %swap3A_894 = tpu.vector_load %arg12[%swap3A_893] {strides = array<i32>} : memref<50176xf32, #tpu.memory_space<vmem>>, vector<16xf32>,
          tpu.vector_store %arg12[%swap3A_893], %max3A_878 {strides = array<i32>} : memref<50176xf32, #tpu.memory_space<vmem>>, vector<16xf32>,
          %slice3A_895 = vector.extract_strided_slice %get3A_406 {offsets = [13], sizes = [1], strides = [1]} : vector<16xi32> to vector<1xi32>
          %squeeze3A_896 = vector.extract %slice3A_895[0] : i32 from vector<1xi32>
          %add3A_897 = arith.constant 416 : i32
          %add3A_898 = arith.addi %multiple_of3A_409, %add3A_897 : i32
          %get3A_899 = arith.index_cast %add3A_898 : i32 to index
          %get3A_900 = tpu.vector_load %arg7[%get3A_899] {strides = array<i32>} : memref<40960xf32, #tpu.memory_space<vmem>>, vector<16xf32>,
          %add3A_901 = arith.constant 416 : i32
          %add3A_902 = arith.addi %multiple_of3A_409, %add3A_901 : i32
          %add3A_903 = arith.constant 16 : i32
          %add3A_904 = arith.addi %add3A_902, %add3A_903 : i32
          %get3A_905 = arith.index_cast %add3A_904 : i32 to index
          %get3A_906 = tpu.vector_load %arg7[%get3A_905] {strides = array<i32>} : memref<40960xf32, #tpu.memory_space<vmem>>, vector<16xf32>,
          %eq3A_907 = arith.cmpi eq, %squeeze3A_896, %squeeze3A_859 : i32
          %jit3A_908 = arith.constant 0.000000e+00 : f32
          %broadcast_in_dim3A_909 = vector.broadcast %jit3A_908 : f32 to vector<16xf32>
          %select_n3A_910 = arith.select %eq3A_907, %max3A_874, %broadcast_in_dim3A_909 : vector<16xf32>
          %max3A_911 = arith.maximumf %get3A_900, %select_n3A_910 : vector<16xf32>
          %jit3A_912 = arith.constant 0.000000e+00 : f32
          %broadcast_in_dim3A_913 = vector.broadcast %jit3A_912 : f32 to vector<16xf32>
          %select_n3A_914 = arith.select %eq3A_907, %max3A_878, %broadcast_in_dim3A_913 : vector<16xf32>
          %max3A_915 = arith.maximumf %get3A_906, %select_n3A_914 : vector<16xf32>
          %ge3A_916 = arith.cmpi sge, %squeeze3A_896, %mul3A_8 : i32
          %add3A_917 = arith.constant 1564 : i32
          %add3A_918 = arith.addi %mul3A_8, %add3A_917 : i32
          %lt3A_919 = arith.cmpi slt, %squeeze3A_896, %add3A_918 : i32
          %and3A_920 = arith.andi %ge3A_916, %lt3A_919 : i1
          %sub3A_921 = arith.subi %squeeze3A_896, %mul3A_8 : i32
          %jit3A_922 = arith.constant 1567 : i32
          %select_n3A_923 = arith.select %and3A_920, %sub3A_921, %jit3A_922 : i32
          %mul3A_924 = arith.constant 32 : i32
          %mul3A_925 = arith.muli %select_n3A_923, %mul3A_924 : i32
          %swap3A_926 = arith.index_cast %mul3A_925 : i32 to index
          %swap3A_927 = tpu.vector_load %arg12[%swap3A_926] {strides = array<i32>} : memref<50176xf32, #tpu.memory_space<vmem>>, vector<16xf32>,
          tpu.vector_store %arg12[%swap3A_926], %max3A_911 {strides = array<i32>} : memref<50176xf32, #tpu.memory_space<vmem>>, vector<16xf32>,
          %add3A_928 = arith.constant 16 : i32
          %add3A_929 = arith.addi %mul3A_925, %add3A_928 : i32
          %swap3A_930 = arith.index_cast %add3A_929 : i32 to index
          %swap3A_931 = tpu.vector_load %arg12[%swap3A_930] {strides = array<i32>} : memref<50176xf32, #tpu.memory_space<vmem>>, vector<16xf32>,
          tpu.vector_store %arg12[%swap3A_930], %max3A_915 {strides = array<i32>} : memref<50176xf32, #tpu.memory_space<vmem>>, vector<16xf32>,
          %slice3A_932 = vector.extract_strided_slice %get3A_406 {offsets = [14], sizes = [1], strides = [1]} : vector<16xi32> to vector<1xi32>
          %squeeze3A_933 = vector.extract %slice3A_932[0] : i32 from vector<1xi32>
          %add3A_934 = arith.constant 448 : i32
          %add3A_935 = arith.addi %multiple_of3A_409, %add3A_934 : i32
          %get3A_936 = arith.index_cast %add3A_935 : i32 to index
          %get3A_937 = tpu.vector_load %arg7[%get3A_936] {strides = array<i32>} : memref<40960xf32, #tpu.memory_space<vmem>>, vector<16xf32>,
          %add3A_938 = arith.constant 448 : i32
          %add3A_939 = arith.addi %multiple_of3A_409, %add3A_938 : i32
          %add3A_940 = arith.constant 16 : i32
          %add3A_941 = arith.addi %add3A_939, %add3A_940 : i32
          %get3A_942 = arith.index_cast %add3A_941 : i32 to index
          %get3A_943 = tpu.vector_load %arg7[%get3A_942] {strides = array<i32>} : memref<40960xf32, #tpu.memory_space<vmem>>, vector<16xf32>,
          %eq3A_944 = arith.cmpi eq, %squeeze3A_933, %squeeze3A_896 : i32
          %jit3A_945 = arith.constant 0.000000e+00 : f32
          %broadcast_in_dim3A_946 = vector.broadcast %jit3A_945 : f32 to vector<16xf32>
          %select_n3A_947 = arith.select %eq3A_944, %max3A_911, %broadcast_in_dim3A_946 : vector<16xf32>
          %max3A_948 = arith.maximumf %get3A_937, %select_n3A_947 : vector<16xf32>
          %jit3A_949 = arith.constant 0.000000e+00 : f32
          %broadcast_in_dim3A_950 = vector.broadcast %jit3A_949 : f32 to vector<16xf32>
          %select_n3A_951 = arith.select %eq3A_944, %max3A_915, %broadcast_in_dim3A_950 : vector<16xf32>
          %max3A_952 = arith.maximumf %get3A_943, %select_n3A_951 : vector<16xf32>
          %ge3A_953 = arith.cmpi sge, %squeeze3A_933, %mul3A_8 : i32
          %add3A_954 = arith.constant 1564 : i32
          %add3A_955 = arith.addi %mul3A_8, %add3A_954 : i32
          %lt3A_956 = arith.cmpi slt, %squeeze3A_933, %add3A_955 : i32
          %and3A_957 = arith.andi %ge3A_953, %lt3A_956 : i1
          %sub3A_958 = arith.subi %squeeze3A_933, %mul3A_8 : i32
          %jit3A_959 = arith.constant 1567 : i32
          %select_n3A_960 = arith.select %and3A_957, %sub3A_958, %jit3A_959 : i32
          %mul3A_961 = arith.constant 32 : i32
          %mul3A_962 = arith.muli %select_n3A_960, %mul3A_961 : i32
          %swap3A_963 = arith.index_cast %mul3A_962 : i32 to index
          %swap3A_964 = tpu.vector_load %arg12[%swap3A_963] {strides = array<i32>} : memref<50176xf32, #tpu.memory_space<vmem>>, vector<16xf32>,
          tpu.vector_store %arg12[%swap3A_963], %max3A_948 {strides = array<i32>} : memref<50176xf32, #tpu.memory_space<vmem>>, vector<16xf32>,
          %add3A_965 = arith.constant 16 : i32
          %add3A_966 = arith.addi %mul3A_962, %add3A_965 : i32
          %swap3A_967 = arith.index_cast %add3A_966 : i32 to index
          %swap3A_968 = tpu.vector_load %arg12[%swap3A_967] {strides = array<i32>} : memref<50176xf32, #tpu.memory_space<vmem>>, vector<16xf32>,
          tpu.vector_store %arg12[%swap3A_967], %max3A_952 {strides = array<i32>} : memref<50176xf32, #tpu.memory_space<vmem>>, vector<16xf32>,
          %slice3A_969 = vector.extract_strided_slice %get3A_406 {offsets = [15], sizes = [1], strides = [1]} : vector<16xi32> to vector<1xi32>
          %squeeze3A_970 = vector.extract %slice3A_969[0] : i32 from vector<1xi32>
          %add3A_971 = arith.constant 480 : i32
          %add3A_972 = arith.addi %multiple_of3A_409, %add3A_971 : i32
          %get3A_973 = arith.index_cast %add3A_972 : i32 to index
          %get3A_974 = tpu.vector_load %arg7[%get3A_973] {strides = array<i32>} : memref<40960xf32, #tpu.memory_space<vmem>>, vector<16xf32>,
          %add3A_975 = arith.constant 480 : i32
          %add3A_976 = arith.addi %multiple_of3A_409, %add3A_975 : i32
          %add3A_977 = arith.constant 16 : i32
          %add3A_978 = arith.addi %add3A_976, %add3A_977 : i32
          %get3A_979 = arith.index_cast %add3A_978 : i32 to index
          %get3A_980 = tpu.vector_load %arg7[%get3A_979] {strides = array<i32>} : memref<40960xf32, #tpu.memory_space<vmem>>, vector<16xf32>,
          %eq3A_981 = arith.cmpi eq, %squeeze3A_970, %squeeze3A_933 : i32
          %jit3A_982 = arith.constant 0.000000e+00 : f32
          %broadcast_in_dim3A_983 = vector.broadcast %jit3A_982 : f32 to vector<16xf32>
          %select_n3A_984 = arith.select %eq3A_981, %max3A_948, %broadcast_in_dim3A_983 : vector<16xf32>
          %max3A_985 = arith.maximumf %get3A_974, %select_n3A_984 : vector<16xf32>
          %jit3A_986 = arith.constant 0.000000e+00 : f32
          %broadcast_in_dim3A_987 = vector.broadcast %jit3A_986 : f32 to vector<16xf32>
          %select_n3A_988 = arith.select %eq3A_981, %max3A_952, %broadcast_in_dim3A_987 : vector<16xf32>
          %max3A_989 = arith.maximumf %get3A_980, %select_n3A_988 : vector<16xf32>
          %ge3A_990 = arith.cmpi sge, %squeeze3A_970, %mul3A_8 : i32
          %add3A_991 = arith.constant 1564 : i32
          %add3A_992 = arith.addi %mul3A_8, %add3A_991 : i32
          %lt3A_993 = arith.cmpi slt, %squeeze3A_970, %add3A_992 : i32
          %and3A_994 = arith.andi %ge3A_990, %lt3A_993 : i1
          %sub3A_995 = arith.subi %squeeze3A_970, %mul3A_8 : i32
          %jit3A_996 = arith.constant 1567 : i32
          %select_n3A_997 = arith.select %and3A_994, %sub3A_995, %jit3A_996 : i32
          %mul3A_998 = arith.constant 32 : i32
          %mul3A_999 = arith.muli %select_n3A_997, %mul3A_998 : i32
          %swap3A_1000 = arith.index_cast %mul3A_999 : i32 to index
          %swap3A_1001 = tpu.vector_load %arg12[%swap3A_1000] {strides = array<i32>} : memref<50176xf32, #tpu.memory_space<vmem>>, vector<16xf32>,
          tpu.vector_store %arg12[%swap3A_1000], %max3A_985 {strides = array<i32>} : memref<50176xf32, #tpu.memory_space<vmem>>, vector<16xf32>,
          %add3A_1002 = arith.constant 16 : i32
          %add3A_1003 = arith.addi %mul3A_999, %add3A_1002 : i32
          %swap3A_1004 = arith.index_cast %add3A_1003 : i32 to index
          %swap3A_1005 = tpu.vector_load %arg12[%swap3A_1004] {strides = array<i32>} : memref<50176xf32, #tpu.memory_space<vmem>>, vector<16xf32>,
          tpu.vector_store %arg12[%swap3A_1004], %max3A_989 {strides = array<i32>} : memref<50176xf32, #tpu.memory_space<vmem>>, vector<16xf32>,
          scf.yield %squeeze3A_970, %max3A_985, %max3A_989 : i32, vector<16xf32>, vector<16xf32>
        }
        scf.yield %cond3A_415#0, %cond3A_415#1, %cond3A_415#2 : i32, vector<16xf32>, vector<16xf32>
      }
      scf.yield %while3A_397#0, %while3A_397#1, %while3A_397#2 : i32, vector<16xf32>, vector<16xf32>
    }
    %while3A_315 = arith.constant 1 : i32
    %while3A_316:3 = scf.for %while3A_325 = %while3A_312 to %while3A_308 step %while3A_315 iter_args(%while3A_326 = %while3A_314#0, %while3A_327 = %while3A_314#1, %while3A_328 = %while3A_314#2) -> (i32, vector<16xf32>, vector<16xf32>)  : i32 {
      %mul3A_329 = arith.constant 1280 : i32
      %mul3A_330 = arith.muli %while3A_325, %mul3A_329 : i32
      %multiple_of3A_331 = tpu.assume_multiple %mul3A_330, 1280 : i32
      %mul3A_332 = arith.constant 32 : i32
      %mul3A_333 = arith.muli %multiple_of3A_331, %mul3A_332 : i32
      "tpu.region"() ({
        %run_scoped3A = tpu.sem_alloc : memref<!tpu.dma_semaphore, #tpu.memory_space<semaphore_mem>>
        %dma_start3A = tpu.memref_slice %arg2[%mul3A_333] : memref<51200000xf32, #tpu.memory_space<hbm>> -> memref<40960xf32, #tpu.memory_space<hbm>>
        %dma_start3A_398 = tpu.memref_slice %arg2[%mul3A_333] : memref<51200000xf32, #tpu.memory_space<hbm>> -> memref<40960xf32, #tpu.memory_space<hbm>>
        tpu.enqueue_dma source(%dma_start3A_398 : memref<40960xf32, #tpu.memory_space<hbm>>) target(%arg7 : memref<40960xf32, #tpu.memory_space<vmem>>) target_semaphore(%run_scoped3A : memref<!tpu.dma_semaphore, #tpu.memory_space<semaphore_mem>>)
        %dma_wait3A = tpu.memref_slice %arg2[%mul3A_333] : memref<51200000xf32, #tpu.memory_space<hbm>> -> memref<40960xf32, #tpu.memory_space<hbm>>
        %dma_wait3A_399 = tpu.memref_slice %arg2[%mul3A_333] : memref<51200000xf32, #tpu.memory_space<hbm>> -> memref<40960xf32, #tpu.memory_space<hbm>>
        tpu.wait_dma2 semaphore(%run_scoped3A : memref<!tpu.dma_semaphore, #tpu.memory_space<semaphore_mem>>) src(%dma_wait3A_399 : memref<40960xf32, #tpu.memory_space<hbm>>) dst(%arg7 : memref<40960xf32, #tpu.memory_space<vmem>>)
        tpu.yield
      }) : () -> ()
      "tpu.region"() ({
        %run_scoped3A = tpu.sem_alloc : memref<!tpu.dma_semaphore, #tpu.memory_space<semaphore_mem>>
        %dma_start3A = tpu.memref_slice %arg3[%multiple_of3A_331] : memref<1600000xi32, #tpu.memory_space<hbm>> -> memref<1280xi32, #tpu.memory_space<hbm>>
        %dma_start3A_398 = tpu.memref_slice %arg3[%multiple_of3A_331] : memref<1600000xi32, #tpu.memory_space<hbm>> -> memref<1280xi32, #tpu.memory_space<hbm>>
        tpu.enqueue_dma source(%dma_start3A_398 : memref<1280xi32, #tpu.memory_space<hbm>>) target(%arg8 : memref<1280xi32, #tpu.memory_space<vmem>>) target_semaphore(%run_scoped3A : memref<!tpu.dma_semaphore, #tpu.memory_space<semaphore_mem>>)
        %dma_wait3A = tpu.memref_slice %arg3[%multiple_of3A_331] : memref<1600000xi32, #tpu.memory_space<hbm>> -> memref<1280xi32, #tpu.memory_space<hbm>>
        %dma_wait3A_399 = tpu.memref_slice %arg3[%multiple_of3A_331] : memref<1600000xi32, #tpu.memory_space<hbm>> -> memref<1280xi32, #tpu.memory_space<hbm>>
        tpu.wait_dma2 semaphore(%run_scoped3A : memref<!tpu.dma_semaphore, #tpu.memory_space<semaphore_mem>>) src(%dma_wait3A_399 : memref<1280xi32, #tpu.memory_space<hbm>>) dst(%arg8 : memref<1280xi32, #tpu.memory_space<vmem>>)
        tpu.yield
      }) : () -> ()
      %max3A = arith.maxsi %get3A_258, %mul3A_330 : i32
      %add3A_334 = arith.constant 1280 : i32
      %add3A_335 = arith.addi %mul3A_330, %add3A_334 : i32
      %min3A = arith.minsi %get3A_262, %add3A_335 : i32
      %sub3A_336 = arith.subi %max3A, %mul3A_330 : i32
      %jit3A_337 = arith.constant 16 : i32
      %div3A_338 = arith.divsi %sub3A_336, %jit3A_337 : i32
      %sign3A_339 = arith.constant 0 : i32
      %sign3A_340 = arith.cmpi sgt, %sub3A_336, %sign3A_339 : i32
      %sign3A_341 = arith.extui %sign3A_340 : i1 to i32
      %sign3A_342 = arith.constant 0 : i32
      %sign3A_343 = arith.cmpi slt, %sub3A_336, %sign3A_342 : i32
      %sign3A_344 = arith.extui %sign3A_343 : i1 to i32
      %sign3A_345 = arith.subi %sign3A_341, %sign3A_344 : i32
      %sign3A_346 = arith.constant 0 : i32
      %sign3A_347 = arith.cmpi sgt, %jit3A_337, %sign3A_346 : i32
      %sign3A_348 = arith.extui %sign3A_347 : i1 to i32
      %sign3A_349 = arith.constant 0 : i32
      %sign3A_350 = arith.cmpi slt, %jit3A_337, %sign3A_349 : i32
      %sign3A_351 = arith.extui %sign3A_350 : i1 to i32
      %sign3A_352 = arith.subi %sign3A_348, %sign3A_351 : i32
      %ne3A_353 = arith.cmpi ne, %sign3A_345, %sign3A_352 : i32
      %rem3A_354 = arith.remsi %sub3A_336, %jit3A_337 : i32
      %ne3A_355 = arith.constant 0 : i32
      %ne3A_356 = arith.cmpi ne, %rem3A_354, %ne3A_355 : i32
      %and3A_357 = arith.andi %ne3A_353, %ne3A_356 : i1
      %sub3A_358 = arith.constant 1 : i32
      %sub3A_359 = arith.subi %div3A_338, %sub3A_358 : i32
      %select_n3A_360 = arith.select %and3A_357, %sub3A_359, %div3A_338 : i32
      %sub3A_361 = arith.subi %min3A, %mul3A_330 : i32
      %add3A_362 = arith.constant 15 : i32
      %add3A_363 = arith.addi %sub3A_361, %add3A_362 : i32
      %jit3A_364 = arith.constant 16 : i32
      %div3A_365 = arith.divsi %add3A_363, %jit3A_364 : i32
      %sign3A_366 = arith.constant 0 : i32
      %sign3A_367 = arith.cmpi sgt, %add3A_363, %sign3A_366 : i32
      %sign3A_368 = arith.extui %sign3A_367 : i1 to i32
      %sign3A_369 = arith.constant 0 : i32
      %sign3A_370 = arith.cmpi slt, %add3A_363, %sign3A_369 : i32
      %sign3A_371 = arith.extui %sign3A_370 : i1 to i32
      %sign3A_372 = arith.subi %sign3A_368, %sign3A_371 : i32
      %sign3A_373 = arith.constant 0 : i32
      %sign3A_374 = arith.cmpi sgt, %jit3A_364, %sign3A_373 : i32
      %sign3A_375 = arith.extui %sign3A_374 : i1 to i32
      %sign3A_376 = arith.constant 0 : i32
      %sign3A_377 = arith.cmpi slt, %jit3A_364, %sign3A_376 : i32
      %sign3A_378 = arith.extui %sign3A_377 : i1 to i32
      %sign3A_379 = arith.subi %sign3A_375, %sign3A_378 : i32
      %ne3A_380 = arith.cmpi ne, %sign3A_372, %sign3A_379 : i32
      %rem3A_381 = arith.remsi %add3A_363, %jit3A_364 : i32
      %ne3A_382 = arith.constant 0 : i32
      %ne3A_383 = arith.cmpi ne, %rem3A_381, %ne3A_382 : i32
      %and3A_384 = arith.andi %ne3A_380, %ne3A_383 : i1
      %sub3A_385 = arith.constant 1 : i32
      %sub3A_386 = arith.subi %div3A_365, %sub3A_385 : i32
      %select_n3A_387 = arith.select %and3A_384, %sub3A_386, %div3A_365 : i32
      %while3A_388 = arith.subi %select_n3A_387, %select_n3A_360 : i32
      %while3A_389 = arith.addi %select_n3A_360, %while3A_388 : i32
      %while3A_390 = arith.constant 1 : i32
      %while3A_391 = arith.divsi %while3A_388, %while3A_390 : i32
      %while3A_392 = arith.muli %while3A_391, %while3A_390 : i32
      %while3A_393 = arith.addi %select_n3A_360, %while3A_392 : i32
      %while3A_394 = arith.constant 1 : i32
      %while3A_395:3 = scf.for %while3A_398 = %select_n3A_360 to %while3A_393 step %while3A_394 iter_args(%while3A_399 = %while3A_326, %while3A_400 = %while3A_327, %while3A_401 = %while3A_328) -> (i32, vector<16xf32>, vector<16xf32>)  : i32 {
        %mul3A_402 = arith.constant 16 : i32
        %mul3A_403 = arith.muli %while3A_398, %mul3A_402 : i32
        %multiple_of3A_404 = tpu.assume_multiple %mul3A_403, 16 : i32
        %get3A_405 = arith.index_cast %multiple_of3A_404 : i32 to index
        %get3A_406 = tpu.vector_load %arg8[%get3A_405] {strides = array<i32>} : memref<1280xi32, #tpu.memory_space<vmem>>, vector<16xi32>,
        %mul3A_407 = arith.constant 512 : i32
        %mul3A_408 = arith.muli %while3A_398, %mul3A_407 : i32
        %multiple_of3A_409 = tpu.assume_multiple %mul3A_408, 512 : i32
        %slice3A_410 = vector.extract_strided_slice %get3A_406 {offsets = [0], sizes = [1], strides = [1]} : vector<16xi32> to vector<1xi32>
        %squeeze3A_411 = vector.extract %slice3A_410[0] : i32 from vector<1xi32>
        %slice3A_412 = vector.extract_strided_slice %get3A_406 {offsets = [15], sizes = [1], strides = [1]} : vector<16xi32> to vector<1xi32>
        %squeeze3A_413 = vector.extract %slice3A_412[0] : i32 from vector<1xi32>
        %eq3A = arith.cmpi eq, %squeeze3A_411, %squeeze3A_413 : i32
        %convert_element_type3A = arith.extui %eq3A : i1 to i32
        %cond3A = arith.constant 0 : i32
        %cond3A_414 = arith.cmpi ne, %convert_element_type3A, %cond3A : i32
        %cond3A_415:3 = scf.if %cond3A_414 -> (i32, vector<16xf32>, vector<16xf32>) {
          %add3A_416 = arith.constant 0 : i32
          %add3A_417 = arith.addi %multiple_of3A_409, %add3A_416 : i32
          %get3A_418 = arith.index_cast %add3A_417 : i32 to index
          %get3A_419 = tpu.vector_load %arg7[%get3A_418] {strides = array<i32>} : memref<40960xf32, #tpu.memory_space<vmem>>, vector<16xf32>,
          %add3A_420 = arith.constant 256 : i32
          %add3A_421 = arith.addi %multiple_of3A_409, %add3A_420 : i32
          %get3A_422 = arith.index_cast %add3A_421 : i32 to index
          %get3A_423 = tpu.vector_load %arg7[%get3A_422] {strides = array<i32>} : memref<40960xf32, #tpu.memory_space<vmem>>, vector<16xf32>,
          %max3A_424 = arith.maximumf %get3A_419, %get3A_423 : vector<16xf32>
          %add3A_425 = arith.constant 32 : i32
          %add3A_426 = arith.addi %multiple_of3A_409, %add3A_425 : i32
          %get3A_427 = arith.index_cast %add3A_426 : i32 to index
          %get3A_428 = tpu.vector_load %arg7[%get3A_427] {strides = array<i32>} : memref<40960xf32, #tpu.memory_space<vmem>>, vector<16xf32>,
          %add3A_429 = arith.constant 288 : i32
          %add3A_430 = arith.addi %multiple_of3A_409, %add3A_429 : i32
          %get3A_431 = arith.index_cast %add3A_430 : i32 to index
          %get3A_432 = tpu.vector_load %arg7[%get3A_431] {strides = array<i32>} : memref<40960xf32, #tpu.memory_space<vmem>>, vector<16xf32>,
          %max3A_433 = arith.maximumf %get3A_428, %get3A_432 : vector<16xf32>
          %add3A_434 = arith.constant 64 : i32
          %add3A_435 = arith.addi %multiple_of3A_409, %add3A_434 : i32
          %get3A_436 = arith.index_cast %add3A_435 : i32 to index
          %get3A_437 = tpu.vector_load %arg7[%get3A_436] {strides = array<i32>} : memref<40960xf32, #tpu.memory_space<vmem>>, vector<16xf32>,
          %add3A_438 = arith.constant 320 : i32
          %add3A_439 = arith.addi %multiple_of3A_409, %add3A_438 : i32
          %get3A_440 = arith.index_cast %add3A_439 : i32 to index
          %get3A_441 = tpu.vector_load %arg7[%get3A_440] {strides = array<i32>} : memref<40960xf32, #tpu.memory_space<vmem>>, vector<16xf32>,
          %max3A_442 = arith.maximumf %get3A_437, %get3A_441 : vector<16xf32>
          %add3A_443 = arith.constant 96 : i32
          %add3A_444 = arith.addi %multiple_of3A_409, %add3A_443 : i32
          %get3A_445 = arith.index_cast %add3A_444 : i32 to index
          %get3A_446 = tpu.vector_load %arg7[%get3A_445] {strides = array<i32>} : memref<40960xf32, #tpu.memory_space<vmem>>, vector<16xf32>,
          %add3A_447 = arith.constant 352 : i32
          %add3A_448 = arith.addi %multiple_of3A_409, %add3A_447 : i32
          %get3A_449 = arith.index_cast %add3A_448 : i32 to index
          %get3A_450 = tpu.vector_load %arg7[%get3A_449] {strides = array<i32>} : memref<40960xf32, #tpu.memory_space<vmem>>, vector<16xf32>,
          %max3A_451 = arith.maximumf %get3A_446, %get3A_450 : vector<16xf32>
          %add3A_452 = arith.constant 128 : i32
          %add3A_453 = arith.addi %multiple_of3A_409, %add3A_452 : i32
          %get3A_454 = arith.index_cast %add3A_453 : i32 to index
          %get3A_455 = tpu.vector_load %arg7[%get3A_454] {strides = array<i32>} : memref<40960xf32, #tpu.memory_space<vmem>>, vector<16xf32>,
          %add3A_456 = arith.constant 384 : i32
          %add3A_457 = arith.addi %multiple_of3A_409, %add3A_456 : i32
          %get3A_458 = arith.index_cast %add3A_457 : i32 to index
          %get3A_459 = tpu.vector_load %arg7[%get3A_458] {strides = array<i32>} : memref<40960xf32, #tpu.memory_space<vmem>>, vector<16xf32>,
          %max3A_460 = arith.maximumf %get3A_455, %get3A_459 : vector<16xf32>
          %add3A_461 = arith.constant 160 : i32
          %add3A_462 = arith.addi %multiple_of3A_409, %add3A_461 : i32
          %get3A_463 = arith.index_cast %add3A_462 : i32 to index
          %get3A_464 = tpu.vector_load %arg7[%get3A_463] {strides = array<i32>} : memref<40960xf32, #tpu.memory_space<vmem>>, vector<16xf32>,
          %add3A_465 = arith.constant 416 : i32
          %add3A_466 = arith.addi %multiple_of3A_409, %add3A_465 : i32
          %get3A_467 = arith.index_cast %add3A_466 : i32 to index
          %get3A_468 = tpu.vector_load %arg7[%get3A_467] {strides = array<i32>} : memref<40960xf32, #tpu.memory_space<vmem>>, vector<16xf32>,
          %max3A_469 = arith.maximumf %get3A_464, %get3A_468 : vector<16xf32>
          %add3A_470 = arith.constant 192 : i32
          %add3A_471 = arith.addi %multiple_of3A_409, %add3A_470 : i32
          %get3A_472 = arith.index_cast %add3A_471 : i32 to index
          %get3A_473 = tpu.vector_load %arg7[%get3A_472] {strides = array<i32>} : memref<40960xf32, #tpu.memory_space<vmem>>, vector<16xf32>,
          %add3A_474 = arith.constant 448 : i32
          %add3A_475 = arith.addi %multiple_of3A_409, %add3A_474 : i32
          %get3A_476 = arith.index_cast %add3A_475 : i32 to index
          %get3A_477 = tpu.vector_load %arg7[%get3A_476] {strides = array<i32>} : memref<40960xf32, #tpu.memory_space<vmem>>, vector<16xf32>,
          %max3A_478 = arith.maximumf %get3A_473, %get3A_477 : vector<16xf32>
          %add3A_479 = arith.constant 224 : i32
          %add3A_480 = arith.addi %multiple_of3A_409, %add3A_479 : i32
          %get3A_481 = arith.index_cast %add3A_480 : i32 to index
          %get3A_482 = tpu.vector_load %arg7[%get3A_481] {strides = array<i32>} : memref<40960xf32, #tpu.memory_space<vmem>>, vector<16xf32>,
          %add3A_483 = arith.constant 480 : i32
          %add3A_484 = arith.addi %multiple_of3A_409, %add3A_483 : i32
          %get3A_485 = arith.index_cast %add3A_484 : i32 to index
          %get3A_486 = tpu.vector_load %arg7[%get3A_485] {strides = array<i32>} : memref<40960xf32, #tpu.memory_space<vmem>>, vector<16xf32>,
          %max3A_487 = arith.maximumf %get3A_482, %get3A_486 : vector<16xf32>
          %add3A_488 = arith.constant 0 : i32
          %add3A_489 = arith.addi %multiple_of3A_409, %add3A_488 : i32
          %add3A_490 = arith.constant 16 : i32
          %add3A_491 = arith.addi %add3A_489, %add3A_490 : i32
          %get3A_492 = arith.index_cast %add3A_491 : i32 to index
          %get3A_493 = tpu.vector_load %arg7[%get3A_492] {strides = array<i32>} : memref<40960xf32, #tpu.memory_space<vmem>>, vector<16xf32>,
          %add3A_494 = arith.constant 256 : i32
          %add3A_495 = arith.addi %multiple_of3A_409, %add3A_494 : i32
          %add3A_496 = arith.constant 16 : i32
          %add3A_497 = arith.addi %add3A_495, %add3A_496 : i32
          %get3A_498 = arith.index_cast %add3A_497 : i32 to index
          %get3A_499 = tpu.vector_load %arg7[%get3A_498] {strides = array<i32>} : memref<40960xf32, #tpu.memory_space<vmem>>, vector<16xf32>,
          %max3A_500 = arith.maximumf %get3A_493, %get3A_499 : vector<16xf32>
          %add3A_501 = arith.constant 32 : i32
          %add3A_502 = arith.addi %multiple_of3A_409, %add3A_501 : i32
          %add3A_503 = arith.constant 16 : i32
          %add3A_504 = arith.addi %add3A_502, %add3A_503 : i32
          %get3A_505 = arith.index_cast %add3A_504 : i32 to index
          %get3A_506 = tpu.vector_load %arg7[%get3A_505] {strides = array<i32>} : memref<40960xf32, #tpu.memory_space<vmem>>, vector<16xf32>,
          %add3A_507 = arith.constant 288 : i32
          %add3A_508 = arith.addi %multiple_of3A_409, %add3A_507 : i32
          %add3A_509 = arith.constant 16 : i32
          %add3A_510 = arith.addi %add3A_508, %add3A_509 : i32
          %get3A_511 = arith.index_cast %add3A_510 : i32 to index
          %get3A_512 = tpu.vector_load %arg7[%get3A_511] {strides = array<i32>} : memref<40960xf32, #tpu.memory_space<vmem>>, vector<16xf32>,
          %max3A_513 = arith.maximumf %get3A_506, %get3A_512 : vector<16xf32>
          %add3A_514 = arith.constant 64 : i32
          %add3A_515 = arith.addi %multiple_of3A_409, %add3A_514 : i32
          %add3A_516 = arith.constant 16 : i32
          %add3A_517 = arith.addi %add3A_515, %add3A_516 : i32
          %get3A_518 = arith.index_cast %add3A_517 : i32 to index
          %get3A_519 = tpu.vector_load %arg7[%get3A_518] {strides = array<i32>} : memref<40960xf32, #tpu.memory_space<vmem>>, vector<16xf32>,
          %add3A_520 = arith.constant 320 : i32
          %add3A_521 = arith.addi %multiple_of3A_409, %add3A_520 : i32
          %add3A_522 = arith.constant 16 : i32
          %add3A_523 = arith.addi %add3A_521, %add3A_522 : i32
          %get3A_524 = arith.index_cast %add3A_523 : i32 to index
          %get3A_525 = tpu.vector_load %arg7[%get3A_524] {strides = array<i32>} : memref<40960xf32, #tpu.memory_space<vmem>>, vector<16xf32>,
          %max3A_526 = arith.maximumf %get3A_519, %get3A_525 : vector<16xf32>
          %add3A_527 = arith.constant 96 : i32
          %add3A_528 = arith.addi %multiple_of3A_409, %add3A_527 : i32
          %add3A_529 = arith.constant 16 : i32
          %add3A_530 = arith.addi %add3A_528, %add3A_529 : i32
          %get3A_531 = arith.index_cast %add3A_530 : i32 to index
          %get3A_532 = tpu.vector_load %arg7[%get3A_531] {strides = array<i32>} : memref<40960xf32, #tpu.memory_space<vmem>>, vector<16xf32>,
          %add3A_533 = arith.constant 352 : i32
          %add3A_534 = arith.addi %multiple_of3A_409, %add3A_533 : i32
          %add3A_535 = arith.constant 16 : i32
          %add3A_536 = arith.addi %add3A_534, %add3A_535 : i32
          %get3A_537 = arith.index_cast %add3A_536 : i32 to index
          %get3A_538 = tpu.vector_load %arg7[%get3A_537] {strides = array<i32>} : memref<40960xf32, #tpu.memory_space<vmem>>, vector<16xf32>,
          %max3A_539 = arith.maximumf %get3A_532, %get3A_538 : vector<16xf32>
          %add3A_540 = arith.constant 128 : i32
          %add3A_541 = arith.addi %multiple_of3A_409, %add3A_540 : i32
          %add3A_542 = arith.constant 16 : i32
          %add3A_543 = arith.addi %add3A_541, %add3A_542 : i32
          %get3A_544 = arith.index_cast %add3A_543 : i32 to index
          %get3A_545 = tpu.vector_load %arg7[%get3A_544] {strides = array<i32>} : memref<40960xf32, #tpu.memory_space<vmem>>, vector<16xf32>,
          %add3A_546 = arith.constant 384 : i32
          %add3A_547 = arith.addi %multiple_of3A_409, %add3A_546 : i32
          %add3A_548 = arith.constant 16 : i32
          %add3A_549 = arith.addi %add3A_547, %add3A_548 : i32
          %get3A_550 = arith.index_cast %add3A_549 : i32 to index
          %get3A_551 = tpu.vector_load %arg7[%get3A_550] {strides = array<i32>} : memref<40960xf32, #tpu.memory_space<vmem>>, vector<16xf32>,
          %max3A_552 = arith.maximumf %get3A_545, %get3A_551 : vector<16xf32>
          %add3A_553 = arith.constant 160 : i32
          %add3A_554 = arith.addi %multiple_of3A_409, %add3A_553 : i32
          %add3A_555 = arith.constant 16 : i32
          %add3A_556 = arith.addi %add3A_554, %add3A_555 : i32
          %get3A_557 = arith.index_cast %add3A_556 : i32 to index
          %get3A_558 = tpu.vector_load %arg7[%get3A_557] {strides = array<i32>} : memref<40960xf32, #tpu.memory_space<vmem>>, vector<16xf32>,
          %add3A_559 = arith.constant 416 : i32
          %add3A_560 = arith.addi %multiple_of3A_409, %add3A_559 : i32
          %add3A_561 = arith.constant 16 : i32
          %add3A_562 = arith.addi %add3A_560, %add3A_561 : i32
          %get3A_563 = arith.index_cast %add3A_562 : i32 to index
          %get3A_564 = tpu.vector_load %arg7[%get3A_563] {strides = array<i32>} : memref<40960xf32, #tpu.memory_space<vmem>>, vector<16xf32>,
          %max3A_565 = arith.maximumf %get3A_558, %get3A_564 : vector<16xf32>
          %add3A_566 = arith.constant 192 : i32
          %add3A_567 = arith.addi %multiple_of3A_409, %add3A_566 : i32
          %add3A_568 = arith.constant 16 : i32
          %add3A_569 = arith.addi %add3A_567, %add3A_568 : i32
          %get3A_570 = arith.index_cast %add3A_569 : i32 to index
          %get3A_571 = tpu.vector_load %arg7[%get3A_570] {strides = array<i32>} : memref<40960xf32, #tpu.memory_space<vmem>>, vector<16xf32>,
          %add3A_572 = arith.constant 448 : i32
          %add3A_573 = arith.addi %multiple_of3A_409, %add3A_572 : i32
          %add3A_574 = arith.constant 16 : i32
          %add3A_575 = arith.addi %add3A_573, %add3A_574 : i32
          %get3A_576 = arith.index_cast %add3A_575 : i32 to index
          %get3A_577 = tpu.vector_load %arg7[%get3A_576] {strides = array<i32>} : memref<40960xf32, #tpu.memory_space<vmem>>, vector<16xf32>,
          %max3A_578 = arith.maximumf %get3A_571, %get3A_577 : vector<16xf32>
          %add3A_579 = arith.constant 224 : i32
          %add3A_580 = arith.addi %multiple_of3A_409, %add3A_579 : i32
          %add3A_581 = arith.constant 16 : i32
          %add3A_582 = arith.addi %add3A_580, %add3A_581 : i32
          %get3A_583 = arith.index_cast %add3A_582 : i32 to index
          %get3A_584 = tpu.vector_load %arg7[%get3A_583] {strides = array<i32>} : memref<40960xf32, #tpu.memory_space<vmem>>, vector<16xf32>,
          %add3A_585 = arith.constant 480 : i32
          %add3A_586 = arith.addi %multiple_of3A_409, %add3A_585 : i32
          %add3A_587 = arith.constant 16 : i32
          %add3A_588 = arith.addi %add3A_586, %add3A_587 : i32
          %get3A_589 = arith.index_cast %add3A_588 : i32 to index
          %get3A_590 = tpu.vector_load %arg7[%get3A_589] {strides = array<i32>} : memref<40960xf32, #tpu.memory_space<vmem>>, vector<16xf32>,
          %max3A_591 = arith.maximumf %get3A_584, %get3A_590 : vector<16xf32>
          %max3A_592 = arith.maximumf %max3A_424, %max3A_460 : vector<16xf32>
          %max3A_593 = arith.maximumf %max3A_433, %max3A_469 : vector<16xf32>
          %max3A_594 = arith.maximumf %max3A_442, %max3A_478 : vector<16xf32>
          %max3A_595 = arith.maximumf %max3A_451, %max3A_487 : vector<16xf32>
          %max3A_596 = arith.maximumf %max3A_500, %max3A_552 : vector<16xf32>
          %max3A_597 = arith.maximumf %max3A_513, %max3A_565 : vector<16xf32>
          %max3A_598 = arith.maximumf %max3A_526, %max3A_578 : vector<16xf32>
          %max3A_599 = arith.maximumf %max3A_539, %max3A_591 : vector<16xf32>
          %max3A_600 = arith.maximumf %max3A_592, %max3A_594 : vector<16xf32>
          %max3A_601 = arith.maximumf %max3A_593, %max3A_595 : vector<16xf32>
          %max3A_602 = arith.maximumf %max3A_596, %max3A_598 : vector<16xf32>
          %max3A_603 = arith.maximumf %max3A_597, %max3A_599 : vector<16xf32>
          %max3A_604 = arith.maximumf %max3A_600, %max3A_601 : vector<16xf32>
          %max3A_605 = arith.maximumf %max3A_602, %max3A_603 : vector<16xf32>
          %eq3A_606 = arith.cmpi eq, %squeeze3A_411, %while3A_399 : i32
          %jit3A_607 = arith.constant 0.000000e+00 : f32
          %broadcast_in_dim3A_608 = vector.broadcast %jit3A_607 : f32 to vector<16xf32>
          %select_n3A_609 = arith.select %eq3A_606, %while3A_400, %broadcast_in_dim3A_608 : vector<16xf32>
          %max3A_610 = arith.maximumf %max3A_604, %select_n3A_609 : vector<16xf32>
          %jit3A_611 = arith.constant 0.000000e+00 : f32
          %broadcast_in_dim3A_612 = vector.broadcast %jit3A_611 : f32 to vector<16xf32>
          %select_n3A_613 = arith.select %eq3A_606, %while3A_401, %broadcast_in_dim3A_612 : vector<16xf32>
          %max3A_614 = arith.maximumf %max3A_605, %select_n3A_613 : vector<16xf32>
          %ge3A = arith.cmpi sge, %squeeze3A_411, %mul3A_8 : i32
          %add3A_615 = arith.constant 1564 : i32
          %add3A_616 = arith.addi %mul3A_8, %add3A_615 : i32
          %lt3A = arith.cmpi slt, %squeeze3A_411, %add3A_616 : i32
          %and3A_617 = arith.andi %ge3A, %lt3A : i1
          %sub3A_618 = arith.subi %squeeze3A_411, %mul3A_8 : i32
          %jit3A_619 = arith.constant 1567 : i32
          %select_n3A_620 = arith.select %and3A_617, %sub3A_618, %jit3A_619 : i32
          %mul3A_621 = arith.constant 32 : i32
          %mul3A_622 = arith.muli %select_n3A_620, %mul3A_621 : i32
          %swap3A_623 = arith.index_cast %mul3A_622 : i32 to index
          %swap3A_624 = tpu.vector_load %arg12[%swap3A_623] {strides = array<i32>} : memref<50176xf32, #tpu.memory_space<vmem>>, vector<16xf32>,
          tpu.vector_store %arg12[%swap3A_623], %max3A_610 {strides = array<i32>} : memref<50176xf32, #tpu.memory_space<vmem>>, vector<16xf32>,
          %add3A_625 = arith.constant 16 : i32
          %add3A_626 = arith.addi %mul3A_622, %add3A_625 : i32
          %swap3A_627 = arith.index_cast %add3A_626 : i32 to index
          %swap3A_628 = tpu.vector_load %arg12[%swap3A_627] {strides = array<i32>} : memref<50176xf32, #tpu.memory_space<vmem>>, vector<16xf32>,
          tpu.vector_store %arg12[%swap3A_627], %max3A_614 {strides = array<i32>} : memref<50176xf32, #tpu.memory_space<vmem>>, vector<16xf32>,
          scf.yield %squeeze3A_411, %max3A_610, %max3A_614 : i32, vector<16xf32>, vector<16xf32>
        } else {
          %slice3A_416 = vector.extract_strided_slice %get3A_406 {offsets = [0], sizes = [1], strides = [1]} : vector<16xi32> to vector<1xi32>
          %squeeze3A_417 = vector.extract %slice3A_416[0] : i32 from vector<1xi32>
          %add3A_418 = arith.constant 0 : i32
          %add3A_419 = arith.addi %multiple_of3A_409, %add3A_418 : i32
          %get3A_420 = arith.index_cast %add3A_419 : i32 to index
          %get3A_421 = tpu.vector_load %arg7[%get3A_420] {strides = array<i32>} : memref<40960xf32, #tpu.memory_space<vmem>>, vector<16xf32>,
          %add3A_422 = arith.constant 0 : i32
          %add3A_423 = arith.addi %multiple_of3A_409, %add3A_422 : i32
          %add3A_424 = arith.constant 16 : i32
          %add3A_425 = arith.addi %add3A_423, %add3A_424 : i32
          %get3A_426 = arith.index_cast %add3A_425 : i32 to index
          %get3A_427 = tpu.vector_load %arg7[%get3A_426] {strides = array<i32>} : memref<40960xf32, #tpu.memory_space<vmem>>, vector<16xf32>,
          %eq3A_428 = arith.cmpi eq, %squeeze3A_417, %while3A_399 : i32
          %jit3A_429 = arith.constant 0.000000e+00 : f32
          %broadcast_in_dim3A_430 = vector.broadcast %jit3A_429 : f32 to vector<16xf32>
          %select_n3A_431 = arith.select %eq3A_428, %while3A_400, %broadcast_in_dim3A_430 : vector<16xf32>
          %max3A_432 = arith.maximumf %get3A_421, %select_n3A_431 : vector<16xf32>
          %jit3A_433 = arith.constant 0.000000e+00 : f32
          %broadcast_in_dim3A_434 = vector.broadcast %jit3A_433 : f32 to vector<16xf32>
          %select_n3A_435 = arith.select %eq3A_428, %while3A_401, %broadcast_in_dim3A_434 : vector<16xf32>
          %max3A_436 = arith.maximumf %get3A_427, %select_n3A_435 : vector<16xf32>
          %ge3A = arith.cmpi sge, %squeeze3A_417, %mul3A_8 : i32
          %add3A_437 = arith.constant 1564 : i32
          %add3A_438 = arith.addi %mul3A_8, %add3A_437 : i32
          %lt3A = arith.cmpi slt, %squeeze3A_417, %add3A_438 : i32
          %and3A_439 = arith.andi %ge3A, %lt3A : i1
          %sub3A_440 = arith.subi %squeeze3A_417, %mul3A_8 : i32
          %jit3A_441 = arith.constant 1567 : i32
          %select_n3A_442 = arith.select %and3A_439, %sub3A_440, %jit3A_441 : i32
          %mul3A_443 = arith.constant 32 : i32
          %mul3A_444 = arith.muli %select_n3A_442, %mul3A_443 : i32
          %swap3A_445 = arith.index_cast %mul3A_444 : i32 to index
          %swap3A_446 = tpu.vector_load %arg12[%swap3A_445] {strides = array<i32>} : memref<50176xf32, #tpu.memory_space<vmem>>, vector<16xf32>,
          tpu.vector_store %arg12[%swap3A_445], %max3A_432 {strides = array<i32>} : memref<50176xf32, #tpu.memory_space<vmem>>, vector<16xf32>,
          %add3A_447 = arith.constant 16 : i32
          %add3A_448 = arith.addi %mul3A_444, %add3A_447 : i32
          %swap3A_449 = arith.index_cast %add3A_448 : i32 to index
          %swap3A_450 = tpu.vector_load %arg12[%swap3A_449] {strides = array<i32>} : memref<50176xf32, #tpu.memory_space<vmem>>, vector<16xf32>,
          tpu.vector_store %arg12[%swap3A_449], %max3A_436 {strides = array<i32>} : memref<50176xf32, #tpu.memory_space<vmem>>, vector<16xf32>,
          %slice3A_451 = vector.extract_strided_slice %get3A_406 {offsets = [1], sizes = [1], strides = [1]} : vector<16xi32> to vector<1xi32>
          %squeeze3A_452 = vector.extract %slice3A_451[0] : i32 from vector<1xi32>
          %add3A_453 = arith.constant 32 : i32
          %add3A_454 = arith.addi %multiple_of3A_409, %add3A_453 : i32
          %get3A_455 = arith.index_cast %add3A_454 : i32 to index
          %get3A_456 = tpu.vector_load %arg7[%get3A_455] {strides = array<i32>} : memref<40960xf32, #tpu.memory_space<vmem>>, vector<16xf32>,
          %add3A_457 = arith.constant 32 : i32
          %add3A_458 = arith.addi %multiple_of3A_409, %add3A_457 : i32
          %add3A_459 = arith.constant 16 : i32
          %add3A_460 = arith.addi %add3A_458, %add3A_459 : i32
          %get3A_461 = arith.index_cast %add3A_460 : i32 to index
          %get3A_462 = tpu.vector_load %arg7[%get3A_461] {strides = array<i32>} : memref<40960xf32, #tpu.memory_space<vmem>>, vector<16xf32>,
          %eq3A_463 = arith.cmpi eq, %squeeze3A_452, %squeeze3A_417 : i32
          %jit3A_464 = arith.constant 0.000000e+00 : f32
          %broadcast_in_dim3A_465 = vector.broadcast %jit3A_464 : f32 to vector<16xf32>
          %select_n3A_466 = arith.select %eq3A_463, %max3A_432, %broadcast_in_dim3A_465 : vector<16xf32>
          %max3A_467 = arith.maximumf %get3A_456, %select_n3A_466 : vector<16xf32>
          %jit3A_468 = arith.constant 0.000000e+00 : f32
          %broadcast_in_dim3A_469 = vector.broadcast %jit3A_468 : f32 to vector<16xf32>
          %select_n3A_470 = arith.select %eq3A_463, %max3A_436, %broadcast_in_dim3A_469 : vector<16xf32>
          %max3A_471 = arith.maximumf %get3A_462, %select_n3A_470 : vector<16xf32>
          %ge3A_472 = arith.cmpi sge, %squeeze3A_452, %mul3A_8 : i32
          %add3A_473 = arith.constant 1564 : i32
          %add3A_474 = arith.addi %mul3A_8, %add3A_473 : i32
          %lt3A_475 = arith.cmpi slt, %squeeze3A_452, %add3A_474 : i32
          %and3A_476 = arith.andi %ge3A_472, %lt3A_475 : i1
          %sub3A_477 = arith.subi %squeeze3A_452, %mul3A_8 : i32
          %jit3A_478 = arith.constant 1567 : i32
          %select_n3A_479 = arith.select %and3A_476, %sub3A_477, %jit3A_478 : i32
          %mul3A_480 = arith.constant 32 : i32
          %mul3A_481 = arith.muli %select_n3A_479, %mul3A_480 : i32
          %swap3A_482 = arith.index_cast %mul3A_481 : i32 to index
          %swap3A_483 = tpu.vector_load %arg12[%swap3A_482] {strides = array<i32>} : memref<50176xf32, #tpu.memory_space<vmem>>, vector<16xf32>,
          tpu.vector_store %arg12[%swap3A_482], %max3A_467 {strides = array<i32>} : memref<50176xf32, #tpu.memory_space<vmem>>, vector<16xf32>,
          %add3A_484 = arith.constant 16 : i32
          %add3A_485 = arith.addi %mul3A_481, %add3A_484 : i32
          %swap3A_486 = arith.index_cast %add3A_485 : i32 to index
          %swap3A_487 = tpu.vector_load %arg12[%swap3A_486] {strides = array<i32>} : memref<50176xf32, #tpu.memory_space<vmem>>, vector<16xf32>,
          tpu.vector_store %arg12[%swap3A_486], %max3A_471 {strides = array<i32>} : memref<50176xf32, #tpu.memory_space<vmem>>, vector<16xf32>,
          %slice3A_488 = vector.extract_strided_slice %get3A_406 {offsets = [2], sizes = [1], strides = [1]} : vector<16xi32> to vector<1xi32>
          %squeeze3A_489 = vector.extract %slice3A_488[0] : i32 from vector<1xi32>
          %add3A_490 = arith.constant 64 : i32
          %add3A_491 = arith.addi %multiple_of3A_409, %add3A_490 : i32
          %get3A_492 = arith.index_cast %add3A_491 : i32 to index
          %get3A_493 = tpu.vector_load %arg7[%get3A_492] {strides = array<i32>} : memref<40960xf32, #tpu.memory_space<vmem>>, vector<16xf32>,
          %add3A_494 = arith.constant 64 : i32
          %add3A_495 = arith.addi %multiple_of3A_409, %add3A_494 : i32
          %add3A_496 = arith.constant 16 : i32
          %add3A_497 = arith.addi %add3A_495, %add3A_496 : i32
          %get3A_498 = arith.index_cast %add3A_497 : i32 to index
          %get3A_499 = tpu.vector_load %arg7[%get3A_498] {strides = array<i32>} : memref<40960xf32, #tpu.memory_space<vmem>>, vector<16xf32>,
          %eq3A_500 = arith.cmpi eq, %squeeze3A_489, %squeeze3A_452 : i32
          %jit3A_501 = arith.constant 0.000000e+00 : f32
          %broadcast_in_dim3A_502 = vector.broadcast %jit3A_501 : f32 to vector<16xf32>
          %select_n3A_503 = arith.select %eq3A_500, %max3A_467, %broadcast_in_dim3A_502 : vector<16xf32>
          %max3A_504 = arith.maximumf %get3A_493, %select_n3A_503 : vector<16xf32>
          %jit3A_505 = arith.constant 0.000000e+00 : f32
          %broadcast_in_dim3A_506 = vector.broadcast %jit3A_505 : f32 to vector<16xf32>
          %select_n3A_507 = arith.select %eq3A_500, %max3A_471, %broadcast_in_dim3A_506 : vector<16xf32>
          %max3A_508 = arith.maximumf %get3A_499, %select_n3A_507 : vector<16xf32>
          %ge3A_509 = arith.cmpi sge, %squeeze3A_489, %mul3A_8 : i32
          %add3A_510 = arith.constant 1564 : i32
          %add3A_511 = arith.addi %mul3A_8, %add3A_510 : i32
          %lt3A_512 = arith.cmpi slt, %squeeze3A_489, %add3A_511 : i32
          %and3A_513 = arith.andi %ge3A_509, %lt3A_512 : i1
          %sub3A_514 = arith.subi %squeeze3A_489, %mul3A_8 : i32
          %jit3A_515 = arith.constant 1567 : i32
          %select_n3A_516 = arith.select %and3A_513, %sub3A_514, %jit3A_515 : i32
          %mul3A_517 = arith.constant 32 : i32
          %mul3A_518 = arith.muli %select_n3A_516, %mul3A_517 : i32
          %swap3A_519 = arith.index_cast %mul3A_518 : i32 to index
          %swap3A_520 = tpu.vector_load %arg12[%swap3A_519] {strides = array<i32>} : memref<50176xf32, #tpu.memory_space<vmem>>, vector<16xf32>,
          tpu.vector_store %arg12[%swap3A_519], %max3A_504 {strides = array<i32>} : memref<50176xf32, #tpu.memory_space<vmem>>, vector<16xf32>,
          %add3A_521 = arith.constant 16 : i32
          %add3A_522 = arith.addi %mul3A_518, %add3A_521 : i32
          %swap3A_523 = arith.index_cast %add3A_522 : i32 to index
          %swap3A_524 = tpu.vector_load %arg12[%swap3A_523] {strides = array<i32>} : memref<50176xf32, #tpu.memory_space<vmem>>, vector<16xf32>,
          tpu.vector_store %arg12[%swap3A_523], %max3A_508 {strides = array<i32>} : memref<50176xf32, #tpu.memory_space<vmem>>, vector<16xf32>,
          %slice3A_525 = vector.extract_strided_slice %get3A_406 {offsets = [3], sizes = [1], strides = [1]} : vector<16xi32> to vector<1xi32>
          %squeeze3A_526 = vector.extract %slice3A_525[0] : i32 from vector<1xi32>
          %add3A_527 = arith.constant 96 : i32
          %add3A_528 = arith.addi %multiple_of3A_409, %add3A_527 : i32
          %get3A_529 = arith.index_cast %add3A_528 : i32 to index
          %get3A_530 = tpu.vector_load %arg7[%get3A_529] {strides = array<i32>} : memref<40960xf32, #tpu.memory_space<vmem>>, vector<16xf32>,
          %add3A_531 = arith.constant 96 : i32
          %add3A_532 = arith.addi %multiple_of3A_409, %add3A_531 : i32
          %add3A_533 = arith.constant 16 : i32
          %add3A_534 = arith.addi %add3A_532, %add3A_533 : i32
          %get3A_535 = arith.index_cast %add3A_534 : i32 to index
          %get3A_536 = tpu.vector_load %arg7[%get3A_535] {strides = array<i32>} : memref<40960xf32, #tpu.memory_space<vmem>>, vector<16xf32>,
          %eq3A_537 = arith.cmpi eq, %squeeze3A_526, %squeeze3A_489 : i32
          %jit3A_538 = arith.constant 0.000000e+00 : f32
          %broadcast_in_dim3A_539 = vector.broadcast %jit3A_538 : f32 to vector<16xf32>
          %select_n3A_540 = arith.select %eq3A_537, %max3A_504, %broadcast_in_dim3A_539 : vector<16xf32>
          %max3A_541 = arith.maximumf %get3A_530, %select_n3A_540 : vector<16xf32>
          %jit3A_542 = arith.constant 0.000000e+00 : f32
          %broadcast_in_dim3A_543 = vector.broadcast %jit3A_542 : f32 to vector<16xf32>
          %select_n3A_544 = arith.select %eq3A_537, %max3A_508, %broadcast_in_dim3A_543 : vector<16xf32>
          %max3A_545 = arith.maximumf %get3A_536, %select_n3A_544 : vector<16xf32>
          %ge3A_546 = arith.cmpi sge, %squeeze3A_526, %mul3A_8 : i32
          %add3A_547 = arith.constant 1564 : i32
          %add3A_548 = arith.addi %mul3A_8, %add3A_547 : i32
          %lt3A_549 = arith.cmpi slt, %squeeze3A_526, %add3A_548 : i32
          %and3A_550 = arith.andi %ge3A_546, %lt3A_549 : i1
          %sub3A_551 = arith.subi %squeeze3A_526, %mul3A_8 : i32
          %jit3A_552 = arith.constant 1567 : i32
          %select_n3A_553 = arith.select %and3A_550, %sub3A_551, %jit3A_552 : i32
          %mul3A_554 = arith.constant 32 : i32
          %mul3A_555 = arith.muli %select_n3A_553, %mul3A_554 : i32
          %swap3A_556 = arith.index_cast %mul3A_555 : i32 to index
          %swap3A_557 = tpu.vector_load %arg12[%swap3A_556] {strides = array<i32>} : memref<50176xf32, #tpu.memory_space<vmem>>, vector<16xf32>,
          tpu.vector_store %arg12[%swap3A_556], %max3A_541 {strides = array<i32>} : memref<50176xf32, #tpu.memory_space<vmem>>, vector<16xf32>,
          %add3A_558 = arith.constant 16 : i32
          %add3A_559 = arith.addi %mul3A_555, %add3A_558 : i32
          %swap3A_560 = arith.index_cast %add3A_559 : i32 to index
          %swap3A_561 = tpu.vector_load %arg12[%swap3A_560] {strides = array<i32>} : memref<50176xf32, #tpu.memory_space<vmem>>, vector<16xf32>,
          tpu.vector_store %arg12[%swap3A_560], %max3A_545 {strides = array<i32>} : memref<50176xf32, #tpu.memory_space<vmem>>, vector<16xf32>,
          %slice3A_562 = vector.extract_strided_slice %get3A_406 {offsets = [4], sizes = [1], strides = [1]} : vector<16xi32> to vector<1xi32>
          %squeeze3A_563 = vector.extract %slice3A_562[0] : i32 from vector<1xi32>
          %add3A_564 = arith.constant 128 : i32
          %add3A_565 = arith.addi %multiple_of3A_409, %add3A_564 : i32
          %get3A_566 = arith.index_cast %add3A_565 : i32 to index
          %get3A_567 = tpu.vector_load %arg7[%get3A_566] {strides = array<i32>} : memref<40960xf32, #tpu.memory_space<vmem>>, vector<16xf32>,
          %add3A_568 = arith.constant 128 : i32
          %add3A_569 = arith.addi %multiple_of3A_409, %add3A_568 : i32
          %add3A_570 = arith.constant 16 : i32
          %add3A_571 = arith.addi %add3A_569, %add3A_570 : i32
          %get3A_572 = arith.index_cast %add3A_571 : i32 to index
          %get3A_573 = tpu.vector_load %arg7[%get3A_572] {strides = array<i32>} : memref<40960xf32, #tpu.memory_space<vmem>>, vector<16xf32>,
          %eq3A_574 = arith.cmpi eq, %squeeze3A_563, %squeeze3A_526 : i32
          %jit3A_575 = arith.constant 0.000000e+00 : f32
          %broadcast_in_dim3A_576 = vector.broadcast %jit3A_575 : f32 to vector<16xf32>
          %select_n3A_577 = arith.select %eq3A_574, %max3A_541, %broadcast_in_dim3A_576 : vector<16xf32>
          %max3A_578 = arith.maximumf %get3A_567, %select_n3A_577 : vector<16xf32>
          %jit3A_579 = arith.constant 0.000000e+00 : f32
          %broadcast_in_dim3A_580 = vector.broadcast %jit3A_579 : f32 to vector<16xf32>
          %select_n3A_581 = arith.select %eq3A_574, %max3A_545, %broadcast_in_dim3A_580 : vector<16xf32>
          %max3A_582 = arith.maximumf %get3A_573, %select_n3A_581 : vector<16xf32>
          %ge3A_583 = arith.cmpi sge, %squeeze3A_563, %mul3A_8 : i32
          %add3A_584 = arith.constant 1564 : i32
          %add3A_585 = arith.addi %mul3A_8, %add3A_584 : i32
          %lt3A_586 = arith.cmpi slt, %squeeze3A_563, %add3A_585 : i32
          %and3A_587 = arith.andi %ge3A_583, %lt3A_586 : i1
          %sub3A_588 = arith.subi %squeeze3A_563, %mul3A_8 : i32
          %jit3A_589 = arith.constant 1567 : i32
          %select_n3A_590 = arith.select %and3A_587, %sub3A_588, %jit3A_589 : i32
          %mul3A_591 = arith.constant 32 : i32
          %mul3A_592 = arith.muli %select_n3A_590, %mul3A_591 : i32
          %swap3A_593 = arith.index_cast %mul3A_592 : i32 to index
          %swap3A_594 = tpu.vector_load %arg12[%swap3A_593] {strides = array<i32>} : memref<50176xf32, #tpu.memory_space<vmem>>, vector<16xf32>,
          tpu.vector_store %arg12[%swap3A_593], %max3A_578 {strides = array<i32>} : memref<50176xf32, #tpu.memory_space<vmem>>, vector<16xf32>,
          %add3A_595 = arith.constant 16 : i32
          %add3A_596 = arith.addi %mul3A_592, %add3A_595 : i32
          %swap3A_597 = arith.index_cast %add3A_596 : i32 to index
          %swap3A_598 = tpu.vector_load %arg12[%swap3A_597] {strides = array<i32>} : memref<50176xf32, #tpu.memory_space<vmem>>, vector<16xf32>,
          tpu.vector_store %arg12[%swap3A_597], %max3A_582 {strides = array<i32>} : memref<50176xf32, #tpu.memory_space<vmem>>, vector<16xf32>,
          %slice3A_599 = vector.extract_strided_slice %get3A_406 {offsets = [5], sizes = [1], strides = [1]} : vector<16xi32> to vector<1xi32>
          %squeeze3A_600 = vector.extract %slice3A_599[0] : i32 from vector<1xi32>
          %add3A_601 = arith.constant 160 : i32
          %add3A_602 = arith.addi %multiple_of3A_409, %add3A_601 : i32
          %get3A_603 = arith.index_cast %add3A_602 : i32 to index
          %get3A_604 = tpu.vector_load %arg7[%get3A_603] {strides = array<i32>} : memref<40960xf32, #tpu.memory_space<vmem>>, vector<16xf32>,
          %add3A_605 = arith.constant 160 : i32
          %add3A_606 = arith.addi %multiple_of3A_409, %add3A_605 : i32
          %add3A_607 = arith.constant 16 : i32
          %add3A_608 = arith.addi %add3A_606, %add3A_607 : i32
          %get3A_609 = arith.index_cast %add3A_608 : i32 to index
          %get3A_610 = tpu.vector_load %arg7[%get3A_609] {strides = array<i32>} : memref<40960xf32, #tpu.memory_space<vmem>>, vector<16xf32>,
          %eq3A_611 = arith.cmpi eq, %squeeze3A_600, %squeeze3A_563 : i32
          %jit3A_612 = arith.constant 0.000000e+00 : f32
          %broadcast_in_dim3A_613 = vector.broadcast %jit3A_612 : f32 to vector<16xf32>
          %select_n3A_614 = arith.select %eq3A_611, %max3A_578, %broadcast_in_dim3A_613 : vector<16xf32>
          %max3A_615 = arith.maximumf %get3A_604, %select_n3A_614 : vector<16xf32>
          %jit3A_616 = arith.constant 0.000000e+00 : f32
          %broadcast_in_dim3A_617 = vector.broadcast %jit3A_616 : f32 to vector<16xf32>
          %select_n3A_618 = arith.select %eq3A_611, %max3A_582, %broadcast_in_dim3A_617 : vector<16xf32>
          %max3A_619 = arith.maximumf %get3A_610, %select_n3A_618 : vector<16xf32>
          %ge3A_620 = arith.cmpi sge, %squeeze3A_600, %mul3A_8 : i32
          %add3A_621 = arith.constant 1564 : i32
          %add3A_622 = arith.addi %mul3A_8, %add3A_621 : i32
          %lt3A_623 = arith.cmpi slt, %squeeze3A_600, %add3A_622 : i32
          %and3A_624 = arith.andi %ge3A_620, %lt3A_623 : i1
          %sub3A_625 = arith.subi %squeeze3A_600, %mul3A_8 : i32
          %jit3A_626 = arith.constant 1567 : i32
          %select_n3A_627 = arith.select %and3A_624, %sub3A_625, %jit3A_626 : i32
          %mul3A_628 = arith.constant 32 : i32
          %mul3A_629 = arith.muli %select_n3A_627, %mul3A_628 : i32
          %swap3A_630 = arith.index_cast %mul3A_629 : i32 to index
          %swap3A_631 = tpu.vector_load %arg12[%swap3A_630] {strides = array<i32>} : memref<50176xf32, #tpu.memory_space<vmem>>, vector<16xf32>,
          tpu.vector_store %arg12[%swap3A_630], %max3A_615 {strides = array<i32>} : memref<50176xf32, #tpu.memory_space<vmem>>, vector<16xf32>,
          %add3A_632 = arith.constant 16 : i32
          %add3A_633 = arith.addi %mul3A_629, %add3A_632 : i32
          %swap3A_634 = arith.index_cast %add3A_633 : i32 to index
          %swap3A_635 = tpu.vector_load %arg12[%swap3A_634] {strides = array<i32>} : memref<50176xf32, #tpu.memory_space<vmem>>, vector<16xf32>,
          tpu.vector_store %arg12[%swap3A_634], %max3A_619 {strides = array<i32>} : memref<50176xf32, #tpu.memory_space<vmem>>, vector<16xf32>,
          %slice3A_636 = vector.extract_strided_slice %get3A_406 {offsets = [6], sizes = [1], strides = [1]} : vector<16xi32> to vector<1xi32>
          %squeeze3A_637 = vector.extract %slice3A_636[0] : i32 from vector<1xi32>
          %add3A_638 = arith.constant 192 : i32
          %add3A_639 = arith.addi %multiple_of3A_409, %add3A_638 : i32
          %get3A_640 = arith.index_cast %add3A_639 : i32 to index
          %get3A_641 = tpu.vector_load %arg7[%get3A_640] {strides = array<i32>} : memref<40960xf32, #tpu.memory_space<vmem>>, vector<16xf32>,
          %add3A_642 = arith.constant 192 : i32
          %add3A_643 = arith.addi %multiple_of3A_409, %add3A_642 : i32
          %add3A_644 = arith.constant 16 : i32
          %add3A_645 = arith.addi %add3A_643, %add3A_644 : i32
          %get3A_646 = arith.index_cast %add3A_645 : i32 to index
          %get3A_647 = tpu.vector_load %arg7[%get3A_646] {strides = array<i32>} : memref<40960xf32, #tpu.memory_space<vmem>>, vector<16xf32>,
          %eq3A_648 = arith.cmpi eq, %squeeze3A_637, %squeeze3A_600 : i32
          %jit3A_649 = arith.constant 0.000000e+00 : f32
          %broadcast_in_dim3A_650 = vector.broadcast %jit3A_649 : f32 to vector<16xf32>
          %select_n3A_651 = arith.select %eq3A_648, %max3A_615, %broadcast_in_dim3A_650 : vector<16xf32>
          %max3A_652 = arith.maximumf %get3A_641, %select_n3A_651 : vector<16xf32>
          %jit3A_653 = arith.constant 0.000000e+00 : f32
          %broadcast_in_dim3A_654 = vector.broadcast %jit3A_653 : f32 to vector<16xf32>
          %select_n3A_655 = arith.select %eq3A_648, %max3A_619, %broadcast_in_dim3A_654 : vector<16xf32>
          %max3A_656 = arith.maximumf %get3A_647, %select_n3A_655 : vector<16xf32>
          %ge3A_657 = arith.cmpi sge, %squeeze3A_637, %mul3A_8 : i32
          %add3A_658 = arith.constant 1564 : i32
          %add3A_659 = arith.addi %mul3A_8, %add3A_658 : i32
          %lt3A_660 = arith.cmpi slt, %squeeze3A_637, %add3A_659 : i32
          %and3A_661 = arith.andi %ge3A_657, %lt3A_660 : i1
          %sub3A_662 = arith.subi %squeeze3A_637, %mul3A_8 : i32
          %jit3A_663 = arith.constant 1567 : i32
          %select_n3A_664 = arith.select %and3A_661, %sub3A_662, %jit3A_663 : i32
          %mul3A_665 = arith.constant 32 : i32
          %mul3A_666 = arith.muli %select_n3A_664, %mul3A_665 : i32
          %swap3A_667 = arith.index_cast %mul3A_666 : i32 to index
          %swap3A_668 = tpu.vector_load %arg12[%swap3A_667] {strides = array<i32>} : memref<50176xf32, #tpu.memory_space<vmem>>, vector<16xf32>,
          tpu.vector_store %arg12[%swap3A_667], %max3A_652 {strides = array<i32>} : memref<50176xf32, #tpu.memory_space<vmem>>, vector<16xf32>,
          %add3A_669 = arith.constant 16 : i32
          %add3A_670 = arith.addi %mul3A_666, %add3A_669 : i32
          %swap3A_671 = arith.index_cast %add3A_670 : i32 to index
          %swap3A_672 = tpu.vector_load %arg12[%swap3A_671] {strides = array<i32>} : memref<50176xf32, #tpu.memory_space<vmem>>, vector<16xf32>,
          tpu.vector_store %arg12[%swap3A_671], %max3A_656 {strides = array<i32>} : memref<50176xf32, #tpu.memory_space<vmem>>, vector<16xf32>,
          %slice3A_673 = vector.extract_strided_slice %get3A_406 {offsets = [7], sizes = [1], strides = [1]} : vector<16xi32> to vector<1xi32>
          %squeeze3A_674 = vector.extract %slice3A_673[0] : i32 from vector<1xi32>
          %add3A_675 = arith.constant 224 : i32
          %add3A_676 = arith.addi %multiple_of3A_409, %add3A_675 : i32
          %get3A_677 = arith.index_cast %add3A_676 : i32 to index
          %get3A_678 = tpu.vector_load %arg7[%get3A_677] {strides = array<i32>} : memref<40960xf32, #tpu.memory_space<vmem>>, vector<16xf32>,
          %add3A_679 = arith.constant 224 : i32
          %add3A_680 = arith.addi %multiple_of3A_409, %add3A_679 : i32
          %add3A_681 = arith.constant 16 : i32
          %add3A_682 = arith.addi %add3A_680, %add3A_681 : i32
          %get3A_683 = arith.index_cast %add3A_682 : i32 to index
          %get3A_684 = tpu.vector_load %arg7[%get3A_683] {strides = array<i32>} : memref<40960xf32, #tpu.memory_space<vmem>>, vector<16xf32>,
          %eq3A_685 = arith.cmpi eq, %squeeze3A_674, %squeeze3A_637 : i32
          %jit3A_686 = arith.constant 0.000000e+00 : f32
          %broadcast_in_dim3A_687 = vector.broadcast %jit3A_686 : f32 to vector<16xf32>
          %select_n3A_688 = arith.select %eq3A_685, %max3A_652, %broadcast_in_dim3A_687 : vector<16xf32>
          %max3A_689 = arith.maximumf %get3A_678, %select_n3A_688 : vector<16xf32>
          %jit3A_690 = arith.constant 0.000000e+00 : f32
          %broadcast_in_dim3A_691 = vector.broadcast %jit3A_690 : f32 to vector<16xf32>
          %select_n3A_692 = arith.select %eq3A_685, %max3A_656, %broadcast_in_dim3A_691 : vector<16xf32>
          %max3A_693 = arith.maximumf %get3A_684, %select_n3A_692 : vector<16xf32>
          %ge3A_694 = arith.cmpi sge, %squeeze3A_674, %mul3A_8 : i32
          %add3A_695 = arith.constant 1564 : i32
          %add3A_696 = arith.addi %mul3A_8, %add3A_695 : i32
          %lt3A_697 = arith.cmpi slt, %squeeze3A_674, %add3A_696 : i32
          %and3A_698 = arith.andi %ge3A_694, %lt3A_697 : i1
          %sub3A_699 = arith.subi %squeeze3A_674, %mul3A_8 : i32
          %jit3A_700 = arith.constant 1567 : i32
          %select_n3A_701 = arith.select %and3A_698, %sub3A_699, %jit3A_700 : i32
          %mul3A_702 = arith.constant 32 : i32
          %mul3A_703 = arith.muli %select_n3A_701, %mul3A_702 : i32
          %swap3A_704 = arith.index_cast %mul3A_703 : i32 to index
          %swap3A_705 = tpu.vector_load %arg12[%swap3A_704] {strides = array<i32>} : memref<50176xf32, #tpu.memory_space<vmem>>, vector<16xf32>,
          tpu.vector_store %arg12[%swap3A_704], %max3A_689 {strides = array<i32>} : memref<50176xf32, #tpu.memory_space<vmem>>, vector<16xf32>,
          %add3A_706 = arith.constant 16 : i32
          %add3A_707 = arith.addi %mul3A_703, %add3A_706 : i32
          %swap3A_708 = arith.index_cast %add3A_707 : i32 to index
          %swap3A_709 = tpu.vector_load %arg12[%swap3A_708] {strides = array<i32>} : memref<50176xf32, #tpu.memory_space<vmem>>, vector<16xf32>,
          tpu.vector_store %arg12[%swap3A_708], %max3A_693 {strides = array<i32>} : memref<50176xf32, #tpu.memory_space<vmem>>, vector<16xf32>,
          %slice3A_710 = vector.extract_strided_slice %get3A_406 {offsets = [8], sizes = [1], strides = [1]} : vector<16xi32> to vector<1xi32>
          %squeeze3A_711 = vector.extract %slice3A_710[0] : i32 from vector<1xi32>
          %add3A_712 = arith.constant 256 : i32
          %add3A_713 = arith.addi %multiple_of3A_409, %add3A_712 : i32
          %get3A_714 = arith.index_cast %add3A_713 : i32 to index
          %get3A_715 = tpu.vector_load %arg7[%get3A_714] {strides = array<i32>} : memref<40960xf32, #tpu.memory_space<vmem>>, vector<16xf32>,
          %add3A_716 = arith.constant 256 : i32
          %add3A_717 = arith.addi %multiple_of3A_409, %add3A_716 : i32
          %add3A_718 = arith.constant 16 : i32
          %add3A_719 = arith.addi %add3A_717, %add3A_718 : i32
          %get3A_720 = arith.index_cast %add3A_719 : i32 to index
          %get3A_721 = tpu.vector_load %arg7[%get3A_720] {strides = array<i32>} : memref<40960xf32, #tpu.memory_space<vmem>>, vector<16xf32>,
          %eq3A_722 = arith.cmpi eq, %squeeze3A_711, %squeeze3A_674 : i32
          %jit3A_723 = arith.constant 0.000000e+00 : f32
          %broadcast_in_dim3A_724 = vector.broadcast %jit3A_723 : f32 to vector<16xf32>
          %select_n3A_725 = arith.select %eq3A_722, %max3A_689, %broadcast_in_dim3A_724 : vector<16xf32>
          %max3A_726 = arith.maximumf %get3A_715, %select_n3A_725 : vector<16xf32>
          %jit3A_727 = arith.constant 0.000000e+00 : f32
          %broadcast_in_dim3A_728 = vector.broadcast %jit3A_727 : f32 to vector<16xf32>
          %select_n3A_729 = arith.select %eq3A_722, %max3A_693, %broadcast_in_dim3A_728 : vector<16xf32>
          %max3A_730 = arith.maximumf %get3A_721, %select_n3A_729 : vector<16xf32>
          %ge3A_731 = arith.cmpi sge, %squeeze3A_711, %mul3A_8 : i32
          %add3A_732 = arith.constant 1564 : i32
          %add3A_733 = arith.addi %mul3A_8, %add3A_732 : i32
          %lt3A_734 = arith.cmpi slt, %squeeze3A_711, %add3A_733 : i32
          %and3A_735 = arith.andi %ge3A_731, %lt3A_734 : i1
          %sub3A_736 = arith.subi %squeeze3A_711, %mul3A_8 : i32
          %jit3A_737 = arith.constant 1567 : i32
          %select_n3A_738 = arith.select %and3A_735, %sub3A_736, %jit3A_737 : i32
          %mul3A_739 = arith.constant 32 : i32
          %mul3A_740 = arith.muli %select_n3A_738, %mul3A_739 : i32
          %swap3A_741 = arith.index_cast %mul3A_740 : i32 to index
          %swap3A_742 = tpu.vector_load %arg12[%swap3A_741] {strides = array<i32>} : memref<50176xf32, #tpu.memory_space<vmem>>, vector<16xf32>,
          tpu.vector_store %arg12[%swap3A_741], %max3A_726 {strides = array<i32>} : memref<50176xf32, #tpu.memory_space<vmem>>, vector<16xf32>,
          %add3A_743 = arith.constant 16 : i32
          %add3A_744 = arith.addi %mul3A_740, %add3A_743 : i32
          %swap3A_745 = arith.index_cast %add3A_744 : i32 to index
          %swap3A_746 = tpu.vector_load %arg12[%swap3A_745] {strides = array<i32>} : memref<50176xf32, #tpu.memory_space<vmem>>, vector<16xf32>,
          tpu.vector_store %arg12[%swap3A_745], %max3A_730 {strides = array<i32>} : memref<50176xf32, #tpu.memory_space<vmem>>, vector<16xf32>,
          %slice3A_747 = vector.extract_strided_slice %get3A_406 {offsets = [9], sizes = [1], strides = [1]} : vector<16xi32> to vector<1xi32>
          %squeeze3A_748 = vector.extract %slice3A_747[0] : i32 from vector<1xi32>
          %add3A_749 = arith.constant 288 : i32
          %add3A_750 = arith.addi %multiple_of3A_409, %add3A_749 : i32
          %get3A_751 = arith.index_cast %add3A_750 : i32 to index
          %get3A_752 = tpu.vector_load %arg7[%get3A_751] {strides = array<i32>} : memref<40960xf32, #tpu.memory_space<vmem>>, vector<16xf32>,
          %add3A_753 = arith.constant 288 : i32
          %add3A_754 = arith.addi %multiple_of3A_409, %add3A_753 : i32
          %add3A_755 = arith.constant 16 : i32
          %add3A_756 = arith.addi %add3A_754, %add3A_755 : i32
          %get3A_757 = arith.index_cast %add3A_756 : i32 to index
          %get3A_758 = tpu.vector_load %arg7[%get3A_757] {strides = array<i32>} : memref<40960xf32, #tpu.memory_space<vmem>>, vector<16xf32>,
          %eq3A_759 = arith.cmpi eq, %squeeze3A_748, %squeeze3A_711 : i32
          %jit3A_760 = arith.constant 0.000000e+00 : f32
          %broadcast_in_dim3A_761 = vector.broadcast %jit3A_760 : f32 to vector<16xf32>
          %select_n3A_762 = arith.select %eq3A_759, %max3A_726, %broadcast_in_dim3A_761 : vector<16xf32>
          %max3A_763 = arith.maximumf %get3A_752, %select_n3A_762 : vector<16xf32>
          %jit3A_764 = arith.constant 0.000000e+00 : f32
          %broadcast_in_dim3A_765 = vector.broadcast %jit3A_764 : f32 to vector<16xf32>
          %select_n3A_766 = arith.select %eq3A_759, %max3A_730, %broadcast_in_dim3A_765 : vector<16xf32>
          %max3A_767 = arith.maximumf %get3A_758, %select_n3A_766 : vector<16xf32>
          %ge3A_768 = arith.cmpi sge, %squeeze3A_748, %mul3A_8 : i32
          %add3A_769 = arith.constant 1564 : i32
          %add3A_770 = arith.addi %mul3A_8, %add3A_769 : i32
          %lt3A_771 = arith.cmpi slt, %squeeze3A_748, %add3A_770 : i32
          %and3A_772 = arith.andi %ge3A_768, %lt3A_771 : i1
          %sub3A_773 = arith.subi %squeeze3A_748, %mul3A_8 : i32
          %jit3A_774 = arith.constant 1567 : i32
          %select_n3A_775 = arith.select %and3A_772, %sub3A_773, %jit3A_774 : i32
          %mul3A_776 = arith.constant 32 : i32
          %mul3A_777 = arith.muli %select_n3A_775, %mul3A_776 : i32
          %swap3A_778 = arith.index_cast %mul3A_777 : i32 to index
          %swap3A_779 = tpu.vector_load %arg12[%swap3A_778] {strides = array<i32>} : memref<50176xf32, #tpu.memory_space<vmem>>, vector<16xf32>,
          tpu.vector_store %arg12[%swap3A_778], %max3A_763 {strides = array<i32>} : memref<50176xf32, #tpu.memory_space<vmem>>, vector<16xf32>,
          %add3A_780 = arith.constant 16 : i32
          %add3A_781 = arith.addi %mul3A_777, %add3A_780 : i32
          %swap3A_782 = arith.index_cast %add3A_781 : i32 to index
          %swap3A_783 = tpu.vector_load %arg12[%swap3A_782] {strides = array<i32>} : memref<50176xf32, #tpu.memory_space<vmem>>, vector<16xf32>,
          tpu.vector_store %arg12[%swap3A_782], %max3A_767 {strides = array<i32>} : memref<50176xf32, #tpu.memory_space<vmem>>, vector<16xf32>,
          %slice3A_784 = vector.extract_strided_slice %get3A_406 {offsets = [10], sizes = [1], strides = [1]} : vector<16xi32> to vector<1xi32>
          %squeeze3A_785 = vector.extract %slice3A_784[0] : i32 from vector<1xi32>
          %add3A_786 = arith.constant 320 : i32
          %add3A_787 = arith.addi %multiple_of3A_409, %add3A_786 : i32
          %get3A_788 = arith.index_cast %add3A_787 : i32 to index
          %get3A_789 = tpu.vector_load %arg7[%get3A_788] {strides = array<i32>} : memref<40960xf32, #tpu.memory_space<vmem>>, vector<16xf32>,
          %add3A_790 = arith.constant 320 : i32
          %add3A_791 = arith.addi %multiple_of3A_409, %add3A_790 : i32
          %add3A_792 = arith.constant 16 : i32
          %add3A_793 = arith.addi %add3A_791, %add3A_792 : i32
          %get3A_794 = arith.index_cast %add3A_793 : i32 to index
          %get3A_795 = tpu.vector_load %arg7[%get3A_794] {strides = array<i32>} : memref<40960xf32, #tpu.memory_space<vmem>>, vector<16xf32>,
          %eq3A_796 = arith.cmpi eq, %squeeze3A_785, %squeeze3A_748 : i32
          %jit3A_797 = arith.constant 0.000000e+00 : f32
          %broadcast_in_dim3A_798 = vector.broadcast %jit3A_797 : f32 to vector<16xf32>
          %select_n3A_799 = arith.select %eq3A_796, %max3A_763, %broadcast_in_dim3A_798 : vector<16xf32>
          %max3A_800 = arith.maximumf %get3A_789, %select_n3A_799 : vector<16xf32>
          %jit3A_801 = arith.constant 0.000000e+00 : f32
          %broadcast_in_dim3A_802 = vector.broadcast %jit3A_801 : f32 to vector<16xf32>
          %select_n3A_803 = arith.select %eq3A_796, %max3A_767, %broadcast_in_dim3A_802 : vector<16xf32>
          %max3A_804 = arith.maximumf %get3A_795, %select_n3A_803 : vector<16xf32>
          %ge3A_805 = arith.cmpi sge, %squeeze3A_785, %mul3A_8 : i32
          %add3A_806 = arith.constant 1564 : i32
          %add3A_807 = arith.addi %mul3A_8, %add3A_806 : i32
          %lt3A_808 = arith.cmpi slt, %squeeze3A_785, %add3A_807 : i32
          %and3A_809 = arith.andi %ge3A_805, %lt3A_808 : i1
          %sub3A_810 = arith.subi %squeeze3A_785, %mul3A_8 : i32
          %jit3A_811 = arith.constant 1567 : i32
          %select_n3A_812 = arith.select %and3A_809, %sub3A_810, %jit3A_811 : i32
          %mul3A_813 = arith.constant 32 : i32
          %mul3A_814 = arith.muli %select_n3A_812, %mul3A_813 : i32
          %swap3A_815 = arith.index_cast %mul3A_814 : i32 to index
          %swap3A_816 = tpu.vector_load %arg12[%swap3A_815] {strides = array<i32>} : memref<50176xf32, #tpu.memory_space<vmem>>, vector<16xf32>,
          tpu.vector_store %arg12[%swap3A_815], %max3A_800 {strides = array<i32>} : memref<50176xf32, #tpu.memory_space<vmem>>, vector<16xf32>,
          %add3A_817 = arith.constant 16 : i32
          %add3A_818 = arith.addi %mul3A_814, %add3A_817 : i32
          %swap3A_819 = arith.index_cast %add3A_818 : i32 to index
          %swap3A_820 = tpu.vector_load %arg12[%swap3A_819] {strides = array<i32>} : memref<50176xf32, #tpu.memory_space<vmem>>, vector<16xf32>,
          tpu.vector_store %arg12[%swap3A_819], %max3A_804 {strides = array<i32>} : memref<50176xf32, #tpu.memory_space<vmem>>, vector<16xf32>,
          %slice3A_821 = vector.extract_strided_slice %get3A_406 {offsets = [11], sizes = [1], strides = [1]} : vector<16xi32> to vector<1xi32>
          %squeeze3A_822 = vector.extract %slice3A_821[0] : i32 from vector<1xi32>
          %add3A_823 = arith.constant 352 : i32
          %add3A_824 = arith.addi %multiple_of3A_409, %add3A_823 : i32
          %get3A_825 = arith.index_cast %add3A_824 : i32 to index
          %get3A_826 = tpu.vector_load %arg7[%get3A_825] {strides = array<i32>} : memref<40960xf32, #tpu.memory_space<vmem>>, vector<16xf32>,
          %add3A_827 = arith.constant 352 : i32
          %add3A_828 = arith.addi %multiple_of3A_409, %add3A_827 : i32
          %add3A_829 = arith.constant 16 : i32
          %add3A_830 = arith.addi %add3A_828, %add3A_829 : i32
          %get3A_831 = arith.index_cast %add3A_830 : i32 to index
          %get3A_832 = tpu.vector_load %arg7[%get3A_831] {strides = array<i32>} : memref<40960xf32, #tpu.memory_space<vmem>>, vector<16xf32>,
          %eq3A_833 = arith.cmpi eq, %squeeze3A_822, %squeeze3A_785 : i32
          %jit3A_834 = arith.constant 0.000000e+00 : f32
          %broadcast_in_dim3A_835 = vector.broadcast %jit3A_834 : f32 to vector<16xf32>
          %select_n3A_836 = arith.select %eq3A_833, %max3A_800, %broadcast_in_dim3A_835 : vector<16xf32>
          %max3A_837 = arith.maximumf %get3A_826, %select_n3A_836 : vector<16xf32>
          %jit3A_838 = arith.constant 0.000000e+00 : f32
          %broadcast_in_dim3A_839 = vector.broadcast %jit3A_838 : f32 to vector<16xf32>
          %select_n3A_840 = arith.select %eq3A_833, %max3A_804, %broadcast_in_dim3A_839 : vector<16xf32>
          %max3A_841 = arith.maximumf %get3A_832, %select_n3A_840 : vector<16xf32>
          %ge3A_842 = arith.cmpi sge, %squeeze3A_822, %mul3A_8 : i32
          %add3A_843 = arith.constant 1564 : i32
          %add3A_844 = arith.addi %mul3A_8, %add3A_843 : i32
          %lt3A_845 = arith.cmpi slt, %squeeze3A_822, %add3A_844 : i32
          %and3A_846 = arith.andi %ge3A_842, %lt3A_845 : i1
          %sub3A_847 = arith.subi %squeeze3A_822, %mul3A_8 : i32
          %jit3A_848 = arith.constant 1567 : i32
          %select_n3A_849 = arith.select %and3A_846, %sub3A_847, %jit3A_848 : i32
          %mul3A_850 = arith.constant 32 : i32
          %mul3A_851 = arith.muli %select_n3A_849, %mul3A_850 : i32
          %swap3A_852 = arith.index_cast %mul3A_851 : i32 to index
          %swap3A_853 = tpu.vector_load %arg12[%swap3A_852] {strides = array<i32>} : memref<50176xf32, #tpu.memory_space<vmem>>, vector<16xf32>,
          tpu.vector_store %arg12[%swap3A_852], %max3A_837 {strides = array<i32>} : memref<50176xf32, #tpu.memory_space<vmem>>, vector<16xf32>,
          %add3A_854 = arith.constant 16 : i32
          %add3A_855 = arith.addi %mul3A_851, %add3A_854 : i32
          %swap3A_856 = arith.index_cast %add3A_855 : i32 to index
          %swap3A_857 = tpu.vector_load %arg12[%swap3A_856] {strides = array<i32>} : memref<50176xf32, #tpu.memory_space<vmem>>, vector<16xf32>,
          tpu.vector_store %arg12[%swap3A_856], %max3A_841 {strides = array<i32>} : memref<50176xf32, #tpu.memory_space<vmem>>, vector<16xf32>,
          %slice3A_858 = vector.extract_strided_slice %get3A_406 {offsets = [12], sizes = [1], strides = [1]} : vector<16xi32> to vector<1xi32>
          %squeeze3A_859 = vector.extract %slice3A_858[0] : i32 from vector<1xi32>
          %add3A_860 = arith.constant 384 : i32
          %add3A_861 = arith.addi %multiple_of3A_409, %add3A_860 : i32
          %get3A_862 = arith.index_cast %add3A_861 : i32 to index
          %get3A_863 = tpu.vector_load %arg7[%get3A_862] {strides = array<i32>} : memref<40960xf32, #tpu.memory_space<vmem>>, vector<16xf32>,
          %add3A_864 = arith.constant 384 : i32
          %add3A_865 = arith.addi %multiple_of3A_409, %add3A_864 : i32
          %add3A_866 = arith.constant 16 : i32
          %add3A_867 = arith.addi %add3A_865, %add3A_866 : i32
          %get3A_868 = arith.index_cast %add3A_867 : i32 to index
          %get3A_869 = tpu.vector_load %arg7[%get3A_868] {strides = array<i32>} : memref<40960xf32, #tpu.memory_space<vmem>>, vector<16xf32>,
          %eq3A_870 = arith.cmpi eq, %squeeze3A_859, %squeeze3A_822 : i32
          %jit3A_871 = arith.constant 0.000000e+00 : f32
          %broadcast_in_dim3A_872 = vector.broadcast %jit3A_871 : f32 to vector<16xf32>
          %select_n3A_873 = arith.select %eq3A_870, %max3A_837, %broadcast_in_dim3A_872 : vector<16xf32>
          %max3A_874 = arith.maximumf %get3A_863, %select_n3A_873 : vector<16xf32>
          %jit3A_875 = arith.constant 0.000000e+00 : f32
          %broadcast_in_dim3A_876 = vector.broadcast %jit3A_875 : f32 to vector<16xf32>
          %select_n3A_877 = arith.select %eq3A_870, %max3A_841, %broadcast_in_dim3A_876 : vector<16xf32>
          %max3A_878 = arith.maximumf %get3A_869, %select_n3A_877 : vector<16xf32>
          %ge3A_879 = arith.cmpi sge, %squeeze3A_859, %mul3A_8 : i32
          %add3A_880 = arith.constant 1564 : i32
          %add3A_881 = arith.addi %mul3A_8, %add3A_880 : i32
          %lt3A_882 = arith.cmpi slt, %squeeze3A_859, %add3A_881 : i32
          %and3A_883 = arith.andi %ge3A_879, %lt3A_882 : i1
          %sub3A_884 = arith.subi %squeeze3A_859, %mul3A_8 : i32
          %jit3A_885 = arith.constant 1567 : i32
          %select_n3A_886 = arith.select %and3A_883, %sub3A_884, %jit3A_885 : i32
          %mul3A_887 = arith.constant 32 : i32
          %mul3A_888 = arith.muli %select_n3A_886, %mul3A_887 : i32
          %swap3A_889 = arith.index_cast %mul3A_888 : i32 to index
          %swap3A_890 = tpu.vector_load %arg12[%swap3A_889] {strides = array<i32>} : memref<50176xf32, #tpu.memory_space<vmem>>, vector<16xf32>,
          tpu.vector_store %arg12[%swap3A_889], %max3A_874 {strides = array<i32>} : memref<50176xf32, #tpu.memory_space<vmem>>, vector<16xf32>,
          %add3A_891 = arith.constant 16 : i32
          %add3A_892 = arith.addi %mul3A_888, %add3A_891 : i32
          %swap3A_893 = arith.index_cast %add3A_892 : i32 to index
          %swap3A_894 = tpu.vector_load %arg12[%swap3A_893] {strides = array<i32>} : memref<50176xf32, #tpu.memory_space<vmem>>, vector<16xf32>,
          tpu.vector_store %arg12[%swap3A_893], %max3A_878 {strides = array<i32>} : memref<50176xf32, #tpu.memory_space<vmem>>, vector<16xf32>,
          %slice3A_895 = vector.extract_strided_slice %get3A_406 {offsets = [13], sizes = [1], strides = [1]} : vector<16xi32> to vector<1xi32>
          %squeeze3A_896 = vector.extract %slice3A_895[0] : i32 from vector<1xi32>
          %add3A_897 = arith.constant 416 : i32
          %add3A_898 = arith.addi %multiple_of3A_409, %add3A_897 : i32
          %get3A_899 = arith.index_cast %add3A_898 : i32 to index
          %get3A_900 = tpu.vector_load %arg7[%get3A_899] {strides = array<i32>} : memref<40960xf32, #tpu.memory_space<vmem>>, vector<16xf32>,
          %add3A_901 = arith.constant 416 : i32
          %add3A_902 = arith.addi %multiple_of3A_409, %add3A_901 : i32
          %add3A_903 = arith.constant 16 : i32
          %add3A_904 = arith.addi %add3A_902, %add3A_903 : i32
          %get3A_905 = arith.index_cast %add3A_904 : i32 to index
          %get3A_906 = tpu.vector_load %arg7[%get3A_905] {strides = array<i32>} : memref<40960xf32, #tpu.memory_space<vmem>>, vector<16xf32>,
          %eq3A_907 = arith.cmpi eq, %squeeze3A_896, %squeeze3A_859 : i32
          %jit3A_908 = arith.constant 0.000000e+00 : f32
          %broadcast_in_dim3A_909 = vector.broadcast %jit3A_908 : f32 to vector<16xf32>
          %select_n3A_910 = arith.select %eq3A_907, %max3A_874, %broadcast_in_dim3A_909 : vector<16xf32>
          %max3A_911 = arith.maximumf %get3A_900, %select_n3A_910 : vector<16xf32>
          %jit3A_912 = arith.constant 0.000000e+00 : f32
          %broadcast_in_dim3A_913 = vector.broadcast %jit3A_912 : f32 to vector<16xf32>
          %select_n3A_914 = arith.select %eq3A_907, %max3A_878, %broadcast_in_dim3A_913 : vector<16xf32>
          %max3A_915 = arith.maximumf %get3A_906, %select_n3A_914 : vector<16xf32>
          %ge3A_916 = arith.cmpi sge, %squeeze3A_896, %mul3A_8 : i32
          %add3A_917 = arith.constant 1564 : i32
          %add3A_918 = arith.addi %mul3A_8, %add3A_917 : i32
          %lt3A_919 = arith.cmpi slt, %squeeze3A_896, %add3A_918 : i32
          %and3A_920 = arith.andi %ge3A_916, %lt3A_919 : i1
          %sub3A_921 = arith.subi %squeeze3A_896, %mul3A_8 : i32
          %jit3A_922 = arith.constant 1567 : i32
          %select_n3A_923 = arith.select %and3A_920, %sub3A_921, %jit3A_922 : i32
          %mul3A_924 = arith.constant 32 : i32
          %mul3A_925 = arith.muli %select_n3A_923, %mul3A_924 : i32
          %swap3A_926 = arith.index_cast %mul3A_925 : i32 to index
          %swap3A_927 = tpu.vector_load %arg12[%swap3A_926] {strides = array<i32>} : memref<50176xf32, #tpu.memory_space<vmem>>, vector<16xf32>,
          tpu.vector_store %arg12[%swap3A_926], %max3A_911 {strides = array<i32>} : memref<50176xf32, #tpu.memory_space<vmem>>, vector<16xf32>,
          %add3A_928 = arith.constant 16 : i32
          %add3A_929 = arith.addi %mul3A_925, %add3A_928 : i32
          %swap3A_930 = arith.index_cast %add3A_929 : i32 to index
          %swap3A_931 = tpu.vector_load %arg12[%swap3A_930] {strides = array<i32>} : memref<50176xf32, #tpu.memory_space<vmem>>, vector<16xf32>,
          tpu.vector_store %arg12[%swap3A_930], %max3A_915 {strides = array<i32>} : memref<50176xf32, #tpu.memory_space<vmem>>, vector<16xf32>,
          %slice3A_932 = vector.extract_strided_slice %get3A_406 {offsets = [14], sizes = [1], strides = [1]} : vector<16xi32> to vector<1xi32>
          %squeeze3A_933 = vector.extract %slice3A_932[0] : i32 from vector<1xi32>
          %add3A_934 = arith.constant 448 : i32
          %add3A_935 = arith.addi %multiple_of3A_409, %add3A_934 : i32
          %get3A_936 = arith.index_cast %add3A_935 : i32 to index
          %get3A_937 = tpu.vector_load %arg7[%get3A_936] {strides = array<i32>} : memref<40960xf32, #tpu.memory_space<vmem>>, vector<16xf32>,
          %add3A_938 = arith.constant 448 : i32
          %add3A_939 = arith.addi %multiple_of3A_409, %add3A_938 : i32
          %add3A_940 = arith.constant 16 : i32
          %add3A_941 = arith.addi %add3A_939, %add3A_940 : i32
          %get3A_942 = arith.index_cast %add3A_941 : i32 to index
          %get3A_943 = tpu.vector_load %arg7[%get3A_942] {strides = array<i32>} : memref<40960xf32, #tpu.memory_space<vmem>>, vector<16xf32>,
          %eq3A_944 = arith.cmpi eq, %squeeze3A_933, %squeeze3A_896 : i32
          %jit3A_945 = arith.constant 0.000000e+00 : f32
          %broadcast_in_dim3A_946 = vector.broadcast %jit3A_945 : f32 to vector<16xf32>
          %select_n3A_947 = arith.select %eq3A_944, %max3A_911, %broadcast_in_dim3A_946 : vector<16xf32>
          %max3A_948 = arith.maximumf %get3A_937, %select_n3A_947 : vector<16xf32>
          %jit3A_949 = arith.constant 0.000000e+00 : f32
          %broadcast_in_dim3A_950 = vector.broadcast %jit3A_949 : f32 to vector<16xf32>
          %select_n3A_951 = arith.select %eq3A_944, %max3A_915, %broadcast_in_dim3A_950 : vector<16xf32>
          %max3A_952 = arith.maximumf %get3A_943, %select_n3A_951 : vector<16xf32>
          %ge3A_953 = arith.cmpi sge, %squeeze3A_933, %mul3A_8 : i32
          %add3A_954 = arith.constant 1564 : i32
          %add3A_955 = arith.addi %mul3A_8, %add3A_954 : i32
          %lt3A_956 = arith.cmpi slt, %squeeze3A_933, %add3A_955 : i32
          %and3A_957 = arith.andi %ge3A_953, %lt3A_956 : i1
          %sub3A_958 = arith.subi %squeeze3A_933, %mul3A_8 : i32
          %jit3A_959 = arith.constant 1567 : i32
          %select_n3A_960 = arith.select %and3A_957, %sub3A_958, %jit3A_959 : i32
          %mul3A_961 = arith.constant 32 : i32
          %mul3A_962 = arith.muli %select_n3A_960, %mul3A_961 : i32
          %swap3A_963 = arith.index_cast %mul3A_962 : i32 to index
          %swap3A_964 = tpu.vector_load %arg12[%swap3A_963] {strides = array<i32>} : memref<50176xf32, #tpu.memory_space<vmem>>, vector<16xf32>,
          tpu.vector_store %arg12[%swap3A_963], %max3A_948 {strides = array<i32>} : memref<50176xf32, #tpu.memory_space<vmem>>, vector<16xf32>,
          %add3A_965 = arith.constant 16 : i32
          %add3A_966 = arith.addi %mul3A_962, %add3A_965 : i32
          %swap3A_967 = arith.index_cast %add3A_966 : i32 to index
          %swap3A_968 = tpu.vector_load %arg12[%swap3A_967] {strides = array<i32>} : memref<50176xf32, #tpu.memory_space<vmem>>, vector<16xf32>,
          tpu.vector_store %arg12[%swap3A_967], %max3A_952 {strides = array<i32>} : memref<50176xf32, #tpu.memory_space<vmem>>, vector<16xf32>,
          %slice3A_969 = vector.extract_strided_slice %get3A_406 {offsets = [15], sizes = [1], strides = [1]} : vector<16xi32> to vector<1xi32>
          %squeeze3A_970 = vector.extract %slice3A_969[0] : i32 from vector<1xi32>
          %add3A_971 = arith.constant 480 : i32
          %add3A_972 = arith.addi %multiple_of3A_409, %add3A_971 : i32
          %get3A_973 = arith.index_cast %add3A_972 : i32 to index
          %get3A_974 = tpu.vector_load %arg7[%get3A_973] {strides = array<i32>} : memref<40960xf32, #tpu.memory_space<vmem>>, vector<16xf32>,
          %add3A_975 = arith.constant 480 : i32
          %add3A_976 = arith.addi %multiple_of3A_409, %add3A_975 : i32
          %add3A_977 = arith.constant 16 : i32
          %add3A_978 = arith.addi %add3A_976, %add3A_977 : i32
          %get3A_979 = arith.index_cast %add3A_978 : i32 to index
          %get3A_980 = tpu.vector_load %arg7[%get3A_979] {strides = array<i32>} : memref<40960xf32, #tpu.memory_space<vmem>>, vector<16xf32>,
          %eq3A_981 = arith.cmpi eq, %squeeze3A_970, %squeeze3A_933 : i32
          %jit3A_982 = arith.constant 0.000000e+00 : f32
          %broadcast_in_dim3A_983 = vector.broadcast %jit3A_982 : f32 to vector<16xf32>
          %select_n3A_984 = arith.select %eq3A_981, %max3A_948, %broadcast_in_dim3A_983 : vector<16xf32>
          %max3A_985 = arith.maximumf %get3A_974, %select_n3A_984 : vector<16xf32>
          %jit3A_986 = arith.constant 0.000000e+00 : f32
          %broadcast_in_dim3A_987 = vector.broadcast %jit3A_986 : f32 to vector<16xf32>
          %select_n3A_988 = arith.select %eq3A_981, %max3A_952, %broadcast_in_dim3A_987 : vector<16xf32>
          %max3A_989 = arith.maximumf %get3A_980, %select_n3A_988 : vector<16xf32>
          %ge3A_990 = arith.cmpi sge, %squeeze3A_970, %mul3A_8 : i32
          %add3A_991 = arith.constant 1564 : i32
          %add3A_992 = arith.addi %mul3A_8, %add3A_991 : i32
          %lt3A_993 = arith.cmpi slt, %squeeze3A_970, %add3A_992 : i32
          %and3A_994 = arith.andi %ge3A_990, %lt3A_993 : i1
          %sub3A_995 = arith.subi %squeeze3A_970, %mul3A_8 : i32
          %jit3A_996 = arith.constant 1567 : i32
          %select_n3A_997 = arith.select %and3A_994, %sub3A_995, %jit3A_996 : i32
          %mul3A_998 = arith.constant 32 : i32
          %mul3A_999 = arith.muli %select_n3A_997, %mul3A_998 : i32
          %swap3A_1000 = arith.index_cast %mul3A_999 : i32 to index
          %swap3A_1001 = tpu.vector_load %arg12[%swap3A_1000] {strides = array<i32>} : memref<50176xf32, #tpu.memory_space<vmem>>, vector<16xf32>,
          tpu.vector_store %arg12[%swap3A_1000], %max3A_985 {strides = array<i32>} : memref<50176xf32, #tpu.memory_space<vmem>>, vector<16xf32>,
          %add3A_1002 = arith.constant 16 : i32
          %add3A_1003 = arith.addi %mul3A_999, %add3A_1002 : i32
          %swap3A_1004 = arith.index_cast %add3A_1003 : i32 to index
          %swap3A_1005 = tpu.vector_load %arg12[%swap3A_1004] {strides = array<i32>} : memref<50176xf32, #tpu.memory_space<vmem>>, vector<16xf32>,
          tpu.vector_store %arg12[%swap3A_1004], %max3A_989 {strides = array<i32>} : memref<50176xf32, #tpu.memory_space<vmem>>, vector<16xf32>,
          scf.yield %squeeze3A_970, %max3A_985, %max3A_989 : i32, vector<16xf32>, vector<16xf32>
        }
        scf.yield %cond3A_415#0, %cond3A_415#1, %cond3A_415#2 : i32, vector<16xf32>, vector<16xf32>
      }
      %while3A_396 = arith.constant 1 : i32
      %while3A_397:3 = scf.for %while3A_398 = %while3A_393 to %while3A_389 step %while3A_396 iter_args(%while3A_399 = %while3A_395#0, %while3A_400 = %while3A_395#1, %while3A_401 = %while3A_395#2) -> (i32, vector<16xf32>, vector<16xf32>)  : i32 {
        %mul3A_402 = arith.constant 16 : i32
        %mul3A_403 = arith.muli %while3A_398, %mul3A_402 : i32
        %multiple_of3A_404 = tpu.assume_multiple %mul3A_403, 16 : i32
        %get3A_405 = arith.index_cast %multiple_of3A_404 : i32 to index
        %get3A_406 = tpu.vector_load %arg8[%get3A_405] {strides = array<i32>} : memref<1280xi32, #tpu.memory_space<vmem>>, vector<16xi32>,
        %mul3A_407 = arith.constant 512 : i32
        %mul3A_408 = arith.muli %while3A_398, %mul3A_407 : i32
        %multiple_of3A_409 = tpu.assume_multiple %mul3A_408, 512 : i32
        %slice3A_410 = vector.extract_strided_slice %get3A_406 {offsets = [0], sizes = [1], strides = [1]} : vector<16xi32> to vector<1xi32>
        %squeeze3A_411 = vector.extract %slice3A_410[0] : i32 from vector<1xi32>
        %slice3A_412 = vector.extract_strided_slice %get3A_406 {offsets = [15], sizes = [1], strides = [1]} : vector<16xi32> to vector<1xi32>
        %squeeze3A_413 = vector.extract %slice3A_412[0] : i32 from vector<1xi32>
        %eq3A = arith.cmpi eq, %squeeze3A_411, %squeeze3A_413 : i32
        %convert_element_type3A = arith.extui %eq3A : i1 to i32
        %cond3A = arith.constant 0 : i32
        %cond3A_414 = arith.cmpi ne, %convert_element_type3A, %cond3A : i32
        %cond3A_415:3 = scf.if %cond3A_414 -> (i32, vector<16xf32>, vector<16xf32>) {
          %add3A_416 = arith.constant 0 : i32
          %add3A_417 = arith.addi %multiple_of3A_409, %add3A_416 : i32
          %get3A_418 = arith.index_cast %add3A_417 : i32 to index
          %get3A_419 = tpu.vector_load %arg7[%get3A_418] {strides = array<i32>} : memref<40960xf32, #tpu.memory_space<vmem>>, vector<16xf32>,
          %add3A_420 = arith.constant 256 : i32
          %add3A_421 = arith.addi %multiple_of3A_409, %add3A_420 : i32
          %get3A_422 = arith.index_cast %add3A_421 : i32 to index
          %get3A_423 = tpu.vector_load %arg7[%get3A_422] {strides = array<i32>} : memref<40960xf32, #tpu.memory_space<vmem>>, vector<16xf32>,
          %max3A_424 = arith.maximumf %get3A_419, %get3A_423 : vector<16xf32>
          %add3A_425 = arith.constant 32 : i32
          %add3A_426 = arith.addi %multiple_of3A_409, %add3A_425 : i32
          %get3A_427 = arith.index_cast %add3A_426 : i32 to index
          %get3A_428 = tpu.vector_load %arg7[%get3A_427] {strides = array<i32>} : memref<40960xf32, #tpu.memory_space<vmem>>, vector<16xf32>,
          %add3A_429 = arith.constant 288 : i32
          %add3A_430 = arith.addi %multiple_of3A_409, %add3A_429 : i32
          %get3A_431 = arith.index_cast %add3A_430 : i32 to index
          %get3A_432 = tpu.vector_load %arg7[%get3A_431] {strides = array<i32>} : memref<40960xf32, #tpu.memory_space<vmem>>, vector<16xf32>,
          %max3A_433 = arith.maximumf %get3A_428, %get3A_432 : vector<16xf32>
          %add3A_434 = arith.constant 64 : i32
          %add3A_435 = arith.addi %multiple_of3A_409, %add3A_434 : i32
          %get3A_436 = arith.index_cast %add3A_435 : i32 to index
          %get3A_437 = tpu.vector_load %arg7[%get3A_436] {strides = array<i32>} : memref<40960xf32, #tpu.memory_space<vmem>>, vector<16xf32>,
          %add3A_438 = arith.constant 320 : i32
          %add3A_439 = arith.addi %multiple_of3A_409, %add3A_438 : i32
          %get3A_440 = arith.index_cast %add3A_439 : i32 to index
          %get3A_441 = tpu.vector_load %arg7[%get3A_440] {strides = array<i32>} : memref<40960xf32, #tpu.memory_space<vmem>>, vector<16xf32>,
          %max3A_442 = arith.maximumf %get3A_437, %get3A_441 : vector<16xf32>
          %add3A_443 = arith.constant 96 : i32
          %add3A_444 = arith.addi %multiple_of3A_409, %add3A_443 : i32
          %get3A_445 = arith.index_cast %add3A_444 : i32 to index
          %get3A_446 = tpu.vector_load %arg7[%get3A_445] {strides = array<i32>} : memref<40960xf32, #tpu.memory_space<vmem>>, vector<16xf32>,
          %add3A_447 = arith.constant 352 : i32
          %add3A_448 = arith.addi %multiple_of3A_409, %add3A_447 : i32
          %get3A_449 = arith.index_cast %add3A_448 : i32 to index
          %get3A_450 = tpu.vector_load %arg7[%get3A_449] {strides = array<i32>} : memref<40960xf32, #tpu.memory_space<vmem>>, vector<16xf32>,
          %max3A_451 = arith.maximumf %get3A_446, %get3A_450 : vector<16xf32>
          %add3A_452 = arith.constant 128 : i32
          %add3A_453 = arith.addi %multiple_of3A_409, %add3A_452 : i32
          %get3A_454 = arith.index_cast %add3A_453 : i32 to index
          %get3A_455 = tpu.vector_load %arg7[%get3A_454] {strides = array<i32>} : memref<40960xf32, #tpu.memory_space<vmem>>, vector<16xf32>,
          %add3A_456 = arith.constant 384 : i32
          %add3A_457 = arith.addi %multiple_of3A_409, %add3A_456 : i32
          %get3A_458 = arith.index_cast %add3A_457 : i32 to index
          %get3A_459 = tpu.vector_load %arg7[%get3A_458] {strides = array<i32>} : memref<40960xf32, #tpu.memory_space<vmem>>, vector<16xf32>,
          %max3A_460 = arith.maximumf %get3A_455, %get3A_459 : vector<16xf32>
          %add3A_461 = arith.constant 160 : i32
          %add3A_462 = arith.addi %multiple_of3A_409, %add3A_461 : i32
          %get3A_463 = arith.index_cast %add3A_462 : i32 to index
          %get3A_464 = tpu.vector_load %arg7[%get3A_463] {strides = array<i32>} : memref<40960xf32, #tpu.memory_space<vmem>>, vector<16xf32>,
          %add3A_465 = arith.constant 416 : i32
          %add3A_466 = arith.addi %multiple_of3A_409, %add3A_465 : i32
          %get3A_467 = arith.index_cast %add3A_466 : i32 to index
          %get3A_468 = tpu.vector_load %arg7[%get3A_467] {strides = array<i32>} : memref<40960xf32, #tpu.memory_space<vmem>>, vector<16xf32>,
          %max3A_469 = arith.maximumf %get3A_464, %get3A_468 : vector<16xf32>
          %add3A_470 = arith.constant 192 : i32
          %add3A_471 = arith.addi %multiple_of3A_409, %add3A_470 : i32
          %get3A_472 = arith.index_cast %add3A_471 : i32 to index
          %get3A_473 = tpu.vector_load %arg7[%get3A_472] {strides = array<i32>} : memref<40960xf32, #tpu.memory_space<vmem>>, vector<16xf32>,
          %add3A_474 = arith.constant 448 : i32
          %add3A_475 = arith.addi %multiple_of3A_409, %add3A_474 : i32
          %get3A_476 = arith.index_cast %add3A_475 : i32 to index
          %get3A_477 = tpu.vector_load %arg7[%get3A_476] {strides = array<i32>} : memref<40960xf32, #tpu.memory_space<vmem>>, vector<16xf32>,
          %max3A_478 = arith.maximumf %get3A_473, %get3A_477 : vector<16xf32>
          %add3A_479 = arith.constant 224 : i32
          %add3A_480 = arith.addi %multiple_of3A_409, %add3A_479 : i32
          %get3A_481 = arith.index_cast %add3A_480 : i32 to index
          %get3A_482 = tpu.vector_load %arg7[%get3A_481] {strides = array<i32>} : memref<40960xf32, #tpu.memory_space<vmem>>, vector<16xf32>,
          %add3A_483 = arith.constant 480 : i32
          %add3A_484 = arith.addi %multiple_of3A_409, %add3A_483 : i32
          %get3A_485 = arith.index_cast %add3A_484 : i32 to index
          %get3A_486 = tpu.vector_load %arg7[%get3A_485] {strides = array<i32>} : memref<40960xf32, #tpu.memory_space<vmem>>, vector<16xf32>,
          %max3A_487 = arith.maximumf %get3A_482, %get3A_486 : vector<16xf32>
          %add3A_488 = arith.constant 0 : i32
          %add3A_489 = arith.addi %multiple_of3A_409, %add3A_488 : i32
          %add3A_490 = arith.constant 16 : i32
          %add3A_491 = arith.addi %add3A_489, %add3A_490 : i32
          %get3A_492 = arith.index_cast %add3A_491 : i32 to index
          %get3A_493 = tpu.vector_load %arg7[%get3A_492] {strides = array<i32>} : memref<40960xf32, #tpu.memory_space<vmem>>, vector<16xf32>,
          %add3A_494 = arith.constant 256 : i32
          %add3A_495 = arith.addi %multiple_of3A_409, %add3A_494 : i32
          %add3A_496 = arith.constant 16 : i32
          %add3A_497 = arith.addi %add3A_495, %add3A_496 : i32
          %get3A_498 = arith.index_cast %add3A_497 : i32 to index
          %get3A_499 = tpu.vector_load %arg7[%get3A_498] {strides = array<i32>} : memref<40960xf32, #tpu.memory_space<vmem>>, vector<16xf32>,
          %max3A_500 = arith.maximumf %get3A_493, %get3A_499 : vector<16xf32>
          %add3A_501 = arith.constant 32 : i32
          %add3A_502 = arith.addi %multiple_of3A_409, %add3A_501 : i32
          %add3A_503 = arith.constant 16 : i32
          %add3A_504 = arith.addi %add3A_502, %add3A_503 : i32
          %get3A_505 = arith.index_cast %add3A_504 : i32 to index
          %get3A_506 = tpu.vector_load %arg7[%get3A_505] {strides = array<i32>} : memref<40960xf32, #tpu.memory_space<vmem>>, vector<16xf32>,
          %add3A_507 = arith.constant 288 : i32
          %add3A_508 = arith.addi %multiple_of3A_409, %add3A_507 : i32
          %add3A_509 = arith.constant 16 : i32
          %add3A_510 = arith.addi %add3A_508, %add3A_509 : i32
          %get3A_511 = arith.index_cast %add3A_510 : i32 to index
          %get3A_512 = tpu.vector_load %arg7[%get3A_511] {strides = array<i32>} : memref<40960xf32, #tpu.memory_space<vmem>>, vector<16xf32>,
          %max3A_513 = arith.maximumf %get3A_506, %get3A_512 : vector<16xf32>
          %add3A_514 = arith.constant 64 : i32
          %add3A_515 = arith.addi %multiple_of3A_409, %add3A_514 : i32
          %add3A_516 = arith.constant 16 : i32
          %add3A_517 = arith.addi %add3A_515, %add3A_516 : i32
          %get3A_518 = arith.index_cast %add3A_517 : i32 to index
          %get3A_519 = tpu.vector_load %arg7[%get3A_518] {strides = array<i32>} : memref<40960xf32, #tpu.memory_space<vmem>>, vector<16xf32>,
          %add3A_520 = arith.constant 320 : i32
          %add3A_521 = arith.addi %multiple_of3A_409, %add3A_520 : i32
          %add3A_522 = arith.constant 16 : i32
          %add3A_523 = arith.addi %add3A_521, %add3A_522 : i32
          %get3A_524 = arith.index_cast %add3A_523 : i32 to index
          %get3A_525 = tpu.vector_load %arg7[%get3A_524] {strides = array<i32>} : memref<40960xf32, #tpu.memory_space<vmem>>, vector<16xf32>,
          %max3A_526 = arith.maximumf %get3A_519, %get3A_525 : vector<16xf32>
          %add3A_527 = arith.constant 96 : i32
          %add3A_528 = arith.addi %multiple_of3A_409, %add3A_527 : i32
          %add3A_529 = arith.constant 16 : i32
          %add3A_530 = arith.addi %add3A_528, %add3A_529 : i32
          %get3A_531 = arith.index_cast %add3A_530 : i32 to index
          %get3A_532 = tpu.vector_load %arg7[%get3A_531] {strides = array<i32>} : memref<40960xf32, #tpu.memory_space<vmem>>, vector<16xf32>,
          %add3A_533 = arith.constant 352 : i32
          %add3A_534 = arith.addi %multiple_of3A_409, %add3A_533 : i32
          %add3A_535 = arith.constant 16 : i32
          %add3A_536 = arith.addi %add3A_534, %add3A_535 : i32
          %get3A_537 = arith.index_cast %add3A_536 : i32 to index
          %get3A_538 = tpu.vector_load %arg7[%get3A_537] {strides = array<i32>} : memref<40960xf32, #tpu.memory_space<vmem>>, vector<16xf32>,
          %max3A_539 = arith.maximumf %get3A_532, %get3A_538 : vector<16xf32>
          %add3A_540 = arith.constant 128 : i32
          %add3A_541 = arith.addi %multiple_of3A_409, %add3A_540 : i32
          %add3A_542 = arith.constant 16 : i32
          %add3A_543 = arith.addi %add3A_541, %add3A_542 : i32
          %get3A_544 = arith.index_cast %add3A_543 : i32 to index
          %get3A_545 = tpu.vector_load %arg7[%get3A_544] {strides = array<i32>} : memref<40960xf32, #tpu.memory_space<vmem>>, vector<16xf32>,
          %add3A_546 = arith.constant 384 : i32
          %add3A_547 = arith.addi %multiple_of3A_409, %add3A_546 : i32
          %add3A_548 = arith.constant 16 : i32
          %add3A_549 = arith.addi %add3A_547, %add3A_548 : i32
          %get3A_550 = arith.index_cast %add3A_549 : i32 to index
          %get3A_551 = tpu.vector_load %arg7[%get3A_550] {strides = array<i32>} : memref<40960xf32, #tpu.memory_space<vmem>>, vector<16xf32>,
          %max3A_552 = arith.maximumf %get3A_545, %get3A_551 : vector<16xf32>
          %add3A_553 = arith.constant 160 : i32
          %add3A_554 = arith.addi %multiple_of3A_409, %add3A_553 : i32
          %add3A_555 = arith.constant 16 : i32
          %add3A_556 = arith.addi %add3A_554, %add3A_555 : i32
          %get3A_557 = arith.index_cast %add3A_556 : i32 to index
          %get3A_558 = tpu.vector_load %arg7[%get3A_557] {strides = array<i32>} : memref<40960xf32, #tpu.memory_space<vmem>>, vector<16xf32>,
          %add3A_559 = arith.constant 416 : i32
          %add3A_560 = arith.addi %multiple_of3A_409, %add3A_559 : i32
          %add3A_561 = arith.constant 16 : i32
          %add3A_562 = arith.addi %add3A_560, %add3A_561 : i32
          %get3A_563 = arith.index_cast %add3A_562 : i32 to index
          %get3A_564 = tpu.vector_load %arg7[%get3A_563] {strides = array<i32>} : memref<40960xf32, #tpu.memory_space<vmem>>, vector<16xf32>,
          %max3A_565 = arith.maximumf %get3A_558, %get3A_564 : vector<16xf32>
          %add3A_566 = arith.constant 192 : i32
          %add3A_567 = arith.addi %multiple_of3A_409, %add3A_566 : i32
          %add3A_568 = arith.constant 16 : i32
          %add3A_569 = arith.addi %add3A_567, %add3A_568 : i32
          %get3A_570 = arith.index_cast %add3A_569 : i32 to index
          %get3A_571 = tpu.vector_load %arg7[%get3A_570] {strides = array<i32>} : memref<40960xf32, #tpu.memory_space<vmem>>, vector<16xf32>,
          %add3A_572 = arith.constant 448 : i32
          %add3A_573 = arith.addi %multiple_of3A_409, %add3A_572 : i32
          %add3A_574 = arith.constant 16 : i32
          %add3A_575 = arith.addi %add3A_573, %add3A_574 : i32
          %get3A_576 = arith.index_cast %add3A_575 : i32 to index
          %get3A_577 = tpu.vector_load %arg7[%get3A_576] {strides = array<i32>} : memref<40960xf32, #tpu.memory_space<vmem>>, vector<16xf32>,
          %max3A_578 = arith.maximumf %get3A_571, %get3A_577 : vector<16xf32>
          %add3A_579 = arith.constant 224 : i32
          %add3A_580 = arith.addi %multiple_of3A_409, %add3A_579 : i32
          %add3A_581 = arith.constant 16 : i32
          %add3A_582 = arith.addi %add3A_580, %add3A_581 : i32
          %get3A_583 = arith.index_cast %add3A_582 : i32 to index
          %get3A_584 = tpu.vector_load %arg7[%get3A_583] {strides = array<i32>} : memref<40960xf32, #tpu.memory_space<vmem>>, vector<16xf32>,
          %add3A_585 = arith.constant 480 : i32
          %add3A_586 = arith.addi %multiple_of3A_409, %add3A_585 : i32
          %add3A_587 = arith.constant 16 : i32
          %add3A_588 = arith.addi %add3A_586, %add3A_587 : i32
          %get3A_589 = arith.index_cast %add3A_588 : i32 to index
          %get3A_590 = tpu.vector_load %arg7[%get3A_589] {strides = array<i32>} : memref<40960xf32, #tpu.memory_space<vmem>>, vector<16xf32>,
          %max3A_591 = arith.maximumf %get3A_584, %get3A_590 : vector<16xf32>
          %max3A_592 = arith.maximumf %max3A_424, %max3A_460 : vector<16xf32>
          %max3A_593 = arith.maximumf %max3A_433, %max3A_469 : vector<16xf32>
          %max3A_594 = arith.maximumf %max3A_442, %max3A_478 : vector<16xf32>
          %max3A_595 = arith.maximumf %max3A_451, %max3A_487 : vector<16xf32>
          %max3A_596 = arith.maximumf %max3A_500, %max3A_552 : vector<16xf32>
          %max3A_597 = arith.maximumf %max3A_513, %max3A_565 : vector<16xf32>
          %max3A_598 = arith.maximumf %max3A_526, %max3A_578 : vector<16xf32>
          %max3A_599 = arith.maximumf %max3A_539, %max3A_591 : vector<16xf32>
          %max3A_600 = arith.maximumf %max3A_592, %max3A_594 : vector<16xf32>
          %max3A_601 = arith.maximumf %max3A_593, %max3A_595 : vector<16xf32>
          %max3A_602 = arith.maximumf %max3A_596, %max3A_598 : vector<16xf32>
          %max3A_603 = arith.maximumf %max3A_597, %max3A_599 : vector<16xf32>
          %max3A_604 = arith.maximumf %max3A_600, %max3A_601 : vector<16xf32>
          %max3A_605 = arith.maximumf %max3A_602, %max3A_603 : vector<16xf32>
          %eq3A_606 = arith.cmpi eq, %squeeze3A_411, %while3A_399 : i32
          %jit3A_607 = arith.constant 0.000000e+00 : f32
          %broadcast_in_dim3A_608 = vector.broadcast %jit3A_607 : f32 to vector<16xf32>
          %select_n3A_609 = arith.select %eq3A_606, %while3A_400, %broadcast_in_dim3A_608 : vector<16xf32>
          %max3A_610 = arith.maximumf %max3A_604, %select_n3A_609 : vector<16xf32>
          %jit3A_611 = arith.constant 0.000000e+00 : f32
          %broadcast_in_dim3A_612 = vector.broadcast %jit3A_611 : f32 to vector<16xf32>
          %select_n3A_613 = arith.select %eq3A_606, %while3A_401, %broadcast_in_dim3A_612 : vector<16xf32>
          %max3A_614 = arith.maximumf %max3A_605, %select_n3A_613 : vector<16xf32>
          %ge3A = arith.cmpi sge, %squeeze3A_411, %mul3A_8 : i32
          %add3A_615 = arith.constant 1564 : i32
          %add3A_616 = arith.addi %mul3A_8, %add3A_615 : i32
          %lt3A = arith.cmpi slt, %squeeze3A_411, %add3A_616 : i32
          %and3A_617 = arith.andi %ge3A, %lt3A : i1
          %sub3A_618 = arith.subi %squeeze3A_411, %mul3A_8 : i32
          %jit3A_619 = arith.constant 1567 : i32
          %select_n3A_620 = arith.select %and3A_617, %sub3A_618, %jit3A_619 : i32
          %mul3A_621 = arith.constant 32 : i32
          %mul3A_622 = arith.muli %select_n3A_620, %mul3A_621 : i32
          %swap3A_623 = arith.index_cast %mul3A_622 : i32 to index
          %swap3A_624 = tpu.vector_load %arg12[%swap3A_623] {strides = array<i32>} : memref<50176xf32, #tpu.memory_space<vmem>>, vector<16xf32>,
          tpu.vector_store %arg12[%swap3A_623], %max3A_610 {strides = array<i32>} : memref<50176xf32, #tpu.memory_space<vmem>>, vector<16xf32>,
          %add3A_625 = arith.constant 16 : i32
          %add3A_626 = arith.addi %mul3A_622, %add3A_625 : i32
          %swap3A_627 = arith.index_cast %add3A_626 : i32 to index
          %swap3A_628 = tpu.vector_load %arg12[%swap3A_627] {strides = array<i32>} : memref<50176xf32, #tpu.memory_space<vmem>>, vector<16xf32>,
          tpu.vector_store %arg12[%swap3A_627], %max3A_614 {strides = array<i32>} : memref<50176xf32, #tpu.memory_space<vmem>>, vector<16xf32>,
          scf.yield %squeeze3A_411, %max3A_610, %max3A_614 : i32, vector<16xf32>, vector<16xf32>
        } else {
          %slice3A_416 = vector.extract_strided_slice %get3A_406 {offsets = [0], sizes = [1], strides = [1]} : vector<16xi32> to vector<1xi32>
          %squeeze3A_417 = vector.extract %slice3A_416[0] : i32 from vector<1xi32>
          %add3A_418 = arith.constant 0 : i32
          %add3A_419 = arith.addi %multiple_of3A_409, %add3A_418 : i32
          %get3A_420 = arith.index_cast %add3A_419 : i32 to index
          %get3A_421 = tpu.vector_load %arg7[%get3A_420] {strides = array<i32>} : memref<40960xf32, #tpu.memory_space<vmem>>, vector<16xf32>,
          %add3A_422 = arith.constant 0 : i32
          %add3A_423 = arith.addi %multiple_of3A_409, %add3A_422 : i32
          %add3A_424 = arith.constant 16 : i32
          %add3A_425 = arith.addi %add3A_423, %add3A_424 : i32
          %get3A_426 = arith.index_cast %add3A_425 : i32 to index
          %get3A_427 = tpu.vector_load %arg7[%get3A_426] {strides = array<i32>} : memref<40960xf32, #tpu.memory_space<vmem>>, vector<16xf32>,
          %eq3A_428 = arith.cmpi eq, %squeeze3A_417, %while3A_399 : i32
          %jit3A_429 = arith.constant 0.000000e+00 : f32
          %broadcast_in_dim3A_430 = vector.broadcast %jit3A_429 : f32 to vector<16xf32>
          %select_n3A_431 = arith.select %eq3A_428, %while3A_400, %broadcast_in_dim3A_430 : vector<16xf32>
          %max3A_432 = arith.maximumf %get3A_421, %select_n3A_431 : vector<16xf32>
          %jit3A_433 = arith.constant 0.000000e+00 : f32
          %broadcast_in_dim3A_434 = vector.broadcast %jit3A_433 : f32 to vector<16xf32>
          %select_n3A_435 = arith.select %eq3A_428, %while3A_401, %broadcast_in_dim3A_434 : vector<16xf32>
          %max3A_436 = arith.maximumf %get3A_427, %select_n3A_435 : vector<16xf32>
          %ge3A = arith.cmpi sge, %squeeze3A_417, %mul3A_8 : i32
          %add3A_437 = arith.constant 1564 : i32
          %add3A_438 = arith.addi %mul3A_8, %add3A_437 : i32
          %lt3A = arith.cmpi slt, %squeeze3A_417, %add3A_438 : i32
          %and3A_439 = arith.andi %ge3A, %lt3A : i1
          %sub3A_440 = arith.subi %squeeze3A_417, %mul3A_8 : i32
          %jit3A_441 = arith.constant 1567 : i32
          %select_n3A_442 = arith.select %and3A_439, %sub3A_440, %jit3A_441 : i32
          %mul3A_443 = arith.constant 32 : i32
          %mul3A_444 = arith.muli %select_n3A_442, %mul3A_443 : i32
          %swap3A_445 = arith.index_cast %mul3A_444 : i32 to index
          %swap3A_446 = tpu.vector_load %arg12[%swap3A_445] {strides = array<i32>} : memref<50176xf32, #tpu.memory_space<vmem>>, vector<16xf32>,
          tpu.vector_store %arg12[%swap3A_445], %max3A_432 {strides = array<i32>} : memref<50176xf32, #tpu.memory_space<vmem>>, vector<16xf32>,
          %add3A_447 = arith.constant 16 : i32
          %add3A_448 = arith.addi %mul3A_444, %add3A_447 : i32
          %swap3A_449 = arith.index_cast %add3A_448 : i32 to index
          %swap3A_450 = tpu.vector_load %arg12[%swap3A_449] {strides = array<i32>} : memref<50176xf32, #tpu.memory_space<vmem>>, vector<16xf32>,
          tpu.vector_store %arg12[%swap3A_449], %max3A_436 {strides = array<i32>} : memref<50176xf32, #tpu.memory_space<vmem>>, vector<16xf32>,
          %slice3A_451 = vector.extract_strided_slice %get3A_406 {offsets = [1], sizes = [1], strides = [1]} : vector<16xi32> to vector<1xi32>
          %squeeze3A_452 = vector.extract %slice3A_451[0] : i32 from vector<1xi32>
          %add3A_453 = arith.constant 32 : i32
          %add3A_454 = arith.addi %multiple_of3A_409, %add3A_453 : i32
          %get3A_455 = arith.index_cast %add3A_454 : i32 to index
          %get3A_456 = tpu.vector_load %arg7[%get3A_455] {strides = array<i32>} : memref<40960xf32, #tpu.memory_space<vmem>>, vector<16xf32>,
          %add3A_457 = arith.constant 32 : i32
          %add3A_458 = arith.addi %multiple_of3A_409, %add3A_457 : i32
          %add3A_459 = arith.constant 16 : i32
          %add3A_460 = arith.addi %add3A_458, %add3A_459 : i32
          %get3A_461 = arith.index_cast %add3A_460 : i32 to index
          %get3A_462 = tpu.vector_load %arg7[%get3A_461] {strides = array<i32>} : memref<40960xf32, #tpu.memory_space<vmem>>, vector<16xf32>,
          %eq3A_463 = arith.cmpi eq, %squeeze3A_452, %squeeze3A_417 : i32
          %jit3A_464 = arith.constant 0.000000e+00 : f32
          %broadcast_in_dim3A_465 = vector.broadcast %jit3A_464 : f32 to vector<16xf32>
          %select_n3A_466 = arith.select %eq3A_463, %max3A_432, %broadcast_in_dim3A_465 : vector<16xf32>
          %max3A_467 = arith.maximumf %get3A_456, %select_n3A_466 : vector<16xf32>
          %jit3A_468 = arith.constant 0.000000e+00 : f32
          %broadcast_in_dim3A_469 = vector.broadcast %jit3A_468 : f32 to vector<16xf32>
          %select_n3A_470 = arith.select %eq3A_463, %max3A_436, %broadcast_in_dim3A_469 : vector<16xf32>
          %max3A_471 = arith.maximumf %get3A_462, %select_n3A_470 : vector<16xf32>
          %ge3A_472 = arith.cmpi sge, %squeeze3A_452, %mul3A_8 : i32
          %add3A_473 = arith.constant 1564 : i32
          %add3A_474 = arith.addi %mul3A_8, %add3A_473 : i32
          %lt3A_475 = arith.cmpi slt, %squeeze3A_452, %add3A_474 : i32
          %and3A_476 = arith.andi %ge3A_472, %lt3A_475 : i1
          %sub3A_477 = arith.subi %squeeze3A_452, %mul3A_8 : i32
          %jit3A_478 = arith.constant 1567 : i32
          %select_n3A_479 = arith.select %and3A_476, %sub3A_477, %jit3A_478 : i32
          %mul3A_480 = arith.constant 32 : i32
          %mul3A_481 = arith.muli %select_n3A_479, %mul3A_480 : i32
          %swap3A_482 = arith.index_cast %mul3A_481 : i32 to index
          %swap3A_483 = tpu.vector_load %arg12[%swap3A_482] {strides = array<i32>} : memref<50176xf32, #tpu.memory_space<vmem>>, vector<16xf32>,
          tpu.vector_store %arg12[%swap3A_482], %max3A_467 {strides = array<i32>} : memref<50176xf32, #tpu.memory_space<vmem>>, vector<16xf32>,
          %add3A_484 = arith.constant 16 : i32
          %add3A_485 = arith.addi %mul3A_481, %add3A_484 : i32
          %swap3A_486 = arith.index_cast %add3A_485 : i32 to index
          %swap3A_487 = tpu.vector_load %arg12[%swap3A_486] {strides = array<i32>} : memref<50176xf32, #tpu.memory_space<vmem>>, vector<16xf32>,
          tpu.vector_store %arg12[%swap3A_486], %max3A_471 {strides = array<i32>} : memref<50176xf32, #tpu.memory_space<vmem>>, vector<16xf32>,
          %slice3A_488 = vector.extract_strided_slice %get3A_406 {offsets = [2], sizes = [1], strides = [1]} : vector<16xi32> to vector<1xi32>
          %squeeze3A_489 = vector.extract %slice3A_488[0] : i32 from vector<1xi32>
          %add3A_490 = arith.constant 64 : i32
          %add3A_491 = arith.addi %multiple_of3A_409, %add3A_490 : i32
          %get3A_492 = arith.index_cast %add3A_491 : i32 to index
          %get3A_493 = tpu.vector_load %arg7[%get3A_492] {strides = array<i32>} : memref<40960xf32, #tpu.memory_space<vmem>>, vector<16xf32>,
          %add3A_494 = arith.constant 64 : i32
          %add3A_495 = arith.addi %multiple_of3A_409, %add3A_494 : i32
          %add3A_496 = arith.constant 16 : i32
          %add3A_497 = arith.addi %add3A_495, %add3A_496 : i32
          %get3A_498 = arith.index_cast %add3A_497 : i32 to index
          %get3A_499 = tpu.vector_load %arg7[%get3A_498] {strides = array<i32>} : memref<40960xf32, #tpu.memory_space<vmem>>, vector<16xf32>,
          %eq3A_500 = arith.cmpi eq, %squeeze3A_489, %squeeze3A_452 : i32
          %jit3A_501 = arith.constant 0.000000e+00 : f32
          %broadcast_in_dim3A_502 = vector.broadcast %jit3A_501 : f32 to vector<16xf32>
          %select_n3A_503 = arith.select %eq3A_500, %max3A_467, %broadcast_in_dim3A_502 : vector<16xf32>
          %max3A_504 = arith.maximumf %get3A_493, %select_n3A_503 : vector<16xf32>
          %jit3A_505 = arith.constant 0.000000e+00 : f32
          %broadcast_in_dim3A_506 = vector.broadcast %jit3A_505 : f32 to vector<16xf32>
          %select_n3A_507 = arith.select %eq3A_500, %max3A_471, %broadcast_in_dim3A_506 : vector<16xf32>
          %max3A_508 = arith.maximumf %get3A_499, %select_n3A_507 : vector<16xf32>
          %ge3A_509 = arith.cmpi sge, %squeeze3A_489, %mul3A_8 : i32
          %add3A_510 = arith.constant 1564 : i32
          %add3A_511 = arith.addi %mul3A_8, %add3A_510 : i32
          %lt3A_512 = arith.cmpi slt, %squeeze3A_489, %add3A_511 : i32
          %and3A_513 = arith.andi %ge3A_509, %lt3A_512 : i1
          %sub3A_514 = arith.subi %squeeze3A_489, %mul3A_8 : i32
          %jit3A_515 = arith.constant 1567 : i32
          %select_n3A_516 = arith.select %and3A_513, %sub3A_514, %jit3A_515 : i32
          %mul3A_517 = arith.constant 32 : i32
          %mul3A_518 = arith.muli %select_n3A_516, %mul3A_517 : i32
          %swap3A_519 = arith.index_cast %mul3A_518 : i32 to index
          %swap3A_520 = tpu.vector_load %arg12[%swap3A_519] {strides = array<i32>} : memref<50176xf32, #tpu.memory_space<vmem>>, vector<16xf32>,
          tpu.vector_store %arg12[%swap3A_519], %max3A_504 {strides = array<i32>} : memref<50176xf32, #tpu.memory_space<vmem>>, vector<16xf32>,
          %add3A_521 = arith.constant 16 : i32
          %add3A_522 = arith.addi %mul3A_518, %add3A_521 : i32
          %swap3A_523 = arith.index_cast %add3A_522 : i32 to index
          %swap3A_524 = tpu.vector_load %arg12[%swap3A_523] {strides = array<i32>} : memref<50176xf32, #tpu.memory_space<vmem>>, vector<16xf32>,
          tpu.vector_store %arg12[%swap3A_523], %max3A_508 {strides = array<i32>} : memref<50176xf32, #tpu.memory_space<vmem>>, vector<16xf32>,
          %slice3A_525 = vector.extract_strided_slice %get3A_406 {offsets = [3], sizes = [1], strides = [1]} : vector<16xi32> to vector<1xi32>
          %squeeze3A_526 = vector.extract %slice3A_525[0] : i32 from vector<1xi32>
          %add3A_527 = arith.constant 96 : i32
          %add3A_528 = arith.addi %multiple_of3A_409, %add3A_527 : i32
          %get3A_529 = arith.index_cast %add3A_528 : i32 to index
          %get3A_530 = tpu.vector_load %arg7[%get3A_529] {strides = array<i32>} : memref<40960xf32, #tpu.memory_space<vmem>>, vector<16xf32>,
          %add3A_531 = arith.constant 96 : i32
          %add3A_532 = arith.addi %multiple_of3A_409, %add3A_531 : i32
          %add3A_533 = arith.constant 16 : i32
          %add3A_534 = arith.addi %add3A_532, %add3A_533 : i32
          %get3A_535 = arith.index_cast %add3A_534 : i32 to index
          %get3A_536 = tpu.vector_load %arg7[%get3A_535] {strides = array<i32>} : memref<40960xf32, #tpu.memory_space<vmem>>, vector<16xf32>,
          %eq3A_537 = arith.cmpi eq, %squeeze3A_526, %squeeze3A_489 : i32
          %jit3A_538 = arith.constant 0.000000e+00 : f32
          %broadcast_in_dim3A_539 = vector.broadcast %jit3A_538 : f32 to vector<16xf32>
          %select_n3A_540 = arith.select %eq3A_537, %max3A_504, %broadcast_in_dim3A_539 : vector<16xf32>
          %max3A_541 = arith.maximumf %get3A_530, %select_n3A_540 : vector<16xf32>
          %jit3A_542 = arith.constant 0.000000e+00 : f32
          %broadcast_in_dim3A_543 = vector.broadcast %jit3A_542 : f32 to vector<16xf32>
          %select_n3A_544 = arith.select %eq3A_537, %max3A_508, %broadcast_in_dim3A_543 : vector<16xf32>
          %max3A_545 = arith.maximumf %get3A_536, %select_n3A_544 : vector<16xf32>
          %ge3A_546 = arith.cmpi sge, %squeeze3A_526, %mul3A_8 : i32
          %add3A_547 = arith.constant 1564 : i32
          %add3A_548 = arith.addi %mul3A_8, %add3A_547 : i32
          %lt3A_549 = arith.cmpi slt, %squeeze3A_526, %add3A_548 : i32
          %and3A_550 = arith.andi %ge3A_546, %lt3A_549 : i1
          %sub3A_551 = arith.subi %squeeze3A_526, %mul3A_8 : i32
          %jit3A_552 = arith.constant 1567 : i32
          %select_n3A_553 = arith.select %and3A_550, %sub3A_551, %jit3A_552 : i32
          %mul3A_554 = arith.constant 32 : i32
          %mul3A_555 = arith.muli %select_n3A_553, %mul3A_554 : i32
          %swap3A_556 = arith.index_cast %mul3A_555 : i32 to index
          %swap3A_557 = tpu.vector_load %arg12[%swap3A_556] {strides = array<i32>} : memref<50176xf32, #tpu.memory_space<vmem>>, vector<16xf32>,
          tpu.vector_store %arg12[%swap3A_556], %max3A_541 {strides = array<i32>} : memref<50176xf32, #tpu.memory_space<vmem>>, vector<16xf32>,
          %add3A_558 = arith.constant 16 : i32
          %add3A_559 = arith.addi %mul3A_555, %add3A_558 : i32
          %swap3A_560 = arith.index_cast %add3A_559 : i32 to index
          %swap3A_561 = tpu.vector_load %arg12[%swap3A_560] {strides = array<i32>} : memref<50176xf32, #tpu.memory_space<vmem>>, vector<16xf32>,
          tpu.vector_store %arg12[%swap3A_560], %max3A_545 {strides = array<i32>} : memref<50176xf32, #tpu.memory_space<vmem>>, vector<16xf32>,
          %slice3A_562 = vector.extract_strided_slice %get3A_406 {offsets = [4], sizes = [1], strides = [1]} : vector<16xi32> to vector<1xi32>
          %squeeze3A_563 = vector.extract %slice3A_562[0] : i32 from vector<1xi32>
          %add3A_564 = arith.constant 128 : i32
          %add3A_565 = arith.addi %multiple_of3A_409, %add3A_564 : i32
          %get3A_566 = arith.index_cast %add3A_565 : i32 to index
          %get3A_567 = tpu.vector_load %arg7[%get3A_566] {strides = array<i32>} : memref<40960xf32, #tpu.memory_space<vmem>>, vector<16xf32>,
          %add3A_568 = arith.constant 128 : i32
          %add3A_569 = arith.addi %multiple_of3A_409, %add3A_568 : i32
          %add3A_570 = arith.constant 16 : i32
          %add3A_571 = arith.addi %add3A_569, %add3A_570 : i32
          %get3A_572 = arith.index_cast %add3A_571 : i32 to index
          %get3A_573 = tpu.vector_load %arg7[%get3A_572] {strides = array<i32>} : memref<40960xf32, #tpu.memory_space<vmem>>, vector<16xf32>,
          %eq3A_574 = arith.cmpi eq, %squeeze3A_563, %squeeze3A_526 : i32
          %jit3A_575 = arith.constant 0.000000e+00 : f32
          %broadcast_in_dim3A_576 = vector.broadcast %jit3A_575 : f32 to vector<16xf32>
          %select_n3A_577 = arith.select %eq3A_574, %max3A_541, %broadcast_in_dim3A_576 : vector<16xf32>
          %max3A_578 = arith.maximumf %get3A_567, %select_n3A_577 : vector<16xf32>
          %jit3A_579 = arith.constant 0.000000e+00 : f32
          %broadcast_in_dim3A_580 = vector.broadcast %jit3A_579 : f32 to vector<16xf32>
          %select_n3A_581 = arith.select %eq3A_574, %max3A_545, %broadcast_in_dim3A_580 : vector<16xf32>
          %max3A_582 = arith.maximumf %get3A_573, %select_n3A_581 : vector<16xf32>
          %ge3A_583 = arith.cmpi sge, %squeeze3A_563, %mul3A_8 : i32
          %add3A_584 = arith.constant 1564 : i32
          %add3A_585 = arith.addi %mul3A_8, %add3A_584 : i32
          %lt3A_586 = arith.cmpi slt, %squeeze3A_563, %add3A_585 : i32
          %and3A_587 = arith.andi %ge3A_583, %lt3A_586 : i1
          %sub3A_588 = arith.subi %squeeze3A_563, %mul3A_8 : i32
          %jit3A_589 = arith.constant 1567 : i32
          %select_n3A_590 = arith.select %and3A_587, %sub3A_588, %jit3A_589 : i32
          %mul3A_591 = arith.constant 32 : i32
          %mul3A_592 = arith.muli %select_n3A_590, %mul3A_591 : i32
          %swap3A_593 = arith.index_cast %mul3A_592 : i32 to index
          %swap3A_594 = tpu.vector_load %arg12[%swap3A_593] {strides = array<i32>} : memref<50176xf32, #tpu.memory_space<vmem>>, vector<16xf32>,
          tpu.vector_store %arg12[%swap3A_593], %max3A_578 {strides = array<i32>} : memref<50176xf32, #tpu.memory_space<vmem>>, vector<16xf32>,
          %add3A_595 = arith.constant 16 : i32
          %add3A_596 = arith.addi %mul3A_592, %add3A_595 : i32
          %swap3A_597 = arith.index_cast %add3A_596 : i32 to index
          %swap3A_598 = tpu.vector_load %arg12[%swap3A_597] {strides = array<i32>} : memref<50176xf32, #tpu.memory_space<vmem>>, vector<16xf32>,
          tpu.vector_store %arg12[%swap3A_597], %max3A_582 {strides = array<i32>} : memref<50176xf32, #tpu.memory_space<vmem>>, vector<16xf32>,
          %slice3A_599 = vector.extract_strided_slice %get3A_406 {offsets = [5], sizes = [1], strides = [1]} : vector<16xi32> to vector<1xi32>
          %squeeze3A_600 = vector.extract %slice3A_599[0] : i32 from vector<1xi32>
          %add3A_601 = arith.constant 160 : i32
          %add3A_602 = arith.addi %multiple_of3A_409, %add3A_601 : i32
          %get3A_603 = arith.index_cast %add3A_602 : i32 to index
          %get3A_604 = tpu.vector_load %arg7[%get3A_603] {strides = array<i32>} : memref<40960xf32, #tpu.memory_space<vmem>>, vector<16xf32>,
          %add3A_605 = arith.constant 160 : i32
          %add3A_606 = arith.addi %multiple_of3A_409, %add3A_605 : i32
          %add3A_607 = arith.constant 16 : i32
          %add3A_608 = arith.addi %add3A_606, %add3A_607 : i32
          %get3A_609 = arith.index_cast %add3A_608 : i32 to index
          %get3A_610 = tpu.vector_load %arg7[%get3A_609] {strides = array<i32>} : memref<40960xf32, #tpu.memory_space<vmem>>, vector<16xf32>,
          %eq3A_611 = arith.cmpi eq, %squeeze3A_600, %squeeze3A_563 : i32
          %jit3A_612 = arith.constant 0.000000e+00 : f32
          %broadcast_in_dim3A_613 = vector.broadcast %jit3A_612 : f32 to vector<16xf32>
          %select_n3A_614 = arith.select %eq3A_611, %max3A_578, %broadcast_in_dim3A_613 : vector<16xf32>
          %max3A_615 = arith.maximumf %get3A_604, %select_n3A_614 : vector<16xf32>
          %jit3A_616 = arith.constant 0.000000e+00 : f32
          %broadcast_in_dim3A_617 = vector.broadcast %jit3A_616 : f32 to vector<16xf32>
          %select_n3A_618 = arith.select %eq3A_611, %max3A_582, %broadcast_in_dim3A_617 : vector<16xf32>
          %max3A_619 = arith.maximumf %get3A_610, %select_n3A_618 : vector<16xf32>
          %ge3A_620 = arith.cmpi sge, %squeeze3A_600, %mul3A_8 : i32
          %add3A_621 = arith.constant 1564 : i32
          %add3A_622 = arith.addi %mul3A_8, %add3A_621 : i32
          %lt3A_623 = arith.cmpi slt, %squeeze3A_600, %add3A_622 : i32
          %and3A_624 = arith.andi %ge3A_620, %lt3A_623 : i1
          %sub3A_625 = arith.subi %squeeze3A_600, %mul3A_8 : i32
          %jit3A_626 = arith.constant 1567 : i32
          %select_n3A_627 = arith.select %and3A_624, %sub3A_625, %jit3A_626 : i32
          %mul3A_628 = arith.constant 32 : i32
          %mul3A_629 = arith.muli %select_n3A_627, %mul3A_628 : i32
          %swap3A_630 = arith.index_cast %mul3A_629 : i32 to index
          %swap3A_631 = tpu.vector_load %arg12[%swap3A_630] {strides = array<i32>} : memref<50176xf32, #tpu.memory_space<vmem>>, vector<16xf32>,
          tpu.vector_store %arg12[%swap3A_630], %max3A_615 {strides = array<i32>} : memref<50176xf32, #tpu.memory_space<vmem>>, vector<16xf32>,
          %add3A_632 = arith.constant 16 : i32
          %add3A_633 = arith.addi %mul3A_629, %add3A_632 : i32
          %swap3A_634 = arith.index_cast %add3A_633 : i32 to index
          %swap3A_635 = tpu.vector_load %arg12[%swap3A_634] {strides = array<i32>} : memref<50176xf32, #tpu.memory_space<vmem>>, vector<16xf32>,
          tpu.vector_store %arg12[%swap3A_634], %max3A_619 {strides = array<i32>} : memref<50176xf32, #tpu.memory_space<vmem>>, vector<16xf32>,
          %slice3A_636 = vector.extract_strided_slice %get3A_406 {offsets = [6], sizes = [1], strides = [1]} : vector<16xi32> to vector<1xi32>
          %squeeze3A_637 = vector.extract %slice3A_636[0] : i32 from vector<1xi32>
          %add3A_638 = arith.constant 192 : i32
          %add3A_639 = arith.addi %multiple_of3A_409, %add3A_638 : i32
          %get3A_640 = arith.index_cast %add3A_639 : i32 to index
          %get3A_641 = tpu.vector_load %arg7[%get3A_640] {strides = array<i32>} : memref<40960xf32, #tpu.memory_space<vmem>>, vector<16xf32>,
          %add3A_642 = arith.constant 192 : i32
          %add3A_643 = arith.addi %multiple_of3A_409, %add3A_642 : i32
          %add3A_644 = arith.constant 16 : i32
          %add3A_645 = arith.addi %add3A_643, %add3A_644 : i32
          %get3A_646 = arith.index_cast %add3A_645 : i32 to index
          %get3A_647 = tpu.vector_load %arg7[%get3A_646] {strides = array<i32>} : memref<40960xf32, #tpu.memory_space<vmem>>, vector<16xf32>,
          %eq3A_648 = arith.cmpi eq, %squeeze3A_637, %squeeze3A_600 : i32
          %jit3A_649 = arith.constant 0.000000e+00 : f32
          %broadcast_in_dim3A_650 = vector.broadcast %jit3A_649 : f32 to vector<16xf32>
          %select_n3A_651 = arith.select %eq3A_648, %max3A_615, %broadcast_in_dim3A_650 : vector<16xf32>
          %max3A_652 = arith.maximumf %get3A_641, %select_n3A_651 : vector<16xf32>
          %jit3A_653 = arith.constant 0.000000e+00 : f32
          %broadcast_in_dim3A_654 = vector.broadcast %jit3A_653 : f32 to vector<16xf32>
          %select_n3A_655 = arith.select %eq3A_648, %max3A_619, %broadcast_in_dim3A_654 : vector<16xf32>
          %max3A_656 = arith.maximumf %get3A_647, %select_n3A_655 : vector<16xf32>
          %ge3A_657 = arith.cmpi sge, %squeeze3A_637, %mul3A_8 : i32
          %add3A_658 = arith.constant 1564 : i32
          %add3A_659 = arith.addi %mul3A_8, %add3A_658 : i32
          %lt3A_660 = arith.cmpi slt, %squeeze3A_637, %add3A_659 : i32
          %and3A_661 = arith.andi %ge3A_657, %lt3A_660 : i1
          %sub3A_662 = arith.subi %squeeze3A_637, %mul3A_8 : i32
          %jit3A_663 = arith.constant 1567 : i32
          %select_n3A_664 = arith.select %and3A_661, %sub3A_662, %jit3A_663 : i32
          %mul3A_665 = arith.constant 32 : i32
          %mul3A_666 = arith.muli %select_n3A_664, %mul3A_665 : i32
          %swap3A_667 = arith.index_cast %mul3A_666 : i32 to index
          %swap3A_668 = tpu.vector_load %arg12[%swap3A_667] {strides = array<i32>} : memref<50176xf32, #tpu.memory_space<vmem>>, vector<16xf32>,
          tpu.vector_store %arg12[%swap3A_667], %max3A_652 {strides = array<i32>} : memref<50176xf32, #tpu.memory_space<vmem>>, vector<16xf32>,
          %add3A_669 = arith.constant 16 : i32
          %add3A_670 = arith.addi %mul3A_666, %add3A_669 : i32
          %swap3A_671 = arith.index_cast %add3A_670 : i32 to index
          %swap3A_672 = tpu.vector_load %arg12[%swap3A_671] {strides = array<i32>} : memref<50176xf32, #tpu.memory_space<vmem>>, vector<16xf32>,
          tpu.vector_store %arg12[%swap3A_671], %max3A_656 {strides = array<i32>} : memref<50176xf32, #tpu.memory_space<vmem>>, vector<16xf32>,
          %slice3A_673 = vector.extract_strided_slice %get3A_406 {offsets = [7], sizes = [1], strides = [1]} : vector<16xi32> to vector<1xi32>
          %squeeze3A_674 = vector.extract %slice3A_673[0] : i32 from vector<1xi32>
          %add3A_675 = arith.constant 224 : i32
          %add3A_676 = arith.addi %multiple_of3A_409, %add3A_675 : i32
          %get3A_677 = arith.index_cast %add3A_676 : i32 to index
          %get3A_678 = tpu.vector_load %arg7[%get3A_677] {strides = array<i32>} : memref<40960xf32, #tpu.memory_space<vmem>>, vector<16xf32>,
          %add3A_679 = arith.constant 224 : i32
          %add3A_680 = arith.addi %multiple_of3A_409, %add3A_679 : i32
          %add3A_681 = arith.constant 16 : i32
          %add3A_682 = arith.addi %add3A_680, %add3A_681 : i32
          %get3A_683 = arith.index_cast %add3A_682 : i32 to index
          %get3A_684 = tpu.vector_load %arg7[%get3A_683] {strides = array<i32>} : memref<40960xf32, #tpu.memory_space<vmem>>, vector<16xf32>,
          %eq3A_685 = arith.cmpi eq, %squeeze3A_674, %squeeze3A_637 : i32
          %jit3A_686 = arith.constant 0.000000e+00 : f32
          %broadcast_in_dim3A_687 = vector.broadcast %jit3A_686 : f32 to vector<16xf32>
          %select_n3A_688 = arith.select %eq3A_685, %max3A_652, %broadcast_in_dim3A_687 : vector<16xf32>
          %max3A_689 = arith.maximumf %get3A_678, %select_n3A_688 : vector<16xf32>
          %jit3A_690 = arith.constant 0.000000e+00 : f32
          %broadcast_in_dim3A_691 = vector.broadcast %jit3A_690 : f32 to vector<16xf32>
          %select_n3A_692 = arith.select %eq3A_685, %max3A_656, %broadcast_in_dim3A_691 : vector<16xf32>
          %max3A_693 = arith.maximumf %get3A_684, %select_n3A_692 : vector<16xf32>
          %ge3A_694 = arith.cmpi sge, %squeeze3A_674, %mul3A_8 : i32
          %add3A_695 = arith.constant 1564 : i32
          %add3A_696 = arith.addi %mul3A_8, %add3A_695 : i32
          %lt3A_697 = arith.cmpi slt, %squeeze3A_674, %add3A_696 : i32
          %and3A_698 = arith.andi %ge3A_694, %lt3A_697 : i1
          %sub3A_699 = arith.subi %squeeze3A_674, %mul3A_8 : i32
          %jit3A_700 = arith.constant 1567 : i32
          %select_n3A_701 = arith.select %and3A_698, %sub3A_699, %jit3A_700 : i32
          %mul3A_702 = arith.constant 32 : i32
          %mul3A_703 = arith.muli %select_n3A_701, %mul3A_702 : i32
          %swap3A_704 = arith.index_cast %mul3A_703 : i32 to index
          %swap3A_705 = tpu.vector_load %arg12[%swap3A_704] {strides = array<i32>} : memref<50176xf32, #tpu.memory_space<vmem>>, vector<16xf32>,
          tpu.vector_store %arg12[%swap3A_704], %max3A_689 {strides = array<i32>} : memref<50176xf32, #tpu.memory_space<vmem>>, vector<16xf32>,
          %add3A_706 = arith.constant 16 : i32
          %add3A_707 = arith.addi %mul3A_703, %add3A_706 : i32
          %swap3A_708 = arith.index_cast %add3A_707 : i32 to index
          %swap3A_709 = tpu.vector_load %arg12[%swap3A_708] {strides = array<i32>} : memref<50176xf32, #tpu.memory_space<vmem>>, vector<16xf32>,
          tpu.vector_store %arg12[%swap3A_708], %max3A_693 {strides = array<i32>} : memref<50176xf32, #tpu.memory_space<vmem>>, vector<16xf32>,
          %slice3A_710 = vector.extract_strided_slice %get3A_406 {offsets = [8], sizes = [1], strides = [1]} : vector<16xi32> to vector<1xi32>
          %squeeze3A_711 = vector.extract %slice3A_710[0] : i32 from vector<1xi32>
          %add3A_712 = arith.constant 256 : i32
          %add3A_713 = arith.addi %multiple_of3A_409, %add3A_712 : i32
          %get3A_714 = arith.index_cast %add3A_713 : i32 to index
          %get3A_715 = tpu.vector_load %arg7[%get3A_714] {strides = array<i32>} : memref<40960xf32, #tpu.memory_space<vmem>>, vector<16xf32>,
          %add3A_716 = arith.constant 256 : i32
          %add3A_717 = arith.addi %multiple_of3A_409, %add3A_716 : i32
          %add3A_718 = arith.constant 16 : i32
          %add3A_719 = arith.addi %add3A_717, %add3A_718 : i32
          %get3A_720 = arith.index_cast %add3A_719 : i32 to index
          %get3A_721 = tpu.vector_load %arg7[%get3A_720] {strides = array<i32>} : memref<40960xf32, #tpu.memory_space<vmem>>, vector<16xf32>,
          %eq3A_722 = arith.cmpi eq, %squeeze3A_711, %squeeze3A_674 : i32
          %jit3A_723 = arith.constant 0.000000e+00 : f32
          %broadcast_in_dim3A_724 = vector.broadcast %jit3A_723 : f32 to vector<16xf32>
          %select_n3A_725 = arith.select %eq3A_722, %max3A_689, %broadcast_in_dim3A_724 : vector<16xf32>
          %max3A_726 = arith.maximumf %get3A_715, %select_n3A_725 : vector<16xf32>
          %jit3A_727 = arith.constant 0.000000e+00 : f32
          %broadcast_in_dim3A_728 = vector.broadcast %jit3A_727 : f32 to vector<16xf32>
          %select_n3A_729 = arith.select %eq3A_722, %max3A_693, %broadcast_in_dim3A_728 : vector<16xf32>
          %max3A_730 = arith.maximumf %get3A_721, %select_n3A_729 : vector<16xf32>
          %ge3A_731 = arith.cmpi sge, %squeeze3A_711, %mul3A_8 : i32
          %add3A_732 = arith.constant 1564 : i32
          %add3A_733 = arith.addi %mul3A_8, %add3A_732 : i32
          %lt3A_734 = arith.cmpi slt, %squeeze3A_711, %add3A_733 : i32
          %and3A_735 = arith.andi %ge3A_731, %lt3A_734 : i1
          %sub3A_736 = arith.subi %squeeze3A_711, %mul3A_8 : i32
          %jit3A_737 = arith.constant 1567 : i32
          %select_n3A_738 = arith.select %and3A_735, %sub3A_736, %jit3A_737 : i32
          %mul3A_739 = arith.constant 32 : i32
          %mul3A_740 = arith.muli %select_n3A_738, %mul3A_739 : i32
          %swap3A_741 = arith.index_cast %mul3A_740 : i32 to index
          %swap3A_742 = tpu.vector_load %arg12[%swap3A_741] {strides = array<i32>} : memref<50176xf32, #tpu.memory_space<vmem>>, vector<16xf32>,
          tpu.vector_store %arg12[%swap3A_741], %max3A_726 {strides = array<i32>} : memref<50176xf32, #tpu.memory_space<vmem>>, vector<16xf32>,
          %add3A_743 = arith.constant 16 : i32
          %add3A_744 = arith.addi %mul3A_740, %add3A_743 : i32
          %swap3A_745 = arith.index_cast %add3A_744 : i32 to index
          %swap3A_746 = tpu.vector_load %arg12[%swap3A_745] {strides = array<i32>} : memref<50176xf32, #tpu.memory_space<vmem>>, vector<16xf32>,
          tpu.vector_store %arg12[%swap3A_745], %max3A_730 {strides = array<i32>} : memref<50176xf32, #tpu.memory_space<vmem>>, vector<16xf32>,
          %slice3A_747 = vector.extract_strided_slice %get3A_406 {offsets = [9], sizes = [1], strides = [1]} : vector<16xi32> to vector<1xi32>
          %squeeze3A_748 = vector.extract %slice3A_747[0] : i32 from vector<1xi32>
          %add3A_749 = arith.constant 288 : i32
          %add3A_750 = arith.addi %multiple_of3A_409, %add3A_749 : i32
          %get3A_751 = arith.index_cast %add3A_750 : i32 to index
          %get3A_752 = tpu.vector_load %arg7[%get3A_751] {strides = array<i32>} : memref<40960xf32, #tpu.memory_space<vmem>>, vector<16xf32>,
          %add3A_753 = arith.constant 288 : i32
          %add3A_754 = arith.addi %multiple_of3A_409, %add3A_753 : i32
          %add3A_755 = arith.constant 16 : i32
          %add3A_756 = arith.addi %add3A_754, %add3A_755 : i32
          %get3A_757 = arith.index_cast %add3A_756 : i32 to index
          %get3A_758 = tpu.vector_load %arg7[%get3A_757] {strides = array<i32>} : memref<40960xf32, #tpu.memory_space<vmem>>, vector<16xf32>,
          %eq3A_759 = arith.cmpi eq, %squeeze3A_748, %squeeze3A_711 : i32
          %jit3A_760 = arith.constant 0.000000e+00 : f32
          %broadcast_in_dim3A_761 = vector.broadcast %jit3A_760 : f32 to vector<16xf32>
          %select_n3A_762 = arith.select %eq3A_759, %max3A_726, %broadcast_in_dim3A_761 : vector<16xf32>
          %max3A_763 = arith.maximumf %get3A_752, %select_n3A_762 : vector<16xf32>
          %jit3A_764 = arith.constant 0.000000e+00 : f32
          %broadcast_in_dim3A_765 = vector.broadcast %jit3A_764 : f32 to vector<16xf32>
          %select_n3A_766 = arith.select %eq3A_759, %max3A_730, %broadcast_in_dim3A_765 : vector<16xf32>
          %max3A_767 = arith.maximumf %get3A_758, %select_n3A_766 : vector<16xf32>
          %ge3A_768 = arith.cmpi sge, %squeeze3A_748, %mul3A_8 : i32
          %add3A_769 = arith.constant 1564 : i32
          %add3A_770 = arith.addi %mul3A_8, %add3A_769 : i32
          %lt3A_771 = arith.cmpi slt, %squeeze3A_748, %add3A_770 : i32
          %and3A_772 = arith.andi %ge3A_768, %lt3A_771 : i1
          %sub3A_773 = arith.subi %squeeze3A_748, %mul3A_8 : i32
          %jit3A_774 = arith.constant 1567 : i32
          %select_n3A_775 = arith.select %and3A_772, %sub3A_773, %jit3A_774 : i32
          %mul3A_776 = arith.constant 32 : i32
          %mul3A_777 = arith.muli %select_n3A_775, %mul3A_776 : i32
          %swap3A_778 = arith.index_cast %mul3A_777 : i32 to index
          %swap3A_779 = tpu.vector_load %arg12[%swap3A_778] {strides = array<i32>} : memref<50176xf32, #tpu.memory_space<vmem>>, vector<16xf32>,
          tpu.vector_store %arg12[%swap3A_778], %max3A_763 {strides = array<i32>} : memref<50176xf32, #tpu.memory_space<vmem>>, vector<16xf32>,
          %add3A_780 = arith.constant 16 : i32
          %add3A_781 = arith.addi %mul3A_777, %add3A_780 : i32
          %swap3A_782 = arith.index_cast %add3A_781 : i32 to index
          %swap3A_783 = tpu.vector_load %arg12[%swap3A_782] {strides = array<i32>} : memref<50176xf32, #tpu.memory_space<vmem>>, vector<16xf32>,
          tpu.vector_store %arg12[%swap3A_782], %max3A_767 {strides = array<i32>} : memref<50176xf32, #tpu.memory_space<vmem>>, vector<16xf32>,
          %slice3A_784 = vector.extract_strided_slice %get3A_406 {offsets = [10], sizes = [1], strides = [1]} : vector<16xi32> to vector<1xi32>
          %squeeze3A_785 = vector.extract %slice3A_784[0] : i32 from vector<1xi32>
          %add3A_786 = arith.constant 320 : i32
          %add3A_787 = arith.addi %multiple_of3A_409, %add3A_786 : i32
          %get3A_788 = arith.index_cast %add3A_787 : i32 to index
          %get3A_789 = tpu.vector_load %arg7[%get3A_788] {strides = array<i32>} : memref<40960xf32, #tpu.memory_space<vmem>>, vector<16xf32>,
          %add3A_790 = arith.constant 320 : i32
          %add3A_791 = arith.addi %multiple_of3A_409, %add3A_790 : i32
          %add3A_792 = arith.constant 16 : i32
          %add3A_793 = arith.addi %add3A_791, %add3A_792 : i32
          %get3A_794 = arith.index_cast %add3A_793 : i32 to index
          %get3A_795 = tpu.vector_load %arg7[%get3A_794] {strides = array<i32>} : memref<40960xf32, #tpu.memory_space<vmem>>, vector<16xf32>,
          %eq3A_796 = arith.cmpi eq, %squeeze3A_785, %squeeze3A_748 : i32
          %jit3A_797 = arith.constant 0.000000e+00 : f32
          %broadcast_in_dim3A_798 = vector.broadcast %jit3A_797 : f32 to vector<16xf32>
          %select_n3A_799 = arith.select %eq3A_796, %max3A_763, %broadcast_in_dim3A_798 : vector<16xf32>
          %max3A_800 = arith.maximumf %get3A_789, %select_n3A_799 : vector<16xf32>
          %jit3A_801 = arith.constant 0.000000e+00 : f32
          %broadcast_in_dim3A_802 = vector.broadcast %jit3A_801 : f32 to vector<16xf32>
          %select_n3A_803 = arith.select %eq3A_796, %max3A_767, %broadcast_in_dim3A_802 : vector<16xf32>
          %max3A_804 = arith.maximumf %get3A_795, %select_n3A_803 : vector<16xf32>
          %ge3A_805 = arith.cmpi sge, %squeeze3A_785, %mul3A_8 : i32
          %add3A_806 = arith.constant 1564 : i32
          %add3A_807 = arith.addi %mul3A_8, %add3A_806 : i32
          %lt3A_808 = arith.cmpi slt, %squeeze3A_785, %add3A_807 : i32
          %and3A_809 = arith.andi %ge3A_805, %lt3A_808 : i1
          %sub3A_810 = arith.subi %squeeze3A_785, %mul3A_8 : i32
          %jit3A_811 = arith.constant 1567 : i32
          %select_n3A_812 = arith.select %and3A_809, %sub3A_810, %jit3A_811 : i32
          %mul3A_813 = arith.constant 32 : i32
          %mul3A_814 = arith.muli %select_n3A_812, %mul3A_813 : i32
          %swap3A_815 = arith.index_cast %mul3A_814 : i32 to index
          %swap3A_816 = tpu.vector_load %arg12[%swap3A_815] {strides = array<i32>} : memref<50176xf32, #tpu.memory_space<vmem>>, vector<16xf32>,
          tpu.vector_store %arg12[%swap3A_815], %max3A_800 {strides = array<i32>} : memref<50176xf32, #tpu.memory_space<vmem>>, vector<16xf32>,
          %add3A_817 = arith.constant 16 : i32
          %add3A_818 = arith.addi %mul3A_814, %add3A_817 : i32
          %swap3A_819 = arith.index_cast %add3A_818 : i32 to index
          %swap3A_820 = tpu.vector_load %arg12[%swap3A_819] {strides = array<i32>} : memref<50176xf32, #tpu.memory_space<vmem>>, vector<16xf32>,
          tpu.vector_store %arg12[%swap3A_819], %max3A_804 {strides = array<i32>} : memref<50176xf32, #tpu.memory_space<vmem>>, vector<16xf32>,
          %slice3A_821 = vector.extract_strided_slice %get3A_406 {offsets = [11], sizes = [1], strides = [1]} : vector<16xi32> to vector<1xi32>
          %squeeze3A_822 = vector.extract %slice3A_821[0] : i32 from vector<1xi32>
          %add3A_823 = arith.constant 352 : i32
          %add3A_824 = arith.addi %multiple_of3A_409, %add3A_823 : i32
          %get3A_825 = arith.index_cast %add3A_824 : i32 to index
          %get3A_826 = tpu.vector_load %arg7[%get3A_825] {strides = array<i32>} : memref<40960xf32, #tpu.memory_space<vmem>>, vector<16xf32>,
          %add3A_827 = arith.constant 352 : i32
          %add3A_828 = arith.addi %multiple_of3A_409, %add3A_827 : i32
          %add3A_829 = arith.constant 16 : i32
          %add3A_830 = arith.addi %add3A_828, %add3A_829 : i32
          %get3A_831 = arith.index_cast %add3A_830 : i32 to index
          %get3A_832 = tpu.vector_load %arg7[%get3A_831] {strides = array<i32>} : memref<40960xf32, #tpu.memory_space<vmem>>, vector<16xf32>,
          %eq3A_833 = arith.cmpi eq, %squeeze3A_822, %squeeze3A_785 : i32
          %jit3A_834 = arith.constant 0.000000e+00 : f32
          %broadcast_in_dim3A_835 = vector.broadcast %jit3A_834 : f32 to vector<16xf32>
          %select_n3A_836 = arith.select %eq3A_833, %max3A_800, %broadcast_in_dim3A_835 : vector<16xf32>
          %max3A_837 = arith.maximumf %get3A_826, %select_n3A_836 : vector<16xf32>
          %jit3A_838 = arith.constant 0.000000e+00 : f32
          %broadcast_in_dim3A_839 = vector.broadcast %jit3A_838 : f32 to vector<16xf32>
          %select_n3A_840 = arith.select %eq3A_833, %max3A_804, %broadcast_in_dim3A_839 : vector<16xf32>
          %max3A_841 = arith.maximumf %get3A_832, %select_n3A_840 : vector<16xf32>
          %ge3A_842 = arith.cmpi sge, %squeeze3A_822, %mul3A_8 : i32
          %add3A_843 = arith.constant 1564 : i32
          %add3A_844 = arith.addi %mul3A_8, %add3A_843 : i32
          %lt3A_845 = arith.cmpi slt, %squeeze3A_822, %add3A_844 : i32
          %and3A_846 = arith.andi %ge3A_842, %lt3A_845 : i1
          %sub3A_847 = arith.subi %squeeze3A_822, %mul3A_8 : i32
          %jit3A_848 = arith.constant 1567 : i32
          %select_n3A_849 = arith.select %and3A_846, %sub3A_847, %jit3A_848 : i32
          %mul3A_850 = arith.constant 32 : i32
          %mul3A_851 = arith.muli %select_n3A_849, %mul3A_850 : i32
          %swap3A_852 = arith.index_cast %mul3A_851 : i32 to index
          %swap3A_853 = tpu.vector_load %arg12[%swap3A_852] {strides = array<i32>} : memref<50176xf32, #tpu.memory_space<vmem>>, vector<16xf32>,
          tpu.vector_store %arg12[%swap3A_852], %max3A_837 {strides = array<i32>} : memref<50176xf32, #tpu.memory_space<vmem>>, vector<16xf32>,
          %add3A_854 = arith.constant 16 : i32
          %add3A_855 = arith.addi %mul3A_851, %add3A_854 : i32
          %swap3A_856 = arith.index_cast %add3A_855 : i32 to index
          %swap3A_857 = tpu.vector_load %arg12[%swap3A_856] {strides = array<i32>} : memref<50176xf32, #tpu.memory_space<vmem>>, vector<16xf32>,
          tpu.vector_store %arg12[%swap3A_856], %max3A_841 {strides = array<i32>} : memref<50176xf32, #tpu.memory_space<vmem>>, vector<16xf32>,
          %slice3A_858 = vector.extract_strided_slice %get3A_406 {offsets = [12], sizes = [1], strides = [1]} : vector<16xi32> to vector<1xi32>
          %squeeze3A_859 = vector.extract %slice3A_858[0] : i32 from vector<1xi32>
          %add3A_860 = arith.constant 384 : i32
          %add3A_861 = arith.addi %multiple_of3A_409, %add3A_860 : i32
          %get3A_862 = arith.index_cast %add3A_861 : i32 to index
          %get3A_863 = tpu.vector_load %arg7[%get3A_862] {strides = array<i32>} : memref<40960xf32, #tpu.memory_space<vmem>>, vector<16xf32>,
          %add3A_864 = arith.constant 384 : i32
          %add3A_865 = arith.addi %multiple_of3A_409, %add3A_864 : i32
          %add3A_866 = arith.constant 16 : i32
          %add3A_867 = arith.addi %add3A_865, %add3A_866 : i32
          %get3A_868 = arith.index_cast %add3A_867 : i32 to index
          %get3A_869 = tpu.vector_load %arg7[%get3A_868] {strides = array<i32>} : memref<40960xf32, #tpu.memory_space<vmem>>, vector<16xf32>,
          %eq3A_870 = arith.cmpi eq, %squeeze3A_859, %squeeze3A_822 : i32
          %jit3A_871 = arith.constant 0.000000e+00 : f32
          %broadcast_in_dim3A_872 = vector.broadcast %jit3A_871 : f32 to vector<16xf32>
          %select_n3A_873 = arith.select %eq3A_870, %max3A_837, %broadcast_in_dim3A_872 : vector<16xf32>
          %max3A_874 = arith.maximumf %get3A_863, %select_n3A_873 : vector<16xf32>
          %jit3A_875 = arith.constant 0.000000e+00 : f32
          %broadcast_in_dim3A_876 = vector.broadcast %jit3A_875 : f32 to vector<16xf32>
          %select_n3A_877 = arith.select %eq3A_870, %max3A_841, %broadcast_in_dim3A_876 : vector<16xf32>
          %max3A_878 = arith.maximumf %get3A_869, %select_n3A_877 : vector<16xf32>
          %ge3A_879 = arith.cmpi sge, %squeeze3A_859, %mul3A_8 : i32
          %add3A_880 = arith.constant 1564 : i32
          %add3A_881 = arith.addi %mul3A_8, %add3A_880 : i32
          %lt3A_882 = arith.cmpi slt, %squeeze3A_859, %add3A_881 : i32
          %and3A_883 = arith.andi %ge3A_879, %lt3A_882 : i1
          %sub3A_884 = arith.subi %squeeze3A_859, %mul3A_8 : i32
          %jit3A_885 = arith.constant 1567 : i32
          %select_n3A_886 = arith.select %and3A_883, %sub3A_884, %jit3A_885 : i32
          %mul3A_887 = arith.constant 32 : i32
          %mul3A_888 = arith.muli %select_n3A_886, %mul3A_887 : i32
          %swap3A_889 = arith.index_cast %mul3A_888 : i32 to index
          %swap3A_890 = tpu.vector_load %arg12[%swap3A_889] {strides = array<i32>} : memref<50176xf32, #tpu.memory_space<vmem>>, vector<16xf32>,
          tpu.vector_store %arg12[%swap3A_889], %max3A_874 {strides = array<i32>} : memref<50176xf32, #tpu.memory_space<vmem>>, vector<16xf32>,
          %add3A_891 = arith.constant 16 : i32
          %add3A_892 = arith.addi %mul3A_888, %add3A_891 : i32
          %swap3A_893 = arith.index_cast %add3A_892 : i32 to index
          %swap3A_894 = tpu.vector_load %arg12[%swap3A_893] {strides = array<i32>} : memref<50176xf32, #tpu.memory_space<vmem>>, vector<16xf32>,
          tpu.vector_store %arg12[%swap3A_893], %max3A_878 {strides = array<i32>} : memref<50176xf32, #tpu.memory_space<vmem>>, vector<16xf32>,
          %slice3A_895 = vector.extract_strided_slice %get3A_406 {offsets = [13], sizes = [1], strides = [1]} : vector<16xi32> to vector<1xi32>
          %squeeze3A_896 = vector.extract %slice3A_895[0] : i32 from vector<1xi32>
          %add3A_897 = arith.constant 416 : i32
          %add3A_898 = arith.addi %multiple_of3A_409, %add3A_897 : i32
          %get3A_899 = arith.index_cast %add3A_898 : i32 to index
          %get3A_900 = tpu.vector_load %arg7[%get3A_899] {strides = array<i32>} : memref<40960xf32, #tpu.memory_space<vmem>>, vector<16xf32>,
          %add3A_901 = arith.constant 416 : i32
          %add3A_902 = arith.addi %multiple_of3A_409, %add3A_901 : i32
          %add3A_903 = arith.constant 16 : i32
          %add3A_904 = arith.addi %add3A_902, %add3A_903 : i32
          %get3A_905 = arith.index_cast %add3A_904 : i32 to index
          %get3A_906 = tpu.vector_load %arg7[%get3A_905] {strides = array<i32>} : memref<40960xf32, #tpu.memory_space<vmem>>, vector<16xf32>,
          %eq3A_907 = arith.cmpi eq, %squeeze3A_896, %squeeze3A_859 : i32
          %jit3A_908 = arith.constant 0.000000e+00 : f32
          %broadcast_in_dim3A_909 = vector.broadcast %jit3A_908 : f32 to vector<16xf32>
          %select_n3A_910 = arith.select %eq3A_907, %max3A_874, %broadcast_in_dim3A_909 : vector<16xf32>
          %max3A_911 = arith.maximumf %get3A_900, %select_n3A_910 : vector<16xf32>
          %jit3A_912 = arith.constant 0.000000e+00 : f32
          %broadcast_in_dim3A_913 = vector.broadcast %jit3A_912 : f32 to vector<16xf32>
          %select_n3A_914 = arith.select %eq3A_907, %max3A_878, %broadcast_in_dim3A_913 : vector<16xf32>
          %max3A_915 = arith.maximumf %get3A_906, %select_n3A_914 : vector<16xf32>
          %ge3A_916 = arith.cmpi sge, %squeeze3A_896, %mul3A_8 : i32
          %add3A_917 = arith.constant 1564 : i32
          %add3A_918 = arith.addi %mul3A_8, %add3A_917 : i32
          %lt3A_919 = arith.cmpi slt, %squeeze3A_896, %add3A_918 : i32
          %and3A_920 = arith.andi %ge3A_916, %lt3A_919 : i1
          %sub3A_921 = arith.subi %squeeze3A_896, %mul3A_8 : i32
          %jit3A_922 = arith.constant 1567 : i32
          %select_n3A_923 = arith.select %and3A_920, %sub3A_921, %jit3A_922 : i32
          %mul3A_924 = arith.constant 32 : i32
          %mul3A_925 = arith.muli %select_n3A_923, %mul3A_924 : i32
          %swap3A_926 = arith.index_cast %mul3A_925 : i32 to index
          %swap3A_927 = tpu.vector_load %arg12[%swap3A_926] {strides = array<i32>} : memref<50176xf32, #tpu.memory_space<vmem>>, vector<16xf32>,
          tpu.vector_store %arg12[%swap3A_926], %max3A_911 {strides = array<i32>} : memref<50176xf32, #tpu.memory_space<vmem>>, vector<16xf32>,
          %add3A_928 = arith.constant 16 : i32
          %add3A_929 = arith.addi %mul3A_925, %add3A_928 : i32
          %swap3A_930 = arith.index_cast %add3A_929 : i32 to index
          %swap3A_931 = tpu.vector_load %arg12[%swap3A_930] {strides = array<i32>} : memref<50176xf32, #tpu.memory_space<vmem>>, vector<16xf32>,
          tpu.vector_store %arg12[%swap3A_930], %max3A_915 {strides = array<i32>} : memref<50176xf32, #tpu.memory_space<vmem>>, vector<16xf32>,
          %slice3A_932 = vector.extract_strided_slice %get3A_406 {offsets = [14], sizes = [1], strides = [1]} : vector<16xi32> to vector<1xi32>
          %squeeze3A_933 = vector.extract %slice3A_932[0] : i32 from vector<1xi32>
          %add3A_934 = arith.constant 448 : i32
          %add3A_935 = arith.addi %multiple_of3A_409, %add3A_934 : i32
          %get3A_936 = arith.index_cast %add3A_935 : i32 to index
          %get3A_937 = tpu.vector_load %arg7[%get3A_936] {strides = array<i32>} : memref<40960xf32, #tpu.memory_space<vmem>>, vector<16xf32>,
          %add3A_938 = arith.constant 448 : i32
          %add3A_939 = arith.addi %multiple_of3A_409, %add3A_938 : i32
          %add3A_940 = arith.constant 16 : i32
          %add3A_941 = arith.addi %add3A_939, %add3A_940 : i32
          %get3A_942 = arith.index_cast %add3A_941 : i32 to index
          %get3A_943 = tpu.vector_load %arg7[%get3A_942] {strides = array<i32>} : memref<40960xf32, #tpu.memory_space<vmem>>, vector<16xf32>,
          %eq3A_944 = arith.cmpi eq, %squeeze3A_933, %squeeze3A_896 : i32
          %jit3A_945 = arith.constant 0.000000e+00 : f32
          %broadcast_in_dim3A_946 = vector.broadcast %jit3A_945 : f32 to vector<16xf32>
          %select_n3A_947 = arith.select %eq3A_944, %max3A_911, %broadcast_in_dim3A_946 : vector<16xf32>
          %max3A_948 = arith.maximumf %get3A_937, %select_n3A_947 : vector<16xf32>
          %jit3A_949 = arith.constant 0.000000e+00 : f32
          %broadcast_in_dim3A_950 = vector.broadcast %jit3A_949 : f32 to vector<16xf32>
          %select_n3A_951 = arith.select %eq3A_944, %max3A_915, %broadcast_in_dim3A_950 : vector<16xf32>
          %max3A_952 = arith.maximumf %get3A_943, %select_n3A_951 : vector<16xf32>
          %ge3A_953 = arith.cmpi sge, %squeeze3A_933, %mul3A_8 : i32
          %add3A_954 = arith.constant 1564 : i32
          %add3A_955 = arith.addi %mul3A_8, %add3A_954 : i32
          %lt3A_956 = arith.cmpi slt, %squeeze3A_933, %add3A_955 : i32
          %and3A_957 = arith.andi %ge3A_953, %lt3A_956 : i1
          %sub3A_958 = arith.subi %squeeze3A_933, %mul3A_8 : i32
          %jit3A_959 = arith.constant 1567 : i32
          %select_n3A_960 = arith.select %and3A_957, %sub3A_958, %jit3A_959 : i32
          %mul3A_961 = arith.constant 32 : i32
          %mul3A_962 = arith.muli %select_n3A_960, %mul3A_961 : i32
          %swap3A_963 = arith.index_cast %mul3A_962 : i32 to index
          %swap3A_964 = tpu.vector_load %arg12[%swap3A_963] {strides = array<i32>} : memref<50176xf32, #tpu.memory_space<vmem>>, vector<16xf32>,
          tpu.vector_store %arg12[%swap3A_963], %max3A_948 {strides = array<i32>} : memref<50176xf32, #tpu.memory_space<vmem>>, vector<16xf32>,
          %add3A_965 = arith.constant 16 : i32
          %add3A_966 = arith.addi %mul3A_962, %add3A_965 : i32
          %swap3A_967 = arith.index_cast %add3A_966 : i32 to index
          %swap3A_968 = tpu.vector_load %arg12[%swap3A_967] {strides = array<i32>} : memref<50176xf32, #tpu.memory_space<vmem>>, vector<16xf32>,
          tpu.vector_store %arg12[%swap3A_967], %max3A_952 {strides = array<i32>} : memref<50176xf32, #tpu.memory_space<vmem>>, vector<16xf32>,
          %slice3A_969 = vector.extract_strided_slice %get3A_406 {offsets = [15], sizes = [1], strides = [1]} : vector<16xi32> to vector<1xi32>
          %squeeze3A_970 = vector.extract %slice3A_969[0] : i32 from vector<1xi32>
          %add3A_971 = arith.constant 480 : i32
          %add3A_972 = arith.addi %multiple_of3A_409, %add3A_971 : i32
          %get3A_973 = arith.index_cast %add3A_972 : i32 to index
          %get3A_974 = tpu.vector_load %arg7[%get3A_973] {strides = array<i32>} : memref<40960xf32, #tpu.memory_space<vmem>>, vector<16xf32>,
          %add3A_975 = arith.constant 480 : i32
          %add3A_976 = arith.addi %multiple_of3A_409, %add3A_975 : i32
          %add3A_977 = arith.constant 16 : i32
          %add3A_978 = arith.addi %add3A_976, %add3A_977 : i32
          %get3A_979 = arith.index_cast %add3A_978 : i32 to index
          %get3A_980 = tpu.vector_load %arg7[%get3A_979] {strides = array<i32>} : memref<40960xf32, #tpu.memory_space<vmem>>, vector<16xf32>,
          %eq3A_981 = arith.cmpi eq, %squeeze3A_970, %squeeze3A_933 : i32
          %jit3A_982 = arith.constant 0.000000e+00 : f32
          %broadcast_in_dim3A_983 = vector.broadcast %jit3A_982 : f32 to vector<16xf32>
          %select_n3A_984 = arith.select %eq3A_981, %max3A_948, %broadcast_in_dim3A_983 : vector<16xf32>
          %max3A_985 = arith.maximumf %get3A_974, %select_n3A_984 : vector<16xf32>
          %jit3A_986 = arith.constant 0.000000e+00 : f32
          %broadcast_in_dim3A_987 = vector.broadcast %jit3A_986 : f32 to vector<16xf32>
          %select_n3A_988 = arith.select %eq3A_981, %max3A_952, %broadcast_in_dim3A_987 : vector<16xf32>
          %max3A_989 = arith.maximumf %get3A_980, %select_n3A_988 : vector<16xf32>
          %ge3A_990 = arith.cmpi sge, %squeeze3A_970, %mul3A_8 : i32
          %add3A_991 = arith.constant 1564 : i32
          %add3A_992 = arith.addi %mul3A_8, %add3A_991 : i32
          %lt3A_993 = arith.cmpi slt, %squeeze3A_970, %add3A_992 : i32
          %and3A_994 = arith.andi %ge3A_990, %lt3A_993 : i1
          %sub3A_995 = arith.subi %squeeze3A_970, %mul3A_8 : i32
          %jit3A_996 = arith.constant 1567 : i32
          %select_n3A_997 = arith.select %and3A_994, %sub3A_995, %jit3A_996 : i32
          %mul3A_998 = arith.constant 32 : i32
          %mul3A_999 = arith.muli %select_n3A_997, %mul3A_998 : i32
          %swap3A_1000 = arith.index_cast %mul3A_999 : i32 to index
          %swap3A_1001 = tpu.vector_load %arg12[%swap3A_1000] {strides = array<i32>} : memref<50176xf32, #tpu.memory_space<vmem>>, vector<16xf32>,
          tpu.vector_store %arg12[%swap3A_1000], %max3A_985 {strides = array<i32>} : memref<50176xf32, #tpu.memory_space<vmem>>, vector<16xf32>,
          %add3A_1002 = arith.constant 16 : i32
          %add3A_1003 = arith.addi %mul3A_999, %add3A_1002 : i32
          %swap3A_1004 = arith.index_cast %add3A_1003 : i32 to index
          %swap3A_1005 = tpu.vector_load %arg12[%swap3A_1004] {strides = array<i32>} : memref<50176xf32, #tpu.memory_space<vmem>>, vector<16xf32>,
          tpu.vector_store %arg12[%swap3A_1004], %max3A_989 {strides = array<i32>} : memref<50176xf32, #tpu.memory_space<vmem>>, vector<16xf32>,
          scf.yield %squeeze3A_970, %max3A_985, %max3A_989 : i32, vector<16xf32>, vector<16xf32>
        }
        scf.yield %cond3A_415#0, %cond3A_415#1, %cond3A_415#2 : i32, vector<16xf32>, vector<16xf32>
      }
      scf.yield %while3A_397#0, %while3A_397#1, %while3A_397#2 : i32, vector<16xf32>, vector<16xf32>
    }
    %scan3A_317 = arith.constant 0 : i32
    %scan3A_318 = arith.constant 0 : i32
    %scan3A_319 = arith.constant 98 : i32
    %scan3A_320 = arith.addi %scan3A_318, %scan3A_319 : i32
    %scan3A_321 = arith.constant 1 : i32
    scf.for %scan3A_325 = %scan3A_318 to %scan3A_320 step %scan3A_321  : i32 {
      %mul3A_326 = arith.constant 512 : i32
      %mul3A_327 = arith.muli %scan3A_325, %mul3A_326 : i32
      %multiple_of3A_328 = tpu.assume_multiple %mul3A_327, 512 : i32
      %add3A_329 = vector.broadcast %multiple_of3A_328 : i32 to vector<16xi32>
      %add3A_330 = arith.addi %mul3A_3, %add3A_329 : vector<16xi32>
      %get3A_331 = arith.constant 1024 : index
      %get3A_332 = tpu.vector_load %arg9[%get3A_331] {strides = array<i32>} : memref<2112xf32, #tpu.memory_space<vmem>>, vector<16xf32>,
      %get3A_333 = arith.constant 1040 : index
      %get3A_334 = tpu.vector_load %arg9[%get3A_333] {strides = array<i32>} : memref<2112xf32, #tpu.memory_space<vmem>>, vector<16xf32>,
      %get3A_335 = arith.constant 2080 : index
      %get3A_336 = tpu.vector_load %arg9[%get3A_335] {strides = array<i32>} : memref<2112xf32, #tpu.memory_space<vmem>>, vector<16xf32>,
      %get3A_337 = arith.constant 2096 : index
      %get3A_338 = tpu.vector_load %arg9[%get3A_337] {strides = array<i32>} : memref<2112xf32, #tpu.memory_space<vmem>>, vector<16xf32>,
      %slice3A_339 = vector.extract_strided_slice %get3A_332 {offsets = [0], sizes = [1], strides = [1]} : vector<16xf32> to vector<1xf32>
      %squeeze3A_340 = vector.extract %slice3A_339[0] : f32 from vector<1xf32>
      %broadcast_in_dim3A_341 = vector.broadcast %squeeze3A_340 : f32 to vector<16xf32>
      %slice3A_342 = vector.extract_strided_slice %get3A_332 {offsets = [1], sizes = [1], strides = [1]} : vector<16xf32> to vector<1xf32>
      %squeeze3A_343 = vector.extract %slice3A_342[0] : f32 from vector<1xf32>
      %broadcast_in_dim3A_344 = vector.broadcast %squeeze3A_343 : f32 to vector<16xf32>
      %slice3A_345 = vector.extract_strided_slice %get3A_332 {offsets = [2], sizes = [1], strides = [1]} : vector<16xf32> to vector<1xf32>
      %squeeze3A_346 = vector.extract %slice3A_345[0] : f32 from vector<1xf32>
      %broadcast_in_dim3A_347 = vector.broadcast %squeeze3A_346 : f32 to vector<16xf32>
      %slice3A_348 = vector.extract_strided_slice %get3A_332 {offsets = [3], sizes = [1], strides = [1]} : vector<16xf32> to vector<1xf32>
      %squeeze3A_349 = vector.extract %slice3A_348[0] : f32 from vector<1xf32>
      %broadcast_in_dim3A_350 = vector.broadcast %squeeze3A_349 : f32 to vector<16xf32>
      %slice3A_351 = vector.extract_strided_slice %get3A_332 {offsets = [4], sizes = [1], strides = [1]} : vector<16xf32> to vector<1xf32>
      %squeeze3A_352 = vector.extract %slice3A_351[0] : f32 from vector<1xf32>
      %broadcast_in_dim3A_353 = vector.broadcast %squeeze3A_352 : f32 to vector<16xf32>
      %slice3A_354 = vector.extract_strided_slice %get3A_332 {offsets = [5], sizes = [1], strides = [1]} : vector<16xf32> to vector<1xf32>
      %squeeze3A_355 = vector.extract %slice3A_354[0] : f32 from vector<1xf32>
      %broadcast_in_dim3A_356 = vector.broadcast %squeeze3A_355 : f32 to vector<16xf32>
      %slice3A_357 = vector.extract_strided_slice %get3A_332 {offsets = [6], sizes = [1], strides = [1]} : vector<16xf32> to vector<1xf32>
      %squeeze3A_358 = vector.extract %slice3A_357[0] : f32 from vector<1xf32>
      %broadcast_in_dim3A_359 = vector.broadcast %squeeze3A_358 : f32 to vector<16xf32>
      %slice3A_360 = vector.extract_strided_slice %get3A_332 {offsets = [7], sizes = [1], strides = [1]} : vector<16xf32> to vector<1xf32>
      %squeeze3A_361 = vector.extract %slice3A_360[0] : f32 from vector<1xf32>
      %broadcast_in_dim3A_362 = vector.broadcast %squeeze3A_361 : f32 to vector<16xf32>
      %slice3A_363 = vector.extract_strided_slice %get3A_332 {offsets = [8], sizes = [1], strides = [1]} : vector<16xf32> to vector<1xf32>
      %squeeze3A_364 = vector.extract %slice3A_363[0] : f32 from vector<1xf32>
      %broadcast_in_dim3A_365 = vector.broadcast %squeeze3A_364 : f32 to vector<16xf32>
      %slice3A_366 = vector.extract_strided_slice %get3A_332 {offsets = [9], sizes = [1], strides = [1]} : vector<16xf32> to vector<1xf32>
      %squeeze3A_367 = vector.extract %slice3A_366[0] : f32 from vector<1xf32>
      %broadcast_in_dim3A_368 = vector.broadcast %squeeze3A_367 : f32 to vector<16xf32>
      %slice3A_369 = vector.extract_strided_slice %get3A_332 {offsets = [10], sizes = [1], strides = [1]} : vector<16xf32> to vector<1xf32>
      %squeeze3A_370 = vector.extract %slice3A_369[0] : f32 from vector<1xf32>
      %broadcast_in_dim3A_371 = vector.broadcast %squeeze3A_370 : f32 to vector<16xf32>
      %slice3A_372 = vector.extract_strided_slice %get3A_332 {offsets = [11], sizes = [1], strides = [1]} : vector<16xf32> to vector<1xf32>
      %squeeze3A_373 = vector.extract %slice3A_372[0] : f32 from vector<1xf32>
      %broadcast_in_dim3A_374 = vector.broadcast %squeeze3A_373 : f32 to vector<16xf32>
      %slice3A_375 = vector.extract_strided_slice %get3A_332 {offsets = [12], sizes = [1], strides = [1]} : vector<16xf32> to vector<1xf32>
      %squeeze3A_376 = vector.extract %slice3A_375[0] : f32 from vector<1xf32>
      %broadcast_in_dim3A_377 = vector.broadcast %squeeze3A_376 : f32 to vector<16xf32>
      %slice3A_378 = vector.extract_strided_slice %get3A_332 {offsets = [13], sizes = [1], strides = [1]} : vector<16xf32> to vector<1xf32>
      %squeeze3A_379 = vector.extract %slice3A_378[0] : f32 from vector<1xf32>
      %broadcast_in_dim3A_380 = vector.broadcast %squeeze3A_379 : f32 to vector<16xf32>
      %slice3A_381 = vector.extract_strided_slice %get3A_332 {offsets = [14], sizes = [1], strides = [1]} : vector<16xf32> to vector<1xf32>
      %squeeze3A_382 = vector.extract %slice3A_381[0] : f32 from vector<1xf32>
      %broadcast_in_dim3A_383 = vector.broadcast %squeeze3A_382 : f32 to vector<16xf32>
      %slice3A_384 = vector.extract_strided_slice %get3A_332 {offsets = [15], sizes = [1], strides = [1]} : vector<16xf32> to vector<1xf32>
      %squeeze3A_385 = vector.extract %slice3A_384[0] : f32 from vector<1xf32>
      %broadcast_in_dim3A_386 = vector.broadcast %squeeze3A_385 : f32 to vector<16xf32>
      %slice3A_387 = vector.extract_strided_slice %get3A_334 {offsets = [0], sizes = [1], strides = [1]} : vector<16xf32> to vector<1xf32>
      %squeeze3A_388 = vector.extract %slice3A_387[0] : f32 from vector<1xf32>
      %broadcast_in_dim3A_389 = vector.broadcast %squeeze3A_388 : f32 to vector<16xf32>
      %slice3A_390 = vector.extract_strided_slice %get3A_334 {offsets = [1], sizes = [1], strides = [1]} : vector<16xf32> to vector<1xf32>
      %squeeze3A_391 = vector.extract %slice3A_390[0] : f32 from vector<1xf32>
      %broadcast_in_dim3A_392 = vector.broadcast %squeeze3A_391 : f32 to vector<16xf32>
      %slice3A_393 = vector.extract_strided_slice %get3A_334 {offsets = [2], sizes = [1], strides = [1]} : vector<16xf32> to vector<1xf32>
      %squeeze3A_394 = vector.extract %slice3A_393[0] : f32 from vector<1xf32>
      %broadcast_in_dim3A_395 = vector.broadcast %squeeze3A_394 : f32 to vector<16xf32>
      %slice3A_396 = vector.extract_strided_slice %get3A_334 {offsets = [3], sizes = [1], strides = [1]} : vector<16xf32> to vector<1xf32>
      %squeeze3A_397 = vector.extract %slice3A_396[0] : f32 from vector<1xf32>
      %broadcast_in_dim3A_398 = vector.broadcast %squeeze3A_397 : f32 to vector<16xf32>
      %slice3A_399 = vector.extract_strided_slice %get3A_334 {offsets = [4], sizes = [1], strides = [1]} : vector<16xf32> to vector<1xf32>
      %squeeze3A_400 = vector.extract %slice3A_399[0] : f32 from vector<1xf32>
      %broadcast_in_dim3A_401 = vector.broadcast %squeeze3A_400 : f32 to vector<16xf32>
      %slice3A_402 = vector.extract_strided_slice %get3A_334 {offsets = [5], sizes = [1], strides = [1]} : vector<16xf32> to vector<1xf32>
      %squeeze3A_403 = vector.extract %slice3A_402[0] : f32 from vector<1xf32>
      %broadcast_in_dim3A_404 = vector.broadcast %squeeze3A_403 : f32 to vector<16xf32>
      %slice3A_405 = vector.extract_strided_slice %get3A_334 {offsets = [6], sizes = [1], strides = [1]} : vector<16xf32> to vector<1xf32>
      %squeeze3A_406 = vector.extract %slice3A_405[0] : f32 from vector<1xf32>
      %broadcast_in_dim3A_407 = vector.broadcast %squeeze3A_406 : f32 to vector<16xf32>
      %slice3A_408 = vector.extract_strided_slice %get3A_334 {offsets = [7], sizes = [1], strides = [1]} : vector<16xf32> to vector<1xf32>
      %squeeze3A_409 = vector.extract %slice3A_408[0] : f32 from vector<1xf32>
      %broadcast_in_dim3A_410 = vector.broadcast %squeeze3A_409 : f32 to vector<16xf32>
      %slice3A_411 = vector.extract_strided_slice %get3A_334 {offsets = [8], sizes = [1], strides = [1]} : vector<16xf32> to vector<1xf32>
      %squeeze3A_412 = vector.extract %slice3A_411[0] : f32 from vector<1xf32>
      %broadcast_in_dim3A_413 = vector.broadcast %squeeze3A_412 : f32 to vector<16xf32>
      %slice3A_414 = vector.extract_strided_slice %get3A_334 {offsets = [9], sizes = [1], strides = [1]} : vector<16xf32> to vector<1xf32>
      %squeeze3A_415 = vector.extract %slice3A_414[0] : f32 from vector<1xf32>
      %broadcast_in_dim3A_416 = vector.broadcast %squeeze3A_415 : f32 to vector<16xf32>
      %slice3A_417 = vector.extract_strided_slice %get3A_334 {offsets = [10], sizes = [1], strides = [1]} : vector<16xf32> to vector<1xf32>
      %squeeze3A_418 = vector.extract %slice3A_417[0] : f32 from vector<1xf32>
      %broadcast_in_dim3A_419 = vector.broadcast %squeeze3A_418 : f32 to vector<16xf32>
      %slice3A_420 = vector.extract_strided_slice %get3A_334 {offsets = [11], sizes = [1], strides = [1]} : vector<16xf32> to vector<1xf32>
      %squeeze3A_421 = vector.extract %slice3A_420[0] : f32 from vector<1xf32>
      %broadcast_in_dim3A_422 = vector.broadcast %squeeze3A_421 : f32 to vector<16xf32>
      %slice3A_423 = vector.extract_strided_slice %get3A_334 {offsets = [12], sizes = [1], strides = [1]} : vector<16xf32> to vector<1xf32>
      %squeeze3A_424 = vector.extract %slice3A_423[0] : f32 from vector<1xf32>
      %broadcast_in_dim3A_425 = vector.broadcast %squeeze3A_424 : f32 to vector<16xf32>
      %slice3A_426 = vector.extract_strided_slice %get3A_334 {offsets = [13], sizes = [1], strides = [1]} : vector<16xf32> to vector<1xf32>
      %squeeze3A_427 = vector.extract %slice3A_426[0] : f32 from vector<1xf32>
      %broadcast_in_dim3A_428 = vector.broadcast %squeeze3A_427 : f32 to vector<16xf32>
      %slice3A_429 = vector.extract_strided_slice %get3A_334 {offsets = [14], sizes = [1], strides = [1]} : vector<16xf32> to vector<1xf32>
      %squeeze3A_430 = vector.extract %slice3A_429[0] : f32 from vector<1xf32>
      %broadcast_in_dim3A_431 = vector.broadcast %squeeze3A_430 : f32 to vector<16xf32>
      %slice3A_432 = vector.extract_strided_slice %get3A_334 {offsets = [15], sizes = [1], strides = [1]} : vector<16xf32> to vector<1xf32>
      %squeeze3A_433 = vector.extract %slice3A_432[0] : f32 from vector<1xf32>
      %broadcast_in_dim3A_434 = vector.broadcast %squeeze3A_433 : f32 to vector<16xf32>
      %scan3A_435 = arith.constant 0 : i32
      %scan3A_436 = arith.constant 32 : i32
      %scan3A_437 = arith.addi %scan3A_435, %scan3A_436 : i32
      %scan3A_438 = arith.constant 1 : i32
      %scan3A_439:32 = scf.for %scan3A_894 = %scan3A_435 to %scan3A_437 step %scan3A_438 iter_args(%scan3A_895 = %broadcast_in_dim3A_341, %scan3A_896 = %broadcast_in_dim3A_344, %scan3A_897 = %broadcast_in_dim3A_347, %scan3A_898 = %broadcast_in_dim3A_350, %scan3A_899 = %broadcast_in_dim3A_353, %scan3A_900 = %broadcast_in_dim3A_356, %scan3A_901 = %broadcast_in_dim3A_359, %scan3A_902 = %broadcast_in_dim3A_362, %scan3A_903 = %broadcast_in_dim3A_365, %scan3A_904 = %broadcast_in_dim3A_368, %scan3A_905 = %broadcast_in_dim3A_371, %scan3A_906 = %broadcast_in_dim3A_374, %scan3A_907 = %broadcast_in_dim3A_377, %scan3A_908 = %broadcast_in_dim3A_380, %scan3A_909 = %broadcast_in_dim3A_383, %scan3A_910 = %broadcast_in_dim3A_386, %scan3A_911 = %broadcast_in_dim3A_389, %scan3A_912 = %broadcast_in_dim3A_392, %scan3A_913 = %broadcast_in_dim3A_395, %scan3A_914 = %broadcast_in_dim3A_398, %scan3A_915 = %broadcast_in_dim3A_401, %scan3A_916 = %broadcast_in_dim3A_404, %scan3A_917 = %broadcast_in_dim3A_407, %scan3A_918 = %broadcast_in_dim3A_410, %scan3A_919 = %broadcast_in_dim3A_413, %scan3A_920 = %broadcast_in_dim3A_416, %scan3A_921 = %broadcast_in_dim3A_419, %scan3A_922 = %broadcast_in_dim3A_422, %scan3A_923 = %broadcast_in_dim3A_425, %scan3A_924 = %broadcast_in_dim3A_428, %scan3A_925 = %broadcast_in_dim3A_431, %scan3A_926 = %broadcast_in_dim3A_434) -> (vector<16xf32>, vector<16xf32>, vector<16xf32>, vector<16xf32>, vector<16xf32>, vector<16xf32>, vector<16xf32>, vector<16xf32>, vector<16xf32>, vector<16xf32>, vector<16xf32>, vector<16xf32>, vector<16xf32>, vector<16xf32>, vector<16xf32>, vector<16xf32>, vector<16xf32>, vector<16xf32>, vector<16xf32>, vector<16xf32>, vector<16xf32>, vector<16xf32>, vector<16xf32>, vector<16xf32>, vector<16xf32>, vector<16xf32>, vector<16xf32>, vector<16xf32>, vector<16xf32>, vector<16xf32>, vector<16xf32>, vector<16xf32>)  : i32 {
        %add3A_927 = vector.broadcast %scan3A_894 : i32 to vector<16xi32>
        %add3A_928 = arith.addi %add3A_330, %add3A_927 : vector<16xi32>
        %gather3A = tpu.vector_load_idx %arg12[%add3A_928] : memref<50176xf32, #tpu.memory_space<vmem>>[vector<16xi32>], vector<16xf32>,
        %mul3A_929 = arith.constant 32 : i32
        %mul3A_930 = arith.muli %scan3A_894, %mul3A_929 : i32
        %add3A_931 = arith.constant 0 : i32
        %add3A_932 = arith.addi %add3A_931, %mul3A_930 : i32
        %multiple_of3A_933 = tpu.assume_multiple %add3A_932, 16 : i32
        %get3A_934 = arith.index_cast %multiple_of3A_933 : i32 to index
        %get3A_935 = tpu.vector_load %arg9[%get3A_934] {strides = array<i32>} : memref<2112xf32, #tpu.memory_space<vmem>>, vector<16xf32>,
        %add3A_936 = arith.constant 16 : i32
        %add3A_937 = arith.addi %multiple_of3A_933, %add3A_936 : i32
        %get3A_938 = arith.index_cast %add3A_937 : i32 to index
        %get3A_939 = tpu.vector_load %arg9[%get3A_938] {strides = array<i32>} : memref<2112xf32, #tpu.memory_space<vmem>>, vector<16xf32>,
        %slice3A_940 = vector.extract_strided_slice %get3A_935 {offsets = [0], sizes = [1], strides = [1]} : vector<16xf32> to vector<1xf32>
        %squeeze3A_941 = vector.extract %slice3A_940[0] : f32 from vector<1xf32>
        %mul3A_942 = vector.broadcast %squeeze3A_941 : f32 to vector<16xf32>
        %mul3A_943 = arith.mulf %gather3A, %mul3A_942 : vector<16xf32>
        %add3A_944 = arith.addf %scan3A_895, %mul3A_943 : vector<16xf32>
        %slice3A_945 = vector.extract_strided_slice %get3A_935 {offsets = [1], sizes = [1], strides = [1]} : vector<16xf32> to vector<1xf32>
        %squeeze3A_946 = vector.extract %slice3A_945[0] : f32 from vector<1xf32>
        %mul3A_947 = vector.broadcast %squeeze3A_946 : f32 to vector<16xf32>
        %mul3A_948 = arith.mulf %gather3A, %mul3A_947 : vector<16xf32>
        %add3A_949 = arith.addf %scan3A_896, %mul3A_948 : vector<16xf32>
        %slice3A_950 = vector.extract_strided_slice %get3A_935 {offsets = [2], sizes = [1], strides = [1]} : vector<16xf32> to vector<1xf32>
        %squeeze3A_951 = vector.extract %slice3A_950[0] : f32 from vector<1xf32>
        %mul3A_952 = vector.broadcast %squeeze3A_951 : f32 to vector<16xf32>
        %mul3A_953 = arith.mulf %gather3A, %mul3A_952 : vector<16xf32>
        %add3A_954 = arith.addf %scan3A_897, %mul3A_953 : vector<16xf32>
        %slice3A_955 = vector.extract_strided_slice %get3A_935 {offsets = [3], sizes = [1], strides = [1]} : vector<16xf32> to vector<1xf32>
        %squeeze3A_956 = vector.extract %slice3A_955[0] : f32 from vector<1xf32>
        %mul3A_957 = vector.broadcast %squeeze3A_956 : f32 to vector<16xf32>
        %mul3A_958 = arith.mulf %gather3A, %mul3A_957 : vector<16xf32>
        %add3A_959 = arith.addf %scan3A_898, %mul3A_958 : vector<16xf32>
        %slice3A_960 = vector.extract_strided_slice %get3A_935 {offsets = [4], sizes = [1], strides = [1]} : vector<16xf32> to vector<1xf32>
        %squeeze3A_961 = vector.extract %slice3A_960[0] : f32 from vector<1xf32>
        %mul3A_962 = vector.broadcast %squeeze3A_961 : f32 to vector<16xf32>
        %mul3A_963 = arith.mulf %gather3A, %mul3A_962 : vector<16xf32>
        %add3A_964 = arith.addf %scan3A_899, %mul3A_963 : vector<16xf32>
        %slice3A_965 = vector.extract_strided_slice %get3A_935 {offsets = [5], sizes = [1], strides = [1]} : vector<16xf32> to vector<1xf32>
        %squeeze3A_966 = vector.extract %slice3A_965[0] : f32 from vector<1xf32>
        %mul3A_967 = vector.broadcast %squeeze3A_966 : f32 to vector<16xf32>
        %mul3A_968 = arith.mulf %gather3A, %mul3A_967 : vector<16xf32>
        %add3A_969 = arith.addf %scan3A_900, %mul3A_968 : vector<16xf32>
        %slice3A_970 = vector.extract_strided_slice %get3A_935 {offsets = [6], sizes = [1], strides = [1]} : vector<16xf32> to vector<1xf32>
        %squeeze3A_971 = vector.extract %slice3A_970[0] : f32 from vector<1xf32>
        %mul3A_972 = vector.broadcast %squeeze3A_971 : f32 to vector<16xf32>
        %mul3A_973 = arith.mulf %gather3A, %mul3A_972 : vector<16xf32>
        %add3A_974 = arith.addf %scan3A_901, %mul3A_973 : vector<16xf32>
        %slice3A_975 = vector.extract_strided_slice %get3A_935 {offsets = [7], sizes = [1], strides = [1]} : vector<16xf32> to vector<1xf32>
        %squeeze3A_976 = vector.extract %slice3A_975[0] : f32 from vector<1xf32>
        %mul3A_977 = vector.broadcast %squeeze3A_976 : f32 to vector<16xf32>
        %mul3A_978 = arith.mulf %gather3A, %mul3A_977 : vector<16xf32>
        %add3A_979 = arith.addf %scan3A_902, %mul3A_978 : vector<16xf32>
        %slice3A_980 = vector.extract_strided_slice %get3A_935 {offsets = [8], sizes = [1], strides = [1]} : vector<16xf32> to vector<1xf32>
        %squeeze3A_981 = vector.extract %slice3A_980[0] : f32 from vector<1xf32>
        %mul3A_982 = vector.broadcast %squeeze3A_981 : f32 to vector<16xf32>
        %mul3A_983 = arith.mulf %gather3A, %mul3A_982 : vector<16xf32>
        %add3A_984 = arith.addf %scan3A_903, %mul3A_983 : vector<16xf32>
        %slice3A_985 = vector.extract_strided_slice %get3A_935 {offsets = [9], sizes = [1], strides = [1]} : vector<16xf32> to vector<1xf32>
        %squeeze3A_986 = vector.extract %slice3A_985[0] : f32 from vector<1xf32>
        %mul3A_987 = vector.broadcast %squeeze3A_986 : f32 to vector<16xf32>
        %mul3A_988 = arith.mulf %gather3A, %mul3A_987 : vector<16xf32>
        %add3A_989 = arith.addf %scan3A_904, %mul3A_988 : vector<16xf32>
        %slice3A_990 = vector.extract_strided_slice %get3A_935 {offsets = [10], sizes = [1], strides = [1]} : vector<16xf32> to vector<1xf32>
        %squeeze3A_991 = vector.extract %slice3A_990[0] : f32 from vector<1xf32>
        %mul3A_992 = vector.broadcast %squeeze3A_991 : f32 to vector<16xf32>
        %mul3A_993 = arith.mulf %gather3A, %mul3A_992 : vector<16xf32>
        %add3A_994 = arith.addf %scan3A_905, %mul3A_993 : vector<16xf32>
        %slice3A_995 = vector.extract_strided_slice %get3A_935 {offsets = [11], sizes = [1], strides = [1]} : vector<16xf32> to vector<1xf32>
        %squeeze3A_996 = vector.extract %slice3A_995[0] : f32 from vector<1xf32>
        %mul3A_997 = vector.broadcast %squeeze3A_996 : f32 to vector<16xf32>
        %mul3A_998 = arith.mulf %gather3A, %mul3A_997 : vector<16xf32>
        %add3A_999 = arith.addf %scan3A_906, %mul3A_998 : vector<16xf32>
        %slice3A_1000 = vector.extract_strided_slice %get3A_935 {offsets = [12], sizes = [1], strides = [1]} : vector<16xf32> to vector<1xf32>
        %squeeze3A_1001 = vector.extract %slice3A_1000[0] : f32 from vector<1xf32>
        %mul3A_1002 = vector.broadcast %squeeze3A_1001 : f32 to vector<16xf32>
        %mul3A_1003 = arith.mulf %gather3A, %mul3A_1002 : vector<16xf32>
        %add3A_1004 = arith.addf %scan3A_907, %mul3A_1003 : vector<16xf32>
        %slice3A_1005 = vector.extract_strided_slice %get3A_935 {offsets = [13], sizes = [1], strides = [1]} : vector<16xf32> to vector<1xf32>
        %squeeze3A_1006 = vector.extract %slice3A_1005[0] : f32 from vector<1xf32>
        %mul3A_1007 = vector.broadcast %squeeze3A_1006 : f32 to vector<16xf32>
        %mul3A_1008 = arith.mulf %gather3A, %mul3A_1007 : vector<16xf32>
        %add3A_1009 = arith.addf %scan3A_908, %mul3A_1008 : vector<16xf32>
        %slice3A_1010 = vector.extract_strided_slice %get3A_935 {offsets = [14], sizes = [1], strides = [1]} : vector<16xf32> to vector<1xf32>
        %squeeze3A_1011 = vector.extract %slice3A_1010[0] : f32 from vector<1xf32>
        %mul3A_1012 = vector.broadcast %squeeze3A_1011 : f32 to vector<16xf32>
        %mul3A_1013 = arith.mulf %gather3A, %mul3A_1012 : vector<16xf32>
        %add3A_1014 = arith.addf %scan3A_909, %mul3A_1013 : vector<16xf32>
        %slice3A_1015 = vector.extract_strided_slice %get3A_935 {offsets = [15], sizes = [1], strides = [1]} : vector<16xf32> to vector<1xf32>
        %squeeze3A_1016 = vector.extract %slice3A_1015[0] : f32 from vector<1xf32>
        %mul3A_1017 = vector.broadcast %squeeze3A_1016 : f32 to vector<16xf32>
        %mul3A_1018 = arith.mulf %gather3A, %mul3A_1017 : vector<16xf32>
        %add3A_1019 = arith.addf %scan3A_910, %mul3A_1018 : vector<16xf32>
        %slice3A_1020 = vector.extract_strided_slice %get3A_939 {offsets = [0], sizes = [1], strides = [1]} : vector<16xf32> to vector<1xf32>
        %squeeze3A_1021 = vector.extract %slice3A_1020[0] : f32 from vector<1xf32>
        %mul3A_1022 = vector.broadcast %squeeze3A_1021 : f32 to vector<16xf32>
        %mul3A_1023 = arith.mulf %gather3A, %mul3A_1022 : vector<16xf32>
        %add3A_1024 = arith.addf %scan3A_911, %mul3A_1023 : vector<16xf32>
        %slice3A_1025 = vector.extract_strided_slice %get3A_939 {offsets = [1], sizes = [1], strides = [1]} : vector<16xf32> to vector<1xf32>
        %squeeze3A_1026 = vector.extract %slice3A_1025[0] : f32 from vector<1xf32>
        %mul3A_1027 = vector.broadcast %squeeze3A_1026 : f32 to vector<16xf32>
        %mul3A_1028 = arith.mulf %gather3A, %mul3A_1027 : vector<16xf32>
        %add3A_1029 = arith.addf %scan3A_912, %mul3A_1028 : vector<16xf32>
        %slice3A_1030 = vector.extract_strided_slice %get3A_939 {offsets = [2], sizes = [1], strides = [1]} : vector<16xf32> to vector<1xf32>
        %squeeze3A_1031 = vector.extract %slice3A_1030[0] : f32 from vector<1xf32>
        %mul3A_1032 = vector.broadcast %squeeze3A_1031 : f32 to vector<16xf32>
        %mul3A_1033 = arith.mulf %gather3A, %mul3A_1032 : vector<16xf32>
        %add3A_1034 = arith.addf %scan3A_913, %mul3A_1033 : vector<16xf32>
        %slice3A_1035 = vector.extract_strided_slice %get3A_939 {offsets = [3], sizes = [1], strides = [1]} : vector<16xf32> to vector<1xf32>
        %squeeze3A_1036 = vector.extract %slice3A_1035[0] : f32 from vector<1xf32>
        %mul3A_1037 = vector.broadcast %squeeze3A_1036 : f32 to vector<16xf32>
        %mul3A_1038 = arith.mulf %gather3A, %mul3A_1037 : vector<16xf32>
        %add3A_1039 = arith.addf %scan3A_914, %mul3A_1038 : vector<16xf32>
        %slice3A_1040 = vector.extract_strided_slice %get3A_939 {offsets = [4], sizes = [1], strides = [1]} : vector<16xf32> to vector<1xf32>
        %squeeze3A_1041 = vector.extract %slice3A_1040[0] : f32 from vector<1xf32>
        %mul3A_1042 = vector.broadcast %squeeze3A_1041 : f32 to vector<16xf32>
        %mul3A_1043 = arith.mulf %gather3A, %mul3A_1042 : vector<16xf32>
        %add3A_1044 = arith.addf %scan3A_915, %mul3A_1043 : vector<16xf32>
        %slice3A_1045 = vector.extract_strided_slice %get3A_939 {offsets = [5], sizes = [1], strides = [1]} : vector<16xf32> to vector<1xf32>
        %squeeze3A_1046 = vector.extract %slice3A_1045[0] : f32 from vector<1xf32>
        %mul3A_1047 = vector.broadcast %squeeze3A_1046 : f32 to vector<16xf32>
        %mul3A_1048 = arith.mulf %gather3A, %mul3A_1047 : vector<16xf32>
        %add3A_1049 = arith.addf %scan3A_916, %mul3A_1048 : vector<16xf32>
        %slice3A_1050 = vector.extract_strided_slice %get3A_939 {offsets = [6], sizes = [1], strides = [1]} : vector<16xf32> to vector<1xf32>
        %squeeze3A_1051 = vector.extract %slice3A_1050[0] : f32 from vector<1xf32>
        %mul3A_1052 = vector.broadcast %squeeze3A_1051 : f32 to vector<16xf32>
        %mul3A_1053 = arith.mulf %gather3A, %mul3A_1052 : vector<16xf32>
        %add3A_1054 = arith.addf %scan3A_917, %mul3A_1053 : vector<16xf32>
        %slice3A_1055 = vector.extract_strided_slice %get3A_939 {offsets = [7], sizes = [1], strides = [1]} : vector<16xf32> to vector<1xf32>
        %squeeze3A_1056 = vector.extract %slice3A_1055[0] : f32 from vector<1xf32>
        %mul3A_1057 = vector.broadcast %squeeze3A_1056 : f32 to vector<16xf32>
        %mul3A_1058 = arith.mulf %gather3A, %mul3A_1057 : vector<16xf32>
        %add3A_1059 = arith.addf %scan3A_918, %mul3A_1058 : vector<16xf32>
        %slice3A_1060 = vector.extract_strided_slice %get3A_939 {offsets = [8], sizes = [1], strides = [1]} : vector<16xf32> to vector<1xf32>
        %squeeze3A_1061 = vector.extract %slice3A_1060[0] : f32 from vector<1xf32>
        %mul3A_1062 = vector.broadcast %squeeze3A_1061 : f32 to vector<16xf32>
        %mul3A_1063 = arith.mulf %gather3A, %mul3A_1062 : vector<16xf32>
        %add3A_1064 = arith.addf %scan3A_919, %mul3A_1063 : vector<16xf32>
        %slice3A_1065 = vector.extract_strided_slice %get3A_939 {offsets = [9], sizes = [1], strides = [1]} : vector<16xf32> to vector<1xf32>
        %squeeze3A_1066 = vector.extract %slice3A_1065[0] : f32 from vector<1xf32>
        %mul3A_1067 = vector.broadcast %squeeze3A_1066 : f32 to vector<16xf32>
        %mul3A_1068 = arith.mulf %gather3A, %mul3A_1067 : vector<16xf32>
        %add3A_1069 = arith.addf %scan3A_920, %mul3A_1068 : vector<16xf32>
        %slice3A_1070 = vector.extract_strided_slice %get3A_939 {offsets = [10], sizes = [1], strides = [1]} : vector<16xf32> to vector<1xf32>
        %squeeze3A_1071 = vector.extract %slice3A_1070[0] : f32 from vector<1xf32>
        %mul3A_1072 = vector.broadcast %squeeze3A_1071 : f32 to vector<16xf32>
        %mul3A_1073 = arith.mulf %gather3A, %mul3A_1072 : vector<16xf32>
        %add3A_1074 = arith.addf %scan3A_921, %mul3A_1073 : vector<16xf32>
        %slice3A_1075 = vector.extract_strided_slice %get3A_939 {offsets = [11], sizes = [1], strides = [1]} : vector<16xf32> to vector<1xf32>
        %squeeze3A_1076 = vector.extract %slice3A_1075[0] : f32 from vector<1xf32>
        %mul3A_1077 = vector.broadcast %squeeze3A_1076 : f32 to vector<16xf32>
        %mul3A_1078 = arith.mulf %gather3A, %mul3A_1077 : vector<16xf32>
        %add3A_1079 = arith.addf %scan3A_922, %mul3A_1078 : vector<16xf32>
        %slice3A_1080 = vector.extract_strided_slice %get3A_939 {offsets = [12], sizes = [1], strides = [1]} : vector<16xf32> to vector<1xf32>
        %squeeze3A_1081 = vector.extract %slice3A_1080[0] : f32 from vector<1xf32>
        %mul3A_1082 = vector.broadcast %squeeze3A_1081 : f32 to vector<16xf32>
        %mul3A_1083 = arith.mulf %gather3A, %mul3A_1082 : vector<16xf32>
        %add3A_1084 = arith.addf %scan3A_923, %mul3A_1083 : vector<16xf32>
        %slice3A_1085 = vector.extract_strided_slice %get3A_939 {offsets = [13], sizes = [1], strides = [1]} : vector<16xf32> to vector<1xf32>
        %squeeze3A_1086 = vector.extract %slice3A_1085[0] : f32 from vector<1xf32>
        %mul3A_1087 = vector.broadcast %squeeze3A_1086 : f32 to vector<16xf32>
        %mul3A_1088 = arith.mulf %gather3A, %mul3A_1087 : vector<16xf32>
        %add3A_1089 = arith.addf %scan3A_924, %mul3A_1088 : vector<16xf32>
        %slice3A_1090 = vector.extract_strided_slice %get3A_939 {offsets = [14], sizes = [1], strides = [1]} : vector<16xf32> to vector<1xf32>
        %squeeze3A_1091 = vector.extract %slice3A_1090[0] : f32 from vector<1xf32>
        %mul3A_1092 = vector.broadcast %squeeze3A_1091 : f32 to vector<16xf32>
        %mul3A_1093 = arith.mulf %gather3A, %mul3A_1092 : vector<16xf32>
        %add3A_1094 = arith.addf %scan3A_925, %mul3A_1093 : vector<16xf32>
        %slice3A_1095 = vector.extract_strided_slice %get3A_939 {offsets = [15], sizes = [1], strides = [1]} : vector<16xf32> to vector<1xf32>
        %squeeze3A_1096 = vector.extract %slice3A_1095[0] : f32 from vector<1xf32>
        %mul3A_1097 = vector.broadcast %squeeze3A_1096 : f32 to vector<16xf32>
        %mul3A_1098 = arith.mulf %gather3A, %mul3A_1097 : vector<16xf32>
        %add3A_1099 = arith.addf %scan3A_926, %mul3A_1098 : vector<16xf32>
        scf.yield %add3A_944, %add3A_949, %add3A_954, %add3A_959, %add3A_964, %add3A_969, %add3A_974, %add3A_979, %add3A_984, %add3A_989, %add3A_994, %add3A_999, %add3A_1004, %add3A_1009, %add3A_1014, %add3A_1019, %add3A_1024, %add3A_1029, %add3A_1034, %add3A_1039, %add3A_1044, %add3A_1049, %add3A_1054, %add3A_1059, %add3A_1064, %add3A_1069, %add3A_1074, %add3A_1079, %add3A_1084, %add3A_1089, %add3A_1094, %add3A_1099 : vector<16xf32>, vector<16xf32>, vector<16xf32>, vector<16xf32>, vector<16xf32>, vector<16xf32>, vector<16xf32>, vector<16xf32>, vector<16xf32>, vector<16xf32>, vector<16xf32>, vector<16xf32>, vector<16xf32>, vector<16xf32>, vector<16xf32>, vector<16xf32>, vector<16xf32>, vector<16xf32>, vector<16xf32>, vector<16xf32>, vector<16xf32>, vector<16xf32>, vector<16xf32>, vector<16xf32>, vector<16xf32>, vector<16xf32>, vector<16xf32>, vector<16xf32>, vector<16xf32>, vector<16xf32>, vector<16xf32>, vector<16xf32>
      }
      %scan3A_440 = arith.constant 32 : i32
      %max3A = arith.constant 0.000000e+00 : f32
      %max3A_441 = vector.broadcast %max3A : f32 to vector<16xf32>
      %max3A_442 = arith.maximumf %scan3A_439#0, %max3A_441 : vector<16xf32>
      %swap3A_443 = arith.constant 0 : index
      %swap3A_444 = tpu.vector_load %arg11[%swap3A_443] {strides = array<i32>} : memref<512xf32, #tpu.memory_space<vmem>>, vector<16xf32>,
      tpu.vector_store %arg11[%swap3A_443], %max3A_442 {strides = array<i32>} : memref<512xf32, #tpu.memory_space<vmem>>, vector<16xf32>,
      %max3A_445 = arith.constant 0.000000e+00 : f32
      %max3A_446 = vector.broadcast %max3A_445 : f32 to vector<16xf32>
      %max3A_447 = arith.maximumf %scan3A_439#1, %max3A_446 : vector<16xf32>
      %swap3A_448 = arith.constant 16 : index
      %swap3A_449 = tpu.vector_load %arg11[%swap3A_448] {strides = array<i32>} : memref<512xf32, #tpu.memory_space<vmem>>, vector<16xf32>,
      tpu.vector_store %arg11[%swap3A_448], %max3A_447 {strides = array<i32>} : memref<512xf32, #tpu.memory_space<vmem>>, vector<16xf32>,
      %max3A_450 = arith.constant 0.000000e+00 : f32
      %max3A_451 = vector.broadcast %max3A_450 : f32 to vector<16xf32>
      %max3A_452 = arith.maximumf %scan3A_439#2, %max3A_451 : vector<16xf32>
      %swap3A_453 = arith.constant 32 : index
      %swap3A_454 = tpu.vector_load %arg11[%swap3A_453] {strides = array<i32>} : memref<512xf32, #tpu.memory_space<vmem>>, vector<16xf32>,
      tpu.vector_store %arg11[%swap3A_453], %max3A_452 {strides = array<i32>} : memref<512xf32, #tpu.memory_space<vmem>>, vector<16xf32>,
      %max3A_455 = arith.constant 0.000000e+00 : f32
      %max3A_456 = vector.broadcast %max3A_455 : f32 to vector<16xf32>
      %max3A_457 = arith.maximumf %scan3A_439#3, %max3A_456 : vector<16xf32>
      %swap3A_458 = arith.constant 48 : index
      %swap3A_459 = tpu.vector_load %arg11[%swap3A_458] {strides = array<i32>} : memref<512xf32, #tpu.memory_space<vmem>>, vector<16xf32>,
      tpu.vector_store %arg11[%swap3A_458], %max3A_457 {strides = array<i32>} : memref<512xf32, #tpu.memory_space<vmem>>, vector<16xf32>,
      %max3A_460 = arith.constant 0.000000e+00 : f32
      %max3A_461 = vector.broadcast %max3A_460 : f32 to vector<16xf32>
      %max3A_462 = arith.maximumf %scan3A_439#4, %max3A_461 : vector<16xf32>
      %swap3A_463 = arith.constant 64 : index
      %swap3A_464 = tpu.vector_load %arg11[%swap3A_463] {strides = array<i32>} : memref<512xf32, #tpu.memory_space<vmem>>, vector<16xf32>,
      tpu.vector_store %arg11[%swap3A_463], %max3A_462 {strides = array<i32>} : memref<512xf32, #tpu.memory_space<vmem>>, vector<16xf32>,
      %max3A_465 = arith.constant 0.000000e+00 : f32
      %max3A_466 = vector.broadcast %max3A_465 : f32 to vector<16xf32>
      %max3A_467 = arith.maximumf %scan3A_439#5, %max3A_466 : vector<16xf32>
      %swap3A_468 = arith.constant 80 : index
      %swap3A_469 = tpu.vector_load %arg11[%swap3A_468] {strides = array<i32>} : memref<512xf32, #tpu.memory_space<vmem>>, vector<16xf32>,
      tpu.vector_store %arg11[%swap3A_468], %max3A_467 {strides = array<i32>} : memref<512xf32, #tpu.memory_space<vmem>>, vector<16xf32>,
      %max3A_470 = arith.constant 0.000000e+00 : f32
      %max3A_471 = vector.broadcast %max3A_470 : f32 to vector<16xf32>
      %max3A_472 = arith.maximumf %scan3A_439#6, %max3A_471 : vector<16xf32>
      %swap3A_473 = arith.constant 96 : index
      %swap3A_474 = tpu.vector_load %arg11[%swap3A_473] {strides = array<i32>} : memref<512xf32, #tpu.memory_space<vmem>>, vector<16xf32>,
      tpu.vector_store %arg11[%swap3A_473], %max3A_472 {strides = array<i32>} : memref<512xf32, #tpu.memory_space<vmem>>, vector<16xf32>,
      %max3A_475 = arith.constant 0.000000e+00 : f32
      %max3A_476 = vector.broadcast %max3A_475 : f32 to vector<16xf32>
      %max3A_477 = arith.maximumf %scan3A_439#7, %max3A_476 : vector<16xf32>
      %swap3A_478 = arith.constant 112 : index
      %swap3A_479 = tpu.vector_load %arg11[%swap3A_478] {strides = array<i32>} : memref<512xf32, #tpu.memory_space<vmem>>, vector<16xf32>,
      tpu.vector_store %arg11[%swap3A_478], %max3A_477 {strides = array<i32>} : memref<512xf32, #tpu.memory_space<vmem>>, vector<16xf32>,
      %max3A_480 = arith.constant 0.000000e+00 : f32
      %max3A_481 = vector.broadcast %max3A_480 : f32 to vector<16xf32>
      %max3A_482 = arith.maximumf %scan3A_439#8, %max3A_481 : vector<16xf32>
      %swap3A_483 = arith.constant 128 : index
      %swap3A_484 = tpu.vector_load %arg11[%swap3A_483] {strides = array<i32>} : memref<512xf32, #tpu.memory_space<vmem>>, vector<16xf32>,
      tpu.vector_store %arg11[%swap3A_483], %max3A_482 {strides = array<i32>} : memref<512xf32, #tpu.memory_space<vmem>>, vector<16xf32>,
      %max3A_485 = arith.constant 0.000000e+00 : f32
      %max3A_486 = vector.broadcast %max3A_485 : f32 to vector<16xf32>
      %max3A_487 = arith.maximumf %scan3A_439#9, %max3A_486 : vector<16xf32>
      %swap3A_488 = arith.constant 144 : index
      %swap3A_489 = tpu.vector_load %arg11[%swap3A_488] {strides = array<i32>} : memref<512xf32, #tpu.memory_space<vmem>>, vector<16xf32>,
      tpu.vector_store %arg11[%swap3A_488], %max3A_487 {strides = array<i32>} : memref<512xf32, #tpu.memory_space<vmem>>, vector<16xf32>,
      %max3A_490 = arith.constant 0.000000e+00 : f32
      %max3A_491 = vector.broadcast %max3A_490 : f32 to vector<16xf32>
      %max3A_492 = arith.maximumf %scan3A_439#10, %max3A_491 : vector<16xf32>
      %swap3A_493 = arith.constant 160 : index
      %swap3A_494 = tpu.vector_load %arg11[%swap3A_493] {strides = array<i32>} : memref<512xf32, #tpu.memory_space<vmem>>, vector<16xf32>,
      tpu.vector_store %arg11[%swap3A_493], %max3A_492 {strides = array<i32>} : memref<512xf32, #tpu.memory_space<vmem>>, vector<16xf32>,
      %max3A_495 = arith.constant 0.000000e+00 : f32
      %max3A_496 = vector.broadcast %max3A_495 : f32 to vector<16xf32>
      %max3A_497 = arith.maximumf %scan3A_439#11, %max3A_496 : vector<16xf32>
      %swap3A_498 = arith.constant 176 : index
      %swap3A_499 = tpu.vector_load %arg11[%swap3A_498] {strides = array<i32>} : memref<512xf32, #tpu.memory_space<vmem>>, vector<16xf32>,
      tpu.vector_store %arg11[%swap3A_498], %max3A_497 {strides = array<i32>} : memref<512xf32, #tpu.memory_space<vmem>>, vector<16xf32>,
      %max3A_500 = arith.constant 0.000000e+00 : f32
      %max3A_501 = vector.broadcast %max3A_500 : f32 to vector<16xf32>
      %max3A_502 = arith.maximumf %scan3A_439#12, %max3A_501 : vector<16xf32>
      %swap3A_503 = arith.constant 192 : index
      %swap3A_504 = tpu.vector_load %arg11[%swap3A_503] {strides = array<i32>} : memref<512xf32, #tpu.memory_space<vmem>>, vector<16xf32>,
      tpu.vector_store %arg11[%swap3A_503], %max3A_502 {strides = array<i32>} : memref<512xf32, #tpu.memory_space<vmem>>, vector<16xf32>,
      %max3A_505 = arith.constant 0.000000e+00 : f32
      %max3A_506 = vector.broadcast %max3A_505 : f32 to vector<16xf32>
      %max3A_507 = arith.maximumf %scan3A_439#13, %max3A_506 : vector<16xf32>
      %swap3A_508 = arith.constant 208 : index
      %swap3A_509 = tpu.vector_load %arg11[%swap3A_508] {strides = array<i32>} : memref<512xf32, #tpu.memory_space<vmem>>, vector<16xf32>,
      tpu.vector_store %arg11[%swap3A_508], %max3A_507 {strides = array<i32>} : memref<512xf32, #tpu.memory_space<vmem>>, vector<16xf32>,
      %max3A_510 = arith.constant 0.000000e+00 : f32
      %max3A_511 = vector.broadcast %max3A_510 : f32 to vector<16xf32>
      %max3A_512 = arith.maximumf %scan3A_439#14, %max3A_511 : vector<16xf32>
      %swap3A_513 = arith.constant 224 : index
      %swap3A_514 = tpu.vector_load %arg11[%swap3A_513] {strides = array<i32>} : memref<512xf32, #tpu.memory_space<vmem>>, vector<16xf32>,
      tpu.vector_store %arg11[%swap3A_513], %max3A_512 {strides = array<i32>} : memref<512xf32, #tpu.memory_space<vmem>>, vector<16xf32>,
      %max3A_515 = arith.constant 0.000000e+00 : f32
      %max3A_516 = vector.broadcast %max3A_515 : f32 to vector<16xf32>
      %max3A_517 = arith.maximumf %scan3A_439#15, %max3A_516 : vector<16xf32>
      %swap3A_518 = arith.constant 240 : index
      %swap3A_519 = tpu.vector_load %arg11[%swap3A_518] {strides = array<i32>} : memref<512xf32, #tpu.memory_space<vmem>>, vector<16xf32>,
      tpu.vector_store %arg11[%swap3A_518], %max3A_517 {strides = array<i32>} : memref<512xf32, #tpu.memory_space<vmem>>, vector<16xf32>,
      %max3A_520 = arith.constant 0.000000e+00 : f32
      %max3A_521 = vector.broadcast %max3A_520 : f32 to vector<16xf32>
      %max3A_522 = arith.maximumf %scan3A_439#16, %max3A_521 : vector<16xf32>
      %swap3A_523 = arith.constant 256 : index
      %swap3A_524 = tpu.vector_load %arg11[%swap3A_523] {strides = array<i32>} : memref<512xf32, #tpu.memory_space<vmem>>, vector<16xf32>,
      tpu.vector_store %arg11[%swap3A_523], %max3A_522 {strides = array<i32>} : memref<512xf32, #tpu.memory_space<vmem>>, vector<16xf32>,
      %max3A_525 = arith.constant 0.000000e+00 : f32
      %max3A_526 = vector.broadcast %max3A_525 : f32 to vector<16xf32>
      %max3A_527 = arith.maximumf %scan3A_439#17, %max3A_526 : vector<16xf32>
      %swap3A_528 = arith.constant 272 : index
      %swap3A_529 = tpu.vector_load %arg11[%swap3A_528] {strides = array<i32>} : memref<512xf32, #tpu.memory_space<vmem>>, vector<16xf32>,
      tpu.vector_store %arg11[%swap3A_528], %max3A_527 {strides = array<i32>} : memref<512xf32, #tpu.memory_space<vmem>>, vector<16xf32>,
      %max3A_530 = arith.constant 0.000000e+00 : f32
      %max3A_531 = vector.broadcast %max3A_530 : f32 to vector<16xf32>
      %max3A_532 = arith.maximumf %scan3A_439#18, %max3A_531 : vector<16xf32>
      %swap3A_533 = arith.constant 288 : index
      %swap3A_534 = tpu.vector_load %arg11[%swap3A_533] {strides = array<i32>} : memref<512xf32, #tpu.memory_space<vmem>>, vector<16xf32>,
      tpu.vector_store %arg11[%swap3A_533], %max3A_532 {strides = array<i32>} : memref<512xf32, #tpu.memory_space<vmem>>, vector<16xf32>,
      %max3A_535 = arith.constant 0.000000e+00 : f32
      %max3A_536 = vector.broadcast %max3A_535 : f32 to vector<16xf32>
      %max3A_537 = arith.maximumf %scan3A_439#19, %max3A_536 : vector<16xf32>
      %swap3A_538 = arith.constant 304 : index
      %swap3A_539 = tpu.vector_load %arg11[%swap3A_538] {strides = array<i32>} : memref<512xf32, #tpu.memory_space<vmem>>, vector<16xf32>,
      tpu.vector_store %arg11[%swap3A_538], %max3A_537 {strides = array<i32>} : memref<512xf32, #tpu.memory_space<vmem>>, vector<16xf32>,
      %max3A_540 = arith.constant 0.000000e+00 : f32
      %max3A_541 = vector.broadcast %max3A_540 : f32 to vector<16xf32>
      %max3A_542 = arith.maximumf %scan3A_439#20, %max3A_541 : vector<16xf32>
      %swap3A_543 = arith.constant 320 : index
      %swap3A_544 = tpu.vector_load %arg11[%swap3A_543] {strides = array<i32>} : memref<512xf32, #tpu.memory_space<vmem>>, vector<16xf32>,
      tpu.vector_store %arg11[%swap3A_543], %max3A_542 {strides = array<i32>} : memref<512xf32, #tpu.memory_space<vmem>>, vector<16xf32>,
      %max3A_545 = arith.constant 0.000000e+00 : f32
      %max3A_546 = vector.broadcast %max3A_545 : f32 to vector<16xf32>
      %max3A_547 = arith.maximumf %scan3A_439#21, %max3A_546 : vector<16xf32>
      %swap3A_548 = arith.constant 336 : index
      %swap3A_549 = tpu.vector_load %arg11[%swap3A_548] {strides = array<i32>} : memref<512xf32, #tpu.memory_space<vmem>>, vector<16xf32>,
      tpu.vector_store %arg11[%swap3A_548], %max3A_547 {strides = array<i32>} : memref<512xf32, #tpu.memory_space<vmem>>, vector<16xf32>,
      %max3A_550 = arith.constant 0.000000e+00 : f32
      %max3A_551 = vector.broadcast %max3A_550 : f32 to vector<16xf32>
      %max3A_552 = arith.maximumf %scan3A_439#22, %max3A_551 : vector<16xf32>
      %swap3A_553 = arith.constant 352 : index
      %swap3A_554 = tpu.vector_load %arg11[%swap3A_553] {strides = array<i32>} : memref<512xf32, #tpu.memory_space<vmem>>, vector<16xf32>,
      tpu.vector_store %arg11[%swap3A_553], %max3A_552 {strides = array<i32>} : memref<512xf32, #tpu.memory_space<vmem>>, vector<16xf32>,
      %max3A_555 = arith.constant 0.000000e+00 : f32
      %max3A_556 = vector.broadcast %max3A_555 : f32 to vector<16xf32>
      %max3A_557 = arith.maximumf %scan3A_439#23, %max3A_556 : vector<16xf32>
      %swap3A_558 = arith.constant 368 : index
      %swap3A_559 = tpu.vector_load %arg11[%swap3A_558] {strides = array<i32>} : memref<512xf32, #tpu.memory_space<vmem>>, vector<16xf32>,
      tpu.vector_store %arg11[%swap3A_558], %max3A_557 {strides = array<i32>} : memref<512xf32, #tpu.memory_space<vmem>>, vector<16xf32>,
      %max3A_560 = arith.constant 0.000000e+00 : f32
      %max3A_561 = vector.broadcast %max3A_560 : f32 to vector<16xf32>
      %max3A_562 = arith.maximumf %scan3A_439#24, %max3A_561 : vector<16xf32>
      %swap3A_563 = arith.constant 384 : index
      %swap3A_564 = tpu.vector_load %arg11[%swap3A_563] {strides = array<i32>} : memref<512xf32, #tpu.memory_space<vmem>>, vector<16xf32>,
      tpu.vector_store %arg11[%swap3A_563], %max3A_562 {strides = array<i32>} : memref<512xf32, #tpu.memory_space<vmem>>, vector<16xf32>,
      %max3A_565 = arith.constant 0.000000e+00 : f32
      %max3A_566 = vector.broadcast %max3A_565 : f32 to vector<16xf32>
      %max3A_567 = arith.maximumf %scan3A_439#25, %max3A_566 : vector<16xf32>
      %swap3A_568 = arith.constant 400 : index
      %swap3A_569 = tpu.vector_load %arg11[%swap3A_568] {strides = array<i32>} : memref<512xf32, #tpu.memory_space<vmem>>, vector<16xf32>,
      tpu.vector_store %arg11[%swap3A_568], %max3A_567 {strides = array<i32>} : memref<512xf32, #tpu.memory_space<vmem>>, vector<16xf32>,
      %max3A_570 = arith.constant 0.000000e+00 : f32
      %max3A_571 = vector.broadcast %max3A_570 : f32 to vector<16xf32>
      %max3A_572 = arith.maximumf %scan3A_439#26, %max3A_571 : vector<16xf32>
      %swap3A_573 = arith.constant 416 : index
      %swap3A_574 = tpu.vector_load %arg11[%swap3A_573] {strides = array<i32>} : memref<512xf32, #tpu.memory_space<vmem>>, vector<16xf32>,
      tpu.vector_store %arg11[%swap3A_573], %max3A_572 {strides = array<i32>} : memref<512xf32, #tpu.memory_space<vmem>>, vector<16xf32>,
      %max3A_575 = arith.constant 0.000000e+00 : f32
      %max3A_576 = vector.broadcast %max3A_575 : f32 to vector<16xf32>
      %max3A_577 = arith.maximumf %scan3A_439#27, %max3A_576 : vector<16xf32>
      %swap3A_578 = arith.constant 432 : index
      %swap3A_579 = tpu.vector_load %arg11[%swap3A_578] {strides = array<i32>} : memref<512xf32, #tpu.memory_space<vmem>>, vector<16xf32>,
      tpu.vector_store %arg11[%swap3A_578], %max3A_577 {strides = array<i32>} : memref<512xf32, #tpu.memory_space<vmem>>, vector<16xf32>,
      %max3A_580 = arith.constant 0.000000e+00 : f32
      %max3A_581 = vector.broadcast %max3A_580 : f32 to vector<16xf32>
      %max3A_582 = arith.maximumf %scan3A_439#28, %max3A_581 : vector<16xf32>
      %swap3A_583 = arith.constant 448 : index
      %swap3A_584 = tpu.vector_load %arg11[%swap3A_583] {strides = array<i32>} : memref<512xf32, #tpu.memory_space<vmem>>, vector<16xf32>,
      tpu.vector_store %arg11[%swap3A_583], %max3A_582 {strides = array<i32>} : memref<512xf32, #tpu.memory_space<vmem>>, vector<16xf32>,
      %max3A_585 = arith.constant 0.000000e+00 : f32
      %max3A_586 = vector.broadcast %max3A_585 : f32 to vector<16xf32>
      %max3A_587 = arith.maximumf %scan3A_439#29, %max3A_586 : vector<16xf32>
      %swap3A_588 = arith.constant 464 : index
      %swap3A_589 = tpu.vector_load %arg11[%swap3A_588] {strides = array<i32>} : memref<512xf32, #tpu.memory_space<vmem>>, vector<16xf32>,
      tpu.vector_store %arg11[%swap3A_588], %max3A_587 {strides = array<i32>} : memref<512xf32, #tpu.memory_space<vmem>>, vector<16xf32>,
      %max3A_590 = arith.constant 0.000000e+00 : f32
      %max3A_591 = vector.broadcast %max3A_590 : f32 to vector<16xf32>
      %max3A_592 = arith.maximumf %scan3A_439#30, %max3A_591 : vector<16xf32>
      %swap3A_593 = arith.constant 480 : index
      %swap3A_594 = tpu.vector_load %arg11[%swap3A_593] {strides = array<i32>} : memref<512xf32, #tpu.memory_space<vmem>>, vector<16xf32>,
      tpu.vector_store %arg11[%swap3A_593], %max3A_592 {strides = array<i32>} : memref<512xf32, #tpu.memory_space<vmem>>, vector<16xf32>,
      %max3A_595 = arith.constant 0.000000e+00 : f32
      %max3A_596 = vector.broadcast %max3A_595 : f32 to vector<16xf32>
      %max3A_597 = arith.maximumf %scan3A_439#31, %max3A_596 : vector<16xf32>
      %swap3A_598 = arith.constant 496 : index
      %swap3A_599 = tpu.vector_load %arg11[%swap3A_598] {strides = array<i32>} : memref<512xf32, #tpu.memory_space<vmem>>, vector<16xf32>,
      tpu.vector_store %arg11[%swap3A_598], %max3A_597 {strides = array<i32>} : memref<512xf32, #tpu.memory_space<vmem>>, vector<16xf32>,
      %slice3A_600 = vector.extract_strided_slice %get3A_336 {offsets = [0], sizes = [1], strides = [1]} : vector<16xf32> to vector<1xf32>
      %squeeze3A_601 = vector.extract %slice3A_600[0] : f32 from vector<1xf32>
      %broadcast_in_dim3A_602 = vector.broadcast %squeeze3A_601 : f32 to vector<16xf32>
      %slice3A_603 = vector.extract_strided_slice %get3A_336 {offsets = [1], sizes = [1], strides = [1]} : vector<16xf32> to vector<1xf32>
      %squeeze3A_604 = vector.extract %slice3A_603[0] : f32 from vector<1xf32>
      %broadcast_in_dim3A_605 = vector.broadcast %squeeze3A_604 : f32 to vector<16xf32>
      %slice3A_606 = vector.extract_strided_slice %get3A_336 {offsets = [2], sizes = [1], strides = [1]} : vector<16xf32> to vector<1xf32>
      %squeeze3A_607 = vector.extract %slice3A_606[0] : f32 from vector<1xf32>
      %broadcast_in_dim3A_608 = vector.broadcast %squeeze3A_607 : f32 to vector<16xf32>
      %slice3A_609 = vector.extract_strided_slice %get3A_336 {offsets = [3], sizes = [1], strides = [1]} : vector<16xf32> to vector<1xf32>
      %squeeze3A_610 = vector.extract %slice3A_609[0] : f32 from vector<1xf32>
      %broadcast_in_dim3A_611 = vector.broadcast %squeeze3A_610 : f32 to vector<16xf32>
      %slice3A_612 = vector.extract_strided_slice %get3A_336 {offsets = [4], sizes = [1], strides = [1]} : vector<16xf32> to vector<1xf32>
      %squeeze3A_613 = vector.extract %slice3A_612[0] : f32 from vector<1xf32>
      %broadcast_in_dim3A_614 = vector.broadcast %squeeze3A_613 : f32 to vector<16xf32>
      %slice3A_615 = vector.extract_strided_slice %get3A_336 {offsets = [5], sizes = [1], strides = [1]} : vector<16xf32> to vector<1xf32>
      %squeeze3A_616 = vector.extract %slice3A_615[0] : f32 from vector<1xf32>
      %broadcast_in_dim3A_617 = vector.broadcast %squeeze3A_616 : f32 to vector<16xf32>
      %slice3A_618 = vector.extract_strided_slice %get3A_336 {offsets = [6], sizes = [1], strides = [1]} : vector<16xf32> to vector<1xf32>
      %squeeze3A_619 = vector.extract %slice3A_618[0] : f32 from vector<1xf32>
      %broadcast_in_dim3A_620 = vector.broadcast %squeeze3A_619 : f32 to vector<16xf32>
      %slice3A_621 = vector.extract_strided_slice %get3A_336 {offsets = [7], sizes = [1], strides = [1]} : vector<16xf32> to vector<1xf32>
      %squeeze3A_622 = vector.extract %slice3A_621[0] : f32 from vector<1xf32>
      %broadcast_in_dim3A_623 = vector.broadcast %squeeze3A_622 : f32 to vector<16xf32>
      %slice3A_624 = vector.extract_strided_slice %get3A_336 {offsets = [8], sizes = [1], strides = [1]} : vector<16xf32> to vector<1xf32>
      %squeeze3A_625 = vector.extract %slice3A_624[0] : f32 from vector<1xf32>
      %broadcast_in_dim3A_626 = vector.broadcast %squeeze3A_625 : f32 to vector<16xf32>
      %slice3A_627 = vector.extract_strided_slice %get3A_336 {offsets = [9], sizes = [1], strides = [1]} : vector<16xf32> to vector<1xf32>
      %squeeze3A_628 = vector.extract %slice3A_627[0] : f32 from vector<1xf32>
      %broadcast_in_dim3A_629 = vector.broadcast %squeeze3A_628 : f32 to vector<16xf32>
      %slice3A_630 = vector.extract_strided_slice %get3A_336 {offsets = [10], sizes = [1], strides = [1]} : vector<16xf32> to vector<1xf32>
      %squeeze3A_631 = vector.extract %slice3A_630[0] : f32 from vector<1xf32>
      %broadcast_in_dim3A_632 = vector.broadcast %squeeze3A_631 : f32 to vector<16xf32>
      %slice3A_633 = vector.extract_strided_slice %get3A_336 {offsets = [11], sizes = [1], strides = [1]} : vector<16xf32> to vector<1xf32>
      %squeeze3A_634 = vector.extract %slice3A_633[0] : f32 from vector<1xf32>
      %broadcast_in_dim3A_635 = vector.broadcast %squeeze3A_634 : f32 to vector<16xf32>
      %slice3A_636 = vector.extract_strided_slice %get3A_336 {offsets = [12], sizes = [1], strides = [1]} : vector<16xf32> to vector<1xf32>
      %squeeze3A_637 = vector.extract %slice3A_636[0] : f32 from vector<1xf32>
      %broadcast_in_dim3A_638 = vector.broadcast %squeeze3A_637 : f32 to vector<16xf32>
      %slice3A_639 = vector.extract_strided_slice %get3A_336 {offsets = [13], sizes = [1], strides = [1]} : vector<16xf32> to vector<1xf32>
      %squeeze3A_640 = vector.extract %slice3A_639[0] : f32 from vector<1xf32>
      %broadcast_in_dim3A_641 = vector.broadcast %squeeze3A_640 : f32 to vector<16xf32>
      %slice3A_642 = vector.extract_strided_slice %get3A_336 {offsets = [14], sizes = [1], strides = [1]} : vector<16xf32> to vector<1xf32>
      %squeeze3A_643 = vector.extract %slice3A_642[0] : f32 from vector<1xf32>
      %broadcast_in_dim3A_644 = vector.broadcast %squeeze3A_643 : f32 to vector<16xf32>
      %slice3A_645 = vector.extract_strided_slice %get3A_336 {offsets = [15], sizes = [1], strides = [1]} : vector<16xf32> to vector<1xf32>
      %squeeze3A_646 = vector.extract %slice3A_645[0] : f32 from vector<1xf32>
      %broadcast_in_dim3A_647 = vector.broadcast %squeeze3A_646 : f32 to vector<16xf32>
      %slice3A_648 = vector.extract_strided_slice %get3A_338 {offsets = [0], sizes = [1], strides = [1]} : vector<16xf32> to vector<1xf32>
      %squeeze3A_649 = vector.extract %slice3A_648[0] : f32 from vector<1xf32>
      %broadcast_in_dim3A_650 = vector.broadcast %squeeze3A_649 : f32 to vector<16xf32>
      %slice3A_651 = vector.extract_strided_slice %get3A_338 {offsets = [1], sizes = [1], strides = [1]} : vector<16xf32> to vector<1xf32>
      %squeeze3A_652 = vector.extract %slice3A_651[0] : f32 from vector<1xf32>
      %broadcast_in_dim3A_653 = vector.broadcast %squeeze3A_652 : f32 to vector<16xf32>
      %slice3A_654 = vector.extract_strided_slice %get3A_338 {offsets = [2], sizes = [1], strides = [1]} : vector<16xf32> to vector<1xf32>
      %squeeze3A_655 = vector.extract %slice3A_654[0] : f32 from vector<1xf32>
      %broadcast_in_dim3A_656 = vector.broadcast %squeeze3A_655 : f32 to vector<16xf32>
      %slice3A_657 = vector.extract_strided_slice %get3A_338 {offsets = [3], sizes = [1], strides = [1]} : vector<16xf32> to vector<1xf32>
      %squeeze3A_658 = vector.extract %slice3A_657[0] : f32 from vector<1xf32>
      %broadcast_in_dim3A_659 = vector.broadcast %squeeze3A_658 : f32 to vector<16xf32>
      %slice3A_660 = vector.extract_strided_slice %get3A_338 {offsets = [4], sizes = [1], strides = [1]} : vector<16xf32> to vector<1xf32>
      %squeeze3A_661 = vector.extract %slice3A_660[0] : f32 from vector<1xf32>
      %broadcast_in_dim3A_662 = vector.broadcast %squeeze3A_661 : f32 to vector<16xf32>
      %slice3A_663 = vector.extract_strided_slice %get3A_338 {offsets = [5], sizes = [1], strides = [1]} : vector<16xf32> to vector<1xf32>
      %squeeze3A_664 = vector.extract %slice3A_663[0] : f32 from vector<1xf32>
      %broadcast_in_dim3A_665 = vector.broadcast %squeeze3A_664 : f32 to vector<16xf32>
      %slice3A_666 = vector.extract_strided_slice %get3A_338 {offsets = [6], sizes = [1], strides = [1]} : vector<16xf32> to vector<1xf32>
      %squeeze3A_667 = vector.extract %slice3A_666[0] : f32 from vector<1xf32>
      %broadcast_in_dim3A_668 = vector.broadcast %squeeze3A_667 : f32 to vector<16xf32>
      %slice3A_669 = vector.extract_strided_slice %get3A_338 {offsets = [7], sizes = [1], strides = [1]} : vector<16xf32> to vector<1xf32>
      %squeeze3A_670 = vector.extract %slice3A_669[0] : f32 from vector<1xf32>
      %broadcast_in_dim3A_671 = vector.broadcast %squeeze3A_670 : f32 to vector<16xf32>
      %slice3A_672 = vector.extract_strided_slice %get3A_338 {offsets = [8], sizes = [1], strides = [1]} : vector<16xf32> to vector<1xf32>
      %squeeze3A_673 = vector.extract %slice3A_672[0] : f32 from vector<1xf32>
      %broadcast_in_dim3A_674 = vector.broadcast %squeeze3A_673 : f32 to vector<16xf32>
      %slice3A_675 = vector.extract_strided_slice %get3A_338 {offsets = [9], sizes = [1], strides = [1]} : vector<16xf32> to vector<1xf32>
      %squeeze3A_676 = vector.extract %slice3A_675[0] : f32 from vector<1xf32>
      %broadcast_in_dim3A_677 = vector.broadcast %squeeze3A_676 : f32 to vector<16xf32>
      %slice3A_678 = vector.extract_strided_slice %get3A_338 {offsets = [10], sizes = [1], strides = [1]} : vector<16xf32> to vector<1xf32>
      %squeeze3A_679 = vector.extract %slice3A_678[0] : f32 from vector<1xf32>
      %broadcast_in_dim3A_680 = vector.broadcast %squeeze3A_679 : f32 to vector<16xf32>
      %slice3A_681 = vector.extract_strided_slice %get3A_338 {offsets = [11], sizes = [1], strides = [1]} : vector<16xf32> to vector<1xf32>
      %squeeze3A_682 = vector.extract %slice3A_681[0] : f32 from vector<1xf32>
      %broadcast_in_dim3A_683 = vector.broadcast %squeeze3A_682 : f32 to vector<16xf32>
      %slice3A_684 = vector.extract_strided_slice %get3A_338 {offsets = [12], sizes = [1], strides = [1]} : vector<16xf32> to vector<1xf32>
      %squeeze3A_685 = vector.extract %slice3A_684[0] : f32 from vector<1xf32>
      %broadcast_in_dim3A_686 = vector.broadcast %squeeze3A_685 : f32 to vector<16xf32>
      %slice3A_687 = vector.extract_strided_slice %get3A_338 {offsets = [13], sizes = [1], strides = [1]} : vector<16xf32> to vector<1xf32>
      %squeeze3A_688 = vector.extract %slice3A_687[0] : f32 from vector<1xf32>
      %broadcast_in_dim3A_689 = vector.broadcast %squeeze3A_688 : f32 to vector<16xf32>
      %slice3A_690 = vector.extract_strided_slice %get3A_338 {offsets = [14], sizes = [1], strides = [1]} : vector<16xf32> to vector<1xf32>
      %squeeze3A_691 = vector.extract %slice3A_690[0] : f32 from vector<1xf32>
      %broadcast_in_dim3A_692 = vector.broadcast %squeeze3A_691 : f32 to vector<16xf32>
      %slice3A_693 = vector.extract_strided_slice %get3A_338 {offsets = [15], sizes = [1], strides = [1]} : vector<16xf32> to vector<1xf32>
      %squeeze3A_694 = vector.extract %slice3A_693[0] : f32 from vector<1xf32>
      %broadcast_in_dim3A_695 = vector.broadcast %squeeze3A_694 : f32 to vector<16xf32>
      %scan3A_696 = arith.constant 0 : i32
      %scan3A_697 = arith.constant 32 : i32
      %scan3A_698 = arith.addi %scan3A_696, %scan3A_697 : i32
      %scan3A_699 = arith.constant 1 : i32
      %scan3A_700:32 = scf.for %scan3A_894 = %scan3A_696 to %scan3A_698 step %scan3A_699 iter_args(%scan3A_895 = %broadcast_in_dim3A_602, %scan3A_896 = %broadcast_in_dim3A_605, %scan3A_897 = %broadcast_in_dim3A_608, %scan3A_898 = %broadcast_in_dim3A_611, %scan3A_899 = %broadcast_in_dim3A_614, %scan3A_900 = %broadcast_in_dim3A_617, %scan3A_901 = %broadcast_in_dim3A_620, %scan3A_902 = %broadcast_in_dim3A_623, %scan3A_903 = %broadcast_in_dim3A_626, %scan3A_904 = %broadcast_in_dim3A_629, %scan3A_905 = %broadcast_in_dim3A_632, %scan3A_906 = %broadcast_in_dim3A_635, %scan3A_907 = %broadcast_in_dim3A_638, %scan3A_908 = %broadcast_in_dim3A_641, %scan3A_909 = %broadcast_in_dim3A_644, %scan3A_910 = %broadcast_in_dim3A_647, %scan3A_911 = %broadcast_in_dim3A_650, %scan3A_912 = %broadcast_in_dim3A_653, %scan3A_913 = %broadcast_in_dim3A_656, %scan3A_914 = %broadcast_in_dim3A_659, %scan3A_915 = %broadcast_in_dim3A_662, %scan3A_916 = %broadcast_in_dim3A_665, %scan3A_917 = %broadcast_in_dim3A_668, %scan3A_918 = %broadcast_in_dim3A_671, %scan3A_919 = %broadcast_in_dim3A_674, %scan3A_920 = %broadcast_in_dim3A_677, %scan3A_921 = %broadcast_in_dim3A_680, %scan3A_922 = %broadcast_in_dim3A_683, %scan3A_923 = %broadcast_in_dim3A_686, %scan3A_924 = %broadcast_in_dim3A_689, %scan3A_925 = %broadcast_in_dim3A_692, %scan3A_926 = %broadcast_in_dim3A_695) -> (vector<16xf32>, vector<16xf32>, vector<16xf32>, vector<16xf32>, vector<16xf32>, vector<16xf32>, vector<16xf32>, vector<16xf32>, vector<16xf32>, vector<16xf32>, vector<16xf32>, vector<16xf32>, vector<16xf32>, vector<16xf32>, vector<16xf32>, vector<16xf32>, vector<16xf32>, vector<16xf32>, vector<16xf32>, vector<16xf32>, vector<16xf32>, vector<16xf32>, vector<16xf32>, vector<16xf32>, vector<16xf32>, vector<16xf32>, vector<16xf32>, vector<16xf32>, vector<16xf32>, vector<16xf32>, vector<16xf32>, vector<16xf32>)  : i32 {
        %mul3A_927 = arith.constant 16 : i32
        %mul3A_928 = arith.muli %scan3A_894, %mul3A_927 : i32
        %multiple_of3A_929 = tpu.assume_multiple %mul3A_928, 16 : i32
        %get3A_930 = arith.index_cast %multiple_of3A_929 : i32 to index
        %get3A_931 = tpu.vector_load %arg11[%get3A_930] {strides = array<i32>} : memref<512xf32, #tpu.memory_space<vmem>>, vector<16xf32>,
        %mul3A_932 = arith.constant 32 : i32
        %mul3A_933 = arith.muli %scan3A_894, %mul3A_932 : i32
        %add3A_934 = arith.constant 1056 : i32
        %add3A_935 = arith.addi %add3A_934, %mul3A_933 : i32
        %multiple_of3A_936 = tpu.assume_multiple %add3A_935, 16 : i32
        %get3A_937 = arith.index_cast %multiple_of3A_936 : i32 to index
        %get3A_938 = tpu.vector_load %arg9[%get3A_937] {strides = array<i32>} : memref<2112xf32, #tpu.memory_space<vmem>>, vector<16xf32>,
        %add3A_939 = arith.constant 16 : i32
        %add3A_940 = arith.addi %multiple_of3A_936, %add3A_939 : i32
        %get3A_941 = arith.index_cast %add3A_940 : i32 to index
        %get3A_942 = tpu.vector_load %arg9[%get3A_941] {strides = array<i32>} : memref<2112xf32, #tpu.memory_space<vmem>>, vector<16xf32>,
        %slice3A_943 = vector.extract_strided_slice %get3A_938 {offsets = [0], sizes = [1], strides = [1]} : vector<16xf32> to vector<1xf32>
        %squeeze3A_944 = vector.extract %slice3A_943[0] : f32 from vector<1xf32>
        %mul3A_945 = vector.broadcast %squeeze3A_944 : f32 to vector<16xf32>
        %mul3A_946 = arith.mulf %get3A_931, %mul3A_945 : vector<16xf32>
        %add3A_947 = arith.addf %scan3A_895, %mul3A_946 : vector<16xf32>
        %slice3A_948 = vector.extract_strided_slice %get3A_938 {offsets = [1], sizes = [1], strides = [1]} : vector<16xf32> to vector<1xf32>
        %squeeze3A_949 = vector.extract %slice3A_948[0] : f32 from vector<1xf32>
        %mul3A_950 = vector.broadcast %squeeze3A_949 : f32 to vector<16xf32>
        %mul3A_951 = arith.mulf %get3A_931, %mul3A_950 : vector<16xf32>
        %add3A_952 = arith.addf %scan3A_896, %mul3A_951 : vector<16xf32>
        %slice3A_953 = vector.extract_strided_slice %get3A_938 {offsets = [2], sizes = [1], strides = [1]} : vector<16xf32> to vector<1xf32>
        %squeeze3A_954 = vector.extract %slice3A_953[0] : f32 from vector<1xf32>
        %mul3A_955 = vector.broadcast %squeeze3A_954 : f32 to vector<16xf32>
        %mul3A_956 = arith.mulf %get3A_931, %mul3A_955 : vector<16xf32>
        %add3A_957 = arith.addf %scan3A_897, %mul3A_956 : vector<16xf32>
        %slice3A_958 = vector.extract_strided_slice %get3A_938 {offsets = [3], sizes = [1], strides = [1]} : vector<16xf32> to vector<1xf32>
        %squeeze3A_959 = vector.extract %slice3A_958[0] : f32 from vector<1xf32>
        %mul3A_960 = vector.broadcast %squeeze3A_959 : f32 to vector<16xf32>
        %mul3A_961 = arith.mulf %get3A_931, %mul3A_960 : vector<16xf32>
        %add3A_962 = arith.addf %scan3A_898, %mul3A_961 : vector<16xf32>
        %slice3A_963 = vector.extract_strided_slice %get3A_938 {offsets = [4], sizes = [1], strides = [1]} : vector<16xf32> to vector<1xf32>
        %squeeze3A_964 = vector.extract %slice3A_963[0] : f32 from vector<1xf32>
        %mul3A_965 = vector.broadcast %squeeze3A_964 : f32 to vector<16xf32>
        %mul3A_966 = arith.mulf %get3A_931, %mul3A_965 : vector<16xf32>
        %add3A_967 = arith.addf %scan3A_899, %mul3A_966 : vector<16xf32>
        %slice3A_968 = vector.extract_strided_slice %get3A_938 {offsets = [5], sizes = [1], strides = [1]} : vector<16xf32> to vector<1xf32>
        %squeeze3A_969 = vector.extract %slice3A_968[0] : f32 from vector<1xf32>
        %mul3A_970 = vector.broadcast %squeeze3A_969 : f32 to vector<16xf32>
        %mul3A_971 = arith.mulf %get3A_931, %mul3A_970 : vector<16xf32>
        %add3A_972 = arith.addf %scan3A_900, %mul3A_971 : vector<16xf32>
        %slice3A_973 = vector.extract_strided_slice %get3A_938 {offsets = [6], sizes = [1], strides = [1]} : vector<16xf32> to vector<1xf32>
        %squeeze3A_974 = vector.extract %slice3A_973[0] : f32 from vector<1xf32>
        %mul3A_975 = vector.broadcast %squeeze3A_974 : f32 to vector<16xf32>
        %mul3A_976 = arith.mulf %get3A_931, %mul3A_975 : vector<16xf32>
        %add3A_977 = arith.addf %scan3A_901, %mul3A_976 : vector<16xf32>
        %slice3A_978 = vector.extract_strided_slice %get3A_938 {offsets = [7], sizes = [1], strides = [1]} : vector<16xf32> to vector<1xf32>
        %squeeze3A_979 = vector.extract %slice3A_978[0] : f32 from vector<1xf32>
        %mul3A_980 = vector.broadcast %squeeze3A_979 : f32 to vector<16xf32>
        %mul3A_981 = arith.mulf %get3A_931, %mul3A_980 : vector<16xf32>
        %add3A_982 = arith.addf %scan3A_902, %mul3A_981 : vector<16xf32>
        %slice3A_983 = vector.extract_strided_slice %get3A_938 {offsets = [8], sizes = [1], strides = [1]} : vector<16xf32> to vector<1xf32>
        %squeeze3A_984 = vector.extract %slice3A_983[0] : f32 from vector<1xf32>
        %mul3A_985 = vector.broadcast %squeeze3A_984 : f32 to vector<16xf32>
        %mul3A_986 = arith.mulf %get3A_931, %mul3A_985 : vector<16xf32>
        %add3A_987 = arith.addf %scan3A_903, %mul3A_986 : vector<16xf32>
        %slice3A_988 = vector.extract_strided_slice %get3A_938 {offsets = [9], sizes = [1], strides = [1]} : vector<16xf32> to vector<1xf32>
        %squeeze3A_989 = vector.extract %slice3A_988[0] : f32 from vector<1xf32>
        %mul3A_990 = vector.broadcast %squeeze3A_989 : f32 to vector<16xf32>
        %mul3A_991 = arith.mulf %get3A_931, %mul3A_990 : vector<16xf32>
        %add3A_992 = arith.addf %scan3A_904, %mul3A_991 : vector<16xf32>
        %slice3A_993 = vector.extract_strided_slice %get3A_938 {offsets = [10], sizes = [1], strides = [1]} : vector<16xf32> to vector<1xf32>
        %squeeze3A_994 = vector.extract %slice3A_993[0] : f32 from vector<1xf32>
        %mul3A_995 = vector.broadcast %squeeze3A_994 : f32 to vector<16xf32>
        %mul3A_996 = arith.mulf %get3A_931, %mul3A_995 : vector<16xf32>
        %add3A_997 = arith.addf %scan3A_905, %mul3A_996 : vector<16xf32>
        %slice3A_998 = vector.extract_strided_slice %get3A_938 {offsets = [11], sizes = [1], strides = [1]} : vector<16xf32> to vector<1xf32>
        %squeeze3A_999 = vector.extract %slice3A_998[0] : f32 from vector<1xf32>
        %mul3A_1000 = vector.broadcast %squeeze3A_999 : f32 to vector<16xf32>
        %mul3A_1001 = arith.mulf %get3A_931, %mul3A_1000 : vector<16xf32>
        %add3A_1002 = arith.addf %scan3A_906, %mul3A_1001 : vector<16xf32>
        %slice3A_1003 = vector.extract_strided_slice %get3A_938 {offsets = [12], sizes = [1], strides = [1]} : vector<16xf32> to vector<1xf32>
        %squeeze3A_1004 = vector.extract %slice3A_1003[0] : f32 from vector<1xf32>
        %mul3A_1005 = vector.broadcast %squeeze3A_1004 : f32 to vector<16xf32>
        %mul3A_1006 = arith.mulf %get3A_931, %mul3A_1005 : vector<16xf32>
        %add3A_1007 = arith.addf %scan3A_907, %mul3A_1006 : vector<16xf32>
        %slice3A_1008 = vector.extract_strided_slice %get3A_938 {offsets = [13], sizes = [1], strides = [1]} : vector<16xf32> to vector<1xf32>
        %squeeze3A_1009 = vector.extract %slice3A_1008[0] : f32 from vector<1xf32>
        %mul3A_1010 = vector.broadcast %squeeze3A_1009 : f32 to vector<16xf32>
        %mul3A_1011 = arith.mulf %get3A_931, %mul3A_1010 : vector<16xf32>
        %add3A_1012 = arith.addf %scan3A_908, %mul3A_1011 : vector<16xf32>
        %slice3A_1013 = vector.extract_strided_slice %get3A_938 {offsets = [14], sizes = [1], strides = [1]} : vector<16xf32> to vector<1xf32>
        %squeeze3A_1014 = vector.extract %slice3A_1013[0] : f32 from vector<1xf32>
        %mul3A_1015 = vector.broadcast %squeeze3A_1014 : f32 to vector<16xf32>
        %mul3A_1016 = arith.mulf %get3A_931, %mul3A_1015 : vector<16xf32>
        %add3A_1017 = arith.addf %scan3A_909, %mul3A_1016 : vector<16xf32>
        %slice3A_1018 = vector.extract_strided_slice %get3A_938 {offsets = [15], sizes = [1], strides = [1]} : vector<16xf32> to vector<1xf32>
        %squeeze3A_1019 = vector.extract %slice3A_1018[0] : f32 from vector<1xf32>
        %mul3A_1020 = vector.broadcast %squeeze3A_1019 : f32 to vector<16xf32>
        %mul3A_1021 = arith.mulf %get3A_931, %mul3A_1020 : vector<16xf32>
        %add3A_1022 = arith.addf %scan3A_910, %mul3A_1021 : vector<16xf32>
        %slice3A_1023 = vector.extract_strided_slice %get3A_942 {offsets = [0], sizes = [1], strides = [1]} : vector<16xf32> to vector<1xf32>
        %squeeze3A_1024 = vector.extract %slice3A_1023[0] : f32 from vector<1xf32>
        %mul3A_1025 = vector.broadcast %squeeze3A_1024 : f32 to vector<16xf32>
        %mul3A_1026 = arith.mulf %get3A_931, %mul3A_1025 : vector<16xf32>
        %add3A_1027 = arith.addf %scan3A_911, %mul3A_1026 : vector<16xf32>
        %slice3A_1028 = vector.extract_strided_slice %get3A_942 {offsets = [1], sizes = [1], strides = [1]} : vector<16xf32> to vector<1xf32>
        %squeeze3A_1029 = vector.extract %slice3A_1028[0] : f32 from vector<1xf32>
        %mul3A_1030 = vector.broadcast %squeeze3A_1029 : f32 to vector<16xf32>
        %mul3A_1031 = arith.mulf %get3A_931, %mul3A_1030 : vector<16xf32>
        %add3A_1032 = arith.addf %scan3A_912, %mul3A_1031 : vector<16xf32>
        %slice3A_1033 = vector.extract_strided_slice %get3A_942 {offsets = [2], sizes = [1], strides = [1]} : vector<16xf32> to vector<1xf32>
        %squeeze3A_1034 = vector.extract %slice3A_1033[0] : f32 from vector<1xf32>
        %mul3A_1035 = vector.broadcast %squeeze3A_1034 : f32 to vector<16xf32>
        %mul3A_1036 = arith.mulf %get3A_931, %mul3A_1035 : vector<16xf32>
        %add3A_1037 = arith.addf %scan3A_913, %mul3A_1036 : vector<16xf32>
        %slice3A_1038 = vector.extract_strided_slice %get3A_942 {offsets = [3], sizes = [1], strides = [1]} : vector<16xf32> to vector<1xf32>
        %squeeze3A_1039 = vector.extract %slice3A_1038[0] : f32 from vector<1xf32>
        %mul3A_1040 = vector.broadcast %squeeze3A_1039 : f32 to vector<16xf32>
        %mul3A_1041 = arith.mulf %get3A_931, %mul3A_1040 : vector<16xf32>
        %add3A_1042 = arith.addf %scan3A_914, %mul3A_1041 : vector<16xf32>
        %slice3A_1043 = vector.extract_strided_slice %get3A_942 {offsets = [4], sizes = [1], strides = [1]} : vector<16xf32> to vector<1xf32>
        %squeeze3A_1044 = vector.extract %slice3A_1043[0] : f32 from vector<1xf32>
        %mul3A_1045 = vector.broadcast %squeeze3A_1044 : f32 to vector<16xf32>
        %mul3A_1046 = arith.mulf %get3A_931, %mul3A_1045 : vector<16xf32>
        %add3A_1047 = arith.addf %scan3A_915, %mul3A_1046 : vector<16xf32>
        %slice3A_1048 = vector.extract_strided_slice %get3A_942 {offsets = [5], sizes = [1], strides = [1]} : vector<16xf32> to vector<1xf32>
        %squeeze3A_1049 = vector.extract %slice3A_1048[0] : f32 from vector<1xf32>
        %mul3A_1050 = vector.broadcast %squeeze3A_1049 : f32 to vector<16xf32>
        %mul3A_1051 = arith.mulf %get3A_931, %mul3A_1050 : vector<16xf32>
        %add3A_1052 = arith.addf %scan3A_916, %mul3A_1051 : vector<16xf32>
        %slice3A_1053 = vector.extract_strided_slice %get3A_942 {offsets = [6], sizes = [1], strides = [1]} : vector<16xf32> to vector<1xf32>
        %squeeze3A_1054 = vector.extract %slice3A_1053[0] : f32 from vector<1xf32>
        %mul3A_1055 = vector.broadcast %squeeze3A_1054 : f32 to vector<16xf32>
        %mul3A_1056 = arith.mulf %get3A_931, %mul3A_1055 : vector<16xf32>
        %add3A_1057 = arith.addf %scan3A_917, %mul3A_1056 : vector<16xf32>
        %slice3A_1058 = vector.extract_strided_slice %get3A_942 {offsets = [7], sizes = [1], strides = [1]} : vector<16xf32> to vector<1xf32>
        %squeeze3A_1059 = vector.extract %slice3A_1058[0] : f32 from vector<1xf32>
        %mul3A_1060 = vector.broadcast %squeeze3A_1059 : f32 to vector<16xf32>
        %mul3A_1061 = arith.mulf %get3A_931, %mul3A_1060 : vector<16xf32>
        %add3A_1062 = arith.addf %scan3A_918, %mul3A_1061 : vector<16xf32>
        %slice3A_1063 = vector.extract_strided_slice %get3A_942 {offsets = [8], sizes = [1], strides = [1]} : vector<16xf32> to vector<1xf32>
        %squeeze3A_1064 = vector.extract %slice3A_1063[0] : f32 from vector<1xf32>
        %mul3A_1065 = vector.broadcast %squeeze3A_1064 : f32 to vector<16xf32>
        %mul3A_1066 = arith.mulf %get3A_931, %mul3A_1065 : vector<16xf32>
        %add3A_1067 = arith.addf %scan3A_919, %mul3A_1066 : vector<16xf32>
        %slice3A_1068 = vector.extract_strided_slice %get3A_942 {offsets = [9], sizes = [1], strides = [1]} : vector<16xf32> to vector<1xf32>
        %squeeze3A_1069 = vector.extract %slice3A_1068[0] : f32 from vector<1xf32>
        %mul3A_1070 = vector.broadcast %squeeze3A_1069 : f32 to vector<16xf32>
        %mul3A_1071 = arith.mulf %get3A_931, %mul3A_1070 : vector<16xf32>
        %add3A_1072 = arith.addf %scan3A_920, %mul3A_1071 : vector<16xf32>
        %slice3A_1073 = vector.extract_strided_slice %get3A_942 {offsets = [10], sizes = [1], strides = [1]} : vector<16xf32> to vector<1xf32>
        %squeeze3A_1074 = vector.extract %slice3A_1073[0] : f32 from vector<1xf32>
        %mul3A_1075 = vector.broadcast %squeeze3A_1074 : f32 to vector<16xf32>
        %mul3A_1076 = arith.mulf %get3A_931, %mul3A_1075 : vector<16xf32>
        %add3A_1077 = arith.addf %scan3A_921, %mul3A_1076 : vector<16xf32>
        %slice3A_1078 = vector.extract_strided_slice %get3A_942 {offsets = [11], sizes = [1], strides = [1]} : vector<16xf32> to vector<1xf32>
        %squeeze3A_1079 = vector.extract %slice3A_1078[0] : f32 from vector<1xf32>
        %mul3A_1080 = vector.broadcast %squeeze3A_1079 : f32 to vector<16xf32>
        %mul3A_1081 = arith.mulf %get3A_931, %mul3A_1080 : vector<16xf32>
        %add3A_1082 = arith.addf %scan3A_922, %mul3A_1081 : vector<16xf32>
        %slice3A_1083 = vector.extract_strided_slice %get3A_942 {offsets = [12], sizes = [1], strides = [1]} : vector<16xf32> to vector<1xf32>
        %squeeze3A_1084 = vector.extract %slice3A_1083[0] : f32 from vector<1xf32>
        %mul3A_1085 = vector.broadcast %squeeze3A_1084 : f32 to vector<16xf32>
        %mul3A_1086 = arith.mulf %get3A_931, %mul3A_1085 : vector<16xf32>
        %add3A_1087 = arith.addf %scan3A_923, %mul3A_1086 : vector<16xf32>
        %slice3A_1088 = vector.extract_strided_slice %get3A_942 {offsets = [13], sizes = [1], strides = [1]} : vector<16xf32> to vector<1xf32>
        %squeeze3A_1089 = vector.extract %slice3A_1088[0] : f32 from vector<1xf32>
        %mul3A_1090 = vector.broadcast %squeeze3A_1089 : f32 to vector<16xf32>
        %mul3A_1091 = arith.mulf %get3A_931, %mul3A_1090 : vector<16xf32>
        %add3A_1092 = arith.addf %scan3A_924, %mul3A_1091 : vector<16xf32>
        %slice3A_1093 = vector.extract_strided_slice %get3A_942 {offsets = [14], sizes = [1], strides = [1]} : vector<16xf32> to vector<1xf32>
        %squeeze3A_1094 = vector.extract %slice3A_1093[0] : f32 from vector<1xf32>
        %mul3A_1095 = vector.broadcast %squeeze3A_1094 : f32 to vector<16xf32>
        %mul3A_1096 = arith.mulf %get3A_931, %mul3A_1095 : vector<16xf32>
        %add3A_1097 = arith.addf %scan3A_925, %mul3A_1096 : vector<16xf32>
        %slice3A_1098 = vector.extract_strided_slice %get3A_942 {offsets = [15], sizes = [1], strides = [1]} : vector<16xf32> to vector<1xf32>
        %squeeze3A_1099 = vector.extract %slice3A_1098[0] : f32 from vector<1xf32>
        %mul3A_1100 = vector.broadcast %squeeze3A_1099 : f32 to vector<16xf32>
        %mul3A_1101 = arith.mulf %get3A_931, %mul3A_1100 : vector<16xf32>
        %add3A_1102 = arith.addf %scan3A_926, %mul3A_1101 : vector<16xf32>
        scf.yield %add3A_947, %add3A_952, %add3A_957, %add3A_962, %add3A_967, %add3A_972, %add3A_977, %add3A_982, %add3A_987, %add3A_992, %add3A_997, %add3A_1002, %add3A_1007, %add3A_1012, %add3A_1017, %add3A_1022, %add3A_1027, %add3A_1032, %add3A_1037, %add3A_1042, %add3A_1047, %add3A_1052, %add3A_1057, %add3A_1062, %add3A_1067, %add3A_1072, %add3A_1077, %add3A_1082, %add3A_1087, %add3A_1092, %add3A_1097, %add3A_1102 : vector<16xf32>, vector<16xf32>, vector<16xf32>, vector<16xf32>, vector<16xf32>, vector<16xf32>, vector<16xf32>, vector<16xf32>, vector<16xf32>, vector<16xf32>, vector<16xf32>, vector<16xf32>, vector<16xf32>, vector<16xf32>, vector<16xf32>, vector<16xf32>, vector<16xf32>, vector<16xf32>, vector<16xf32>, vector<16xf32>, vector<16xf32>, vector<16xf32>, vector<16xf32>, vector<16xf32>, vector<16xf32>, vector<16xf32>, vector<16xf32>, vector<16xf32>, vector<16xf32>, vector<16xf32>, vector<16xf32>, vector<16xf32>
      }
      %scan3A_701 = arith.constant 32 : i32
      %add3A_702 = arith.constant 0 : i32
      %add3A_703 = vector.broadcast %add3A_702 : i32 to vector<16xi32>
      %add3A_704 = arith.addi %add3A_330, %add3A_703 : vector<16xi32>
      %max3A_705 = arith.constant 0.000000e+00 : f32
      %max3A_706 = vector.broadcast %max3A_705 : f32 to vector<16xf32>
      %max3A_707 = arith.maximumf %scan3A_700#0, %max3A_706 : vector<16xf32>
      tpu.vector_store_idx %arg12[%add3A_704], %max3A_707 : memref<50176xf32, #tpu.memory_space<vmem>>[vector<16xi32>], vector<16xf32>,
      %add3A_708 = arith.constant 1 : i32
      %add3A_709 = vector.broadcast %add3A_708 : i32 to vector<16xi32>
      %add3A_710 = arith.addi %add3A_330, %add3A_709 : vector<16xi32>
      %max3A_711 = arith.constant 0.000000e+00 : f32
      %max3A_712 = vector.broadcast %max3A_711 : f32 to vector<16xf32>
      %max3A_713 = arith.maximumf %scan3A_700#1, %max3A_712 : vector<16xf32>
      tpu.vector_store_idx %arg12[%add3A_710], %max3A_713 : memref<50176xf32, #tpu.memory_space<vmem>>[vector<16xi32>], vector<16xf32>,
      %add3A_714 = arith.constant 2 : i32
      %add3A_715 = vector.broadcast %add3A_714 : i32 to vector<16xi32>
      %add3A_716 = arith.addi %add3A_330, %add3A_715 : vector<16xi32>
      %max3A_717 = arith.constant 0.000000e+00 : f32
      %max3A_718 = vector.broadcast %max3A_717 : f32 to vector<16xf32>
      %max3A_719 = arith.maximumf %scan3A_700#2, %max3A_718 : vector<16xf32>
      tpu.vector_store_idx %arg12[%add3A_716], %max3A_719 : memref<50176xf32, #tpu.memory_space<vmem>>[vector<16xi32>], vector<16xf32>,
      %add3A_720 = arith.constant 3 : i32
      %add3A_721 = vector.broadcast %add3A_720 : i32 to vector<16xi32>
      %add3A_722 = arith.addi %add3A_330, %add3A_721 : vector<16xi32>
      %max3A_723 = arith.constant 0.000000e+00 : f32
      %max3A_724 = vector.broadcast %max3A_723 : f32 to vector<16xf32>
      %max3A_725 = arith.maximumf %scan3A_700#3, %max3A_724 : vector<16xf32>
      tpu.vector_store_idx %arg12[%add3A_722], %max3A_725 : memref<50176xf32, #tpu.memory_space<vmem>>[vector<16xi32>], vector<16xf32>,
      %add3A_726 = arith.constant 4 : i32
      %add3A_727 = vector.broadcast %add3A_726 : i32 to vector<16xi32>
      %add3A_728 = arith.addi %add3A_330, %add3A_727 : vector<16xi32>
      %max3A_729 = arith.constant 0.000000e+00 : f32
      %max3A_730 = vector.broadcast %max3A_729 : f32 to vector<16xf32>
      %max3A_731 = arith.maximumf %scan3A_700#4, %max3A_730 : vector<16xf32>
      tpu.vector_store_idx %arg12[%add3A_728], %max3A_731 : memref<50176xf32, #tpu.memory_space<vmem>>[vector<16xi32>], vector<16xf32>,
      %add3A_732 = arith.constant 5 : i32
      %add3A_733 = vector.broadcast %add3A_732 : i32 to vector<16xi32>
      %add3A_734 = arith.addi %add3A_330, %add3A_733 : vector<16xi32>
      %max3A_735 = arith.constant 0.000000e+00 : f32
      %max3A_736 = vector.broadcast %max3A_735 : f32 to vector<16xf32>
      %max3A_737 = arith.maximumf %scan3A_700#5, %max3A_736 : vector<16xf32>
      tpu.vector_store_idx %arg12[%add3A_734], %max3A_737 : memref<50176xf32, #tpu.memory_space<vmem>>[vector<16xi32>], vector<16xf32>,
      %add3A_738 = arith.constant 6 : i32
      %add3A_739 = vector.broadcast %add3A_738 : i32 to vector<16xi32>
      %add3A_740 = arith.addi %add3A_330, %add3A_739 : vector<16xi32>
      %max3A_741 = arith.constant 0.000000e+00 : f32
      %max3A_742 = vector.broadcast %max3A_741 : f32 to vector<16xf32>
      %max3A_743 = arith.maximumf %scan3A_700#6, %max3A_742 : vector<16xf32>
      tpu.vector_store_idx %arg12[%add3A_740], %max3A_743 : memref<50176xf32, #tpu.memory_space<vmem>>[vector<16xi32>], vector<16xf32>,
      %add3A_744 = arith.constant 7 : i32
      %add3A_745 = vector.broadcast %add3A_744 : i32 to vector<16xi32>
      %add3A_746 = arith.addi %add3A_330, %add3A_745 : vector<16xi32>
      %max3A_747 = arith.constant 0.000000e+00 : f32
      %max3A_748 = vector.broadcast %max3A_747 : f32 to vector<16xf32>
      %max3A_749 = arith.maximumf %scan3A_700#7, %max3A_748 : vector<16xf32>
      tpu.vector_store_idx %arg12[%add3A_746], %max3A_749 : memref<50176xf32, #tpu.memory_space<vmem>>[vector<16xi32>], vector<16xf32>,
      %add3A_750 = arith.constant 8 : i32
      %add3A_751 = vector.broadcast %add3A_750 : i32 to vector<16xi32>
      %add3A_752 = arith.addi %add3A_330, %add3A_751 : vector<16xi32>
      %max3A_753 = arith.constant 0.000000e+00 : f32
      %max3A_754 = vector.broadcast %max3A_753 : f32 to vector<16xf32>
      %max3A_755 = arith.maximumf %scan3A_700#8, %max3A_754 : vector<16xf32>
      tpu.vector_store_idx %arg12[%add3A_752], %max3A_755 : memref<50176xf32, #tpu.memory_space<vmem>>[vector<16xi32>], vector<16xf32>,
      %add3A_756 = arith.constant 9 : i32
      %add3A_757 = vector.broadcast %add3A_756 : i32 to vector<16xi32>
      %add3A_758 = arith.addi %add3A_330, %add3A_757 : vector<16xi32>
      %max3A_759 = arith.constant 0.000000e+00 : f32
      %max3A_760 = vector.broadcast %max3A_759 : f32 to vector<16xf32>
      %max3A_761 = arith.maximumf %scan3A_700#9, %max3A_760 : vector<16xf32>
      tpu.vector_store_idx %arg12[%add3A_758], %max3A_761 : memref<50176xf32, #tpu.memory_space<vmem>>[vector<16xi32>], vector<16xf32>,
      %add3A_762 = arith.constant 10 : i32
      %add3A_763 = vector.broadcast %add3A_762 : i32 to vector<16xi32>
      %add3A_764 = arith.addi %add3A_330, %add3A_763 : vector<16xi32>
      %max3A_765 = arith.constant 0.000000e+00 : f32
      %max3A_766 = vector.broadcast %max3A_765 : f32 to vector<16xf32>
      %max3A_767 = arith.maximumf %scan3A_700#10, %max3A_766 : vector<16xf32>
      tpu.vector_store_idx %arg12[%add3A_764], %max3A_767 : memref<50176xf32, #tpu.memory_space<vmem>>[vector<16xi32>], vector<16xf32>,
      %add3A_768 = arith.constant 11 : i32
      %add3A_769 = vector.broadcast %add3A_768 : i32 to vector<16xi32>
      %add3A_770 = arith.addi %add3A_330, %add3A_769 : vector<16xi32>
      %max3A_771 = arith.constant 0.000000e+00 : f32
      %max3A_772 = vector.broadcast %max3A_771 : f32 to vector<16xf32>
      %max3A_773 = arith.maximumf %scan3A_700#11, %max3A_772 : vector<16xf32>
      tpu.vector_store_idx %arg12[%add3A_770], %max3A_773 : memref<50176xf32, #tpu.memory_space<vmem>>[vector<16xi32>], vector<16xf32>,
      %add3A_774 = arith.constant 12 : i32
      %add3A_775 = vector.broadcast %add3A_774 : i32 to vector<16xi32>
      %add3A_776 = arith.addi %add3A_330, %add3A_775 : vector<16xi32>
      %max3A_777 = arith.constant 0.000000e+00 : f32
      %max3A_778 = vector.broadcast %max3A_777 : f32 to vector<16xf32>
      %max3A_779 = arith.maximumf %scan3A_700#12, %max3A_778 : vector<16xf32>
      tpu.vector_store_idx %arg12[%add3A_776], %max3A_779 : memref<50176xf32, #tpu.memory_space<vmem>>[vector<16xi32>], vector<16xf32>,
      %add3A_780 = arith.constant 13 : i32
      %add3A_781 = vector.broadcast %add3A_780 : i32 to vector<16xi32>
      %add3A_782 = arith.addi %add3A_330, %add3A_781 : vector<16xi32>
      %max3A_783 = arith.constant 0.000000e+00 : f32
      %max3A_784 = vector.broadcast %max3A_783 : f32 to vector<16xf32>
      %max3A_785 = arith.maximumf %scan3A_700#13, %max3A_784 : vector<16xf32>
      tpu.vector_store_idx %arg12[%add3A_782], %max3A_785 : memref<50176xf32, #tpu.memory_space<vmem>>[vector<16xi32>], vector<16xf32>,
      %add3A_786 = arith.constant 14 : i32
      %add3A_787 = vector.broadcast %add3A_786 : i32 to vector<16xi32>
      %add3A_788 = arith.addi %add3A_330, %add3A_787 : vector<16xi32>
      %max3A_789 = arith.constant 0.000000e+00 : f32
      %max3A_790 = vector.broadcast %max3A_789 : f32 to vector<16xf32>
      %max3A_791 = arith.maximumf %scan3A_700#14, %max3A_790 : vector<16xf32>
      tpu.vector_store_idx %arg12[%add3A_788], %max3A_791 : memref<50176xf32, #tpu.memory_space<vmem>>[vector<16xi32>], vector<16xf32>,
      %add3A_792 = arith.constant 15 : i32
      %add3A_793 = vector.broadcast %add3A_792 : i32 to vector<16xi32>
      %add3A_794 = arith.addi %add3A_330, %add3A_793 : vector<16xi32>
      %max3A_795 = arith.constant 0.000000e+00 : f32
      %max3A_796 = vector.broadcast %max3A_795 : f32 to vector<16xf32>
      %max3A_797 = arith.maximumf %scan3A_700#15, %max3A_796 : vector<16xf32>
      tpu.vector_store_idx %arg12[%add3A_794], %max3A_797 : memref<50176xf32, #tpu.memory_space<vmem>>[vector<16xi32>], vector<16xf32>,
      %add3A_798 = arith.constant 16 : i32
      %add3A_799 = vector.broadcast %add3A_798 : i32 to vector<16xi32>
      %add3A_800 = arith.addi %add3A_330, %add3A_799 : vector<16xi32>
      %max3A_801 = arith.constant 0.000000e+00 : f32
      %max3A_802 = vector.broadcast %max3A_801 : f32 to vector<16xf32>
      %max3A_803 = arith.maximumf %scan3A_700#16, %max3A_802 : vector<16xf32>
      tpu.vector_store_idx %arg12[%add3A_800], %max3A_803 : memref<50176xf32, #tpu.memory_space<vmem>>[vector<16xi32>], vector<16xf32>,
      %add3A_804 = arith.constant 17 : i32
      %add3A_805 = vector.broadcast %add3A_804 : i32 to vector<16xi32>
      %add3A_806 = arith.addi %add3A_330, %add3A_805 : vector<16xi32>
      %max3A_807 = arith.constant 0.000000e+00 : f32
      %max3A_808 = vector.broadcast %max3A_807 : f32 to vector<16xf32>
      %max3A_809 = arith.maximumf %scan3A_700#17, %max3A_808 : vector<16xf32>
      tpu.vector_store_idx %arg12[%add3A_806], %max3A_809 : memref<50176xf32, #tpu.memory_space<vmem>>[vector<16xi32>], vector<16xf32>,
      %add3A_810 = arith.constant 18 : i32
      %add3A_811 = vector.broadcast %add3A_810 : i32 to vector<16xi32>
      %add3A_812 = arith.addi %add3A_330, %add3A_811 : vector<16xi32>
      %max3A_813 = arith.constant 0.000000e+00 : f32
      %max3A_814 = vector.broadcast %max3A_813 : f32 to vector<16xf32>
      %max3A_815 = arith.maximumf %scan3A_700#18, %max3A_814 : vector<16xf32>
      tpu.vector_store_idx %arg12[%add3A_812], %max3A_815 : memref<50176xf32, #tpu.memory_space<vmem>>[vector<16xi32>], vector<16xf32>,
      %add3A_816 = arith.constant 19 : i32
      %add3A_817 = vector.broadcast %add3A_816 : i32 to vector<16xi32>
      %add3A_818 = arith.addi %add3A_330, %add3A_817 : vector<16xi32>
      %max3A_819 = arith.constant 0.000000e+00 : f32
      %max3A_820 = vector.broadcast %max3A_819 : f32 to vector<16xf32>
      %max3A_821 = arith.maximumf %scan3A_700#19, %max3A_820 : vector<16xf32>
      tpu.vector_store_idx %arg12[%add3A_818], %max3A_821 : memref<50176xf32, #tpu.memory_space<vmem>>[vector<16xi32>], vector<16xf32>,
      %add3A_822 = arith.constant 20 : i32
      %add3A_823 = vector.broadcast %add3A_822 : i32 to vector<16xi32>
      %add3A_824 = arith.addi %add3A_330, %add3A_823 : vector<16xi32>
      %max3A_825 = arith.constant 0.000000e+00 : f32
      %max3A_826 = vector.broadcast %max3A_825 : f32 to vector<16xf32>
      %max3A_827 = arith.maximumf %scan3A_700#20, %max3A_826 : vector<16xf32>
      tpu.vector_store_idx %arg12[%add3A_824], %max3A_827 : memref<50176xf32, #tpu.memory_space<vmem>>[vector<16xi32>], vector<16xf32>,
      %add3A_828 = arith.constant 21 : i32
      %add3A_829 = vector.broadcast %add3A_828 : i32 to vector<16xi32>
      %add3A_830 = arith.addi %add3A_330, %add3A_829 : vector<16xi32>
      %max3A_831 = arith.constant 0.000000e+00 : f32
      %max3A_832 = vector.broadcast %max3A_831 : f32 to vector<16xf32>
      %max3A_833 = arith.maximumf %scan3A_700#21, %max3A_832 : vector<16xf32>
      tpu.vector_store_idx %arg12[%add3A_830], %max3A_833 : memref<50176xf32, #tpu.memory_space<vmem>>[vector<16xi32>], vector<16xf32>,
      %add3A_834 = arith.constant 22 : i32
      %add3A_835 = vector.broadcast %add3A_834 : i32 to vector<16xi32>
      %add3A_836 = arith.addi %add3A_330, %add3A_835 : vector<16xi32>
      %max3A_837 = arith.constant 0.000000e+00 : f32
      %max3A_838 = vector.broadcast %max3A_837 : f32 to vector<16xf32>
      %max3A_839 = arith.maximumf %scan3A_700#22, %max3A_838 : vector<16xf32>
      tpu.vector_store_idx %arg12[%add3A_836], %max3A_839 : memref<50176xf32, #tpu.memory_space<vmem>>[vector<16xi32>], vector<16xf32>,
      %add3A_840 = arith.constant 23 : i32
      %add3A_841 = vector.broadcast %add3A_840 : i32 to vector<16xi32>
      %add3A_842 = arith.addi %add3A_330, %add3A_841 : vector<16xi32>
      %max3A_843 = arith.constant 0.000000e+00 : f32
      %max3A_844 = vector.broadcast %max3A_843 : f32 to vector<16xf32>
      %max3A_845 = arith.maximumf %scan3A_700#23, %max3A_844 : vector<16xf32>
      tpu.vector_store_idx %arg12[%add3A_842], %max3A_845 : memref<50176xf32, #tpu.memory_space<vmem>>[vector<16xi32>], vector<16xf32>,
      %add3A_846 = arith.constant 24 : i32
      %add3A_847 = vector.broadcast %add3A_846 : i32 to vector<16xi32>
      %add3A_848 = arith.addi %add3A_330, %add3A_847 : vector<16xi32>
      %max3A_849 = arith.constant 0.000000e+00 : f32
      %max3A_850 = vector.broadcast %max3A_849 : f32 to vector<16xf32>
      %max3A_851 = arith.maximumf %scan3A_700#24, %max3A_850 : vector<16xf32>
      tpu.vector_store_idx %arg12[%add3A_848], %max3A_851 : memref<50176xf32, #tpu.memory_space<vmem>>[vector<16xi32>], vector<16xf32>,
      %add3A_852 = arith.constant 25 : i32
      %add3A_853 = vector.broadcast %add3A_852 : i32 to vector<16xi32>
      %add3A_854 = arith.addi %add3A_330, %add3A_853 : vector<16xi32>
      %max3A_855 = arith.constant 0.000000e+00 : f32
      %max3A_856 = vector.broadcast %max3A_855 : f32 to vector<16xf32>
      %max3A_857 = arith.maximumf %scan3A_700#25, %max3A_856 : vector<16xf32>
      tpu.vector_store_idx %arg12[%add3A_854], %max3A_857 : memref<50176xf32, #tpu.memory_space<vmem>>[vector<16xi32>], vector<16xf32>,
      %add3A_858 = arith.constant 26 : i32
      %add3A_859 = vector.broadcast %add3A_858 : i32 to vector<16xi32>
      %add3A_860 = arith.addi %add3A_330, %add3A_859 : vector<16xi32>
      %max3A_861 = arith.constant 0.000000e+00 : f32
      %max3A_862 = vector.broadcast %max3A_861 : f32 to vector<16xf32>
      %max3A_863 = arith.maximumf %scan3A_700#26, %max3A_862 : vector<16xf32>
      tpu.vector_store_idx %arg12[%add3A_860], %max3A_863 : memref<50176xf32, #tpu.memory_space<vmem>>[vector<16xi32>], vector<16xf32>,
      %add3A_864 = arith.constant 27 : i32
      %add3A_865 = vector.broadcast %add3A_864 : i32 to vector<16xi32>
      %add3A_866 = arith.addi %add3A_330, %add3A_865 : vector<16xi32>
      %max3A_867 = arith.constant 0.000000e+00 : f32
      %max3A_868 = vector.broadcast %max3A_867 : f32 to vector<16xf32>
      %max3A_869 = arith.maximumf %scan3A_700#27, %max3A_868 : vector<16xf32>
      tpu.vector_store_idx %arg12[%add3A_866], %max3A_869 : memref<50176xf32, #tpu.memory_space<vmem>>[vector<16xi32>], vector<16xf32>,
      %add3A_870 = arith.constant 28 : i32
      %add3A_871 = vector.broadcast %add3A_870 : i32 to vector<16xi32>
      %add3A_872 = arith.addi %add3A_330, %add3A_871 : vector<16xi32>
      %max3A_873 = arith.constant 0.000000e+00 : f32
      %max3A_874 = vector.broadcast %max3A_873 : f32 to vector<16xf32>
      %max3A_875 = arith.maximumf %scan3A_700#28, %max3A_874 : vector<16xf32>
      tpu.vector_store_idx %arg12[%add3A_872], %max3A_875 : memref<50176xf32, #tpu.memory_space<vmem>>[vector<16xi32>], vector<16xf32>,
      %add3A_876 = arith.constant 29 : i32
      %add3A_877 = vector.broadcast %add3A_876 : i32 to vector<16xi32>
      %add3A_878 = arith.addi %add3A_330, %add3A_877 : vector<16xi32>
      %max3A_879 = arith.constant 0.000000e+00 : f32
      %max3A_880 = vector.broadcast %max3A_879 : f32 to vector<16xf32>
      %max3A_881 = arith.maximumf %scan3A_700#29, %max3A_880 : vector<16xf32>
      tpu.vector_store_idx %arg12[%add3A_878], %max3A_881 : memref<50176xf32, #tpu.memory_space<vmem>>[vector<16xi32>], vector<16xf32>,
      %add3A_882 = arith.constant 30 : i32
      %add3A_883 = vector.broadcast %add3A_882 : i32 to vector<16xi32>
      %add3A_884 = arith.addi %add3A_330, %add3A_883 : vector<16xi32>
      %max3A_885 = arith.constant 0.000000e+00 : f32
      %max3A_886 = vector.broadcast %max3A_885 : f32 to vector<16xf32>
      %max3A_887 = arith.maximumf %scan3A_700#30, %max3A_886 : vector<16xf32>
      tpu.vector_store_idx %arg12[%add3A_884], %max3A_887 : memref<50176xf32, #tpu.memory_space<vmem>>[vector<16xi32>], vector<16xf32>,
      %add3A_888 = arith.constant 31 : i32
      %add3A_889 = vector.broadcast %add3A_888 : i32 to vector<16xi32>
      %add3A_890 = arith.addi %add3A_330, %add3A_889 : vector<16xi32>
      %max3A_891 = arith.constant 0.000000e+00 : f32
      %max3A_892 = vector.broadcast %max3A_891 : f32 to vector<16xf32>
      %max3A_893 = arith.maximumf %scan3A_700#31, %max3A_892 : vector<16xf32>
      tpu.vector_store_idx %arg12[%add3A_890], %max3A_893 : memref<50176xf32, #tpu.memory_space<vmem>>[vector<16xi32>], vector<16xf32>,
    }
    %scan3A_322 = arith.constant 98 : i32
    %mul3A_323 = arith.constant 50048 : i32
    %mul3A_324 = arith.muli %add3A, %mul3A_323 : i32
    %multiple_of3A = tpu.assume_multiple %mul3A_324, 32 : i32
    "tpu.region"() ({
      %run_scoped3A = tpu.sem_alloc : memref<!tpu.dma_semaphore, #tpu.memory_space<semaphore_mem>>
      %dma_start3A = arith.constant 0 : i32
      %dma_start3A_325 = tpu.memref_slice %arg12[%dma_start3A] : memref<50176xf32, #tpu.memory_space<vmem>> -> memref<50048xf32, #tpu.memory_space<vmem>>
      %dma_start3A_326 = tpu.memref_slice %arg6[%multiple_of3A] : memref<1601536xf32, #tpu.memory_space<hbm>> -> memref<50048xf32, #tpu.memory_space<hbm>>
      %dma_start3A_327 = tpu.memref_slice %arg6[%multiple_of3A] : memref<1601536xf32, #tpu.memory_space<hbm>> -> memref<50048xf32, #tpu.memory_space<hbm>>
      %dma_start3A_328 = arith.constant 0 : i32
      %dma_start3A_329 = tpu.memref_slice %arg12[%dma_start3A_328] : memref<50176xf32, #tpu.memory_space<vmem>> -> memref<50048xf32, #tpu.memory_space<vmem>>
      tpu.enqueue_dma source(%dma_start3A_329 : memref<50048xf32, #tpu.memory_space<vmem>>) target(%dma_start3A_327 : memref<50048xf32, #tpu.memory_space<hbm>>) target_semaphore(%run_scoped3A : memref<!tpu.dma_semaphore, #tpu.memory_space<semaphore_mem>>)
      %dma_wait3A = arith.constant 0 : i32
      %dma_wait3A_330 = tpu.memref_slice %arg12[%dma_wait3A] : memref<50176xf32, #tpu.memory_space<vmem>> -> memref<50048xf32, #tpu.memory_space<vmem>>
      %dma_wait3A_331 = tpu.memref_slice %arg6[%multiple_of3A] : memref<1601536xf32, #tpu.memory_space<hbm>> -> memref<50048xf32, #tpu.memory_space<hbm>>
      %dma_wait3A_332 = tpu.memref_slice %arg6[%multiple_of3A] : memref<1601536xf32, #tpu.memory_space<hbm>> -> memref<50048xf32, #tpu.memory_space<hbm>>
      %dma_wait3A_333 = arith.constant 0 : i32
      %dma_wait3A_334 = tpu.memref_slice %arg12[%dma_wait3A_333] : memref<50176xf32, #tpu.memory_space<vmem>> -> memref<50048xf32, #tpu.memory_space<vmem>>
      tpu.wait_dma2 semaphore(%run_scoped3A : memref<!tpu.dma_semaphore, #tpu.memory_space<semaphore_mem>>) src(%dma_wait3A_334 : memref<50048xf32, #tpu.memory_space<vmem>>) dst(%dma_wait3A_332 : memref<50048xf32, #tpu.memory_space<hbm>>)
      tpu.yield
    }) : () -> ()
    return
  }
}

module attributes {stable_mosaic.version = 14 : i64} {
  func.func @_mlp_body(%arg0: i32, %arg1: memref<3x6400xf32, #tpu.memory_space<vmem>>, %arg2: memref<16x3xf32, #tpu.memory_space<vmem>>, %arg3: memref<16x1xf32, #tpu.memory_space<vmem>>, %arg4: memref<32x16xf32, #tpu.memory_space<vmem>>, %arg5: memref<32x1xf32, #tpu.memory_space<vmem>>, %arg6: memref<6400x32xf32, #tpu.memory_space<vmem>>) attributes {dimension_semantics = [#tpu.dimension_semantics<arbitrary>], iteration_bounds = array<i64: 250>, scalar_prefetch = 0 : i64, scratch_operands = 0 : i64, tpu.core_type = #tpu.core_type<tc>, window_params = [{transform_indices = @transform_0, window_bounds = array<i64: 3, 6400>}, {pipeline_mode = #tpu.pipeline_mode<synchronous>, transform_indices = @transform_1, window_bounds = array<i64: 16, 3>}, {pipeline_mode = #tpu.pipeline_mode<synchronous>, transform_indices = @transform_2, window_bounds = array<i64: 16, 1>}, {pipeline_mode = #tpu.pipeline_mode<synchronous>, transform_indices = @transform_3, window_bounds = array<i64: 32, 16>}, {pipeline_mode = #tpu.pipeline_mode<synchronous>, transform_indices = @transform_4, window_bounds = array<i64: 32, 1>}, {transform_indices = @transform_5, window_bounds = array<i64: 6400, 32>}]} {
    %get3A = arith.constant 0 : index
    %get3A_0 = arith.constant 0 : index
    %get3A_1 = vector.load %arg1[%get3A, %get3A_0] : memref<3x6400xf32, #tpu.memory_space<vmem>>, vector<3x6400xf32>
    %get3A_2 = arith.constant 0 : index
    %get3A_3 = arith.constant 0 : index
    %get3A_4 = vector.load %arg2[%get3A_2, %get3A_3] : memref<16x3xf32, #tpu.memory_space<vmem>>, vector<16x3xf32>
    %dot_general3A = arith.constant dense<0.000000e+00> : vector<16x6400xf32>
    %dot_general3A_5 = tpu.matmul %get3A_4, %get3A_1, %dot_general3A {dimension_numbers = #tpu.dot_dimension_numbers<[1], [0], [0], [1], [0, 0, 1, 1], [], []>, transpose_lhs_hint = false} : vector<16x3xf32>, vector<3x6400xf32>, vector<16x6400xf32> -> vector<16x6400xf32>
    %get3A_6 = arith.constant 0 : index
    %get3A_7 = arith.constant 0 : index
    %get3A_8 = vector.load %arg3[%get3A_6, %get3A_7] : memref<16x1xf32, #tpu.memory_space<vmem>>, vector<16x1xf32>
    %add3A = vector.broadcast %get3A_8 : vector<16x1xf32> to vector<16x6400xf32>
    %add3A_9 = arith.addf %dot_general3A_5, %add3A : vector<16x6400xf32>
    %max3A = arith.constant 0.000000e+00 : f32
    %max3A_10 = vector.broadcast %max3A : f32 to vector<16x6400xf32>
    %max3A_11 = arith.maximumf %add3A_9, %max3A_10 : vector<16x6400xf32>
    %get3A_12 = arith.constant 0 : index
    %get3A_13 = arith.constant 0 : index
    %get3A_14 = vector.load %arg4[%get3A_12, %get3A_13] : memref<32x16xf32, #tpu.memory_space<vmem>>, vector<32x16xf32>
    %dot_general3A_15 = arith.constant dense<0.000000e+00> : vector<32x6400xf32>
    %dot_general3A_16 = tpu.matmul %get3A_14, %max3A_11, %dot_general3A_15 {dimension_numbers = #tpu.dot_dimension_numbers<[1], [0], [0], [1], [0, 0, 1, 1], [], []>, transpose_lhs_hint = false} : vector<32x16xf32>, vector<16x6400xf32>, vector<32x6400xf32> -> vector<32x6400xf32>
    %get3A_17 = arith.constant 0 : index
    %get3A_18 = arith.constant 0 : index
    %get3A_19 = vector.load %arg5[%get3A_17, %get3A_18] : memref<32x1xf32, #tpu.memory_space<vmem>>, vector<32x1xf32>
    %add3A_20 = vector.broadcast %get3A_19 : vector<32x1xf32> to vector<32x6400xf32>
    %add3A_21 = arith.addf %dot_general3A_16, %add3A_20 : vector<32x6400xf32>
    %max3A_22 = arith.constant 0.000000e+00 : f32
    %max3A_23 = vector.broadcast %max3A_22 : f32 to vector<32x6400xf32>
    %max3A_24 = arith.maximumf %add3A_21, %max3A_23 : vector<32x6400xf32>
    %transpose3A = tpu.transpose %max3A_24, [1, 0] : vector<32x6400xf32> -> vector<6400x32xf32>
    %swap3A = arith.constant 0 : index
    %swap3A_25 = arith.constant 0 : index
    %swap3A_26 = vector.load %arg6[%swap3A, %swap3A_25] : memref<6400x32xf32, #tpu.memory_space<vmem>>, vector<6400x32xf32>
    tpu.vector_store %arg6[%swap3A, %swap3A_25], %transpose3A {strides = array<i32>} : memref<6400x32xf32, #tpu.memory_space<vmem>>, vector<6400x32xf32>,
    return
  }
  func.func @transform_0(%arg0: i32) -> (i32, i32) {
    %c0_i32 = arith.constant 0 : i32
    %c0_i32_0 = arith.constant 0 : i32
    return %c0_i32, %arg0 : i32, i32
  }
  func.func @transform_1(%arg0: i32) -> (i32, i32) {
    %c0_i32 = arith.constant 0 : i32
    %c0_i32_0 = arith.constant 0 : i32
    %c0_i32_1 = arith.constant 0 : i32
    return %c0_i32, %c0_i32_0 : i32, i32
  }
  func.func @transform_2(%arg0: i32) -> (i32, i32) {
    %c0_i32 = arith.constant 0 : i32
    %c0_i32_0 = arith.constant 0 : i32
    %c0_i32_1 = arith.constant 0 : i32
    return %c0_i32, %c0_i32_0 : i32, i32
  }
  func.func @transform_3(%arg0: i32) -> (i32, i32) {
    %c0_i32 = arith.constant 0 : i32
    %c0_i32_0 = arith.constant 0 : i32
    %c0_i32_1 = arith.constant 0 : i32
    return %c0_i32, %c0_i32_0 : i32, i32
  }
  func.func @transform_4(%arg0: i32) -> (i32, i32) {
    %c0_i32 = arith.constant 0 : i32
    %c0_i32_0 = arith.constant 0 : i32
    %c0_i32_1 = arith.constant 0 : i32
    return %c0_i32, %c0_i32_0 : i32, i32
  }
  func.func @transform_5(%arg0: i32) -> (i32, i32) {
    %c0_i32 = arith.constant 0 : i32
    %c0_i32_0 = arith.constant 0 : i32
    return %arg0, %c0_i32 : i32, i32
  }
}

</mosaic_0001>

<sc_bundles>
// kernel: kernel.4.cloned.1.call-start
scs
__scs_entry_jumppad:
0x0: {  	(pc) =	sbr.rel $0x88, $3  }
0x1: {  	(tag) =	ssettag $0x0;
	lr =	simm.s32 $0x1  }
0x2: {  	[smem:$0x3F97] =	sst lr;
	_ =	strace $0xD0000000  }
0x3: {  	_ = 	snop  }
0x4: {  	_ = 	snop  }
0x5: {  	_ = 	snop  }
0x6: {  	_ = 	snop  }
0x7: {  	_ = 	snop  }
__scs_overlays_trampoline_lowered:
0x8: {  	[smem:$0x3FA6] =	sst s0  }
0x9: {  	[smem:$0x3FA7] =	sst s1  }
0xa: {  	[smem:$0x3FA8] =	sst s2  }
0xb: {  	[smem:$0x3FA9] =	sst s3  }
0xc: {  	[smem:$0x3FAA] =	sst s4  }
0xd: {  	[smem:$0x3FAB] =	sst s5  }
0xe: {  	[smem:$0x3FAC] =	sst s6  }
0xf: {  	[smem:$0x3FAD] =	sst s7  }
0x10: {  	[smem:$0x3FAE] =	sst s8  }
0x11: {  	[smem:$0x3FAF] =	sst s9;
	s0 =	simm.s32 @!p0 $0x0  }
0x12: {  	s1 =	sld [smem:$0x3F95];
	s0 =	simm.s32 @p0 $0x1  }
0x13: {  	[smem:$0x3FB0] =	sst s0;
	s0 =	simm.s32 @!p1 $0x0  }
0x14: {  	s2 =	sld [smem:$0x3F94];
	s0 =	simm.s32 @p1 $0x1  }
0x15: {  	[smem:$0x3FB1] =	sst s0;
	s0 =	simm.s32 @!p2 $0x0  }
0x16: {  	s3 =	sld [smem:$0x3FDB];
	s0 =	simm.s32 @p2 $0x1  }
0x17: {  	s4 =	simm.s32 $0x1BF5;
	[smem:$0x3FB3] =	sst s0  }
0x18: {  	s0 =	sld [smem:$0x3F96];
	_ =	swait.ge [sflag:s4], $0x0  }
0x19: {  	s7 =	sld [smem:$0x3F97]  }
0x1a: {  	s8 =	sadd.s32 $0xFFFFE003, lr  }
0x1b: {  	s9 =	sadd.s32 $0xFFFFFEF7, lr;
	s5 =	simm.s32 $0xFFFFFFFF;
	p2 =	slt.u32 s8, $0xFFFFF086  }
0x1c: {  	p1 =	slt.u32 s9, $0xF7A;
	s5 =	simm.s32 @!p2 $0x0  }
0x1d: {  	s5 =	simm.s32 @p1 $0x1;
	p0 =	seq.s32 s7, s2  }
0x1e: {  	s7 =	smul.u32 @!p0 $0xF7A, s2;
	p2 =	seq.s32 @!p0 s5, $0x0  }
0x1f: {  	s9 =	smul.u32 $0xF7A, s1;
	s8 =	simm.s32 @!p0 $0x1BF5;
	p2 =	por !p2, p0  }
0x20: {  	[sflag:s8] =	ssyncset.s32 @!p0 $0xFFFFF086;
	s6 =	sadd.s32 @!p0 s3, s7;
	s7 =	simm.s32 @!p0 $0x108  }
0x21: {  	s3 =	sadd.s32 s3, s9;
	s6 =	sadd.s32 @!p0 $0x88, s6;
	s7 =	simm.s32 @p2 $0x1082  }
0x22: {  	[simem:s7], [sflag:s8] =	dma.local @!p0 [hbm:s6], $0xF7A  }
0x23: {  	s9 =	sor.u32 $0xD0000000, s2;
	s6 =	simm.s32 $0x108;
	_ =	swait.ge @!p0 [sflag:s8], $0x0  }
0x24: {  	s3 =	sadd.s32 $0x88, s3;
	s6 =	simm.s32 @!p1 $0x1082;
	[sflag:s4] =	ssyncset.s32 $0xFFFFF086  }
0x25: {  	[simem:s6], [sflag:s4] =	dma.local [hbm:s3], $0xF7A  }
0x26: {  	[smem:$0x3F97] =	sst s1;
	(tag) =	ssettag s2;
	_ =	strace s9  }
0x27: {  	s1 =	sld [smem:$0x3FA7]  }
0x28: {  	s2 =	sld [smem:$0x3FA8]  }
0x29: {  	s4 =	sld [smem:$0x3FAA]  }
0x2a: {  	p0 =	seq.s32 s5, $0x0;
	s5 =	sld [smem:$0x3FAB]  }
0x2b: {  	s6 =	sld [smem:$0x3FAC]  }
0x2c: {  	s7 =	sld [smem:$0x3FAD]  }
0x2d: {  	s3 =	simm.s32 $0x108;
	s8 =	sld [smem:$0x3FAE]  }
0x2e: {  	s3 =	simm.s32 @!p0 $0x1082;
	s9 =	sld [smem:$0x3FAF]  }
0x2f: {  	lr =	sadd.s32 s0, s3;
	s0 =	sld [smem:$0x3FA6]  }
0x30: {  	s3 =	sld [smem:$0x3FA9]  }
0x31: {  	[smem:$0x3FB2] =	sst s10  }
0x32: {  	s10 =	sld [smem:$0x3FB0];
	_ =	sdelay $0x3  }
0x33: {  	p0 =	seq.s32 s10, $0x1;
	s10 =	sld [smem:$0x3FB2];
	_ =	sdelay $0x3  }
0x34: {  	[smem:$0x3FB2] =	sst s10  }
0x35: {  	s10 =	sld [smem:$0x3FB1];
	_ =	sdelay $0x3  }
0x36: {  	p1 =	seq.s32 s10, $0x1;
	s10 =	sld [smem:$0x3FB2];
	_ =	sdelay $0x3  }
0x37: {  	[smem:$0x3FB2] =	sst s10  }
0x38: {  	s10 =	sld [smem:$0x3FB3]  }
0x39: {  	_ = 	snop;
	(pc) =	sbr.ind lr, $3  }
0x3a: {  	_ = 	snop  }
0x3b: {  	_ = 	snop  }
0x3c: {  	p2 =	seq.s32 s10, $0x1;
	s10 =	sld [smem:$0x3FB2]  }
0x3d: {  	_ =	shalt  }
0x3e: {  	_ =	shalt  }
0x3f: {  	_ =	shalt  }
0x40: {  	_ =	shalt  }
0x41: {  	_ =	shalt  }
0x42: {  	_ =	shalt  }
0x43: {  	_ =	shalt  }
0x44: {  	_ =	shalt  }
0x45: {  	_ =	shalt  }
0x46: {  	_ =	shalt  }
0x47: {  	_ =	shalt  }
0x48: {  	_ =	shalt  }
0x49: {  	_ =	shalt  }
0x4a: {  	_ =	shalt  }
0x4b: {  	_ =	shalt  }
0x4c: {  	_ =	shalt  }
0x4d: {  	_ =	shalt  }
0x4e: {  	_ =	shalt  }
0x4f: {  	_ =	shalt  }
0x50: {  	_ =	shalt  }
0x51: {  	_ =	shalt  }
0x52: {  	_ =	shalt  }
0x53: {  	_ =	shalt  }
0x54: {  	_ =	shalt  }
0x55: {  	_ =	shalt  }
0x56: {  	_ =	shalt  }
0x57: {  	_ =	shalt  }
0x58: {  	_ =	shalt  }
0x59: {  	_ =	shalt  }
0x5a: {  	_ =	shalt  }
0x5b: {  	_ =	shalt  }
0x5c: {  	_ =	shalt  }
0x5d: {  	_ =	shalt  }
0x5e: {  	_ =	shalt  }
0x5f: {  	_ =	shalt  }
0x60: {  	_ =	shalt  }
0x61: {  	_ =	shalt  }
0x62: {  	_ =	shalt  }
0x63: {  	_ =	shalt  }
0x64: {  	_ =	shalt  }
0x65: {  	_ =	shalt  }
0x66: {  	_ =	shalt  }
0x67: {  	_ =	shalt  }
0x68: {  	_ =	shalt  }
0x69: {  	_ =	shalt  }
0x6a: {  	_ =	shalt  }
0x6b: {  	_ =	shalt  }
0x6c: {  	_ =	shalt  }
0x6d: {  	_ =	shalt  }
0x6e: {  	_ =	shalt  }
0x6f: {  	_ =	shalt  }
0x70: {  	_ =	shalt  }
0x71: {  	_ =	shalt  }
0x72: {  	_ =	shalt  }
0x73: {  	_ =	shalt  }
0x74: {  	_ =	shalt  }
0x75: {  	_ =	shalt  }
0x76: {  	_ =	shalt  }
0x77: {  	_ =	shalt  }
0x78: {  	_ =	shalt  }
0x79: {  	_ =	shalt  }
0x7a: {  	_ =	shalt  }
0x7b: {  	_ =	shalt  }
0x7c: {  	_ =	shalt  }
0x7d: {  	_ =	shalt  }
0x7e: {  	_ =	shalt  }
0x7f: {  	_ =	shalt  }
0x80: {  	_ =	shalt  }
0x81: {  	_ =	shalt  }
0x82: {  	_ =	shalt  }
0x83: {  	_ =	shalt  }
0x84: {  	_ =	shalt  }
0x85: {  	_ =	shalt  }
0x86: {  	_ =	shalt  }
0x87: {  	_ =	shalt  }
.Lfunc_end0:
.L_simem_size_0:
called_computation_lowered:
.L_overlay_start_0:
0x88: {  	s2 =	sld [smem:$0x3FD9]  }
0x89: {  	s3 =	sld [smem:$0x3FFE];
	_ =	sdelay $0x1  }
0x8a: {  	s1 =	srdreg.scid  }
0x8b: {  	s0 =	sand.u32 $0x1, s1  }
0x8c: {  	s17 =	sshll.u32 s0, $0xA;
	s2 =	sadd.s32 s3, s2  }
0x8d: {  	s2 =	sadd.s32 s2, s17  }
0x8e: {  	[smem:$0x3FBE] =	sst s2  }
0x8f: {  	_ = 	snop  }
0x90: {  	s2 =	sld [smem:$0x3FC8]  }
0x91: {  	s18 =	sld [smem:$0x3FD0];
	(tm) =	ssettm $0x1  }
0x92: {  	s4 =	sld [smem:$0x3FFB];
	_ =	sdelay $0x3  }
0x93: {  	_ =	strace s4  }
0x94: {  	s4 =	sld [smem:$0x3FFC];
	_ =	sdelay $0x3  }
0x95: {  	_ =	strace s4  }
0x96: {  	s4 =	sld [smem:$0x3FFD];
	_ =	sdelay $0x3  }
0x97: {  	_ =	strace s4  }
0x98: {  	_ =	strace $0x8FFFFFFF  }
0x99: {  	s19 =	sld [smem:$0x3FDB];
	_ =	sdelay $0x1  }
0x9a: {  	s5 =	simm.s32 $_scs_section_size  }
0x9b: {  	s6 =	simm.s32 $_size__tile_overlayer_lowered;
	s7 =	simm.s32 $_tile_overlayer_lowered  }
0x9c: {  	s22 =	simm.s32 $0x1BFF;
	s21 =	sshll.u32 s7, $0x1;
	s4 =	sadd.s32 s5, s19  }
0x9d: {  	s8 =	simm.s32 $0x0;
	s20 =	sshll.u32 s6, $0x1;
	s6 =	sadd.s32 s21, s4  }
0x9e: {  	[timem:s8], [sflag:s22] =	dma.local [hbm:s6], s20  }
0x9f: {  	_ =	swait.ge [sflag:s22], s20  }
0xa0: {  	s5 =	ssub.s32 $0x0, s20;
	[sflag:s22] =	ssyncset.done $0x0  }
0xa1: {  	[sflag:s22] =	ssyncadd.s32 s5;
	_ =	sdelay $0x1  }
0xa2: {  	s23 =	simm.s32 $0x1B8B  }
0xa3: {  	_ =	swait.ge [sflag:s23], $0x1  }
0xa4: {  	[sflag:s23] =	ssyncset.done $0x0  }
0xa5: {  	s25 =	simm.s32 $0x1B8E;
	s24 =	sld [smem:$0x3FFE];
	[sflag:s23] =	ssyncadd.s32 $0xFFFFFFFF  }
0xa6: {  	s26 =	simm.s32 $execute0_lowered;
	[smem:$0x3FD2] =	sst s25  }
0xa7: {  	s6 =	sshll.u32 s26, $0x1;
	_ =	strace $0x80000046;
	[dreg:$0x1] =	wrdreg $0xFFFFFFFF  }
0xa8: {  	s28 =	simm.s32 $_size_execute0_lowered;
	s4 =	sadd.s32 s4, s6;
	[dreg:$0x0] =	wrdreg $0x0  }
0xa9: {  	s6 =	sshll.u32 s28, $0x1;
	[dreg:$0x2] =	wrdreg s4  }
0xaa: {  	[dreg:$0x3] =	wrdreg s6  }
0xab: {  	[dreg:$0x4] =	wrdreg $0xC0  }
0xac: {  	_ =	task [dreg:s8], $0x5FFFF  }
0xad: {  	[dreg:$0x1] =	wrdreg $0xFFFFFFFF  }
0xae: {  	[dreg:$0x0] =	wrdreg $0x60  }
0xaf: {  	[dreg:$0x2] =	wrdreg s24  }
0xb0: {  	[dreg:$0x3] =	wrdreg s2  }
0xb1: {  	[dreg:$0x4] =	wrdreg s18  }
0xb2: {  	[dreg:$0x5] =	wrdreg $0x9  }
0xb3: {  	_ =	task.clear_ibuf [dreg:s8], $0x6FFFF;
	_ =	strace $0x90000046  }
0xb4: {  	s29 =	simm.s32 $0x9;
	_ =	strace $0x80000048  }
0xb5: {  	_ =	swait.ge [sflag:s29], $0x1  }
0xb6: {  	[sflag:s29] =	ssyncadd.s32 $0xFFFFFFFF  }
0xb7: {  	_ =	strace $0x90000048  }
0xb8: {  	_ =	sfence  }
0xb9: {  	s30 =	sld [smem:$0x0];
	_ =	sdelay $0x2  }
0xba: {  	s31 =	sshll.u32 s1, $0xD;
	s1 =	sshrl.u32 s1, $0x2  }
0xbb: {  	s3 =	sand.u32 $0x4000, s31;
	s1 =	sadd.s32 s1, s30  }
0xbc: {  	s0 =	sor.u32 s3, s0;
	s1 =	sshll.u32 s1, $0x11  }
0xbd: {  	s0 =	sor.u32 s1, s0  }
0xbe: {  	s0 =	sadd.s32 $0x8F2B, s0  }
0xbf: {  	[sflag:s0] =	ssyncadd.remote.s32 $0x1  }
0xc0: {  	_ =	sfence.sel $0xFFFF  }
0xc1: {  	[dreg:$0x0] =	wrdreg $0xFFFFFFFF;
	(pc) =	sbr.abs _section_cstart, $3  }
0xc2: {  	[dreg:$0x1] =	wrdreg $0xFFFFFFFF  }
0xc3: {  	_ =	task.clear_ibuf [dreg:s8], $0x2FFFF;
	_ =	strace $0x9FFFFFFF  }
0xc4: {  	(tm) =	ssettm $0x7FFFFFFF  }
0xc5: {  	_ =	shalt  }
tec
execute0_lowered:
.L_overlay_start_1:
0x0: {  	(tag) =	ssettag $0x1  }
0x1: {  	s8 =	rddreg [dreg:$0x0]  }
0x2: {  	s2 =	rddreg [dreg:$0x1]  }
0x3: {  	s10 =	rddreg [dreg:$0x2]  }
0x4: {  	s0 =	rddreg [dreg:$0x3];
	s4 =	srdreg.scid  }
0x5: {  	s1 =	stileid.u32;
	s3 =	simm.s32 $0x0;
	s13 =	simm.s32 $0x1  }
0x6: {  	s14 =	simm.s32 $0xAD80;
	s15 =	simm.s32 $0xA000;
	s16 =	simm.s32 $0xB000  }
0x7: {  	s17 =	simm.s32 $0x0;
	s5 =	sand.u32 $0x1, s4;
	s31 =	sshll.u32 s1, $0x1  }
0x8: {  	[smem:$0x7FF] =	sst s3;
	s6 =	sadd.s32 $0x186BC00, s8;
	s4 =	sor.u32 s5, s31  }
0x9: {  	v0 =	vlaneseq.u32;
	s7 =	sadd.s32 $0x1A00, s8;
	s9 =	ssub.s32 $0x2, s5;
	s5 =	smul.u32 $0x61C, s4  }
0xa: {  	s8 =	sadd.s32 $0x1800, s8;
	v39 =	vmul.u32 $0x20, v0;
	s11 =	sshrl.u32 s9, $0x1;
	s12 =	smul.u32 $0x1870, s4  }
0xb: {  	_ =	strace $0x80000047;
	s11 =	ssub.s32 s9, s11;
	s9 =	sadd.s32 $0x61C, s5  }
0xc: {  	v2 =	vimm.f32 $0.0e+00;
	[tilespmem:$0x1FFF0] =	vst v39;
	s10 =	sadd.s32 s10, s12;
	s11 =	smax.u32 s11, $0x1;
	s12 =	simm.s32 $0xA500  }
.LBB2_1:
0xd: {  	[tilespmem:s12], [sflag:$0x1] =	stream.linear.gather [hbm4b:s7+s3], $0x880, $0x38;
	[tilespmem:$0x17400] =	vst v63  }
0xe: {  	_ =	swait.ge [sflag:s13], $0x880  }
0xf: {  	[sflag:s13] =	ssyncset.done $0x0  }
0x10: {  	[sflag:s13] =	ssyncadd.s32 $0xFFFFF780  }
0x11: {  	[tilespmem:s14], [sflag:$0x1] =	stream.linear.gather [hbm4b:s8+s3], $0x80, $0x38;
	[tilespmem:$0x17400] =	vst v63  }
0x12: {  	_ =	swait.ge [sflag:s13], $0x80  }
0x13: {  	[sflag:s13] =	ssyncset.done $0x0  }
0x14: {  	[sflag:s13] =	ssyncadd.s32 $0xFFFFFF80  }
0x15: {  	v0 =	vld [tilespmem:$0xAD80];
	_ =	sdelay $0x4  }
0x16: {  	(v2sf) =	vpush v0, $0x0  }
0x17: {  	(v2sf) =	vpush v0, $0x1  }
0x18: {  	(v2sf) =	vpush v0, $0x2  }
0x19: {  	(v2sf) =	vpush v0, $0x3  }
0x1a: {  	(v2sf) =	vpush v0, $0x4  }
0x1b: {  	(v2sf) =	vpush v0, $0x5  }
0x1c: {  	(v2sf) =	vpush v0, $0x6  }
0x1d: {  	(v2sf) =	vpush v0, $0x7  }
0x1e: {  	(v2sf) =	vpush v0, $0x8  }
0x1f: {  	(v2sf) =	vpush v0, $0x9  }
0x20: {  	(v2sf) =	vpush v0, $0xA  }
0x21: {  	v1 =	vld [tilespmem:$0xAD90];
	(v2sf) =	vpush v0, $0xB  }
0x22: {  	(v2sf) =	vpush v0, $0xC  }
0x23: {  	(v2sf) =	vpush v0, $0xD  }
0x24: {  	(v2sf) =	vpush v0, $0xE  }
0x25: {  	s18 =	spop (v2sf);
	(v2sf) =	vpush v0, $0xF  }
0x26: {  	[smem:$0x0] =	sst s18;
	s20 =	spop (v2sf);
	(v2sf) =	vpush v1, $0x0  }
0x27: {  	[smem:$0x1] =	sst s20;
	s21 =	spop (v2sf);
	(v2sf) =	vpush v1, $0x1  }
0x28: {  	[smem:$0x2] =	sst s21;
	s22 =	spop (v2sf);
	(v2sf) =	vpush v1, $0x2  }
0x29: {  	[smem:$0x3] =	sst s22;
	s23 =	spop (v2sf);
	(v2sf) =	vpush v1, $0x3  }
0x2a: {  	[smem:$0x4] =	sst s23;
	s24 =	spop (v2sf);
	(v2sf) =	vpush v1, $0x4  }
0x2b: {  	[smem:$0x5] =	sst s24;
	s25 =	spop (v2sf);
	(v2sf) =	vpush v1, $0x5  }
0x2c: {  	[smem:$0x6] =	sst s25;
	s26 =	spop (v2sf);
	(v2sf) =	vpush v1, $0x6  }
0x2d: {  	[smem:$0x7] =	sst s26;
	s28 =	spop (v2sf);
	(v2sf) =	vpush v1, $0x7  }
0x2e: {  	[smem:$0x8] =	sst s28;
	s29 =	spop (v2sf);
	(v2sf) =	vpush v1, $0x8  }
0x2f: {  	[smem:$0x9] =	sst s29;
	s30 =	spop (v2sf);
	(v2sf) =	vpush v1, $0x9  }
0x30: {  	[smem:$0xA] =	sst s30;
	s31 =	spop (v2sf);
	(v2sf) =	vpush v1, $0xA  }
0x31: {  	v0 =	vld [tilespmem:$0xADA0];
	[smem:$0xB] =	sst s31;
	s19 =	spop (v2sf);
	(v2sf) =	vpush v1, $0xB  }
0x32: {  	[smem:$0xC] =	sst s19;
	s20 =	spop (v2sf);
	(v2sf) =	vpush v1, $0xC  }
0x33: {  	[smem:$0xD] =	sst s20;
	s21 =	spop (v2sf);
	(v2sf) =	vpush v1, $0xD  }
0x34: {  	[smem:$0xE] =	sst s21;
	s22 =	spop (v2sf);
	(v2sf) =	vpush v1, $0xE  }
0x35: {  	(v2sf) =	vpush v1, $0xF;
	s19 =	spop (v2sf);
	[smem:$0xF] =	sst s22  }
0x36: {  	[smem:$0x10] =	sst s19;
	s23 =	spop (v2sf);
	(v2sf) =	vpush v0, $0x0  }
0x37: {  	[smem:$0x11] =	sst s23;
	s24 =	spop (v2sf);
	(v2sf) =	vpush v0, $0x1  }
0x38: {  	[smem:$0x12] =	sst s24;
	s25 =	spop (v2sf);
	(v2sf) =	vpush v0, $0x2  }
0x39: {  	[smem:$0x13] =	sst s25;
	s26 =	spop (v2sf);
	(v2sf) =	vpush v0, $0x3  }
0x3a: {  	[smem:$0x14] =	sst s26;
	s28 =	spop (v2sf);
	(v2sf) =	vpush v0, $0x4  }
0x3b: {  	[smem:$0x15] =	sst s28;
	s29 =	spop (v2sf);
	(v2sf) =	vpush v0, $0x5  }
0x3c: {  	[smem:$0x16] =	sst s29;
	s30 =	spop (v2sf);
	(v2sf) =	vpush v0, $0x6  }
0x3d: {  	[smem:$0x17] =	sst s30;
	s31 =	spop (v2sf);
	(v2sf) =	vpush v0, $0x7  }
0x3e: {  	[smem:$0x18] =	sst s31;
	s19 =	spop (v2sf);
	(v2sf) =	vpush v0, $0x8  }
0x3f: {  	[smem:$0x19] =	sst s19;
	s20 =	spop (v2sf);
	(v2sf) =	vpush v0, $0x9  }
0x40: {  	[smem:$0x1A] =	sst s20;
	s21 =	spop (v2sf);
	(v2sf) =	vpush v0, $0xA  }
0x41: {  	[smem:$0x1B] =	sst s21;
	s22 =	spop (v2sf);
	(v2sf) =	vpush v0, $0xB  }
0x42: {  	[smem:$0x1C] =	sst s22;
	s23 =	spop (v2sf);
	(v2sf) =	vpush v0, $0xC  }
0x43: {  	[smem:$0x1D] =	sst s23;
	s24 =	spop (v2sf);
	(v2sf) =	vpush v0, $0xD  }
0x44: {  	[smem:$0x1E] =	sst s24;
	s25 =	spop (v2sf);
	(v2sf) =	vpush v0, $0xE  }
0x45: {  	[smem:$0x1F] =	sst s25;
	s26 =	spop (v2sf);
	(v2sf) =	vpush v0, $0xF  }
0x46: {  	s28 =	spop (v2sf);
	[smem:$0x20] =	sst s26  }
0x47: {  	s29 =	spop (v2sf);
	[smem:$0x21] =	sst s28  }
0x48: {  	s30 =	spop (v2sf);
	[smem:$0x22] =	sst s29  }
0x49: {  	s31 =	spop (v2sf);
	[smem:$0x23] =	sst s30  }
0x4a: {  	s20 =	spop (v2sf);
	[smem:$0x24] =	sst s31  }
0x4b: {  	s21 =	spop (v2sf);
	[smem:$0x25] =	sst s20  }
0x4c: {  	s22 =	spop (v2sf);
	[smem:$0x26] =	sst s21  }
0x4d: {  	s23 =	spop (v2sf);
	[smem:$0x27] =	sst s22  }
0x4e: {  	s24 =	spop (v2sf);
	[smem:$0x28] =	sst s23  }
0x4f: {  	s25 =	spop (v2sf);
	[smem:$0x29] =	sst s24  }
0x50: {  	s26 =	spop (v2sf);
	[smem:$0x2A] =	sst s25  }
0x51: {  	s28 =	spop (v2sf);
	[smem:$0x2B] =	sst s26  }
0x52: {  	s29 =	spop (v2sf);
	[smem:$0x2C] =	sst s28  }
0x53: {  	s30 =	spop (v2sf);
	[smem:$0x2D] =	sst s29  }
0x54: {  	[smem:$0x2E] =	sst s30;
	s31 =	spop (v2sf)  }
0x55: {  	s18 =	simm.s32 $0x40;
	s22 =	simm.s32 $0x0;
	[smem:$0x2F] =	sst s31  }
.LBB2_2:
0x56: {  	p0 =	sne.s32 s18, $0x30FC0;
	[tilespmem:s22+$0xB000] =	vst v2;
	s19 =	smov.u32 s18;
	s18 =	sadd.s32 $0x40, s18  }
.Ltmp0:
0x57: {  	(pc) =	sbr.rel @p0 .LBB2_2-.Ltmp0, $2  }
0x58: {  	_ =	sdelay $0x2  }
0x59: {  	s22 =	sshra.s32 s19, $0x2  }
0x5a: {  	s18 =	sld [smem:s4+$0x0]  }
0x5b: {  	s19 =	sld [smem:s4+$0x1];
	_ =	sdelay $0x1  }
0x5c: {  	s20 =	smulhi.u32 $0x66666667, s18;
	s21 =	sshra.s32 s18, $0x1F  }
0x5d: {  	s23 =	sadd.s32 $0x4FF, s19;
	s21 =	smul.u32 $0x66666667, s21  }
0x5e: {  	s24 =	smulhi.u32 $0x66666667, s23;
	s25 =	sshra.s32 s23, $0x1F  }
0x5f: {  	s25 =	smul.u32 $0x66666667, s25  }
0x60: {  	s20 =	sadd.s32 s21, s20  }
0x61: {  	s21 =	sshrl.u32 s20, $0x1F;
	s20 =	sshra.s32 s20, $0x9;
	s24 =	sadd.s32 s25, s24  }
0x62: {  	s20 =	sadd.s32 s21, s20;
	s28 =	sshrl.u32 s24, $0x1F;
	s24 =	sshra.s32 s24, $0x9  }
0x63: {  	s29 =	smul.u32 $0xFFFFFB00, s20;
	s21 =	sadd.s32 s28, s24  }
0x64: {  	s26 =	smul.u32 $0xFFFFFB00, s21  }
0x65: {  	s30 =	ssub.s32 $0x0, s18;
	p1 =	slt.s32 s18, $0x1;
	s31 =	ssub.s32 $0xFFFFFB01, s19  }
0x66: {  	p2 =	slt.s32 s23, $0x1;
	p0 =	sne.s32 s29, s30;
	p6 =	sne.s32 s26, s31  }
0x67: {  	s23 =	simm.s32 $0x1;
	p0 =	por !p1, !p0;
	p1 =	por !p2, !p6  }
0x68: {  	s24 =	simm.s32 $0x1;
	p0 =	por !p0, !p0;
	p1 =	por !p1, !p1  }
0x69: {  	s23 =	simm.s32 @!p0 $0x0;
	s24 =	simm.s32 @!p1 $0x0  }
0x6a: {  	s20 =	ssub.s32 s20, s23;
	s21 =	ssub.s32 s21, s24  }
0x6b: {  	p0 =	sge.s32 s20, s21  }
.Ltmp1:
0x6c: {  	_ = 	snop;
	(pc) =	sbr.rel @p0 .LBB2_13-.Ltmp1, $2  }
0x6d: {  	_ =	sdelay $0x2  }
0x6e: {  	[tilespmem:s22+$0xB000] =	vst v2  }
.Ltmp2:
0x6f: {  	(pc) =	sbr.rel .LBB2_5-.Ltmp2, $2  }
0x70: {  	_ =	sdelay $0x2  }
0x71: {  	s28 =	simm.s32 $0xFFFFFFFF;
	v4 =	vimm.f32 $0.0e+00;
	v5 =	vimm.f32 $0.0e+00  }
.LBB2_6:
0x72: {  	s26 =	smov.u32 s28  }
.LBB2_12:
0x73: {  	s20 =	sadd.s32 $0x1, s20  }
0x74: {  	p0 =	slt.s32 s20, s21  }
.Ltmp3:
0x75: {  	_ = 	snop;
	(pc) =	sbr.rel @!p0 .LBB2_13-.Ltmp3, $2  }
0x76: {  	_ =	sdelay $0x2  }
0x77: {  	s28 =	smov.u32 s26  }
.LBB2_5:
0x78: {  	s22 =	smul.u32 $0xA000, s20;
	_ =	sdelay $0x1  }
0x79: {  	s22 =	sshrl.u32 s22, $0x3  }
0x7a: {  	s23 =	smul.u32 $0x500, s20;
	s22 =	sadd.s32 s6, s22  }
0x7b: {  	[tilespmem:s3], [sflag:$0x1] =	stream.linear.gather [hbm4b:s22+s3], $0xA000, $0x38;
	[tilespmem:$0x17400] =	vst v63  }
0x7c: {  	_ =	swait.ge [sflag:s13], $0xA000  }
0x7d: {  	s25 =	sshrl.u32 s23, $0x3;
	[sflag:s13] =	ssyncset.done $0x0  }
0x7e: {  	s22 =	sadd.s32 s2, s25;
	[sflag:s13] =	ssyncadd.s32 $0xFFFF6000  }
0x7f: {  	[tilespmem:s15], [sflag:$0x1] =	stream.linear.gather [hbm4b:s22+s3], $0x500, $0x38;
	[tilespmem:$0x17400] =	vst v63  }
0x80: {  	p0 =	sgt.s32 s18, s23;
	s24 =	sadd.s32 $0x500, s23;
	s22 =	smov.u32 s23  }
0x81: {  	s22 =	smov.u32 @p0 s18;
	p0 =	slt.s32 s19, s24  }
0x82: {  	s30 =	simm.s32 $0x1;
	s25 =	ssub.s32 s22, s23;
	s24 =	smov.u32 @p0 s19  }
0x83: {  	p0 =	slt.s32 s23, s18;
	s22 =	sand.u32 $0xF, s22;
	s26 =	sshra.s32 s25, $0x1F  }
0x84: {  	s30 =	simm.s32 @!p0 $0x0;
	s23 =	ssub.s32 s24, s23;
	p1 =	sne.s32 s22, $0x0  }
0x85: {  	s29 =	sshrl.u32 s26, $0x1C;
	s26 =	sor.u32 s30, s26;
	s23 =	sadd.s32 $0xF, s23  }
0x86: {  	s25 =	sadd.s32 s29, s25;
	p5 =	sne.s32 s26, $0x1;
	s29 =	sand.u32 $0xF, s23  }
0x87: {  	p6 =	slt.s32 s23, $0x1;
	s31 =	sshra.s32 s23, $0x1F;
	p0 =	por !p1, !p5  }
0x88: {  	p2 =	sne.s32 s29, $0x0;
	s30 =	sshra.s32 s25, $0x4;
	s25 =	simm.s32 $0x1  }
0x89: {  	s24 =	sshrl.u32 s31, $0x1C;
	p1 =	por !p6, !p2;
	p0 =	por !p0, !p0  }
0x8a: {  	s23 =	sadd.s32 s24, s23;
	s24 =	simm.s32 $0x1;
	p1 =	por !p1, !p1  }
0x8b: {  	s25 =	simm.s32 @!p0 $0x0;
	s23 =	sshra.s32 s23, $0x4;
	s24 =	simm.s32 @!p1 $0x0  }
0x8c: {  	s22 =	ssub.s32 s30, s25;
	s23 =	ssub.s32 s23, s24  }
0x8d: {  	p0 =	sge.s32 s22, s23  }
.Ltmp4:
0x8e: {  	_ = 	snop;
	(pc) =	sbr.rel @p0 .LBB2_6-.Ltmp4, $4  }
0x8f: {  	_ = 	snop  }
0x90: {  	_ =	swait.ge [sflag:s13], $0x500  }
0x91: {  	[sflag:s13] =	ssyncset.done $0x0  }
0x92: {  	[sflag:s13] =	ssyncadd.s32 $0xFFFFFB00  }
.Ltmp5:
0x93: {  	(pc) =	sbr.rel .LBB2_8-.Ltmp5, $4  }
0x94: {  	_ = 	snop  }
0x95: {  	s24 =	sshll.u32 s22, $0x6;
	s25 =	sshll.u32 s22, $0xB  }
0x96: {  	s24 =	sshra.s32 s24, $0x2;
	s25 =	sshra.s32 s25, $0x2  }
0x97: {  	s24 =	sadd.s32 $0xA000, s24;
	s25 =	sor.u32 $0x100, s25  }
.LBB2_10:
0x98: {  	(v2sf) =	vpush v3, $0x1;
	_ =	sdelay $0x6  }
0x99: {  	v1 =	vld [tilespmem:s25+$0xFFFFFF10]  }
0x9a: {  	s30 =	ssub.s32 s29, s5;
	(v2sf) =	vpush v3, $0x2  }
0x9b: {  	p0 =	seq.s32 s29, s28;
	p1 =	slt.s32 s29, s9;
	s28 =	sshll.u32 s30, $0x5  }
0x9c: {  	v5 =	vpsel !p0, $0x0, v5;
	s28 =	simm.s32 @!p1 $0xC3E0;
	p1 =	sge.s32 s29, s5  }
0x9d: {  	v4 =	vpsel !p0, $0x0, v4;
	v0 =	vmax.f32 v0, v5;
	s28 =	simm.s32 @!p1 $0xC3E0  }
0x9e: {  	[tilespmem:s28+$0xB000] =	vst v0;
	v1 =	vmax.f32 v1, v4  }
0x9f: {  	[tilespmem:s28+$0xB010] =	vst v1  }
0xa0: {  	v4 =	vld [tilespmem:s25+$0xFFFFFF20]  }
0xa1: {  	v5 =	vld [tilespmem:s25+$0xFFFFFF30];
	s28 =	spop (v2sf)  }
0xa2: {  	(v2sf) =	vpush v3, $0x3;
	s31 =	ssub.s32 s28, s5  }
0xa3: {  	p2 =	seq.s32 s28, s29;
	p1 =	slt.s32 s28, s9;
	s29 =	sshll.u32 s31, $0x5  }
0xa4: {  	v0 =	vpsel !p2, $0x0, v0;
	s29 =	simm.s32 @!p1 $0xC3E0;
	p1 =	sge.s32 s28, s5  }
0xa5: {  	v1 =	vpsel !p2, $0x0, v1;
	v0 =	vmax.f32 v4, v0;
	s29 =	simm.s32 @!p1 $0xC3E0  }
0xa6: {  	v1 =	vmax.f32 v5, v1;
	[tilespmem:s29+$0xB000] =	vst v0  }
0xa7: {  	[tilespmem:s29+$0xB010] =	vst v1  }
0xa8: {  	v4 =	vld [tilespmem:s25+$0xFFFFFF40]  }
0xa9: {  	s29 =	spop (v2sf);
	v5 =	vld [tilespmem:s25+$0xFFFFFF50]  }
0xaa: {  	(v2sf) =	vpush v3, $0x4;
	s31 =	ssub.s32 s29, s5  }
0xab: {  	p3 =	seq.s32 s29, s28;
	p1 =	slt.s32 s29, s9;
	s28 =	sshll.u32 s31, $0x5  }
0xac: {  	v0 =	vpsel !p3, $0x0, v0;
	s28 =	simm.s32 @!p1 $0xC3E0;
	p1 =	sge.s32 s29, s5  }
0xad: {  	v1 =	vpsel !p3, $0x0, v1;
	s28 =	simm.s32 @!p1 $0xC3E0;
	v0 =	vmax.f32 v4, v0  }
0xae: {  	v1 =	vmax.f32 v5, v1;
	[tilespmem:s28+$0xB000] =	vst v0  }
0xaf: {  	[tilespmem:s28+$0xB010] =	vst v1  }
0xb0: {  	v4 =	vld [tilespmem:s25+$0xFFFFFF60]  }
0xb1: {  	v5 =	vld [tilespmem:s25+$0xFFFFFF70];
	s28 =	spop (v2sf)  }
0xb2: {  	(v2sf) =	vpush v3, $0x5;
	s31 =	ssub.s32 s28, s5  }
0xb3: {  	p4 =	seq.s32 s28, s29;
	p1 =	slt.s32 s28, s9;
	s29 =	sshll.u32 s31, $0x5  }
0xb4: {  	v0 =	vpsel !p4, $0x0, v0;
	s29 =	simm.s32 @!p1 $0xC3E0;
	p1 =	sge.s32 s28, s5  }
0xb5: {  	v1 =	vpsel !p4, $0x0, v1;
	v0 =	vmax.f32 v4, v0;
	s29 =	simm.s32 @!p1 $0xC3E0  }
0xb6: {  	v1 =	vmax.f32 v5, v1;
	[tilespmem:s29+$0xB000] =	vst v0  }
0xb7: {  	[tilespmem:s29+$0xB010] =	vst v1  }
0xb8: {  	v4 =	vld [tilespmem:s25+$0xFFFFFF80]  }
0xb9: {  	s29 =	spop (v2sf);
	v5 =	vld [tilespmem:s25+$0xFFFFFF90]  }
0xba: {  	(v2sf) =	vpush v3, $0x6;
	s31 =	ssub.s32 s29, s5  }
0xbb: {  	p5 =	seq.s32 s29, s28;
	p1 =	slt.s32 s29, s9;
	s28 =	sshll.u32 s31, $0x5  }
0xbc: {  	v0 =	vpsel !p5, $0x0, v0;
	s28 =	simm.s32 @!p1 $0xC3E0;
	p1 =	sge.s32 s29, s5  }
0xbd: {  	v1 =	vpsel !p5, $0x0, v1;
	s28 =	simm.s32 @!p1 $0xC3E0;
	v0 =	vmax.f32 v4, v0  }
0xbe: {  	v1 =	vmax.f32 v5, v1;
	[tilespmem:s28+$0xB000] =	vst v0  }
0xbf: {  	[tilespmem:s28+$0xB010] =	vst v1  }
0xc0: {  	v4 =	vld [tilespmem:s25+$0xFFFFFFA0]  }
0xc1: {  	v5 =	vld [tilespmem:s25+$0xFFFFFFB0];
	s28 =	spop (v2sf)  }
0xc2: {  	(v2sf) =	vpush v3, $0x7;
	s31 =	ssub.s32 s28, s5  }
0xc3: {  	p6 =	seq.s32 s28, s29;
	p1 =	slt.s32 s28, s9;
	s29 =	sshll.u32 s31, $0x5  }
0xc4: {  	v0 =	vpsel !p6, $0x0, v0;
	s29 =	simm.s32 @!p1 $0xC3E0;
	p1 =	sge.s32 s28, s5  }
0xc5: {  	v1 =	vpsel !p6, $0x0, v1;
	v0 =	vmax.f32 v4, v0;
	s29 =	simm.s32 @!p1 $0xC3E0  }
0xc6: {  	v1 =	vmax.f32 v5, v1;
	[tilespmem:s29+$0xB000] =	vst v0  }
0xc7: {  	[tilespmem:s29+$0xB010] =	vst v1  }
0xc8: {  	v4 =	vld [tilespmem:s25+$0xFFFFFFC0]  }
0xc9: {  	s29 =	spop (v2sf);
	v5 =	vld [tilespmem:s25+$0xFFFFFFD0]  }
0xca: {  	(v2sf) =	vpush v3, $0x8;
	s31 =	ssub.s32 s29, s5  }
0xcb: {  	p2 =	seq.s32 s29, s28;
	p1 =	slt.s32 s29, s9;
	s28 =	sshll.u32 s31, $0x5  }
0xcc: {  	v0 =	vpsel !p2, $0x0, v0;
	s28 =	simm.s32 @!p1 $0xC3E0;
	p1 =	sge.s32 s29, s5  }
0xcd: {  	v1 =	vpsel !p2, $0x0, v1;
	s28 =	simm.s32 @!p1 $0xC3E0;
	v0 =	vmax.f32 v4, v0  }
0xce: {  	v1 =	vmax.f32 v5, v1;
	[tilespmem:s28+$0xB000] =	vst v0  }
0xcf: {  	[tilespmem:s28+$0xB010] =	vst v1  }
0xd0: {  	v4 =	vld [tilespmem:s25+$0xFFFFFFE0]  }
0xd1: {  	v5 =	vld [tilespmem:s25+$0xFFFFFFF0];
	s28 =	spop (v2sf)  }
0xd2: {  	(v2sf) =	vpush v3, $0x9;
	s31 =	ssub.s32 s28, s5  }
0xd3: {  	p3 =	seq.s32 s28, s29;
	p1 =	slt.s32 s28, s9;
	s29 =	sshll.u32 s31, $0x5  }
0xd4: {  	v0 =	vpsel !p3, $0x0, v0;
	s29 =	simm.s32 @!p1 $0xC3E0;
	p1 =	sge.s32 s28, s5  }
0xd5: {  	v1 =	vpsel !p3, $0x0, v1;
	v0 =	vmax.f32 v4, v0;
	s29 =	simm.s32 @!p1 $0xC3E0  }
0xd6: {  	v1 =	vmax.f32 v5, v1;
	[tilespmem:s29+$0xB000] =	vst v0  }
0xd7: {  	[tilespmem:s29+$0xB010] =	vst v1  }
0xd8: {  	v4 =	vld [tilespmem:s25+$0x0]  }
0xd9: {  	s29 =	spop (v2sf);
	v5 =	vld [tilespmem:s25+$0x10]  }
0xda: {  	(v2sf) =	vpush v3, $0xA;
	s31 =	ssub.s32 s29, s5  }
0xdb: {  	p4 =	seq.s32 s29, s28;
	p1 =	slt.s32 s29, s9;
	s28 =	sshll.u32 s31, $0x5  }
0xdc: {  	v0 =	vpsel !p4, $0x0, v0;
	s28 =	simm.s32 @!p1 $0xC3E0;
	p1 =	sge.s32 s29, s5  }
0xdd: {  	v1 =	vpsel !p4, $0x0, v1;
	s28 =	simm.s32 @!p1 $0xC3E0;
	v0 =	vmax.f32 v4, v0  }
0xde: {  	v1 =	vmax.f32 v5, v1;
	[tilespmem:s28+$0xB000] =	vst v0  }
0xdf: {  	[tilespmem:s28+$0xB010] =	vst v1  }
0xe0: {  	v4 =	vld [tilespmem:s25+$0x20]  }
0xe1: {  	v5 =	vld [tilespmem:s25+$0x30];
	s28 =	spop (v2sf)  }
0xe2: {  	(v2sf) =	vpush v3, $0xB;
	s31 =	ssub.s32 s28, s5  }
0xe3: {  	p5 =	seq.s32 s28, s29;
	p1 =	slt.s32 s28, s9;
	s29 =	sshll.u32 s31, $0x5  }
0xe4: {  	v0 =	vpsel !p5, $0x0, v0;
	s29 =	simm.s32 @!p1 $0xC3E0;
	p1 =	sge.s32 s28, s5  }
0xe5: {  	v1 =	vpsel !p5, $0x0, v1;
	v0 =	vmax.f32 v4, v0;
	s29 =	simm.s32 @!p1 $0xC3E0  }
0xe6: {  	v1 =	vmax.f32 v5, v1;
	[tilespmem:s29+$0xB000] =	vst v0  }
0xe7: {  	[tilespmem:s29+$0xB010] =	vst v1  }
0xe8: {  	v4 =	vld [tilespmem:s25+$0x40]  }
0xe9: {  	s29 =	spop (v2sf);
	v5 =	vld [tilespmem:s25+$0x50]  }
0xea: {  	(v2sf) =	vpush v3, $0xC;
	s31 =	ssub.s32 s29, s5  }
0xeb: {  	p6 =	seq.s32 s29, s28;
	p1 =	slt.s32 s29, s9;
	s28 =	sshll.u32 s31, $0x5  }
0xec: {  	v0 =	vpsel !p6, $0x0, v0;
	s28 =	simm.s32 @!p1 $0xC3E0;
	p1 =	sge.s32 s29, s5  }
0xed: {  	v1 =	vpsel !p6, $0x0, v1;
	s28 =	simm.s32 @!p1 $0xC3E0;
	v0 =	vmax.f32 v4, v0  }
0xee: {  	v1 =	vmax.f32 v5, v1;
	[tilespmem:s28+$0xB000] =	vst v0  }
0xef: {  	[tilespmem:s28+$0xB010] =	vst v1  }
0xf0: {  	v4 =	vld [tilespmem:s25+$0x60]  }
0xf1: {  	v5 =	vld [tilespmem:s25+$0x70];
	s28 =	spop (v2sf)  }
0xf2: {  	(v2sf) =	vpush v3, $0xD;
	s31 =	ssub.s32 s28, s5  }
0xf3: {  	p2 =	seq.s32 s28, s29;
	p1 =	slt.s32 s28, s9;
	s29 =	sshll.u32 s31, $0x5  }
0xf4: {  	v0 =	vpsel !p2, $0x0, v0;
	s29 =	simm.s32 @!p1 $0xC3E0;
	p1 =	sge.s32 s28, s5  }
0xf5: {  	v1 =	vpsel !p2, $0x0, v1;
	v0 =	vmax.f32 v4, v0;
	s29 =	simm.s32 @!p1 $0xC3E0  }
0xf6: {  	v1 =	vmax.f32 v5, v1;
	[tilespmem:s29+$0xB000] =	vst v0  }
0xf7: {  	[tilespmem:s29+$0xB010] =	vst v1  }
0xf8: {  	v4 =	vld [tilespmem:s25+$0x80]  }
0xf9: {  	s29 =	spop (v2sf);
	v5 =	vld [tilespmem:s25+$0x90]  }
0xfa: {  	(v2sf) =	vpush v3, $0xE;
	s31 =	ssub.s32 s29, s5  }
0xfb: {  	p3 =	seq.s32 s29, s28;
	p1 =	slt.s32 s29, s9;
	s28 =	sshll.u32 s31, $0x5  }
0xfc: {  	v0 =	vpsel !p3, $0x0, v0;
	s28 =	simm.s32 @!p1 $0xC3E0;
	p1 =	sge.s32 s29, s5  }
0xfd: {  	v1 =	vpsel !p3, $0x0, v1;
	s28 =	simm.s32 @!p1 $0xC3E0;
	v0 =	vmax.f32 v4, v0  }
0xfe: {  	v1 =	vmax.f32 v5, v1;
	[tilespmem:s28+$0xB000] =	vst v0  }
0xff: {  	[tilespmem:s28+$0xB010] =	vst v1  }
0x100: {  	v3 =	vld [tilespmem:s25+$0xA0]  }
0x101: {  	v4 =	vld [tilespmem:s25+$0xB0];
	s28 =	spop (v2sf)  }
0x102: {  	s31 =	ssub.s32 s28, s5  }
0x103: {  	p4 =	seq.s32 s28, s29;
	p1 =	slt.s32 s28, s9;
	s29 =	sshll.u32 s31, $0x5  }
0x104: {  	v0 =	vpsel !p4, $0x0, v0;
	s29 =	simm.s32 @!p1 $0xC3E0;
	p1 =	sge.s32 s28, s5  }
0x105: {  	v1 =	vpsel !p4, $0x0, v1;
	v0 =	vmax.f32 v3, v0;
	s29 =	simm.s32 @!p1 $0xC3E0  }
0x106: {  	v1 =	vmax.f32 v4, v1;
	[tilespmem:s29+$0xB000] =	vst v0  }
0x107: {  	[tilespmem:s29+$0xB010] =	vst v1  }
0x108: {  	v3 =	vld [tilespmem:s25+$0xC0]  }
0x109: {  	s29 =	spop (v2sf);
	v4 =	vld [tilespmem:s25+$0xD0]  }
0x10a: {  	s31 =	ssub.s32 s29, s5  }
0x10b: {  	p5 =	seq.s32 s29, s28;
	p1 =	slt.s32 s29, s9;
	s28 =	sshll.u32 s31, $0x5  }
0x10c: {  	v0 =	vpsel !p5, $0x0, v0;
	s28 =	simm.s32 @!p1 $0xC3E0;
	p1 =	sge.s32 s29, s5  }
0x10d: {  	v1 =	vpsel !p5, $0x0, v1;
	s28 =	simm.s32 @!p1 $0xC3E0;
	v0 =	vmax.f32 v3, v0  }
0x10e: {  	v1 =	vmax.f32 v4, v1;
	[tilespmem:s28+$0xB000] =	vst v0  }
0x10f: {  	[tilespmem:s28+$0xB010] =	vst v1  }
0x110: {  	v3 =	vld [tilespmem:s25+$0xE0]  }
0x111: {  	v4 =	vld [tilespmem:s25+$0xF0];
	_ =	sdelay $0x2  }
0x112: {  	p6 =	seq.s32 s26, s29  }
0x113: {  	v0 =	vpsel !p6, $0x0, v0;
	v1 =	vpsel !p6, $0x0, v1  }
0x114: {  	s29 =	smov.u32 s26;
	v5 =	vmax.f32 v3, v0;
	v4 =	vmax.f32 v4, v1  }
.LBB2_11:
0x115: {  	s28 =	ssub.s32 s29, s5  }
0x116: {  	p0 =	slt.s32 s29, s9;
	s22 =	sadd.s32 $0x1, s22;
	s28 =	sshll.u32 s28, $0x5  }
0x117: {  	s28 =	simm.s32 @!p0 $0xC3E0;
	p0 =	slt.s32 s22, s23  }
.Ltmp6:
0x118: {  	_ = 	snop;
	(pc) =	sbr.rel @!p0 .LBB2_12-.Ltmp6, $4  }
0x119: {  	p1 =	sge.s32 s29, s5  }
0x11a: {  	s28 =	simm.s32 @!p1 $0xC3E0  }
0x11b: {  	[tilespmem:s28+$0xB000] =	vst v5  }
0x11c: {  	s24 =	sadd.s32 $0x10, s24;
	s25 =	sadd.s32 $0x200, s25;
	[tilespmem:s28+$0xB010] =	vst v4;
	s28 =	smov.u32 s26  }
.LBB2_8:
0x11d: {  	v3 =	vld [tilespmem:s24+$0x0];
	_ =	sdelay $0x4  }
0x11e: {  	(v2sf) =	vpush v3, $0x0  }
0x11f: {  	(v2sf) =	vpush v3, $0xF;
	_ =	sdelay $0xd  }
0x120: {  	s29 =	spop (v2sf)  }
0x121: {  	s26 =	spop (v2sf)  }
0x122: {  	p0 =	sne.s32 s29, s26  }
.Ltmp7:
0x123: {  	_ = 	snop;
	(pc) =	sbr.rel @p0 .LBB2_10-.Ltmp7, $2  }
0x124: {  	_ =	sdelay $0x2  }
0x125: {  	v0 =	vld [tilespmem:s25+$0xFFFFFF00]  }
0x126: {  	v1 =	vld [tilespmem:s25+$0x0]  }
0x127: {  	v3 =	vld [tilespmem:s25+$0xFFFFFF20]  }
0x128: {  	v6 =	vld [tilespmem:s25+$0x20]  }
0x129: {  	v7 =	vld [tilespmem:s25+$0xFFFFFF40]  }
0x12a: {  	v8 =	vld [tilespmem:s25+$0x40]  }
0x12b: {  	v9 =	vld [tilespmem:s25+$0xFFFFFF60]  }
0x12c: {  	v10 =	vld [tilespmem:s25+$0x60]  }
0x12d: {  	v11 =	vld [tilespmem:s25+$0xFFFFFF80]  }
0x12e: {  	v12 =	vld [tilespmem:s25+$0x80]  }
0x12f: {  	v13 =	vld [tilespmem:s25+$0xFFFFFFA0]  }
0x130: {  	v14 =	vld [tilespmem:s25+$0xA0]  }
0x131: {  	v15 =	vld [tilespmem:s25+$0xFFFFFFC0]  }
0x132: {  	v16 =	vld [tilespmem:s25+$0xC0]  }
0x133: {  	v17 =	vld [tilespmem:s25+$0xFFFFFFE0]  }
0x134: {  	v18 =	vld [tilespmem:s25+$0xE0]  }
0x135: {  	v19 =	vld [tilespmem:s25+$0xFFFFFF10]  }
0x136: {  	v20 =	vld [tilespmem:s25+$0x10]  }
0x137: {  	v21 =	vld [tilespmem:s25+$0xFFFFFF30]  }
0x138: {  	v22 =	vld [tilespmem:s25+$0x30]  }
0x139: {  	v23 =	vld [tilespmem:s25+$0xFFFFFF50]  }
0x13a: {  	v24 =	vld [tilespmem:s25+$0x50]  }
0x13b: {  	v25 =	vld [tilespmem:s25+$0xFFFFFF70]  }
0x13c: {  	v26 =	vld [tilespmem:s25+$0x70]  }
0x13d: {  	v27 =	vld [tilespmem:s25+$0xFFFFFF90]  }
0x13e: {  	v28 =	vld [tilespmem:s25+$0x90]  }
0x13f: {  	v29 =	vld [tilespmem:s25+$0xFFFFFFB0]  }
0x140: {  	v30 =	vld [tilespmem:s25+$0xB0]  }
0x141: {  	v31 =	vld [tilespmem:s25+$0xFFFFFFD0];
	p0 =	seq.s32 s29, s28  }
0x142: {  	v32 =	vld [tilespmem:s25+$0xD0];
	v4 =	vpsel !p0, $0x0, v4;
	v0 =	vmax.f32 v0, v1  }
0x143: {  	v33 =	vld [tilespmem:s25+$0xFFFFFFF0];
	v48 =	vmax.f32 v3, v6;
	v6 =	vmax.f32 v7, v8;
	v7 =	vmax.f32 v9, v10  }
0x144: {  	v3 =	vld [tilespmem:s25+$0xF0];
	v49 =	vmax.f32 v11, v12;
	v50 =	vmax.f32 v13, v14;
	v51 =	vmax.f32 v15, v16  }
0x145: {  	v52 =	vmax.f32 v17, v18;
	v53 =	vmax.f32 v19, v20;
	v54 =	vmax.f32 v21, v22  }
0x146: {  	v55 =	vmax.f32 v23, v24;
	v56 =	vmax.f32 v25, v26;
	v57 =	vmax.f32 v27, v28  }
0x147: {  	v58 =	vmax.f32 v29, v30;
	v59 =	vmax.f32 v31, v32;
	v0 =	vmax.f32 v0, v49  }
0x148: {  	v1 =	vmax.f32 v48, v50;
	v6 =	vmax.f32 v6, v51;
	v7 =	vmax.f32 v7, v52  }
.Ltmp8:
0x149: {  	v60 =	vmax.f32 v53, v57;
	v61 =	vmax.f32 v54, v58;
	v3 =	vmax.f32 v33, v3;
	(pc) =	sbr.rel .LBB2_11-.Ltmp8, $4  }
0x14a: {  	v62 =	vmax.f32 v55, v59;
	v0 =	vmax.f32 v0, v6;
	v3 =	vmax.f32 v56, v3  }
0x14b: {  	v1 =	vmax.f32 v1, v7;
	v6 =	vmax.f32 v60, v62;
	v3 =	vmax.f32 v61, v3  }
0x14c: {  	v0 =	vmax.f32 v0, v1;
	v63 =	vmax.f32 v6, v3;
	v3 =	vpsel !p0, $0x0, v5  }
0x14d: {  	v5 =	vmax.f32 v0, v3;
	v4 =	vmax.f32 v63, v4  }
.LBB2_13:
0x14e: {  	s18 =	simm.s32 $0x0;
	s19 =	simm.s32 $0x0  }
.LBB2_14:
0x14f: {  	v0 =	vld [tilespmem:$0xA900];
	_ =	sdelay $0x4  }
0x150: {  	v48 =	vbroadcast v0, $0x0;
	v3 =	vbroadcast v0, $0x1  }
0x151: {  	v62 =	vbroadcast v0, $0x2;
	v32 =	vbroadcast v0, $0x3  }
0x152: {  	v34 =	vbroadcast v0, $0x4;
	v7 =	vbroadcast v0, $0x5  }
0x153: {  	v27 =	vld [tilespmem:$0xA910];
	v37 =	vbroadcast v0, $0x6;
	v36 =	vbroadcast v0, $0x7  }
0x154: {  	v35 =	vbroadcast v0, $0x8;
	v33 =	vbroadcast v0, $0x9  }
0x155: {  	s21 =	sshll.u32 s19, $0x9;
	v29 =	vbroadcast v0, $0xA;
	v26 =	vbroadcast v0, $0xB  }
0x156: {  	v4 =	vor.u32 s21, v39;
	v25 =	vbroadcast v0, $0xC;
	v23 =	vbroadcast v0, $0xD  }
0x157: {  	v24 =	vbroadcast v0, $0xE;
	v22 =	vbroadcast v0, $0xF;
	v0 =	vor.u32 s18, v4  }
0x158: {  	v21 =	vbroadcast v27, $0x0  }
0x159: {  	s20 =	simm.s32 $0xA510;
	v20 =	vbroadcast v27, $0x1;
	v19 =	vbroadcast v27, $0x2  }
0x15a: {  	v28 =	vld [tilespmem:s20+$0x0];
	v18 =	vbroadcast v27, $0x3;
	v17 =	vbroadcast v27, $0x4  }
0x15b: {  	v16 =	vbroadcast v27, $0x5;
	v15 =	vbroadcast v27, $0x6  }
0x15c: {  	v14 =	vbroadcast v27, $0x7;
	v13 =	vbroadcast v27, $0x8;
	v38 =	vld.idx.msk [tilespmem:v0+s16+$0x0], $0xffff  }
0x15d: {  	v12 =	vbroadcast v27, $0x9;
	v1 =	vbroadcast v27, $0xC;
	v0 =	vld [tilespmem:s20+$0xFFFFFFF0]  }
0x15e: {  	v11 =	vbroadcast v27, $0xA;
	v10 =	vbroadcast v27, $0xB  }
0x15f: {  	v8 =	vbroadcast v28, $0x0;
	[tilespmem:$0x1FF70] =	vst v1;
	v1 =	vbroadcast v27, $0xD  }
0x160: {  	v30 =	vbroadcast v28, $0xF;
	v40 =	vbroadcast v28, $0x1  }
0x161: {  	[tilespmem:$0x1FF80] =	vst v1;
	v1 =	vbroadcast v27, $0xE;
	v27 =	vbroadcast v27, $0xF  }
0x162: {  	v31 =	vbroadcast v0, $0x0;
	v30 =	vmul.f32 v30, v38  }
0x163: {  	v43 =	vbroadcast v0, $0x1;
	v55 =	vbroadcast v0, $0x2  }
0x164: {  	v56 =	vbroadcast v0, $0x3;
	v57 =	vbroadcast v0, $0x4  }
0x165: {  	v58 =	vbroadcast v0, $0x5;
	v59 =	vbroadcast v0, $0x6  }
0x166: {  	v60 =	vbroadcast v0, $0x7;
	v61 =	vbroadcast v0, $0x8  }
0x167: {  	v5 =	vbroadcast v0, $0x9;
	v2 =	vbroadcast v0, $0xA  }
0x168: {  	[tilespmem:$0x1FF90] =	vst v1;
	v1 =	vbroadcast v0, $0xB;
	v9 =	vbroadcast v0, $0xE  }
0x169: {  	v6 =	vbroadcast v0, $0xC;
	v54 =	vbroadcast v0, $0xD  }
0x16a: {  	[tilespmem:$0x1FFC0] =	vst v9;
	v9 =	vbroadcast v0, $0xF;
	v0 =	vmul.f32 v31, v38  }
0x16b: {  	v41 =	vbroadcast v28, $0x2;
	v51 =	vbroadcast v28, $0x3;
	v39 =	vadd.f32 v30, v27  }
0x16c: {  	v27 =	vadd.f32 v0, v48;
	v0 =	vmul.f32 v59, v38;
	v59 =	vmul.f32 v1, v38;
	v1 =	vld [tilespmem:$0xAD20]  }
0x16d: {  	v53 =	vbroadcast v28, $0x4;
	v50 =	vbroadcast v28, $0x5  }
0x16e: {  	v52 =	vbroadcast v28, $0x6;
	v47 =	vbroadcast v28, $0x7  }
0x16f: {  	v49 =	vbroadcast v28, $0x8;
	v44 =	vbroadcast v28, $0x9  }
0x170: {  	v46 =	vbroadcast v28, $0xA;
	v42 =	vbroadcast v28, $0xB  }
0x171: {  	v45 =	vbroadcast v28, $0xC;
	v30 =	vmul.f32 v43, v38;
	[tilespmem:$0x1FFB0] =	vst v1;
	v1 =	vld [tilespmem:$0x1FFC0]  }
0x172: {  	v43 =	vbroadcast v28, $0xD;
	v31 =	vmul.f32 v55, v38  }
0x173: {  	v55 =	vmul.f32 v56, v38;
	v56 =	vmul.f32 v57, v38  }
0x174: {  	v57 =	vmul.f32 v58, v38;
	v48 =	vbroadcast v28, $0xE;
	v28 =	vadd.f32 v30, v3  }
0x175: {  	v30 =	vadd.f32 v31, v62;
	v31 =	vadd.f32 v55, v32  }
0x176: {  	v32 =	vadd.f32 v56, v34;
	v34 =	vadd.f32 v57, v7;
	v57 =	vmul.f32 v1, v38;
	v1 =	vld [tilespmem:$0xAD30];
	_ =	sdelay $0x1  }
0x177: {  	v63 =	vmul.f32 v60, v38;
	v60 =	vmul.f32 v2, v38  }
0x178: {  	[tilespmem:$0x1FFE0] =	vst v4;
	v3 =	vmov s21;
	v62 =	vmul.f32 v61, v38;
	v61 =	vmul.f32 v5, v38  }
0x179: {  	s31 =	simm.s32 $0x1;
	v55 =	vmul.f32 v6, v38;
	v56 =	vmul.f32 v54, v38;
	[tilespmem:$0x1FFA0] =	vst v3  }
0x17a: {  	s21 =	simm.s32 $0x2;
	v58 =	vmul.f32 v9, v38;
	v54 =	vmul.f32 v8, v38;
	[tilespmem:$0x1FFD0] =	vst v1;
	v1 =	vor.u32 s31, v4  }
.LBB2_15:
0x17b: {  	v37 =	vadd.f32 v0, v37;
	v0 =	vmul.f32 v40, v38;
	v2 =	vmul.f32 v41, v38  }
0x17c: {  	s20 =	sadd.s32 $0x20, s20;
	v36 =	vadd.f32 v63, v36;
	v51 =	vmul.f32 v51, v38;
	v53 =	vmul.f32 v53, v38  }
0x17d: {  	v35 =	vadd.f32 v62, v35;
	v50 =	vmul.f32 v50, v38;
	v52 =	vmul.f32 v52, v38;
	v62 =	vld [tilespmem:s20+$0x0]  }
0x17e: {  	v33 =	vadd.f32 v61, v33;
	v47 =	vmul.f32 v47, v38;
	v49 =	vmul.f32 v49, v38  }
0x17f: {  	v29 =	vadd.f32 v60, v29;
	v44 =	vmul.f32 v44, v38;
	v46 =	vmul.f32 v46, v38;
	v60 =	vld [tilespmem:s20+$0xFFFFFFF0]  }
0x180: {  	v26 =	vadd.f32 v59, v26;
	v42 =	vmul.f32 v42, v38;
	v45 =	vmul.f32 v45, v38  }
0x181: {  	v25 =	vadd.f32 v55, v25;
	v55 =	vmul.f32 v43, v38;
	v59 =	vmul.f32 v48, v38  }
0x182: {  	v23 =	vadd.f32 v56, v23;
	v24 =	vadd.f32 v57, v24;
	v3 =	vbroadcast v62, $0x0  }
0x183: {  	v21 =	vadd.f32 v54, v21;
	v40 =	vbroadcast v62, $0x1;
	v41 =	vbroadcast v62, $0x2  }
0x184: {  	v20 =	vadd.f32 v0, v20;
	v48 =	vbroadcast v60, $0x0;
	v0 =	vbroadcast v60, $0x1  }
0x185: {  	v19 =	vadd.f32 v2, v19;
	v2 =	vbroadcast v60, $0x3;
	v54 =	vbroadcast v60, $0x4  }
0x186: {  	v1 =	vld.idx.msk [tilespmem:v1+s16+$0x0], $0xffff;
	v22 =	vadd.f32 v58, v22;
	v56 =	vbroadcast v60, $0x5;
	v57 =	vbroadcast v60, $0x6  }
0x187: {  	v18 =	vadd.f32 v51, v18;
	v58 =	vbroadcast v60, $0x7;
	v5 =	vbroadcast v60, $0x9  }
0x188: {  	v17 =	vadd.f32 v53, v17;
	v6 =	vbroadcast v60, $0xA;
	v4 =	vbroadcast v60, $0xB  }
0x189: {  	v16 =	vadd.f32 v50, v16;
	v7 =	vbroadcast v60, $0xD;
	[tilespmem:$0x1FF60] =	vst v3;
	v3 =	vbroadcast v62, $0xF  }
0x18a: {  	v15 =	vadd.f32 v52, v15;
	v8 =	vbroadcast v60, $0xE;
	v9 =	vbroadcast v60, $0xF  }
0x18b: {  	v63 =	vld [tilespmem:$0x1FF70];
	v14 =	vadd.f32 v47, v14;
	v51 =	vbroadcast v62, $0x3;
	v61 =	vmul.f32 v3, v1  }
0x18c: {  	v13 =	vadd.f32 v49, v13;
	v38 =	vmovc v1;
	v53 =	vbroadcast v62, $0x4;
	v1 =	vbroadcast v60, $0x2  }
0x18d: {  	v3 =	vbroadcast v60, $0xC;
	v39 =	vadd.f32 v61, v39;
	v61 =	vbroadcast v60, $0x8;
	v60 =	vld [tilespmem:$0x1FF80]  }
0x18e: {  	v12 =	vadd.f32 v44, v12;
	v50 =	vbroadcast v62, $0x5;
	v52 =	vbroadcast v62, $0x6  }
0x18f: {  	v11 =	vadd.f32 v46, v11;
	v47 =	vbroadcast v62, $0x7;
	v49 =	vbroadcast v62, $0x8  }
0x190: {  	v44 =	vbroadcast v62, $0x9;
	v46 =	vbroadcast v62, $0xA;
	v43 =	vadd.f32 v45, v63  }
0x191: {  	v10 =	vadd.f32 v42, v10;
	v42 =	vbroadcast v62, $0xB;
	v2 =	vmul.f32 v2, v38  }
0x192: {  	v45 =	vbroadcast v62, $0xC;
	[tilespmem:$0x1FF70] =	vst v43;
	v43 =	vbroadcast v62, $0xD;
	v60 =	vadd.f32 v55, v60  }
0x193: {  	v0 =	vmul.f32 v0, v38;
	v54 =	vmul.f32 v54, v38;
	v31 =	vadd.f32 v2, v31;
	v2 =	vld [tilespmem:$0x1FF60]  }
0x194: {  	v56 =	vmul.f32 v56, v38;
	v1 =	vmul.f32 v1, v38;
	[tilespmem:$0x1FF80] =	vst v60;
	v60 =	vld [tilespmem:$0x1FF90]  }
0x195: {  	v63 =	vmul.f32 v58, v38;
	v58 =	vmul.f32 v9, v38  }
0x196: {  	p0 =	sne.s32 s21, $0x1F;
	v28 =	vadd.f32 v0, v28;
	v0 =	vmul.f32 v57, v38;
	v30 =	vadd.f32 v1, v30;
	v1 =	vld [tilespmem:$0x1FFE0]  }
.Ltmp9:
0x197: {  	v34 =	vadd.f32 v56, v34;
	v56 =	vmul.f32 v7, v38;
	v57 =	vmul.f32 v8, v38;
	(pc) =	sbr.rel @p0 .LBB2_15-.Ltmp9, $4  }
0x198: {  	v32 =	vadd.f32 v54, v32;
	v54 =	vmul.f32 v2, v38;
	v55 =	vmul.f32 v48, v38  }
0x199: {  	v48 =	vbroadcast v62, $0xE;
	v62 =	vmul.f32 v61, v38;
	v60 =	vadd.f32 v59, v60  }
0x19a: {  	v61 =	vmul.f32 v5, v38;
	v27 =	vadd.f32 v55, v27;
	v55 =	vmul.f32 v3, v38  }
0x19b: {  	v1 =	vor.u32 s21, v1;
	s21 =	sadd.s32 $0x1, s21;
	v59 =	vmul.f32 v4, v38;
	[tilespmem:$0x1FF90] =	vst v60;
	v60 =	vmul.f32 v6, v38  }
0x19c: {  	v2 =	vmul.f32 v40, v38  }
0x19d: {  	v0 =	vadd.f32 v0, v37;
	v3 =	vmul.f32 v41, v38;
	v5 =	vmul.f32 v51, v38  }
0x19e: {  	v4 =	vadd.f32 v63, v36;
	v6 =	vmul.f32 v53, v38;
	s20 =	sadd.s32 $0x20, s20;
	v8 =	vmul.f32 v50, v38  }
0x19f: {  	v7 =	vadd.f32 v62, v35;
	v9 =	vmul.f32 v52, v38;
	v37 =	vmul.f32 v47, v38;
	v35 =	vld [tilespmem:s20+$0x0]  }
0x1a0: {  	v36 =	vadd.f32 v61, v33;
	v40 =	vmul.f32 v49, v38;
	v42 =	vmul.f32 v42, v38  }
0x1a1: {  	v45 =	vmul.f32 v45, v38;
	v25 =	vadd.f32 v55, v25;
	v43 =	vmul.f32 v43, v38;
	v61 =	vld [tilespmem:s20+$0xFFFFFFF0]  }
0x1a2: {  	v33 =	vld.idx.msk [tilespmem:v1+s16+$0x0], $0xffff;
	v23 =	vadd.f32 v56, v23;
	v1 =	vadd.f32 v60, v29;
	v29 =	vmul.f32 v44, v38  }
0x1a3: {  	v24 =	vadd.f32 v57, v24;
	v60 =	vmul.f32 v46, v38;
	v38 =	vmul.f32 v48, v38  }
0x1a4: {  	v21 =	vadd.f32 v54, v21;
	v46 =	vbroadcast v35, $0x0;
	v62 =	vbroadcast v35, $0xF  }
0x1a5: {  	v26 =	vadd.f32 v59, v26;
	v49 =	vbroadcast v35, $0x1;
	v50 =	vbroadcast v35, $0x2  }
0x1a6: {  	v2 =	vadd.f32 v2, v20;
	v63 =	vbroadcast v61, $0x0;
	v20 =	vbroadcast v61, $0x1  }
0x1a7: {  	v3 =	vadd.f32 v3, v19;
	v47 =	vbroadcast v61, $0x2;
	v19 =	vbroadcast v61, $0x3  }
0x1a8: {  	v48 =	vadd.f32 v58, v22;
	v52 =	vbroadcast v61, $0x4;
	v53 =	vbroadcast v61, $0x6  }
0x1a9: {  	v5 =	vadd.f32 v5, v18;
	v18 =	vbroadcast v61, $0x7;
	v54 =	vbroadcast v61, $0x8  }
0x1aa: {  	v6 =	vadd.f32 v6, v17;
	v17 =	vbroadcast v61, $0x9;
	v55 =	vbroadcast v61, $0xA  }
0x1ab: {  	v8 =	vadd.f32 v8, v16;
	v16 =	vbroadcast v61, $0xB;
	v56 =	vbroadcast v61, $0xC  }
0x1ac: {  	v9 =	vadd.f32 v9, v15;
	v15 =	vbroadcast v61, $0xD;
	v57 =	vbroadcast v61, $0xE  }
0x1ad: {  	v14 =	vadd.f32 v37, v14;
	v37 =	vbroadcast v61, $0xF;
	v44 =	vbroadcast v35, $0x3  }
0x1ae: {  	v13 =	vadd.f32 v40, v13;
	v40 =	vbroadcast v35, $0x4;
	v58 =	vbroadcast v35, $0x5  }
0x1af: {  	v12 =	vadd.f32 v29, v12;
	v29 =	vbroadcast v35, $0x6;
	v59 =	vbroadcast v35, $0x7  }
0x1b0: {  	v10 =	vadd.f32 v42, v10;
	v51 =	vbroadcast v35, $0x8;
	v42 =	vbroadcast v35, $0x9  }
0x1b1: {  	v11 =	vadd.f32 v60, v11;
	v60 =	vbroadcast v35, $0xA;
	v22 =	vmul.f32 v62, v33  }
0x1b2: {  	v41 =	vmul.f32 v63, v33;
	v62 =	vbroadcast v35, $0xC  }
0x1b3: {  	v63 =	vbroadcast v35, $0xD;
	v20 =	vmul.f32 v20, v33  }
0x1b4: {  	v47 =	vmul.f32 v47, v33;
	v19 =	vmul.f32 v19, v33  }
0x1b5: {  	v52 =	vmul.f32 v52, v33;
	v18 =	vmul.f32 v18, v33  }
0x1b6: {  	v17 =	vmul.f32 v17, v33;
	v16 =	vmul.f32 v16, v33  }
0x1b7: {  	v15 =	vmul.f32 v15, v33;
	v37 =	vmul.f32 v37, v33  }
0x1b8: {  	v29 =	vmul.f32 v29, v33;
	v22 =	vadd.f32 v22, v39;
	v39 =	vbroadcast v61, $0x5  }
0x1b9: {  	v61 =	vbroadcast v35, $0xB;
	v35 =	vbroadcast v35, $0xE;
	v27 =	vadd.f32 v41, v27  }
0x1ba: {  	v20 =	vadd.f32 v20, v28;
	v30 =	vadd.f32 v47, v30;
	v47 =	vmul.f32 v54, v33  }
0x1bb: {  	v19 =	vadd.f32 v19, v31;
	v31 =	vmul.f32 v55, v33;
	v32 =	vadd.f32 v52, v32  }
0x1bc: {  	v52 =	vmul.f32 v56, v33;
	v54 =	vmul.f32 v50, v33;
	v4 =	vadd.f32 v18, v4  }
0x1bd: {  	v18 =	vmul.f32 v44, v33;
	v17 =	vadd.f32 v17, v36;
	[tilespmem:$0x1FF10] =	vst v22;
	v27 =	vmax.f32 v27, $0.0e+00  }
0x1be: {  	v56 =	vmul.f32 v51, v33;
	v16 =	vadd.f32 v16, v26;
	v20 =	vmax.f32 v20, $0.0e+00;
	[tilespmem:$0xAE00] =	vst v27  }
0x1bf: {  	v15 =	vadd.f32 v15, v23;
	v9 =	vadd.f32 v29, v9;
	v19 =	vmax.f32 v19, $0.0e+00;
	[tilespmem:$0xAE10] =	vst v20  }
0x1c0: {  	v28 =	vmul.f32 v39, v33;
	v39 =	vmul.f32 v53, v33;
	v55 =	vmax.f32 v4, $0.0e+00;
	[tilespmem:$0xAE30] =	vst v19  }
0x1c1: {  	v53 =	vmul.f32 v57, v33;
	v7 =	vadd.f32 v47, v7;
	v36 =	vmax.f32 v16, $0.0e+00;
	[tilespmem:$0xAE70] =	vst v55  }
0x1c2: {  	v1 =	vadd.f32 v31, v1;
	v25 =	vadd.f32 v52, v25;
	v41 =	vmax.f32 v15, $0.0e+00;
	[tilespmem:$0xAEB0] =	vst v36  }
0x1c3: {  	v16 =	vmul.f32 v62, v33;
	v15 =	vmul.f32 v35, v33;
	v20 =	vmax.f32 v30, $0.0e+00;
	[tilespmem:$0xAED0] =	vst v41  }
0x1c4: {  	v3 =	vadd.f32 v54, v3;
	v5 =	vadd.f32 v18, v5;
	v19 =	vmax.f32 v32, $0.0e+00;
	[tilespmem:$0xAE20] =	vst v20  }
0x1c5: {  	v4 =	vadd.f32 v56, v13;
	v27 =	vmul.f32 v46, v33;
	[tilespmem:$0xAE40] =	vst v19;
	v57 =	vmax.f32 v7, $0.0e+00  }
0x1c6: {  	v30 =	vmul.f32 v49, v33;
	v20 =	vmul.f32 v40, v33;
	v40 =	vmax.f32 v25, $0.0e+00;
	[tilespmem:$0xAE80] =	vst v57  }
0x1c7: {  	v32 =	vmul.f32 v61, v33;
	v28 =	vadd.f32 v28, v34;
	v49 =	vmax.f32 v3, $0.0e+00;
	[tilespmem:$0xAEC0] =	vst v40  }
0x1c8: {  	v22 =	vld [tilespmem:$0x1FF70];
	v0 =	vadd.f32 v39, v0;
	v23 =	vadd.f32 v53, v24;
	v52 =	vmax.f32 v5, $0.0e+00;
	[tilespmem:$0xAF20] =	vst v49  }
0x1c9: {  	v24 =	vmul.f32 v63, v33;
	v25 =	vadd.f32 v37, v48;
	v61 =	vmax.f32 v4, $0.0e+00;
	[tilespmem:$0xAF30] =	vst v52  }
0x1ca: {  	v21 =	vadd.f32 v27, v21;
	v2 =	vadd.f32 v30, v2;
	[tilespmem:$0xAF80] =	vst v61;
	v19 =	vmax.f32 v28, $0.0e+00  }
0x1cb: {  	v28 =	vmul.f32 v58, v33;
	v0 =	vmax.f32 v0, $0.0e+00;
	v58 =	vmul.f32 v42, v33;
	[tilespmem:$0xAE50] =	vst v19  }
0x1cc: {  	v41 =	vld [tilespmem:$0x1FF10];
	v42 =	vmax.f32 v23, $0.0e+00;
	v44 =	vmax.f32 v25, $0.0e+00;
	v6 =	vadd.f32 v20, v6;
	[tilespmem:$0xAE60] =	vst v0  }
0x1cd: {  	v40 =	vld [tilespmem:$0x1FFD0];
	v45 =	vadd.f32 v45, v22;
	v19 =	vmul.f32 v59, v33;
	v59 =	vmax.f32 v17, $0.0e+00;
	[tilespmem:$0xAEE0] =	vst v42  }
0x1ce: {  	v22 =	vld [tilespmem:$0x1FF80];
	v17 =	vmul.f32 v60, v33;
	v60 =	vmax.f32 v1, $0.0e+00;
	[tilespmem:$0xAEF0] =	vst v44;
	v46 =	vmax.f32 v21, $0.0e+00  }
0x1cf: {  	v47 =	vmax.f32 v2, $0.0e+00;
	v1 =	vadd.f32 v32, v10;
	[tilespmem:$0xAE90] =	vst v59;
	v8 =	vadd.f32 v28, v8  }
0x1d0: {  	[tilespmem:$0xAEA0] =	vst v60;
	v50 =	vadd.f32 v58, v12;
	v54 =	vmax.f32 v6, $0.0e+00;
	v59 =	vmax.f32 v9, $0.0e+00  }
0x1d1: {  	[tilespmem:$0xAF00] =	vst v46;
	v0 =	vmax.f32 v41, $0.0e+00;
	v48 =	vadd.f32 v19, v14;
	v51 =	vadd.f32 v17, v11  }
0x1d2: {  	[tilespmem:$0xAF10] =	vst v47;
	v53 =	vadd.f32 v16, v45;
	v21 =	vbroadcast v40, $0x0;
	v19 =	vbroadcast v40, $0x1  }
0x1d3: {  	[tilespmem:$0xAF40] =	vst v54;
	v16 =	vbroadcast v40, $0x3;
	v17 =	vbroadcast v40, $0x4;
	v43 =	vadd.f32 v43, v22;
	v22 =	vld [tilespmem:$0x1FF90]  }
0x1d4: {  	[tilespmem:$0xAF60] =	vst v59;
	v58 =	vmax.f32 v8, $0.0e+00;
	v8 =	vld [tilespmem:$0x1FFB0];
	v14 =	vbroadcast v40, $0x5;
	v11 =	vbroadcast v40, $0x7  }
0x1d5: {  	v33 =	vmax.f32 v1, $0.0e+00;
	[tilespmem:$0xAFF0] =	vst v0;
	v12 =	vbroadcast v40, $0x8;
	v42 =	vbroadcast v40, $0x9  }
0x1d6: {  	v62 =	vmax.f32 v50, $0.0e+00;
	[tilespmem:$0xAFB0] =	vst v33;
	v13 =	vbroadcast v40, $0xA;
	v61 =	vbroadcast v40, $0xB  }
0x1d7: {  	v5 =	vbroadcast v40, $0xF;
	[tilespmem:$0xAF50] =	vst v58;
	v60 =	vmax.f32 v48, $0.0e+00;
	v63 =	vmax.f32 v51, $0.0e+00  }
0x1d8: {  	[tilespmem:$0xAF90] =	vst v62;
	v37 =	vmax.f32 v53, $0.0e+00;
	v62 =	vbroadcast v40, $0xD;
	v38 =	vadd.f32 v38, v22  }
0x1d9: {  	[tilespmem:$0xAFA0] =	vst v63;
	v63 =	vbroadcast v40, $0xE;
	v55 =	vadd.f32 v24, v43;
	v27 =	vbroadcast v8, $0x0  }
0x1da: {  	[tilespmem:$0xAF70] =	vst v60;
	v28 =	vbroadcast v8, $0x1;
	v59 =	vbroadcast v8, $0x2;
	v10 =	vadd.f32 v15, v38  }
0x1db: {  	[tilespmem:$0xAFC0] =	vst v37;
	v30 =	vbroadcast v8, $0x3;
	v58 =	vbroadcast v8, $0x4;
	v38 =	vmax.f32 v55, $0.0e+00  }
0x1dc: {  	v32 =	vbroadcast v8, $0x5;
	v34 =	vbroadcast v8, $0x6;
	[tilespmem:$0xAFD0] =	vst v38;
	v39 =	vmax.f32 v10, $0.0e+00  }
0x1dd: {  	s31 =	simm.s32 $0xA930;
	v36 =	vbroadcast v8, $0x7;
	v35 =	vbroadcast v8, $0x8;
	[tilespmem:$0xAFE0] =	vst v39  }
0x1de: {  	v7 =	vbroadcast v8, $0x9;
	v25 =	vbroadcast v8, $0xA;
	v0 =	vld [tilespmem:s31+$0x0]  }
0x1df: {  	v26 =	vbroadcast v8, $0xB;
	v24 =	vbroadcast v8, $0xC;
	v43 =	vld [tilespmem:s31+$0xFFFFFFF0]  }
0x1e0: {  	v23 =	vbroadcast v8, $0xD;
	v20 =	vbroadcast v8, $0xE  }
0x1e1: {  	v18 =	vbroadcast v8, $0xF;
	v22 =	vbroadcast v40, $0x2  }
0x1e2: {  	v15 =	vbroadcast v40, $0x6;
	v10 =	vbroadcast v40, $0xC  }
0x1e3: {  	v38 =	vbroadcast v0, $0x0;
	v29 =	vbroadcast v0, $0xF  }
0x1e4: {  	v31 =	vbroadcast v43, $0x0;
	v33 =	vbroadcast v43, $0x1  }
0x1e5: {  	v47 =	vbroadcast v43, $0x2;
	v48 =	vbroadcast v43, $0x3  }
0x1e6: {  	v49 =	vbroadcast v43, $0x4;
	v50 =	vbroadcast v43, $0x5  }
0x1e7: {  	v51 =	vbroadcast v43, $0x6;
	v52 =	vbroadcast v43, $0x7  }
0x1e8: {  	v53 =	vbroadcast v43, $0x8;
	v54 =	vbroadcast v43, $0x9  }
0x1e9: {  	v55 =	vbroadcast v43, $0xA;
	v56 =	vbroadcast v43, $0xB  }
0x1ea: {  	[tilespmem:$0x1FF30] =	vst v61;
	v57 =	vbroadcast v43, $0xC;
	v6 =	vbroadcast v43, $0xD  }
0x1eb: {  	[tilespmem:$0x1FF40] =	vst v62;
	v61 =	vbroadcast v43, $0xE;
	v1 =	vbroadcast v43, $0xF  }
0x1ec: {  	[tilespmem:$0x1FF50] =	vst v63;
	v62 =	vbroadcast v0, $0x1;
	v63 =	vbroadcast v0, $0x2  }
0x1ed: {  	s21 =	simm.s32 $0x0;
	v4 =	vbroadcast v0, $0x3;
	v2 =	vbroadcast v0, $0x4  }
0x1ee: {  	v37 =	vld [tilespmem:s21+$0xAE00];
	v3 =	vbroadcast v0, $0x5;
	v8 =	vbroadcast v0, $0x6  }
0x1ef: {  	v45 =	vbroadcast v0, $0x7;
	v46 =	vbroadcast v0, $0x8  }
0x1f0: {  	v41 =	vbroadcast v0, $0x9;
	v43 =	vbroadcast v0, $0xA  }
0x1f1: {  	[tilespmem:$0x1FF20] =	vst v42;
	v39 =	vbroadcast v0, $0xB;
	v42 =	vbroadcast v0, $0xC  }
0x1f2: {  	v40 =	vbroadcast v0, $0xD;
	v44 =	vbroadcast v0, $0xE  }
0x1f3: {  	v29 =	vmul.f32 v29, v37;
	v31 =	vmul.f32 v31, v37  }
0x1f4: {  	v0 =	vmul.f32 v50, v37;
	v57 =	vmul.f32 v57, v37  }
0x1f5: {  	v50 =	vmul.f32 v63, v37;
	v60 =	vadd.f32 v29, v5;
	v5 =	vmul.f32 v33, v37  }
0x1f6: {  	v29 =	vmul.f32 v47, v37;
	v27 =	vadd.f32 v31, v27;
	v31 =	vmul.f32 v48, v37  }
0x1f7: {  	v33 =	vmul.f32 v49, v37;
	v47 =	vmul.f32 v51, v37  }
0x1f8: {  	v48 =	vmul.f32 v52, v37;
	v49 =	vmul.f32 v53, v37  }
0x1f9: {  	v32 =	vadd.f32 v0, v32;
	v53 =	vmul.f32 v38, v37;
	v52 =	vmul.f32 v62, v37  }
0x1fa: {  	v51 =	vmul.f32 v3, v37;
	v28 =	vadd.f32 v5, v28;
	v29 =	vadd.f32 v29, v59  }
0x1fb: {  	v30 =	vadd.f32 v31, v30;
	v5 =	vmul.f32 v54, v37;
	v59 =	vmul.f32 v55, v37  }
0x1fc: {  	v31 =	vadd.f32 v33, v58;
	v58 =	vmul.f32 v56, v37;
	v56 =	vmul.f32 v6, v37  }
0x1fd: {  	v55 =	vmul.f32 v61, v37;
	v33 =	vadd.f32 v47, v34;
	v54 =	vmul.f32 v1, v37  }
0x1fe: {  	s20 =	simm.s32 $0xA950;
	v34 =	vadd.f32 v48, v36;
	v35 =	vadd.f32 v49, v35;
	v49 =	vmul.f32 v4, v37  }
0x1ff: {  	s22 =	simm.s32 $0x80;
	s21 =	simm.s32 $0x40;
	v38 =	vld [tilespmem:s20+$0x0];
	v47 =	vmul.f32 v2, v37;
	v48 =	vmul.f32 v8, v37;
	v36 =	vadd.f32 v5, v7  }
.LBB2_17:
0x200: {  	v1 =	vmul.f32 v45, v37  }
0x201: {  	v2 =	vmul.f32 v46, v37;
	v4 =	vmul.f32 v41, v37;
	v25 =	vadd.f32 v59, v25  }
0x202: {  	v43 =	vmul.f32 v43, v37;
	v26 =	vadd.f32 v58, v26;
	v24 =	vadd.f32 v57, v24  }
0x203: {  	v57 =	vmul.f32 v39, v37;
	v58 =	vmul.f32 v42, v37;
	v23 =	vadd.f32 v56, v23  }
0x204: {  	v56 =	vmul.f32 v40, v37;
	v59 =	vmul.f32 v44, v37;
	v20 =	vadd.f32 v55, v20  }
0x205: {  	v0 =	vld [tilespmem:s20+$0xFFFFFFF0];
	v14 =	vadd.f32 v51, v14;
	v5 =	vbroadcast v38, $0x0;
	v41 =	vbroadcast v38, $0xF  }
0x206: {  	v15 =	vadd.f32 v48, v15;
	v51 =	vbroadcast v38, $0x1;
	v48 =	vbroadcast v38, $0x2  }
0x207: {  	v11 =	vadd.f32 v1, v11;
	v7 =	vbroadcast v38, $0x3;
	v1 =	vbroadcast v38, $0x4  }
0x208: {  	v12 =	vadd.f32 v2, v12;
	v8 =	vbroadcast v38, $0x5;
	v2 =	vbroadcast v38, $0x6  }
0x209: {  	v13 =	vadd.f32 v43, v13;
	v43 =	vbroadcast v38, $0xA;
	v40 =	vbroadcast v38, $0xD  }
0x20a: {  	s23 =	sshra.s32 s21, $0x2;
	v46 =	vld [tilespmem:$0x1FF20];
	v18 =	vadd.f32 v54, v18;
	v44 =	vbroadcast v0, $0x0;
	v55 =	vbroadcast v0, $0x1  }
0x20b: {  	v3 =	vld [tilespmem:s23+$0xAE00];
	v21 =	vadd.f32 v53, v21;
	v54 =	vbroadcast v0, $0x2;
	v53 =	vbroadcast v0, $0x4  }
0x20c: {  	v19 =	vadd.f32 v52, v19;
	v52 =	vbroadcast v0, $0x5;
	v61 =	vbroadcast v0, $0x6  }
0x20d: {  	v22 =	vadd.f32 v50, v22;
	v42 =	vld [tilespmem:$0x1FF30];
	v62 =	vbroadcast v0, $0x7;
	v63 =	vbroadcast v0, $0x8  }
0x20e: {  	v16 =	vadd.f32 v49, v16;
	v50 =	vbroadcast v0, $0x9;
	v49 =	vbroadcast v0, $0xB  }
0x20f: {  	v17 =	vadd.f32 v47, v17;
	v6 =	vbroadcast v0, $0xC;
	v47 =	vbroadcast v0, $0xD  }
0x210: {  	v39 =	vadd.f32 v4, v46;
	v46 =	vbroadcast v38, $0x8;
	v45 =	vmul.f32 v41, v3  }
0x211: {  	v10 =	vadd.f32 v58, v10;
	[tilespmem:$0x1FF00] =	vst v5;
	v37 =	vmovc v3;
	v3 =	vbroadcast v0, $0x3;
	v5 =	vbroadcast v0, $0xA  }
0x212: {  	v58 =	vld [tilespmem:$0x1FF40];
	v41 =	vbroadcast v38, $0x9;
	v4 =	vadd.f32 v57, v42;
	v42 =	vbroadcast v38, $0xC  }
0x213: {  	[tilespmem:$0x1FF20] =	vst v39;
	v39 =	vbroadcast v38, $0xB;
	v57 =	vmul.f32 v55, v37  }
0x214: {  	v54 =	vmul.f32 v54, v37;
	v9 =	vadd.f32 v45, v60;
	v60 =	vbroadcast v0, $0xE  }
0x215: {  	v0 =	vbroadcast v0, $0xF;
	v45 =	vbroadcast v38, $0x7  }
0x216: {  	[tilespmem:$0x1FF30] =	vst v4;
	v4 =	vmul.f32 v44, v37;
	v44 =	vbroadcast v38, $0xE  }
0x217: {  	v38 =	vadd.f32 v56, v58;
	v3 =	vmul.f32 v3, v37;
	v56 =	vmul.f32 v47, v37  }
0x218: {  	v47 =	vmul.f32 v1, v37;
	v28 =	vadd.f32 v57, v28;
	v57 =	vmul.f32 v6, v37  }
0x219: {  	[tilespmem:$0x1FF40] =	vst v38;
	v27 =	vadd.f32 v4, v27;
	v4 =	vmul.f32 v53, v37;
	v38 =	vmul.f32 v52, v37  }
0x21a: {  	v58 =	vld [tilespmem:$0x1FF50];
	v29 =	vadd.f32 v54, v29;
	v52 =	vmul.f32 v61, v37;
	v61 =	vmul.f32 v62, v37  }
0x21b: {  	v62 =	vmul.f32 v63, v37;
	v30 =	vadd.f32 v3, v30;
	v3 =	vmul.f32 v50, v37  }
0x21c: {  	p0 =	sne.s32 s22, $0x7C0;
	v54 =	vmul.f32 v0, v37;
	v63 =	vld [tilespmem:$0x1FF00];
	v50 =	vmul.f32 v48, v37;
	v31 =	vadd.f32 v4, v31  }
.Ltmp10:
0x21d: {  	v48 =	vmul.f32 v2, v37;
	v32 =	vadd.f32 v38, v32;
	v33 =	vadd.f32 v52, v33;
	(pc) =	sbr.rel @p0 .LBB2_17-.Ltmp10, $4  }
0x21e: {  	v34 =	vadd.f32 v61, v34;
	v52 =	vmul.f32 v51, v37;
	v35 =	vadd.f32 v62, v35  }
0x21f: {  	v51 =	vmul.f32 v8, v37;
	v55 =	vadd.f32 v59, v58;
	v59 =	vmul.f32 v5, v37  }
0x220: {  	s20 =	sadd.s32 $0x20, s20;
	v36 =	vadd.f32 v3, v36;
	v58 =	vmul.f32 v49, v37;
	v49 =	vmul.f32 v7, v37  }
0x221: {  	s21 =	smov.u32 s22;
	s22 =	sadd.s32 $0x40, s22;
	v38 =	vld [tilespmem:s20+$0x0];
	[tilespmem:$0x1FF50] =	vst v55;
	v55 =	vmul.f32 v60, v37;
	v60 =	vmov v9;
	v53 =	vmul.f32 v63, v37  }
0x222: {  	v0 =	vadd.f32 v59, v25;
	v3 =	vmul.f32 v45, v37;
	v4 =	vmul.f32 v46, v37  }
0x223: {  	v1 =	vadd.f32 v58, v26;
	v6 =	vmul.f32 v41, v37;
	v7 =	vmul.f32 v43, v37  }
0x224: {  	v2 =	vld [tilespmem:s20+$0xFFFFFFF0];
	v5 =	vadd.f32 v57, v24;
	v57 =	vmul.f32 v39, v37;
	v58 =	vmul.f32 v42, v37  }
0x225: {  	v8 =	vadd.f32 v56, v23;
	v26 =	vmul.f32 v40, v37;
	v37 =	vmul.f32 v44, v37  }
0x226: {  	v40 =	vadd.f32 v54, v18;
	v19 =	vadd.f32 v52, v19;
	v39 =	vbroadcast v38, $0x0  }
0x227: {  	v15 =	vadd.f32 v48, v15;
	v59 =	vbroadcast v38, $0xF;
	v43 =	vbroadcast v38, $0x3  }
0x228: {  	v9 =	vld [tilespmem:$0x1FF20];
	v20 =	vadd.f32 v55, v20;
	v44 =	vbroadcast v38, $0x4;
	v46 =	vbroadcast v38, $0x6  }
0x229: {  	s31 =	sshra.s32 s21, $0x2;
	v56 =	vld [tilespmem:$0x1FF30];
	v21 =	vadd.f32 v53, v21;
	v61 =	vbroadcast v2, $0x0;
	v42 =	vbroadcast v2, $0x1  }
0x22a: {  	v23 =	vld [tilespmem:s31+$0xAE00];
	v3 =	vadd.f32 v3, v11;
	v62 =	vbroadcast v2, $0x2;
	v63 =	vbroadcast v2, $0x3  }
0x22b: {  	v10 =	vadd.f32 v58, v10;
	v58 =	vld [tilespmem:$0x1FF40];
	v45 =	vbroadcast v2, $0x4;
	v52 =	vbroadcast v2, $0x5  }
0x22c: {  	v4 =	vadd.f32 v4, v12;
	v53 =	vbroadcast v2, $0x6;
	v11 =	vbroadcast v2, $0x7  }
0x22d: {  	v12 =	vbroadcast v2, $0x8;
	v48 =	vadd.f32 v6, v9;
	v54 =	vbroadcast v2, $0x9  }
0x22e: {  	v55 =	vbroadcast v2, $0xA;
	v9 =	vadd.f32 v57, v56;
	v57 =	vbroadcast v2, $0xB  }
0x22f: {  	v13 =	vadd.f32 v7, v13;
	v25 =	vbroadcast v2, $0xC;
	v56 =	vbroadcast v38, $0x9  }
0x230: {  	v18 =	vmul.f32 v59, v23;
	v7 =	vadd.f32 v26, v58;
	v26 =	vbroadcast v2, $0xD  }
0x231: {  	v41 =	vmul.f32 v61, v23;
	v61 =	vbroadcast v2, $0xE  }
0x232: {  	v42 =	vmul.f32 v42, v23;
	v2 =	vbroadcast v2, $0xF  }
0x233: {  	v62 =	vmul.f32 v62, v23;
	v63 =	vmul.f32 v63, v23  }
0x234: {  	v14 =	vadd.f32 v51, v14;
	v51 =	vmul.f32 v45, v23;
	v52 =	vmul.f32 v52, v23  }
0x235: {  	v53 =	vmul.f32 v53, v23;
	v45 =	vbroadcast v38, $0x5  }
0x236: {  	v22 =	vadd.f32 v50, v22;
	v11 =	vmul.f32 v11, v23;
	v12 =	vmul.f32 v12, v23  }
0x237: {  	v16 =	vadd.f32 v49, v16;
	v54 =	vmul.f32 v54, v23;
	v55 =	vmul.f32 v55, v23  }
0x238: {  	v17 =	vadd.f32 v47, v17;
	v24 =	vmul.f32 v57, v23;
	v57 =	vbroadcast v38, $0xA  }
0x239: {  	v25 =	vmul.f32 v25, v23;
	v58 =	vbroadcast v38, $0xB;
	v27 =	vadd.f32 v41, v27  }
0x23a: {  	v56 =	vmul.f32 v56, v23;
	v28 =	vadd.f32 v42, v28;
	v29 =	vadd.f32 v62, v29  }
0x23b: {  	v42 =	vbroadcast v38, $0x1;
	v30 =	vadd.f32 v63, v30;
	v31 =	vadd.f32 v51, v31  }
0x23c: {  	v41 =	vbroadcast v38, $0x2;
	v32 =	vadd.f32 v52, v32;
	v11 =	vadd.f32 v11, v34  }
0x23d: {  	v34 =	vbroadcast v38, $0x7;
	v12 =	vadd.f32 v12, v35;
	v35 =	vbroadcast v38, $0x8  }
0x23e: {  	v59 =	vld [tilespmem:$0x1FF50];
	v33 =	vadd.f32 v53, v33;
	v26 =	vmul.f32 v26, v23;
	v2 =	vmul.f32 v2, v23  }
0x23f: {  	v36 =	vadd.f32 v54, v36;
	v62 =	vbroadcast v38, $0xE;
	v63 =	vmul.f32 v39, v23  }
0x240: {  	v0 =	vadd.f32 v55, v0;
	v52 =	vmul.f32 v43, v23;
	v53 =	vmul.f32 v44, v23  }
0x241: {  	v1 =	vadd.f32 v24, v1;
	v54 =	vmul.f32 v45, v23;
	v55 =	vmul.f32 v46, v23  }
0x242: {  	v5 =	vadd.f32 v25, v5;
	v57 =	vmul.f32 v57, v23;
	v24 =	vmul.f32 v58, v23  }
0x243: {  	v58 =	vlaneseq.u32;
	v6 =	vadd.f32 v37, v59;
	v59 =	vbroadcast v38, $0xC  }
0x244: {  	v37 =	vmul.f32 v61, v23;
	v26 =	vadd.f32 v26, v8;
	v61 =	vbroadcast v38, $0xD  }
0x245: {  	v2 =	vadd.f32 v2, v40;
	v50 =	vmul.f32 v42, v23;
	v51 =	vmul.f32 v41, v23  }
0x246: {  	v39 =	vld [tilespmem:$0x1FFF0];
	v21 =	vadd.f32 v63, v21;
	v34 =	vmul.f32 v34, v23;
	v35 =	vmul.f32 v35, v23  }
0x247: {  	v16 =	vadd.f32 v52, v16;
	v17 =	vadd.f32 v53, v17;
	v43 =	vmul.f32 v61, v23;
	v61 =	vld [tilespmem:$0x1FFE0]  }
0x248: {  	v41 =	vand.u32 $0x3, v58;
	v8 =	vmul.f32 v62, v23;
	v14 =	vadd.f32 v54, v14;
	v40 =	vld [tilespmem:$0x1FFA0]  }
0x249: {  	v15 =	vadd.f32 v55, v15;
	v13 =	vadd.f32 v57, v13;
	v41 =	vmul.u32 $0x20, v41  }
0x24a: {  	v9 =	vadd.f32 v24, v9;
	v27 =	vmax.f32 v27, $0.0e+00;
	v47 =	vmax.f32 v28, $0.0e+00  }
0x24b: {  	v52 =	vmax.f32 v30, $0.0e+00;
	v25 =	vmul.f32 v59, v23;
	v59 =	vor.u32 $0xFFFFFF80, v41  }
0x24c: {  	v20 =	vadd.f32 v37, v20;
	v62 =	vor.u32 $0x1, v39;
	v23 =	vand.u32 v59, v61  }
0x24d: {  	v4 =	vadd.f32 v35, v4;
	v63 =	vor.u32 $0x2, v39;
	v35 =	vor.u32 v62, v40  }
0x24e: {  	v19 =	vadd.f32 v50, v19;
	v42 =	vor.u32 $0x3, v39;
	v41 =	vor.u32 v63, v40  }
0x24f: {  	v22 =	vadd.f32 v51, v22;
	v45 =	vor.u32 $0x4, v39;
	v44 =	vor.u32 v42, v40  }
0x250: {  	v3 =	vadd.f32 v34, v3;
	v46 =	vor.u32 $0x5, v39;
	v37 =	vor.u32 v45, v40  }
0x251: {  	v34 =	vadd.f32 v56, v48;
	v49 =	vor.u32 $0x6, v39;
	v48 =	vor.u32 v46, v40;
	[tilespmem:v23+s16+$0x0] =	vst.idx.msk $0xffff, v27  }
0x252: {  	v50 =	vmax.f32 v29, $0.0e+00;
	v51 =	vor.u32 $0x7, v39;
	v28 =	vor.u32 v49, v40;
	[tilespmem:v35+s16+$0x0] =	vst.idx.msk $0xffff, v47  }
0x253: {  	v55 =	vmax.f32 v31, $0.0e+00;
	v54 =	vor.u32 $0x8, v39;
	v53 =	vor.u32 v51, v40;
	[tilespmem:v41+s16+$0x0] =	vst.idx.msk $0xffff, v50  }
0x254: {  	v58 =	vmax.f32 v32, $0.0e+00;
	v57 =	vor.u32 $0x9, v39;
	v56 =	vor.u32 v54, v40;
	[tilespmem:v44+s16+$0x0] =	vst.idx.msk $0xffff, v52  }
0x255: {  	v11 =	vmax.f32 v11, $0.0e+00;
	v29 =	vor.u32 v57, v40;
	v59 =	vor.u32 $0xA, v39;
	[tilespmem:v37+s16+$0x0] =	vst.idx.msk $0xffff, v55  }
0x256: {  	v63 =	vor.u32 $0xB, v39;
	v61 =	vmax.f32 v33, $0.0e+00;
	v62 =	vor.u32 v59, v40;
	[tilespmem:v48+s16+$0x0] =	vst.idx.msk $0xffff, v58  }
0x257: {  	v0 =	vmax.f32 v0, $0.0e+00;
	v32 =	vor.u32 v63, v40;
	v33 =	vor.u32 $0xC, v39;
	[tilespmem:v28+s16+$0x0] =	vst.idx.msk $0xffff, v61  }
0x258: {  	v38 =	vor.u32 $0xD, v39;
	v35 =	vmax.f32 v12, $0.0e+00;
	v37 =	vor.u32 v33, v40;
	[tilespmem:v53+s16+$0x0] =	vst.idx.msk $0xffff, v11  }
0x259: {  	v24 =	vor.u32 v38, v40;
	v42 =	vor.u32 $0xE, v39;
	v41 =	vmax.f32 v36, $0.0e+00;
	[tilespmem:v56+s16+$0x0] =	vst.idx.msk $0xffff, v35  }
0x25a: {  	v10 =	vadd.f32 v25, v10;
	v45 =	vor.u32 $0xF, v39;
	v44 =	vor.u32 v42, v40;
	[tilespmem:v29+s16+$0x0] =	vst.idx.msk $0xffff, v41  }
0x25b: {  	v46 =	vmax.f32 v1, $0.0e+00;
	v47 =	vor.u32 v45, v40;
	v48 =	vor.u32 $0x10, v39;
	[tilespmem:v62+s16+$0x0] =	vst.idx.msk $0xffff, v0  }
0x25c: {  	v49 =	vmax.f32 v5, $0.0e+00;
	v51 =	vor.u32 $0x11, v39;
	v50 =	vor.u32 v48, v40;
	[tilespmem:v32+s16+$0x0] =	vst.idx.msk $0xffff, v46  }
0x25d: {  	v54 =	vor.u32 $0x12, v39;
	v52 =	vmax.f32 v26, $0.0e+00;
	v53 =	vor.u32 v51, v40;
	[tilespmem:v37+s16+$0x0] =	vst.idx.msk $0xffff, v49  }
0x25e: {  	v57 =	vor.u32 $0x13, v39;
	v55 =	vmax.f32 v20, $0.0e+00;
	v56 =	vor.u32 v54, v40;
	[tilespmem:v24+s16+$0x0] =	vst.idx.msk $0xffff, v52  }
0x25f: {  	v59 =	vor.u32 v57, v40;
	v58 =	vmax.f32 v2, $0.0e+00;
	v61 =	vor.u32 $0x14, v39;
	[tilespmem:v44+s16+$0x0] =	vst.idx.msk $0xffff, v55  }
0x260: {  	v63 =	vor.u32 v61, v40;
	v62 =	vmax.f32 v21, $0.0e+00;
	v21 =	vor.u32 $0x15, v39;
	[tilespmem:v47+s16+$0x0] =	vst.idx.msk $0xffff, v58  }
0x261: {  	v25 =	vor.u32 $0x16, v39;
	v23 =	vmax.f32 v19, $0.0e+00;
	v24 =	vor.u32 v21, v40;
	[tilespmem:v50+s16+$0x0] =	vst.idx.msk $0xffff, v62  }
0x262: {  	v27 =	vor.u32 $0x17, v39;
	v26 =	vmax.f32 v22, $0.0e+00;
	v11 =	vor.u32 v25, v40;
	[tilespmem:v53+s16+$0x0] =	vst.idx.msk $0xffff, v23  }
0x263: {  	v12 =	vor.u32 v27, v40;
	v28 =	vmax.f32 v16, $0.0e+00;
	v29 =	vor.u32 $0x18, v39;
	[tilespmem:v56+s16+$0x0] =	vst.idx.msk $0xffff, v26  }
0x264: {  	v30 =	vmax.f32 v17, $0.0e+00;
	v31 =	vor.u32 v29, v40;
	v32 =	vor.u32 $0x19, v39;
	[tilespmem:v59+s16+$0x0] =	vst.idx.msk $0xffff, v28  }
0x265: {  	v36 =	vor.u32 $0x1A, v39;
	v33 =	vmax.f32 v14, $0.0e+00;
	v35 =	vor.u32 v32, v40;
	[tilespmem:v63+s16+$0x0] =	vst.idx.msk $0xffff, v30  }
0x266: {  	v38 =	vor.u32 v36, v40;
	v41 =	vor.u32 $0x1B, v39;
	v37 =	vmax.f32 v15, $0.0e+00;
	[tilespmem:v24+s16+$0x0] =	vst.idx.msk $0xffff, v33  }
0x267: {  	v45 =	vor.u32 $0x1C, v39;
	v42 =	vmax.f32 v3, $0.0e+00;
	v44 =	vor.u32 v41, v40;
	[tilespmem:v11+s16+$0x0] =	vst.idx.msk $0xffff, v37  }
0x268: {  	v48 =	vor.u32 $0x1D, v39;
	v46 =	vmax.f32 v4, $0.0e+00;
	v47 =	vor.u32 v45, v40;
	[tilespmem:v12+s16+$0x0] =	vst.idx.msk $0xffff, v42  }
0x269: {  	v51 =	vor.u32 $0x1E, v39;
	v49 =	vmax.f32 v34, $0.0e+00;
	v50 =	vor.u32 v48, v40;
	[tilespmem:v31+s16+$0x0] =	vst.idx.msk $0xffff, v46  }
0x26a: {  	s19 =	sadd.s32 $0x1, s19;
	v54 =	vor.u32 $0x1F, v39;
	v52 =	vmax.f32 v13, $0.0e+00;
	v53 =	vor.u32 v51, v40;
	[tilespmem:v35+s16+$0x0] =	vst.idx.msk $0xffff, v49  }
0x26b: {  	p0 =	sne.s32 s19, $0x62;
	v57 =	vmax.f32 v9, $0.0e+00;
	v55 =	vadd.f32 v43, v7;
	v56 =	vor.u32 v54, v40;
	[tilespmem:v38+s16+$0x0] =	vst.idx.msk $0xffff, v52  }
.Ltmp11:
0x26c: {  	v58 =	vadd.f32 v8, v6;
	v59 =	vmax.f32 v10, $0.0e+00;
	[tilespmem:v44+s16+$0x0] =	vst.idx.msk $0xffff, v57;
	(pc) =	sbr.rel @p0 .LBB2_14-.Ltmp11, $4  }
0x26d: {  	v61 =	vadd.f32 v18, v60;
	v0 =	vmax.f32 v55, $0.0e+00;
	[tilespmem:v47+s16+$0x0] =	vst.idx.msk $0xffff, v59  }
0x26e: {  	v62 =	vmax.f32 v58, $0.0e+00;
	[tilespmem:v50+s16+$0x0] =	vst.idx.msk $0xffff, v0  }
0x26f: {  	v63 =	vmax.f32 v61, $0.0e+00;
	[tilespmem:v53+s16+$0x0] =	vst.idx.msk $0xffff, v62  }
0x270: {  	[tilespmem:v56+s16+$0x0] =	vst.idx.msk $0xffff, v63  }
0x271: {  	s17 =	sadd.s32 $0x1, s17  }
0x272: {  	p0 =	sne.s32 s17, s11  }
.Ltmp12:
0x273: {  	_ = 	snop;
	(pc) =	sbr.rel @p0 .LBB2_1-.Ltmp12, $4  }
0x274: {  	[hbm4b:s10+s3] =	stream.linear.scatter [tilespmem:s16], [sflag:$0x1], $0xC380, $0x38;
	[tilespmem:$0x17400] =	vst v63  }
0x275: {  	_ =	swait.ge [sflag:s13], $0xC380  }
0x276: {  	[sflag:s13] =	ssyncset.done $0x0  }
0x277: {  	v2 =	vimm.f32 $0.0e+00;
	[sflag:s13] =	ssyncadd.s32 $0xFFFF3C80  }
0x278: {  	_ =	sfence.sel $0x180000  }
0x279: {  	[bflag:$0x0] =	sbarrier.arrive $0xFFFF  }
0x27a: {  	p0 =	sne.s32 s1, $0x0;
	_ =	strace $0x90000047  }
0x27b: {  	s0 =	sadd.s32 @!p0 $0x100000, s0;
	[bflag:$0x2] =	sbarrier.arrive $0xFFFF  }
0x27c: {  	[sflag:s0] =	ssyncadd.tile.s32 @!p0 $0x1;
	_ =	shalt  }
.Lfunc_end2:
_tile_overlayer_lowered:
.L_overlay_start_2:
0x27d: {  	(tag) =	ssettag $0x2  }
0x27e: {  	s0 =	rddreg [dreg:$0x0];
	s2 =	stileid.u32  }
0x27f: {  	s1 =	rddreg [dreg:$0x1];
	p0 =	sne.s32 s2, $0x0  }
0x280: {  	s3 =	rddreg [dreg:$0x2];
	[bflag:$0x3] =	sbarrier.arrive $0xFFFF;
	s2 =	simm.s32 @!p0 $0x1C01  }
0x281: {  	[timem:s3], [sflag:s2] =	dma.local @!p0 [hbm:s0], s1  }
0x282: {  	s0 =	simm.s32 @!p0 $0x1  }
0x283: {  	_ =	swait.ge @!p0 [sflag:s0], s1  }
0x284: {  	s1 =	ssub.s32 @!p0 $0x0, s1;
	[sflag:s0] =	ssyncset.done @!p0 $0x0  }
0x285: {  	[sflag:s0] =	ssyncadd.s32 @!p0 s1  }
0x286: {  	[bflag:$0x3] =	sbarrier.arrive $0xFFFF  }
0x287: {  	_ =	shalt  }

</sc_bundles>
